<compile_context>
chip_gen: v7x
topology: tpu7x:2x2x1
jax: 0.10.2.dev20260603
libtpu: 0.0.44.dev20260713+nightly
codegen_flags: <defaults>
</compile_context>

<pallas_src>
import functools
import math

import jax
import jax.numpy as jnp
from jax import lax
from jax.experimental import pallas as pl
from jax.experimental.pallas import tpu as pltpu
from jax.experimental.pallas import tpu_sc as plsc

N_NODES = 10000
N_EDGES = 320000
HID = 128
N_LAYERS = 4
N_GRAPHS = 128
EMB_DIM = 256
INV_STD = 1.0 / math.sqrt(1.0 + 1e-5)

NC = 2
NS = 16
NW = NC * NS

GROWS = 128
IDXROWS_PER_TILE = 80
E_PAD = NW * IDXROWS_PER_TILE * GROWS
PHASE_IDXROWS = 40
N_PHASES = IDXROWS_PER_TILE // PHASE_IDXROWS
NPAD = 10016
ZSPLIT = 632

def _agg_body(h_hbm, src_hbm, dst_hbm, out0_hbm, out1_hbm,
              shared, bf0, bf1, sidx, didx, sem0, sem1):
    cid = lax.axis_index("c")
    sid = lax.axis_index("s")
    wid = sid * NC + cid

    def _zr(r, carry):
        for c in range(HID // 16):
            bf0[r, pl.ds(c * 16, 16)] = jnp.zeros((16,), jnp.float32)
        return carry
    lax.fori_loop(0, GROWS, _zr, 0)
    zbase = sid * ZSPLIT

    def _zero_slice(base, nrows):
        nfull, rem = nrows // GROWS, nrows % GROWS
        for z in range(nfull):
            pltpu.sync_copy(bf0, shared.at[pl.ds(base + z * GROWS, GROWS)])
        if rem:
            pltpu.sync_copy(bf0.at[pl.ds(0, rem)],
                            shared.at[pl.ds(base + nfull * GROWS, rem)])

    @pl.when(sid < NS - 1)
    def _():
        _zero_slice(zbase, ZSPLIT)

    @pl.when(sid == NS - 1)
    def _():
        _zero_slice((NS - 1) * ZSPLIT, NPAD - (NS - 1) * ZSPLIT)
    plsc.subcore_barrier()

    base_row = wid * IDXROWS_PER_TILE

    def _fire(j, buf, sem):
        pltpu.async_copy(h_hbm.at[sidx.at[j]], buf, sem)

    def _drain(buf, sem):
        pltpu.make_async_copy(h_hbm.at[pl.ds(0, GROWS)], buf, sem).wait()

    def _widen_scat(j, buf):
        pltpu.sync_copy(buf, shared.at[didx.at[j]], add=True)

    for p in range(N_PHASES):
        r0 = base_row + p * PHASE_IDXROWS
        pltpu.sync_copy(src_hbm.at[pl.ds(r0, PHASE_IDXROWS)], sidx)
        pltpu.sync_copy(dst_hbm.at[pl.ds(r0, PHASE_IDXROWS)], didx)
        _fire(0, bf0, sem0)
        _fire(1, bf1, sem1)

        def _body(k, carry):
            j0 = 2 * k
            _drain(bf0, sem0)
            _widen_scat(j0, bf0)
            _fire(j0 + 2, bf0, sem0)
            _drain(bf1, sem1)
            _widen_scat(j0 + 1, bf1)
            _fire(j0 + 3, bf1, sem1)
            return carry
        lax.fori_loop(0, PHASE_IDXROWS // 2 - 1, _body, 0)
        _drain(bf0, sem0)
        _widen_scat(PHASE_IDXROWS - 2, bf0)
        _drain(bf1, sem1)
        _widen_scat(PHASE_IDXROWS - 1, bf1)
    plsc.subcore_barrier()

    hrows_last = N_NODES - (NS - 1) * ZSPLIT

    @pl.when(jnp.logical_and(cid == 0, sid < NS - 1))
    def _():
        pltpu.sync_copy(shared.at[pl.ds(zbase, ZSPLIT)],
                        out0_hbm.at[pl.ds(zbase, ZSPLIT)])

    @pl.when(jnp.logical_and(cid == 0, sid == NS - 1))
    def _():
        lbase = (NS - 1) * ZSPLIT
        pltpu.sync_copy(shared.at[pl.ds(lbase, hrows_last)],
                        out0_hbm.at[pl.ds(lbase, hrows_last)])

    @pl.when(jnp.logical_and(cid == 1, sid < NS - 1))
    def _():
        pltpu.sync_copy(shared.at[pl.ds(zbase, ZSPLIT)],
                        out1_hbm.at[pl.ds(zbase, ZSPLIT)])

    @pl.when(jnp.logical_and(cid == 1, sid == NS - 1))
    def _():
        lbase = (NS - 1) * ZSPLIT
        pltpu.sync_copy(shared.at[pl.ds(lbase, hrows_last)],
                        out1_hbm.at[pl.ds(lbase, hrows_last)])


_agg_kernel = functools.partial(
    pl.kernel,
    out_type=(jax.ShapeDtypeStruct((N_NODES, HID), jnp.float32),
              jax.ShapeDtypeStruct((N_NODES, HID), jnp.float32)),
    mesh=plsc.VectorSubcoreMesh(core_axis_name="c", subcore_axis_name="s",
                                num_cores=NC, num_subcores=NS),
    scratch_types=[
        pltpu.VMEM_SHARED((NPAD, HID), jnp.float32),
        pltpu.VMEM((GROWS, HID), jnp.float32),
        pltpu.VMEM((GROWS, HID), jnp.float32),
        pltpu.VMEM((PHASE_IDXROWS, GROWS), jnp.int32),
        pltpu.VMEM((PHASE_IDXROWS, GROWS), jnp.int32),
        pltpu.SemaphoreType.DMA,
        pltpu.SemaphoreType.DMA,
    ],
)(_agg_body)


def _encode_body(x_ref, w_ref, b_ref, o_ref):
    o_ref[...] = jnp.dot(x_ref[...], w_ref[...],
                         preferred_element_type=jnp.float32) + b_ref[...]


def _mlp_body(h_ref, a0_ref, a1_ref, w1_ref, b1_ref, w2_ref, b2_ref,
              g_ref, bt_ref, sc_ref, o_ref):
    h = h_ref[...]
    m = sc_ref[0, 0] * h + a0_ref[...] + a1_ref[...]
    t = jnp.dot(m, w1_ref[...], preferred_element_type=jnp.float32) + b1_ref[...]
    t = jnp.maximum(t, 0.0)
    t = jnp.dot(t, w2_ref[...], preferred_element_type=jnp.float32) + b2_ref[...]
    t = g_ref[...] * (t * INV_STD) + bt_ref[...]
    o_ref[...] = jnp.maximum(t, 0.0) + h


def _head_body(h_ref, b_ref, wp1_ref, bp1_ref, wp2_ref, bp2_ref, o_ref,
               accp_ref, accc_ref):
    i = pl.program_id(0)

    @pl.when(i == 0)
    def _():
        accp_ref[...] = jnp.zeros_like(accp_ref)
        accc_ref[...] = jnp.zeros_like(accc_ref)

    bb = b_ref[...]
    gi = lax.broadcasted_iota(jnp.int32, (1, N_GRAPHS), 1)
    onehot = (bb == gi).astype(jnp.float32)
    hb = h_ref[...]
    accp_ref[...] += lax.dot_general(
        onehot, hb, (((0,), (0,)), ((), ())),
        preferred_element_type=jnp.float32)
    ones = jnp.ones((bb.shape[0], 1), jnp.float32)
    accc_ref[...] += lax.dot_general(
        onehot, ones, (((0,), (0,)), ((), ())),
        preferred_element_type=jnp.float32)

    @pl.when(i == pl.num_programs(0) - 1)
    def _():
        pooled = accp_ref[...] / jnp.maximum(accc_ref[...], 1.0)
        t = jnp.dot(pooled, wp1_ref[...],
                    preferred_element_type=jnp.float32) + bp1_ref[...]
        t = jnp.maximum(t, 0.0)
        o_ref[...] = jnp.dot(t, wp2_ref[...],
                             preferred_element_type=jnp.float32) + bp2_ref[...]


_BLK = 2000
_HEAD_BLK = 1000


def _full_spec(shape):
    return pl.BlockSpec(shape, lambda i: (0,) * len(shape))


def _row_spec(rows, cols):
    return pl.BlockSpec((rows, cols), lambda i: (i, 0))


def _encode(x, w, b):
    return pl.pallas_call(
        _encode_body,
        grid=(N_NODES // _BLK,),
        in_specs=[
            _row_spec(_BLK, HID),
            _full_spec((HID, HID)),
            _full_spec((1, HID)),
        ],
        out_specs=_row_spec(_BLK, HID),
        out_shape=jax.ShapeDtypeStruct((N_NODES, HID), jnp.float32),
    )(x, w, b)


def _mlp(h, a0, a1, w1, b1, w2, b2, g, bt, sc):
    return pl.pallas_call(
        _mlp_body,
        grid=(N_NODES // _BLK,),
        in_specs=[
            _row_spec(_BLK, HID),
            _row_spec(_BLK, HID),
            _row_spec(_BLK, HID),
            _full_spec((HID, HID)),
            _full_spec((1, HID)),
            _full_spec((HID, HID)),
            _full_spec((1, HID)),
            _full_spec((1, HID)),
            _full_spec((1, HID)),
            pl.BlockSpec(memory_space=pltpu.SMEM),
        ],
        out_specs=_row_spec(_BLK, HID),
        out_shape=jax.ShapeDtypeStruct((N_NODES, HID), jnp.float32),
    )(h, a0, a1, w1, b1, w2, b2, g, bt, sc)


def _head(h, batch2, wp1, bp1, wp2, bp2):
    return pl.pallas_call(
        _head_body,
        grid=(N_NODES // _HEAD_BLK,),
        in_specs=[
            _row_spec(_HEAD_BLK, HID),
            _row_spec(_HEAD_BLK, 1),
            _full_spec((HID, HID)),
            _full_spec((1, HID)),
            _full_spec((HID, EMB_DIM)),
            _full_spec((1, EMB_DIM)),
        ],
        out_specs=_full_spec((N_GRAPHS, EMB_DIM)),
        out_shape=jax.ShapeDtypeStruct((N_GRAPHS, EMB_DIM), jnp.float32),
        scratch_shapes=[
            pltpu.VMEM((N_GRAPHS, HID), jnp.float32),
            pltpu.VMEM((N_GRAPHS, 1), jnp.float32),
        ],
        compiler_params=pltpu.CompilerParams(
            dimension_semantics=("arbitrary",)),
    )(h, batch2, wp1, bp1, wp2, bp2)


def kernel(x, edge_index, batch, W_enc, b_enc, eps, W1, b1, W2, b2,
           gamma, beta, Wp1, bp1, Wp2, bp2):
    src = edge_index[0]
    dst = edge_index[1]
    pad = E_PAD - N_EDGES
    src2 = jnp.concatenate(
        [src, jnp.zeros((pad,), jnp.int32)]).reshape(E_PAD // GROWS, GROWS)
    dst2 = jnp.concatenate(
        [dst, jnp.full((pad,), N_NODES, jnp.int32)]).reshape(E_PAD // GROWS, GROWS)
    batch2 = batch.reshape(N_NODES, 1)

    h = _encode(x, W_enc, b_enc.reshape(1, HID))
    for i in range(N_LAYERS):
        a0, a1 = _agg_kernel(h, src2, dst2)
        h = _mlp(h, a0, a1,
                       W1[i], b1[i].reshape(1, HID),
                       W2[i], b2[i].reshape(1, HID),
                       gamma[i].reshape(1, HID), beta[i].reshape(1, HID),
                       (1.0 + eps[i]).reshape(1, 1))
    return _head(h, batch2, Wp1, bp1.reshape(1, HID), Wp2, bp2.reshape(1, EMB_DIM))

# --- scband reference (transcript-rebuilt; emitter-appended) ---
"""Pipeline reference for scband-molecular-encoder-78855599555025 (READ-ONLY COPY).

The authoritative reference and input builder live on the scoring server;
editing this copy changes nothing except your own understanding.
"""

import jax, jax.numpy as jnp
import numpy as np

N = 10000
E = 320000
D_IN = 128
H = 128
L = 4
G = 128
EMB = 256
BN_EPS = 1e-5


def setup_inputs(seed: int = 0) -> dict:
    key = jax.random.key(seed)
    ks = jax.random.split(key, 16)
    s = 0.05
    x = jax.random.normal(ks[0], (N, D_IN), dtype=jnp.float32)
    edge_index = jax.random.randint(ks[1], (2, E), 0, N, dtype=jnp.int32)
    batch = jnp.sort(jax.random.randint(ks[2], (N,), 0, G, dtype=jnp.int32))
    W_enc = jax.random.normal(ks[3], (D_IN, H), dtype=jnp.float32) * s
    b_enc = jnp.zeros((H,), jnp.float32)
    eps = jnp.zeros((L,), jnp.float32)  # GIN train_eps, init 0
    W1 = jax.random.normal(ks[4], (L, H, H), dtype=jnp.float32) * s
    b1 = jnp.zeros((L, H), jnp.float32)
    W2 = jax.random.normal(ks[5], (L, H, H), dtype=jnp.float32) * s
    b2 = jnp.zeros((L, H), jnp.float32)
    gamma = jnp.ones((L, H), jnp.float32)
    beta = jnp.zeros((L, H), jnp.float32)
    Wp1 = jax.random.normal(ks[6], (H, H), dtype=jnp.float32) * s
    bp1 = jnp.zeros((H,), jnp.float32)
    Wp2 = jax.random.normal(ks[7], (H, EMB), dtype=jnp.float32) * s
    bp2 = jnp.zeros((EMB,), jnp.float32)
    return {"x": x, "edge_index": edge_index, "batch": batch,
            "W_enc": W_enc, "b_enc": b_enc, "eps": eps,
            "W1": W1, "b1": b1, "W2": W2, "b2": b2,
            "gamma": gamma, "beta": beta,
            "Wp1": Wp1, "bp1": bp1, "Wp2": Wp2, "bp2": bp2}


def reference(x, edge_index, batch, W_enc, b_enc, eps, W1, b1, W2, b2, gamma, beta, Wp1, bp1, Wp2, bp2):
    # MolecularEncoder (GIN, eval mode: dropout=identity, BN uses running stats mean=0, var=1)
    src = edge_index[0]
    dst = edge_index[1]
    h = x @ W_enc + b_enc  # node_encoder
    inv_std = 1.0 / jnp.sqrt(1.0 + BN_EPS)
    for i in range(L):
        h_prev = h
        # GINConv: mlp((1+eps)*x_i + sum_{j in N(i)} x_j), sum aggregation at dst
        agg = jax.ops.segment_sum(h[src], dst, num_segments=N)
        m = (1.0 + eps[i]) * h + agg
        m = jax.nn.relu(m @ W1[i] + b1[i])
        m = m @ W2[i] + b2[i]
        # BatchNorm1d eval with running_mean=0, running_var=1
        m = gamma[i] * (m * inv_std) + beta[i]
        m = jax.nn.relu(m)
        # dropout: identity in eval
        h = m + h_prev  # residual (shapes always match)
    # global_mean_pool
    sums = jax.ops.segment_sum(h, batch, num_segments=G)
    counts = jax.ops.segment_sum(jnp.ones((N,), h.dtype), batch, num_segments=G)
    pooled = sums / jnp.maximum(counts, 1.0)[:, None]
    # output_projection
    out = jax.nn.relu(pooled @ Wp1 + bp1)
    out = out @ Wp2 + bp2
    return out

if __name__ == "__main__":
    import jax
    _d = setup_inputs()
    print(jax.jit(kernel)(*tuple(_d.values())))

</pallas_src>

<mosaic_0001>
#map = affine_map<(d0, d1) -> (0, 0)>
module attributes {stable_mosaic.version = 14 : i64} {
  func.func @_agg_body(%arg0: i32, %arg1: i32, %arg2: memref<10000x128xf32, #tpu.memory_space<hbm>>, %arg3: memref<2560x128xi32, #tpu.memory_space<hbm>>, %arg4: memref<2560x128xi32, #tpu.memory_space<hbm>>, %arg5: memref<10000x128xf32, #tpu.memory_space<hbm>>, %arg6: memref<10000x128xf32, #tpu.memory_space<hbm>>, %arg7: memref<10016x128xf32, #tpu.memory_space<vmem_shared>>, %arg8: memref<128x128xf32, #tpu.memory_space<vmem>>, %arg9: memref<128x128xf32, #tpu.memory_space<vmem>>, %arg10: memref<40x128xi32, #tpu.memory_space<vmem>>, %arg11: memref<40x128xi32, #tpu.memory_space<vmem>>, %arg12: memref<!tpu.dma_semaphore, #tpu.memory_space<semaphore_mem>>, %arg13: memref<!tpu.dma_semaphore, #tpu.memory_space<semaphore_mem>>) attributes {dimension_semantics = [#tpu.dimension_semantics<core_parallel>, #tpu.dimension_semantics<subcore_parallel>], iteration_bounds = array<i64: 2, 16>, scalar_prefetch = 0 : i64, scratch_operands = 7 : i64, tpu.core_type = #tpu.core_type<sc_vector_subcore>, window_params = [{transform_indices = #map}, {transform_indices = #map}, {transform_indices = #map}, {transform_indices = #map}, {transform_indices = #map}]} {
    %mul3A = arith.constant 2 : i32
    %mul3A_0 = arith.muli %arg1, %mul3A : i32
    %add3A = arith.addi %mul3A_0, %arg0 : i32
    %scan3A = arith.constant 0 : i32
    %scan3A_1 = arith.constant 0 : i32
    %scan3A_2 = arith.constant 128 : i32
    %scan3A_3 = arith.addi %scan3A_1, %scan3A_2 : i32
    %scan3A_4 = arith.constant 1 : i32
    scf.for %scan3A_117 = %scan3A_1 to %scan3A_3 step %scan3A_4  : i32 {
      %broadcast_in_dim3A = arith.constant 0.000000e+00 : f32
      %broadcast_in_dim3A_118 = vector.broadcast %broadcast_in_dim3A : f32 to vector<16xf32>
      %swap3A = arith.index_cast %scan3A_117 : i32 to index
      %swap3A_119 = arith.constant 0 : index
      %swap3A_120 = tpu.vector_load %arg8[%swap3A, %swap3A_119] {strides = array<i32>} : memref<128x128xf32, #tpu.memory_space<vmem>>, vector<1x16xf32>,
      %swap3A_121 = vector.shape_cast %swap3A_120 : vector<1x16xf32> to vector<16xf32>
      %swap3A_122 = vector.shape_cast %broadcast_in_dim3A_118 : vector<16xf32> to vector<1x16xf32>
      tpu.vector_store %arg8[%swap3A, %swap3A_119], %swap3A_122 {strides = array<i32>} : memref<128x128xf32, #tpu.memory_space<vmem>>, vector<1x16xf32>,
      %broadcast_in_dim3A_123 = arith.constant 0.000000e+00 : f32
      %broadcast_in_dim3A_124 = vector.broadcast %broadcast_in_dim3A_123 : f32 to vector<16xf32>
      %swap3A_125 = arith.index_cast %scan3A_117 : i32 to index
      %swap3A_126 = arith.constant 16 : index
      %swap3A_127 = tpu.vector_load %arg8[%swap3A_125, %swap3A_126] {strides = array<i32>} : memref<128x128xf32, #tpu.memory_space<vmem>>, vector<1x16xf32>,
      %swap3A_128 = vector.shape_cast %swap3A_127 : vector<1x16xf32> to vector<16xf32>
      %swap3A_129 = vector.shape_cast %broadcast_in_dim3A_124 : vector<16xf32> to vector<1x16xf32>
      tpu.vector_store %arg8[%swap3A_125, %swap3A_126], %swap3A_129 {strides = array<i32>} : memref<128x128xf32, #tpu.memory_space<vmem>>, vector<1x16xf32>,
      %broadcast_in_dim3A_130 = arith.constant 0.000000e+00 : f32
      %broadcast_in_dim3A_131 = vector.broadcast %broadcast_in_dim3A_130 : f32 to vector<16xf32>
      %swap3A_132 = arith.index_cast %scan3A_117 : i32 to index
      %swap3A_133 = arith.constant 32 : index
      %swap3A_134 = tpu.vector_load %arg8[%swap3A_132, %swap3A_133] {strides = array<i32>} : memref<128x128xf32, #tpu.memory_space<vmem>>, vector<1x16xf32>,
      %swap3A_135 = vector.shape_cast %swap3A_134 : vector<1x16xf32> to vector<16xf32>
      %swap3A_136 = vector.shape_cast %broadcast_in_dim3A_131 : vector<16xf32> to vector<1x16xf32>
      tpu.vector_store %arg8[%swap3A_132, %swap3A_133], %swap3A_136 {strides = array<i32>} : memref<128x128xf32, #tpu.memory_space<vmem>>, vector<1x16xf32>,
      %broadcast_in_dim3A_137 = arith.constant 0.000000e+00 : f32
      %broadcast_in_dim3A_138 = vector.broadcast %broadcast_in_dim3A_137 : f32 to vector<16xf32>
      %swap3A_139 = arith.index_cast %scan3A_117 : i32 to index
      %swap3A_140 = arith.constant 48 : index
      %swap3A_141 = tpu.vector_load %arg8[%swap3A_139, %swap3A_140] {strides = array<i32>} : memref<128x128xf32, #tpu.memory_space<vmem>>, vector<1x16xf32>,
      %swap3A_142 = vector.shape_cast %swap3A_141 : vector<1x16xf32> to vector<16xf32>
      %swap3A_143 = vector.shape_cast %broadcast_in_dim3A_138 : vector<16xf32> to vector<1x16xf32>
      tpu.vector_store %arg8[%swap3A_139, %swap3A_140], %swap3A_143 {strides = array<i32>} : memref<128x128xf32, #tpu.memory_space<vmem>>, vector<1x16xf32>,
      %broadcast_in_dim3A_144 = arith.constant 0.000000e+00 : f32
      %broadcast_in_dim3A_145 = vector.broadcast %broadcast_in_dim3A_144 : f32 to vector<16xf32>
      %swap3A_146 = arith.index_cast %scan3A_117 : i32 to index
      %swap3A_147 = arith.constant 64 : index
      %swap3A_148 = tpu.vector_load %arg8[%swap3A_146, %swap3A_147] {strides = array<i32>} : memref<128x128xf32, #tpu.memory_space<vmem>>, vector<1x16xf32>,
      %swap3A_149 = vector.shape_cast %swap3A_148 : vector<1x16xf32> to vector<16xf32>
      %swap3A_150 = vector.shape_cast %broadcast_in_dim3A_145 : vector<16xf32> to vector<1x16xf32>
      tpu.vector_store %arg8[%swap3A_146, %swap3A_147], %swap3A_150 {strides = array<i32>} : memref<128x128xf32, #tpu.memory_space<vmem>>, vector<1x16xf32>,
      %broadcast_in_dim3A_151 = arith.constant 0.000000e+00 : f32
      %broadcast_in_dim3A_152 = vector.broadcast %broadcast_in_dim3A_151 : f32 to vector<16xf32>
      %swap3A_153 = arith.index_cast %scan3A_117 : i32 to index
      %swap3A_154 = arith.constant 80 : index
      %swap3A_155 = tpu.vector_load %arg8[%swap3A_153, %swap3A_154] {strides = array<i32>} : memref<128x128xf32, #tpu.memory_space<vmem>>, vector<1x16xf32>,
      %swap3A_156 = vector.shape_cast %swap3A_155 : vector<1x16xf32> to vector<16xf32>
      %swap3A_157 = vector.shape_cast %broadcast_in_dim3A_152 : vector<16xf32> to vector<1x16xf32>
      tpu.vector_store %arg8[%swap3A_153, %swap3A_154], %swap3A_157 {strides = array<i32>} : memref<128x128xf32, #tpu.memory_space<vmem>>, vector<1x16xf32>,
      %broadcast_in_dim3A_158 = arith.constant 0.000000e+00 : f32
      %broadcast_in_dim3A_159 = vector.broadcast %broadcast_in_dim3A_158 : f32 to vector<16xf32>
      %swap3A_160 = arith.index_cast %scan3A_117 : i32 to index
      %swap3A_161 = arith.constant 96 : index
      %swap3A_162 = tpu.vector_load %arg8[%swap3A_160, %swap3A_161] {strides = array<i32>} : memref<128x128xf32, #tpu.memory_space<vmem>>, vector<1x16xf32>,
      %swap3A_163 = vector.shape_cast %swap3A_162 : vector<1x16xf32> to vector<16xf32>
      %swap3A_164 = vector.shape_cast %broadcast_in_dim3A_159 : vector<16xf32> to vector<1x16xf32>
      tpu.vector_store %arg8[%swap3A_160, %swap3A_161], %swap3A_164 {strides = array<i32>} : memref<128x128xf32, #tpu.memory_space<vmem>>, vector<1x16xf32>,
      %broadcast_in_dim3A_165 = arith.constant 0.000000e+00 : f32
      %broadcast_in_dim3A_166 = vector.broadcast %broadcast_in_dim3A_165 : f32 to vector<16xf32>
      %swap3A_167 = arith.index_cast %scan3A_117 : i32 to index
      %swap3A_168 = arith.constant 112 : index
      %swap3A_169 = tpu.vector_load %arg8[%swap3A_167, %swap3A_168] {strides = array<i32>} : memref<128x128xf32, #tpu.memory_space<vmem>>, vector<1x16xf32>,
      %swap3A_170 = vector.shape_cast %swap3A_169 : vector<1x16xf32> to vector<16xf32>
      %swap3A_171 = vector.shape_cast %broadcast_in_dim3A_166 : vector<16xf32> to vector<1x16xf32>
      tpu.vector_store %arg8[%swap3A_167, %swap3A_168], %swap3A_171 {strides = array<i32>} : memref<128x128xf32, #tpu.memory_space<vmem>>, vector<1x16xf32>,
    }
    %scan3A_5 = arith.constant 128 : i32
    %mul3A_6 = arith.constant 632 : i32
    %mul3A_7 = arith.muli %arg1, %mul3A_6 : i32
    %lt3A = arith.constant 15 : i32
    %lt3A_8 = arith.cmpi slt, %arg1, %lt3A : i32
    %convert_element_type3A = arith.extui %lt3A_8 : i1 to i32
    %cond3A = arith.constant 0 : i32
    %cond3A_9 = arith.cmpi ne, %convert_element_type3A, %cond3A : i32
    scf.if %cond3A_9 {
      %add3A_117 = arith.constant 0 : i32
      %add3A_118 = arith.addi %mul3A_7, %add3A_117 : i32
      "tpu.region"() ({
        %run_scoped3A_127 = tpu.sem_alloc : memref<!tpu.dma_semaphore, #tpu.memory_space<semaphore_mem>>
        %dma_start3A_128 = arith.constant 0 : i32
        %dma_start3A_129 = tpu.memref_slice %arg7[%add3A_118, %dma_start3A_128] : memref<10016x128xf32, #tpu.memory_space<vmem_shared>> -> memref<128x128xf32, #tpu.memory_space<vmem_shared>>
        %dma_start3A_130 = arith.constant 0 : i32
        %dma_start3A_131 = tpu.memref_slice %arg7[%add3A_118, %dma_start3A_130] : memref<10016x128xf32, #tpu.memory_space<vmem_shared>> -> memref<128x128xf32, #tpu.memory_space<vmem_shared>>
        tpu.enqueue_dma source(%arg8 : memref<128x128xf32, #tpu.memory_space<vmem>>) target(%dma_start3A_131 : memref<128x128xf32, #tpu.memory_space<vmem_shared>>) target_semaphore(%run_scoped3A_127 : memref<!tpu.dma_semaphore, #tpu.memory_space<semaphore_mem>>)
        %dma_wait3A_132 = arith.constant 0 : i32
        %dma_wait3A_133 = tpu.memref_slice %arg7[%add3A_118, %dma_wait3A_132] : memref<10016x128xf32, #tpu.memory_space<vmem_shared>> -> memref<128x128xf32, #tpu.memory_space<vmem_shared>>
        %dma_wait3A_134 = arith.constant 0 : i32
        %dma_wait3A_135 = tpu.memref_slice %arg7[%add3A_118, %dma_wait3A_134] : memref<10016x128xf32, #tpu.memory_space<vmem_shared>> -> memref<128x128xf32, #tpu.memory_space<vmem_shared>>
        tpu.wait_dma2 semaphore(%run_scoped3A_127 : memref<!tpu.dma_semaphore, #tpu.memory_space<semaphore_mem>>) src(%arg8 : memref<128x128xf32, #tpu.memory_space<vmem>>) dst(%dma_wait3A_135 : memref<128x128xf32, #tpu.memory_space<vmem_shared>>)
        tpu.yield
      }) : () -> ()
      %add3A_119 = arith.constant 128 : i32
      %add3A_120 = arith.addi %mul3A_7, %add3A_119 : i32
      "tpu.region"() ({
        %run_scoped3A_127 = tpu.sem_alloc : memref<!tpu.dma_semaphore, #tpu.memory_space<semaphore_mem>>
        %dma_start3A_128 = arith.constant 0 : i32
        %dma_start3A_129 = tpu.memref_slice %arg7[%add3A_120, %dma_start3A_128] : memref<10016x128xf32, #tpu.memory_space<vmem_shared>> -> memref<128x128xf32, #tpu.memory_space<vmem_shared>>
        %dma_start3A_130 = arith.constant 0 : i32
        %dma_start3A_131 = tpu.memref_slice %arg7[%add3A_120, %dma_start3A_130] : memref<10016x128xf32, #tpu.memory_space<vmem_shared>> -> memref<128x128xf32, #tpu.memory_space<vmem_shared>>
        tpu.enqueue_dma source(%arg8 : memref<128x128xf32, #tpu.memory_space<vmem>>) target(%dma_start3A_131 : memref<128x128xf32, #tpu.memory_space<vmem_shared>>) target_semaphore(%run_scoped3A_127 : memref<!tpu.dma_semaphore, #tpu.memory_space<semaphore_mem>>)
        %dma_wait3A_132 = arith.constant 0 : i32
        %dma_wait3A_133 = tpu.memref_slice %arg7[%add3A_120, %dma_wait3A_132] : memref<10016x128xf32, #tpu.memory_space<vmem_shared>> -> memref<128x128xf32, #tpu.memory_space<vmem_shared>>
        %dma_wait3A_134 = arith.constant 0 : i32
        %dma_wait3A_135 = tpu.memref_slice %arg7[%add3A_120, %dma_wait3A_134] : memref<10016x128xf32, #tpu.memory_space<vmem_shared>> -> memref<128x128xf32, #tpu.memory_space<vmem_shared>>
        tpu.wait_dma2 semaphore(%run_scoped3A_127 : memref<!tpu.dma_semaphore, #tpu.memory_space<semaphore_mem>>) src(%arg8 : memref<128x128xf32, #tpu.memory_space<vmem>>) dst(%dma_wait3A_135 : memref<128x128xf32, #tpu.memory_space<vmem_shared>>)
        tpu.yield
      }) : () -> ()
      %add3A_121 = arith.constant 256 : i32
      %add3A_122 = arith.addi %mul3A_7, %add3A_121 : i32
      "tpu.region"() ({
        %run_scoped3A_127 = tpu.sem_alloc : memref<!tpu.dma_semaphore, #tpu.memory_space<semaphore_mem>>
        %dma_start3A_128 = arith.constant 0 : i32
        %dma_start3A_129 = tpu.memref_slice %arg7[%add3A_122, %dma_start3A_128] : memref<10016x128xf32, #tpu.memory_space<vmem_shared>> -> memref<128x128xf32, #tpu.memory_space<vmem_shared>>
        %dma_start3A_130 = arith.constant 0 : i32
        %dma_start3A_131 = tpu.memref_slice %arg7[%add3A_122, %dma_start3A_130] : memref<10016x128xf32, #tpu.memory_space<vmem_shared>> -> memref<128x128xf32, #tpu.memory_space<vmem_shared>>
        tpu.enqueue_dma source(%arg8 : memref<128x128xf32, #tpu.memory_space<vmem>>) target(%dma_start3A_131 : memref<128x128xf32, #tpu.memory_space<vmem_shared>>) target_semaphore(%run_scoped3A_127 : memref<!tpu.dma_semaphore, #tpu.memory_space<semaphore_mem>>)
        %dma_wait3A_132 = arith.constant 0 : i32
        %dma_wait3A_133 = tpu.memref_slice %arg7[%add3A_122, %dma_wait3A_132] : memref<10016x128xf32, #tpu.memory_space<vmem_shared>> -> memref<128x128xf32, #tpu.memory_space<vmem_shared>>
        %dma_wait3A_134 = arith.constant 0 : i32
        %dma_wait3A_135 = tpu.memref_slice %arg7[%add3A_122, %dma_wait3A_134] : memref<10016x128xf32, #tpu.memory_space<vmem_shared>> -> memref<128x128xf32, #tpu.memory_space<vmem_shared>>
        tpu.wait_dma2 semaphore(%run_scoped3A_127 : memref<!tpu.dma_semaphore, #tpu.memory_space<semaphore_mem>>) src(%arg8 : memref<128x128xf32, #tpu.memory_space<vmem>>) dst(%dma_wait3A_135 : memref<128x128xf32, #tpu.memory_space<vmem_shared>>)
        tpu.yield
      }) : () -> ()
      %add3A_123 = arith.constant 384 : i32
      %add3A_124 = arith.addi %mul3A_7, %add3A_123 : i32
      "tpu.region"() ({
        %run_scoped3A_127 = tpu.sem_alloc : memref<!tpu.dma_semaphore, #tpu.memory_space<semaphore_mem>>
        %dma_start3A_128 = arith.constant 0 : i32
        %dma_start3A_129 = tpu.memref_slice %arg7[%add3A_124, %dma_start3A_128] : memref<10016x128xf32, #tpu.memory_space<vmem_shared>> -> memref<128x128xf32, #tpu.memory_space<vmem_shared>>
        %dma_start3A_130 = arith.constant 0 : i32
        %dma_start3A_131 = tpu.memref_slice %arg7[%add3A_124, %dma_start3A_130] : memref<10016x128xf32, #tpu.memory_space<vmem_shared>> -> memref<128x128xf32, #tpu.memory_space<vmem_shared>>
        tpu.enqueue_dma source(%arg8 : memref<128x128xf32, #tpu.memory_space<vmem>>) target(%dma_start3A_131 : memref<128x128xf32, #tpu.memory_space<vmem_shared>>) target_semaphore(%run_scoped3A_127 : memref<!tpu.dma_semaphore, #tpu.memory_space<semaphore_mem>>)
        %dma_wait3A_132 = arith.constant 0 : i32
        %dma_wait3A_133 = tpu.memref_slice %arg7[%add3A_124, %dma_wait3A_132] : memref<10016x128xf32, #tpu.memory_space<vmem_shared>> -> memref<128x128xf32, #tpu.memory_space<vmem_shared>>
        %dma_wait3A_134 = arith.constant 0 : i32
        %dma_wait3A_135 = tpu.memref_slice %arg7[%add3A_124, %dma_wait3A_134] : memref<10016x128xf32, #tpu.memory_space<vmem_shared>> -> memref<128x128xf32, #tpu.memory_space<vmem_shared>>
        tpu.wait_dma2 semaphore(%run_scoped3A_127 : memref<!tpu.dma_semaphore, #tpu.memory_space<semaphore_mem>>) src(%arg8 : memref<128x128xf32, #tpu.memory_space<vmem>>) dst(%dma_wait3A_135 : memref<128x128xf32, #tpu.memory_space<vmem_shared>>)
        tpu.yield
      }) : () -> ()
      %add3A_125 = arith.constant 512 : i32
      %add3A_126 = arith.addi %mul3A_7, %add3A_125 : i32
      "tpu.region"() ({
        %run_scoped3A_127 = tpu.sem_alloc : memref<!tpu.dma_semaphore, #tpu.memory_space<semaphore_mem>>
        %dma_start3A_128 = arith.constant 0 : i32
        %dma_start3A_129 = arith.constant 0 : i32
        %dma_start3A_130 = tpu.memref_slice %arg8[%dma_start3A_128, %dma_start3A_129] : memref<128x128xf32, #tpu.memory_space<vmem>> -> memref<120x128xf32, #tpu.memory_space<vmem>>
        %dma_start3A_131 = arith.constant 0 : i32
        %dma_start3A_132 = tpu.memref_slice %arg7[%add3A_126, %dma_start3A_131] : memref<10016x128xf32, #tpu.memory_space<vmem_shared>> -> memref<120x128xf32, #tpu.memory_space<vmem_shared>>
        %dma_start3A_133 = arith.constant 0 : i32
        %dma_start3A_134 = tpu.memref_slice %arg7[%add3A_126, %dma_start3A_133] : memref<10016x128xf32, #tpu.memory_space<vmem_shared>> -> memref<120x128xf32, #tpu.memory_space<vmem_shared>>
        %dma_start3A_135 = arith.constant 0 : i32
        %dma_start3A_136 = arith.constant 0 : i32
        %dma_start3A_137 = tpu.memref_slice %arg8[%dma_start3A_135, %dma_start3A_136] : memref<128x128xf32, #tpu.memory_space<vmem>> -> memref<120x128xf32, #tpu.memory_space<vmem>>
        tpu.enqueue_dma source(%dma_start3A_137 : memref<120x128xf32, #tpu.memory_space<vmem>>) target(%dma_start3A_134 : memref<120x128xf32, #tpu.memory_space<vmem_shared>>) target_semaphore(%run_scoped3A_127 : memref<!tpu.dma_semaphore, #tpu.memory_space<semaphore_mem>>)
        %dma_wait3A_138 = arith.constant 0 : i32
        %dma_wait3A_139 = arith.constant 0 : i32
        %dma_wait3A_140 = tpu.memref_slice %arg8[%dma_wait3A_138, %dma_wait3A_139] : memref<128x128xf32, #tpu.memory_space<vmem>> -> memref<120x128xf32, #tpu.memory_space<vmem>>
        %dma_wait3A_141 = arith.constant 0 : i32
        %dma_wait3A_142 = tpu.memref_slice %arg7[%add3A_126, %dma_wait3A_141] : memref<10016x128xf32, #tpu.memory_space<vmem_shared>> -> memref<120x128xf32, #tpu.memory_space<vmem_shared>>
        %dma_wait3A_143 = arith.constant 0 : i32
        %dma_wait3A_144 = tpu.memref_slice %arg7[%add3A_126, %dma_wait3A_143] : memref<10016x128xf32, #tpu.memory_space<vmem_shared>> -> memref<120x128xf32, #tpu.memory_space<vmem_shared>>
        %dma_wait3A_145 = arith.constant 0 : i32
        %dma_wait3A_146 = arith.constant 0 : i32
        %dma_wait3A_147 = tpu.memref_slice %arg8[%dma_wait3A_145, %dma_wait3A_146] : memref<128x128xf32, #tpu.memory_space<vmem>> -> memref<120x128xf32, #tpu.memory_space<vmem>>
        tpu.wait_dma2 semaphore(%run_scoped3A_127 : memref<!tpu.dma_semaphore, #tpu.memory_space<semaphore_mem>>) src(%dma_wait3A_147 : memref<120x128xf32, #tpu.memory_space<vmem>>) dst(%dma_wait3A_144 : memref<120x128xf32, #tpu.memory_space<vmem_shared>>)
        tpu.yield
      }) : () -> ()
    } else {
    }
    %eq3A = arith.constant 15 : i32
    %eq3A_10 = arith.cmpi eq, %arg1, %eq3A : i32
    %convert_element_type3A_11 = arith.extui %eq3A_10 : i1 to i32
    %cond3A_12 = arith.constant 0 : i32
    %cond3A_13 = arith.cmpi ne, %convert_element_type3A_11, %cond3A_12 : i32
    scf.if %cond3A_13 {
      "tpu.region"() ({
        %run_scoped3A_117 = tpu.sem_alloc : memref<!tpu.dma_semaphore, #tpu.memory_space<semaphore_mem>>
        %dma_start3A_118 = arith.constant 9480 : i32
        %dma_start3A_119 = arith.constant 0 : i32
        %dma_start3A_120 = tpu.memref_slice %arg7[%dma_start3A_118, %dma_start3A_119] : memref<10016x128xf32, #tpu.memory_space<vmem_shared>> -> memref<128x128xf32, #tpu.memory_space<vmem_shared>>
        %dma_start3A_121 = arith.constant 9480 : i32
        %dma_start3A_122 = arith.constant 0 : i32
        %dma_start3A_123 = tpu.memref_slice %arg7[%dma_start3A_121, %dma_start3A_122] : memref<10016x128xf32, #tpu.memory_space<vmem_shared>> -> memref<128x128xf32, #tpu.memory_space<vmem_shared>>
        tpu.enqueue_dma source(%arg8 : memref<128x128xf32, #tpu.memory_space<vmem>>) target(%dma_start3A_123 : memref<128x128xf32, #tpu.memory_space<vmem_shared>>) target_semaphore(%run_scoped3A_117 : memref<!tpu.dma_semaphore, #tpu.memory_space<semaphore_mem>>)
        %dma_wait3A_124 = arith.constant 9480 : i32
        %dma_wait3A_125 = arith.constant 0 : i32
        %dma_wait3A_126 = tpu.memref_slice %arg7[%dma_wait3A_124, %dma_wait3A_125] : memref<10016x128xf32, #tpu.memory_space<vmem_shared>> -> memref<128x128xf32, #tpu.memory_space<vmem_shared>>
        %dma_wait3A_127 = arith.constant 9480 : i32
        %dma_wait3A_128 = arith.constant 0 : i32
        %dma_wait3A_129 = tpu.memref_slice %arg7[%dma_wait3A_127, %dma_wait3A_128] : memref<10016x128xf32, #tpu.memory_space<vmem_shared>> -> memref<128x128xf32, #tpu.memory_space<vmem_shared>>
        tpu.wait_dma2 semaphore(%run_scoped3A_117 : memref<!tpu.dma_semaphore, #tpu.memory_space<semaphore_mem>>) src(%arg8 : memref<128x128xf32, #tpu.memory_space<vmem>>) dst(%dma_wait3A_129 : memref<128x128xf32, #tpu.memory_space<vmem_shared>>)
        tpu.yield
      }) : () -> ()
      "tpu.region"() ({
        %run_scoped3A_117 = tpu.sem_alloc : memref<!tpu.dma_semaphore, #tpu.memory_space<semaphore_mem>>
        %dma_start3A_118 = arith.constant 9608 : i32
        %dma_start3A_119 = arith.constant 0 : i32
        %dma_start3A_120 = tpu.memref_slice %arg7[%dma_start3A_118, %dma_start3A_119] : memref<10016x128xf32, #tpu.memory_space<vmem_shared>> -> memref<128x128xf32, #tpu.memory_space<vmem_shared>>
        %dma_start3A_121 = arith.constant 9608 : i32
        %dma_start3A_122 = arith.constant 0 : i32
        %dma_start3A_123 = tpu.memref_slice %arg7[%dma_start3A_121, %dma_start3A_122] : memref<10016x128xf32, #tpu.memory_space<vmem_shared>> -> memref<128x128xf32, #tpu.memory_space<vmem_shared>>
        tpu.enqueue_dma source(%arg8 : memref<128x128xf32, #tpu.memory_space<vmem>>) target(%dma_start3A_123 : memref<128x128xf32, #tpu.memory_space<vmem_shared>>) target_semaphore(%run_scoped3A_117 : memref<!tpu.dma_semaphore, #tpu.memory_space<semaphore_mem>>)
        %dma_wait3A_124 = arith.constant 9608 : i32
        %dma_wait3A_125 = arith.constant 0 : i32
        %dma_wait3A_126 = tpu.memref_slice %arg7[%dma_wait3A_124, %dma_wait3A_125] : memref<10016x128xf32, #tpu.memory_space<vmem_shared>> -> memref<128x128xf32, #tpu.memory_space<vmem_shared>>
        %dma_wait3A_127 = arith.constant 9608 : i32
        %dma_wait3A_128 = arith.constant 0 : i32
        %dma_wait3A_129 = tpu.memref_slice %arg7[%dma_wait3A_127, %dma_wait3A_128] : memref<10016x128xf32, #tpu.memory_space<vmem_shared>> -> memref<128x128xf32, #tpu.memory_space<vmem_shared>>
        tpu.wait_dma2 semaphore(%run_scoped3A_117 : memref<!tpu.dma_semaphore, #tpu.memory_space<semaphore_mem>>) src(%arg8 : memref<128x128xf32, #tpu.memory_space<vmem>>) dst(%dma_wait3A_129 : memref<128x128xf32, #tpu.memory_space<vmem_shared>>)
        tpu.yield
      }) : () -> ()
      "tpu.region"() ({
        %run_scoped3A_117 = tpu.sem_alloc : memref<!tpu.dma_semaphore, #tpu.memory_space<semaphore_mem>>
        %dma_start3A_118 = arith.constant 9736 : i32
        %dma_start3A_119 = arith.constant 0 : i32
        %dma_start3A_120 = tpu.memref_slice %arg7[%dma_start3A_118, %dma_start3A_119] : memref<10016x128xf32, #tpu.memory_space<vmem_shared>> -> memref<128x128xf32, #tpu.memory_space<vmem_shared>>
        %dma_start3A_121 = arith.constant 9736 : i32
        %dma_start3A_122 = arith.constant 0 : i32
        %dma_start3A_123 = tpu.memref_slice %arg7[%dma_start3A_121, %dma_start3A_122] : memref<10016x128xf32, #tpu.memory_space<vmem_shared>> -> memref<128x128xf32, #tpu.memory_space<vmem_shared>>
        tpu.enqueue_dma source(%arg8 : memref<128x128xf32, #tpu.memory_space<vmem>>) target(%dma_start3A_123 : memref<128x128xf32, #tpu.memory_space<vmem_shared>>) target_semaphore(%run_scoped3A_117 : memref<!tpu.dma_semaphore, #tpu.memory_space<semaphore_mem>>)
        %dma_wait3A_124 = arith.constant 9736 : i32
        %dma_wait3A_125 = arith.constant 0 : i32
        %dma_wait3A_126 = tpu.memref_slice %arg7[%dma_wait3A_124, %dma_wait3A_125] : memref<10016x128xf32, #tpu.memory_space<vmem_shared>> -> memref<128x128xf32, #tpu.memory_space<vmem_shared>>
        %dma_wait3A_127 = arith.constant 9736 : i32
        %dma_wait3A_128 = arith.constant 0 : i32
        %dma_wait3A_129 = tpu.memref_slice %arg7[%dma_wait3A_127, %dma_wait3A_128] : memref<10016x128xf32, #tpu.memory_space<vmem_shared>> -> memref<128x128xf32, #tpu.memory_space<vmem_shared>>
        tpu.wait_dma2 semaphore(%run_scoped3A_117 : memref<!tpu.dma_semaphore, #tpu.memory_space<semaphore_mem>>) src(%arg8 : memref<128x128xf32, #tpu.memory_space<vmem>>) dst(%dma_wait3A_129 : memref<128x128xf32, #tpu.memory_space<vmem_shared>>)
        tpu.yield
      }) : () -> ()
      "tpu.region"() ({
        %run_scoped3A_117 = tpu.sem_alloc : memref<!tpu.dma_semaphore, #tpu.memory_space<semaphore_mem>>
        %dma_start3A_118 = arith.constant 9864 : i32
        %dma_start3A_119 = arith.constant 0 : i32
        %dma_start3A_120 = tpu.memref_slice %arg7[%dma_start3A_118, %dma_start3A_119] : memref<10016x128xf32, #tpu.memory_space<vmem_shared>> -> memref<128x128xf32, #tpu.memory_space<vmem_shared>>
        %dma_start3A_121 = arith.constant 9864 : i32
        %dma_start3A_122 = arith.constant 0 : i32
        %dma_start3A_123 = tpu.memref_slice %arg7[%dma_start3A_121, %dma_start3A_122] : memref<10016x128xf32, #tpu.memory_space<vmem_shared>> -> memref<128x128xf32, #tpu.memory_space<vmem_shared>>
        tpu.enqueue_dma source(%arg8 : memref<128x128xf32, #tpu.memory_space<vmem>>) target(%dma_start3A_123 : memref<128x128xf32, #tpu.memory_space<vmem_shared>>) target_semaphore(%run_scoped3A_117 : memref<!tpu.dma_semaphore, #tpu.memory_space<semaphore_mem>>)
        %dma_wait3A_124 = arith.constant 9864 : i32
        %dma_wait3A_125 = arith.constant 0 : i32
        %dma_wait3A_126 = tpu.memref_slice %arg7[%dma_wait3A_124, %dma_wait3A_125] : memref<10016x128xf32, #tpu.memory_space<vmem_shared>> -> memref<128x128xf32, #tpu.memory_space<vmem_shared>>
        %dma_wait3A_127 = arith.constant 9864 : i32
        %dma_wait3A_128 = arith.constant 0 : i32
        %dma_wait3A_129 = tpu.memref_slice %arg7[%dma_wait3A_127, %dma_wait3A_128] : memref<10016x128xf32, #tpu.memory_space<vmem_shared>> -> memref<128x128xf32, #tpu.memory_space<vmem_shared>>
        tpu.wait_dma2 semaphore(%run_scoped3A_117 : memref<!tpu.dma_semaphore, #tpu.memory_space<semaphore_mem>>) src(%arg8 : memref<128x128xf32, #tpu.memory_space<vmem>>) dst(%dma_wait3A_129 : memref<128x128xf32, #tpu.memory_space<vmem_shared>>)
        tpu.yield
      }) : () -> ()
      "tpu.region"() ({
        %run_scoped3A_117 = tpu.sem_alloc : memref<!tpu.dma_semaphore, #tpu.memory_space<semaphore_mem>>
        %dma_start3A_118 = arith.constant 0 : i32
        %dma_start3A_119 = arith.constant 0 : i32
        %dma_start3A_120 = tpu.memref_slice %arg8[%dma_start3A_118, %dma_start3A_119] : memref<128x128xf32, #tpu.memory_space<vmem>> -> memref<24x128xf32, #tpu.memory_space<vmem>>
        %dma_start3A_121 = arith.constant 9992 : i32
        %dma_start3A_122 = arith.constant 0 : i32
        %dma_start3A_123 = tpu.memref_slice %arg7[%dma_start3A_121, %dma_start3A_122] : memref<10016x128xf32, #tpu.memory_space<vmem_shared>> -> memref<24x128xf32, #tpu.memory_space<vmem_shared>>
        %dma_start3A_124 = arith.constant 9992 : i32
        %dma_start3A_125 = arith.constant 0 : i32
        %dma_start3A_126 = tpu.memref_slice %arg7[%dma_start3A_124, %dma_start3A_125] : memref<10016x128xf32, #tpu.memory_space<vmem_shared>> -> memref<24x128xf32, #tpu.memory_space<vmem_shared>>
        %dma_start3A_127 = arith.constant 0 : i32
        %dma_start3A_128 = arith.constant 0 : i32
        %dma_start3A_129 = tpu.memref_slice %arg8[%dma_start3A_127, %dma_start3A_128] : memref<128x128xf32, #tpu.memory_space<vmem>> -> memref<24x128xf32, #tpu.memory_space<vmem>>
        tpu.enqueue_dma source(%dma_start3A_129 : memref<24x128xf32, #tpu.memory_space<vmem>>) target(%dma_start3A_126 : memref<24x128xf32, #tpu.memory_space<vmem_shared>>) target_semaphore(%run_scoped3A_117 : memref<!tpu.dma_semaphore, #tpu.memory_space<semaphore_mem>>)
        %dma_wait3A_130 = arith.constant 0 : i32
        %dma_wait3A_131 = arith.constant 0 : i32
        %dma_wait3A_132 = tpu.memref_slice %arg8[%dma_wait3A_130, %dma_wait3A_131] : memref<128x128xf32, #tpu.memory_space<vmem>> -> memref<24x128xf32, #tpu.memory_space<vmem>>
        %dma_wait3A_133 = arith.constant 9992 : i32
        %dma_wait3A_134 = arith.constant 0 : i32
        %dma_wait3A_135 = tpu.memref_slice %arg7[%dma_wait3A_133, %dma_wait3A_134] : memref<10016x128xf32, #tpu.memory_space<vmem_shared>> -> memref<24x128xf32, #tpu.memory_space<vmem_shared>>
        %dma_wait3A_136 = arith.constant 9992 : i32
        %dma_wait3A_137 = arith.constant 0 : i32
        %dma_wait3A_138 = tpu.memref_slice %arg7[%dma_wait3A_136, %dma_wait3A_137] : memref<10016x128xf32, #tpu.memory_space<vmem_shared>> -> memref<24x128xf32, #tpu.memory_space<vmem_shared>>
        %dma_wait3A_139 = arith.constant 0 : i32
        %dma_wait3A_140 = arith.constant 0 : i32
        %dma_wait3A_141 = tpu.memref_slice %arg8[%dma_wait3A_139, %dma_wait3A_140] : memref<128x128xf32, #tpu.memory_space<vmem>> -> memref<24x128xf32, #tpu.memory_space<vmem>>
        tpu.wait_dma2 semaphore(%run_scoped3A_117 : memref<!tpu.dma_semaphore, #tpu.memory_space<semaphore_mem>>) src(%dma_wait3A_141 : memref<24x128xf32, #tpu.memory_space<vmem>>) dst(%dma_wait3A_138 : memref<24x128xf32, #tpu.memory_space<vmem_shared>>)
        tpu.yield
      }) : () -> ()
    } else {
    }
    %barrier3A = arith.constant 0 : index
    tpu.barrier barrier_id(%barrier3A)
    %mul3A_14 = arith.constant 80 : i32
    %mul3A_15 = arith.muli %add3A, %mul3A_14 : i32
    %add3A_16 = arith.constant 0 : i32
    %add3A_17 = arith.addi %mul3A_15, %add3A_16 : i32
    "tpu.region"() ({
      %run_scoped3A_117 = tpu.sem_alloc : memref<!tpu.dma_semaphore, #tpu.memory_space<semaphore_mem>>
      %dma_start3A_118 = arith.constant 0 : i32
      %dma_start3A_119 = tpu.memref_slice %arg3[%add3A_17, %dma_start3A_118] : memref<2560x128xi32, #tpu.memory_space<hbm>> -> memref<40x128xi32, #tpu.memory_space<hbm>>
      %dma_start3A_120 = arith.constant 0 : i32
      %dma_start3A_121 = tpu.memref_slice %arg3[%add3A_17, %dma_start3A_120] : memref<2560x128xi32, #tpu.memory_space<hbm>> -> memref<40x128xi32, #tpu.memory_space<hbm>>
      tpu.enqueue_dma source(%dma_start3A_121 : memref<40x128xi32, #tpu.memory_space<hbm>>) target(%arg10 : memref<40x128xi32, #tpu.memory_space<vmem>>) target_semaphore(%run_scoped3A_117 : memref<!tpu.dma_semaphore, #tpu.memory_space<semaphore_mem>>)
      %dma_wait3A_122 = arith.constant 0 : i32
      %dma_wait3A_123 = tpu.memref_slice %arg3[%add3A_17, %dma_wait3A_122] : memref<2560x128xi32, #tpu.memory_space<hbm>> -> memref<40x128xi32, #tpu.memory_space<hbm>>
      %dma_wait3A_124 = arith.constant 0 : i32
      %dma_wait3A_125 = tpu.memref_slice %arg3[%add3A_17, %dma_wait3A_124] : memref<2560x128xi32, #tpu.memory_space<hbm>> -> memref<40x128xi32, #tpu.memory_space<hbm>>
      tpu.wait_dma2 semaphore(%run_scoped3A_117 : memref<!tpu.dma_semaphore, #tpu.memory_space<semaphore_mem>>) src(%dma_wait3A_125 : memref<40x128xi32, #tpu.memory_space<hbm>>) dst(%arg10 : memref<40x128xi32, #tpu.memory_space<vmem>>)
      tpu.yield
    }) : () -> ()
    "tpu.region"() ({
      %run_scoped3A_117 = tpu.sem_alloc : memref<!tpu.dma_semaphore, #tpu.memory_space<semaphore_mem>>
      %dma_start3A_118 = arith.constant 0 : i32
      %dma_start3A_119 = tpu.memref_slice %arg4[%add3A_17, %dma_start3A_118] : memref<2560x128xi32, #tpu.memory_space<hbm>> -> memref<40x128xi32, #tpu.memory_space<hbm>>
      %dma_start3A_120 = arith.constant 0 : i32
      %dma_start3A_121 = tpu.memref_slice %arg4[%add3A_17, %dma_start3A_120] : memref<2560x128xi32, #tpu.memory_space<hbm>> -> memref<40x128xi32, #tpu.memory_space<hbm>>
      tpu.enqueue_dma source(%dma_start3A_121 : memref<40x128xi32, #tpu.memory_space<hbm>>) target(%arg11 : memref<40x128xi32, #tpu.memory_space<vmem>>) target_semaphore(%run_scoped3A_117 : memref<!tpu.dma_semaphore, #tpu.memory_space<semaphore_mem>>)
      %dma_wait3A_122 = arith.constant 0 : i32
      %dma_wait3A_123 = tpu.memref_slice %arg4[%add3A_17, %dma_wait3A_122] : memref<2560x128xi32, #tpu.memory_space<hbm>> -> memref<40x128xi32, #tpu.memory_space<hbm>>
      %dma_wait3A_124 = arith.constant 0 : i32
      %dma_wait3A_125 = tpu.memref_slice %arg4[%add3A_17, %dma_wait3A_124] : memref<2560x128xi32, #tpu.memory_space<hbm>> -> memref<40x128xi32, #tpu.memory_space<hbm>>
      tpu.wait_dma2 semaphore(%run_scoped3A_117 : memref<!tpu.dma_semaphore, #tpu.memory_space<semaphore_mem>>) src(%dma_wait3A_125 : memref<40x128xi32, #tpu.memory_space<hbm>>) dst(%arg11 : memref<40x128xi32, #tpu.memory_space<vmem>>)
      tpu.yield
    }) : () -> ()
    %dma_start3A = arith.constant 0 : i32
    %dma_start3A_18 = arith.constant 0 : i32
    %dma_start3A_19 = tpu.memref_slice %arg10[%dma_start3A, %dma_start3A_18] : memref<40x128xi32, #tpu.memory_space<vmem>> -> memref<1x128xi32, #tpu.memory_space<vmem>>
    %dma_start3A_20 = tpu.memref_squeeze %dma_start3A_19 : memref<1x128xi32, #tpu.memory_space<vmem>> -> memref<128xi32, #tpu.memory_space<vmem>>
    %dma_start3A_21 = arith.constant 0 : i32
    %dma_start3A_22 = arith.constant 0 : i32
    %dma_start3A_23 = tpu.memref_slice %arg2[%dma_start3A_21, %dma_start3A_22] : memref<10000x128xf32, #tpu.memory_space<hbm>> -> memref<10000x128xf32, #tpu.memory_space<hbm>>
    tpu.enqueue_indirect_dma source(%dma_start3A_23 : memref<10000x128xf32, #tpu.memory_space<hbm>>) target(%arg8 : memref<128x128xf32, #tpu.memory_space<vmem>>) offsets(%dma_start3A_20 : memref<128xi32, #tpu.memory_space<vmem>>) semaphore(%arg12 : memref<!tpu.dma_semaphore, #tpu.memory_space<semaphore_mem>>)
    %dma_start3A_24 = arith.constant 1 : i32
    %dma_start3A_25 = arith.constant 0 : i32
    %dma_start3A_26 = tpu.memref_slice %arg10[%dma_start3A_24, %dma_start3A_25] : memref<40x128xi32, #tpu.memory_space<vmem>> -> memref<1x128xi32, #tpu.memory_space<vmem>>
    %dma_start3A_27 = tpu.memref_squeeze %dma_start3A_26 : memref<1x128xi32, #tpu.memory_space<vmem>> -> memref<128xi32, #tpu.memory_space<vmem>>
    %dma_start3A_28 = arith.constant 0 : i32
    %dma_start3A_29 = arith.constant 0 : i32
    %dma_start3A_30 = tpu.memref_slice %arg2[%dma_start3A_28, %dma_start3A_29] : memref<10000x128xf32, #tpu.memory_space<hbm>> -> memref<10000x128xf32, #tpu.memory_space<hbm>>
    tpu.enqueue_indirect_dma source(%dma_start3A_30 : memref<10000x128xf32, #tpu.memory_space<hbm>>) target(%arg9 : memref<128x128xf32, #tpu.memory_space<vmem>>) offsets(%dma_start3A_27 : memref<128xi32, #tpu.memory_space<vmem>>) semaphore(%arg13 : memref<!tpu.dma_semaphore, #tpu.memory_space<semaphore_mem>>)
    %scan3A_31 = arith.constant 0 : i32
    %scan3A_32 = arith.constant 0 : i32
    %scan3A_33 = arith.constant 19 : i32
    %scan3A_34 = arith.addi %scan3A_32, %scan3A_33 : i32
    %scan3A_35 = arith.constant 1 : i32
    scf.for %scan3A_117 = %scan3A_32 to %scan3A_34 step %scan3A_35  : i32 {
      %mul3A_118 = arith.constant 2 : i32
      %mul3A_119 = arith.muli %mul3A_118, %scan3A_117 : i32
      %dma_wait3A_120 = arith.constant 0 : i32
      %dma_wait3A_121 = arith.constant 0 : i32
      %dma_wait3A_122 = tpu.memref_slice %arg2[%dma_wait3A_120, %dma_wait3A_121] : memref<10000x128xf32, #tpu.memory_space<hbm>> -> memref<128x128xf32, #tpu.memory_space<hbm>>
      %dma_wait3A_123 = arith.constant 0 : i32
      %dma_wait3A_124 = arith.constant 0 : i32
      %dma_wait3A_125 = tpu.memref_slice %arg2[%dma_wait3A_123, %dma_wait3A_124] : memref<10000x128xf32, #tpu.memory_space<hbm>> -> memref<128x128xf32, #tpu.memory_space<hbm>>
      tpu.wait_dma2 semaphore(%arg12 : memref<!tpu.dma_semaphore, #tpu.memory_space<semaphore_mem>>) src(%dma_wait3A_125 : memref<128x128xf32, #tpu.memory_space<hbm>>) dst(%arg8 : memref<128x128xf32, #tpu.memory_space<vmem>>)
      "tpu.region"() ({
        %run_scoped3A_150 = tpu.sem_alloc : memref<!tpu.dma_semaphore, #tpu.memory_space<semaphore_mem>>
        %dma_start3A_151 = arith.constant 0 : i32
        %dma_start3A_152 = tpu.memref_slice %arg11[%mul3A_119, %dma_start3A_151] : memref<40x128xi32, #tpu.memory_space<vmem>> -> memref<1x128xi32, #tpu.memory_space<vmem>>
        %dma_start3A_153 = tpu.memref_squeeze %dma_start3A_152 : memref<1x128xi32, #tpu.memory_space<vmem>> -> memref<128xi32, #tpu.memory_space<vmem>>
        %dma_start3A_154 = arith.constant 0 : i32
        %dma_start3A_155 = arith.constant 0 : i32
        %dma_start3A_156 = tpu.memref_slice %arg7[%dma_start3A_154, %dma_start3A_155] : memref<10016x128xf32, #tpu.memory_space<vmem_shared>> -> memref<10016x128xf32, #tpu.memory_space<vmem_shared>>
        tpu.enqueue_indirect_dma source(%arg8 : memref<128x128xf32, #tpu.memory_space<vmem>>) target(%dma_start3A_156 : memref<10016x128xf32, #tpu.memory_space<vmem_shared>>) offsets(%dma_start3A_153 : memref<128xi32, #tpu.memory_space<vmem>>) semaphore(%run_scoped3A_150 : memref<!tpu.dma_semaphore, #tpu.memory_space<semaphore_mem>>) {add = true}
        %dma_wait3A_157 = arith.constant 0 : i32
        %dma_wait3A_158 = tpu.memref_slice %arg11[%mul3A_119, %dma_wait3A_157] : memref<40x128xi32, #tpu.memory_space<vmem>> -> memref<1x128xi32, #tpu.memory_space<vmem>>
        %dma_wait3A_159 = tpu.memref_squeeze %dma_wait3A_158 : memref<1x128xi32, #tpu.memory_space<vmem>> -> memref<128xi32, #tpu.memory_space<vmem>>
        %dma_wait3A_160 = arith.constant 0 : i32
        %dma_wait3A_161 = arith.constant 0 : i32
        %dma_wait3A_162 = tpu.memref_slice %arg7[%dma_wait3A_160, %dma_wait3A_161] : memref<10016x128xf32, #tpu.memory_space<vmem_shared>> -> memref<10016x128xf32, #tpu.memory_space<vmem_shared>>
        tpu.wait_indirect_dma semaphore(%run_scoped3A_150 : memref<!tpu.dma_semaphore, #tpu.memory_space<semaphore_mem>>) src(%arg8 : memref<128x128xf32, #tpu.memory_space<vmem>>) dst(%dma_wait3A_162 : memref<10016x128xf32, #tpu.memory_space<vmem_shared>>)
        tpu.yield
      }) : () -> ()
      %add3A_126 = arith.constant 2 : i32
      %add3A_127 = arith.addi %mul3A_119, %add3A_126 : i32
      %dma_start3A_128 = arith.constant 0 : i32
      %dma_start3A_129 = tpu.memref_slice %arg10[%add3A_127, %dma_start3A_128] : memref<40x128xi32, #tpu.memory_space<vmem>> -> memref<1x128xi32, #tpu.memory_space<vmem>>
      %dma_start3A_130 = tpu.memref_squeeze %dma_start3A_129 : memref<1x128xi32, #tpu.memory_space<vmem>> -> memref<128xi32, #tpu.memory_space<vmem>>
      %dma_start3A_131 = arith.constant 0 : i32
      %dma_start3A_132 = arith.constant 0 : i32
      %dma_start3A_133 = tpu.memref_slice %arg2[%dma_start3A_131, %dma_start3A_132] : memref<10000x128xf32, #tpu.memory_space<hbm>> -> memref<10000x128xf32, #tpu.memory_space<hbm>>
      tpu.enqueue_indirect_dma source(%dma_start3A_133 : memref<10000x128xf32, #tpu.memory_space<hbm>>) target(%arg8 : memref<128x128xf32, #tpu.memory_space<vmem>>) offsets(%dma_start3A_130 : memref<128xi32, #tpu.memory_space<vmem>>) semaphore(%arg12 : memref<!tpu.dma_semaphore, #tpu.memory_space<semaphore_mem>>)
      %dma_wait3A_134 = arith.constant 0 : i32
      %dma_wait3A_135 = arith.constant 0 : i32
      %dma_wait3A_136 = tpu.memref_slice %arg2[%dma_wait3A_134, %dma_wait3A_135] : memref<10000x128xf32, #tpu.memory_space<hbm>> -> memref<128x128xf32, #tpu.memory_space<hbm>>
      %dma_wait3A_137 = arith.constant 0 : i32
      %dma_wait3A_138 = arith.constant 0 : i32
      %dma_wait3A_139 = tpu.memref_slice %arg2[%dma_wait3A_137, %dma_wait3A_138] : memref<10000x128xf32, #tpu.memory_space<hbm>> -> memref<128x128xf32, #tpu.memory_space<hbm>>
      tpu.wait_dma2 semaphore(%arg13 : memref<!tpu.dma_semaphore, #tpu.memory_space<semaphore_mem>>) src(%dma_wait3A_139 : memref<128x128xf32, #tpu.memory_space<hbm>>) dst(%arg9 : memref<128x128xf32, #tpu.memory_space<vmem>>)
      %add3A_140 = arith.constant 1 : i32
      %add3A_141 = arith.addi %mul3A_119, %add3A_140 : i32
      "tpu.region"() ({
        %run_scoped3A_150 = tpu.sem_alloc : memref<!tpu.dma_semaphore, #tpu.memory_space<semaphore_mem>>
        %dma_start3A_151 = arith.constant 0 : i32
        %dma_start3A_152 = tpu.memref_slice %arg11[%add3A_141, %dma_start3A_151] : memref<40x128xi32, #tpu.memory_space<vmem>> -> memref<1x128xi32, #tpu.memory_space<vmem>>
        %dma_start3A_153 = tpu.memref_squeeze %dma_start3A_152 : memref<1x128xi32, #tpu.memory_space<vmem>> -> memref<128xi32, #tpu.memory_space<vmem>>
        %dma_start3A_154 = arith.constant 0 : i32
        %dma_start3A_155 = arith.constant 0 : i32
        %dma_start3A_156 = tpu.memref_slice %arg7[%dma_start3A_154, %dma_start3A_155] : memref<10016x128xf32, #tpu.memory_space<vmem_shared>> -> memref<10016x128xf32, #tpu.memory_space<vmem_shared>>
        tpu.enqueue_indirect_dma source(%arg9 : memref<128x128xf32, #tpu.memory_space<vmem>>) target(%dma_start3A_156 : memref<10016x128xf32, #tpu.memory_space<vmem_shared>>) offsets(%dma_start3A_153 : memref<128xi32, #tpu.memory_space<vmem>>) semaphore(%run_scoped3A_150 : memref<!tpu.dma_semaphore, #tpu.memory_space<semaphore_mem>>) {add = true}
        %dma_wait3A_157 = arith.constant 0 : i32
        %dma_wait3A_158 = tpu.memref_slice %arg11[%add3A_141, %dma_wait3A_157] : memref<40x128xi32, #tpu.memory_space<vmem>> -> memref<1x128xi32, #tpu.memory_space<vmem>>
        %dma_wait3A_159 = tpu.memref_squeeze %dma_wait3A_158 : memref<1x128xi32, #tpu.memory_space<vmem>> -> memref<128xi32, #tpu.memory_space<vmem>>
        %dma_wait3A_160 = arith.constant 0 : i32
        %dma_wait3A_161 = arith.constant 0 : i32
        %dma_wait3A_162 = tpu.memref_slice %arg7[%dma_wait3A_160, %dma_wait3A_161] : memref<10016x128xf32, #tpu.memory_space<vmem_shared>> -> memref<10016x128xf32, #tpu.memory_space<vmem_shared>>
        tpu.wait_indirect_dma semaphore(%run_scoped3A_150 : memref<!tpu.dma_semaphore, #tpu.memory_space<semaphore_mem>>) src(%arg9 : memref<128x128xf32, #tpu.memory_space<vmem>>) dst(%dma_wait3A_162 : memref<10016x128xf32, #tpu.memory_space<vmem_shared>>)
        tpu.yield
      }) : () -> ()
      %add3A_142 = arith.constant 3 : i32
      %add3A_143 = arith.addi %mul3A_119, %add3A_142 : i32
      %dma_start3A_144 = arith.constant 0 : i32
      %dma_start3A_145 = tpu.memref_slice %arg10[%add3A_143, %dma_start3A_144] : memref<40x128xi32, #tpu.memory_space<vmem>> -> memref<1x128xi32, #tpu.memory_space<vmem>>
      %dma_start3A_146 = tpu.memref_squeeze %dma_start3A_145 : memref<1x128xi32, #tpu.memory_space<vmem>> -> memref<128xi32, #tpu.memory_space<vmem>>
      %dma_start3A_147 = arith.constant 0 : i32
      %dma_start3A_148 = arith.constant 0 : i32
      %dma_start3A_149 = tpu.memref_slice %arg2[%dma_start3A_147, %dma_start3A_148] : memref<10000x128xf32, #tpu.memory_space<hbm>> -> memref<10000x128xf32, #tpu.memory_space<hbm>>
      tpu.enqueue_indirect_dma source(%dma_start3A_149 : memref<10000x128xf32, #tpu.memory_space<hbm>>) target(%arg9 : memref<128x128xf32, #tpu.memory_space<vmem>>) offsets(%dma_start3A_146 : memref<128xi32, #tpu.memory_space<vmem>>) semaphore(%arg13 : memref<!tpu.dma_semaphore, #tpu.memory_space<semaphore_mem>>)
    }
    %scan3A_36 = arith.constant 19 : i32
    %dma_wait3A = arith.constant 0 : i32
    %dma_wait3A_37 = arith.constant 0 : i32
    %dma_wait3A_38 = tpu.memref_slice %arg2[%dma_wait3A, %dma_wait3A_37] : memref<10000x128xf32, #tpu.memory_space<hbm>> -> memref<128x128xf32, #tpu.memory_space<hbm>>
    %dma_wait3A_39 = arith.constant 0 : i32
    %dma_wait3A_40 = arith.constant 0 : i32
    %dma_wait3A_41 = tpu.memref_slice %arg2[%dma_wait3A_39, %dma_wait3A_40] : memref<10000x128xf32, #tpu.memory_space<hbm>> -> memref<128x128xf32, #tpu.memory_space<hbm>>
    tpu.wait_dma2 semaphore(%arg12 : memref<!tpu.dma_semaphore, #tpu.memory_space<semaphore_mem>>) src(%dma_wait3A_41 : memref<128x128xf32, #tpu.memory_space<hbm>>) dst(%arg8 : memref<128x128xf32, #tpu.memory_space<vmem>>)
    %run_scoped3A = arith.constant 38 : i32
    "tpu.region"() ({
      %run_scoped3A_117 = tpu.sem_alloc : memref<!tpu.dma_semaphore, #tpu.memory_space<semaphore_mem>>
      %dma_start3A_118 = arith.constant 0 : i32
      %dma_start3A_119 = tpu.memref_slice %arg11[%run_scoped3A, %dma_start3A_118] : memref<40x128xi32, #tpu.memory_space<vmem>> -> memref<1x128xi32, #tpu.memory_space<vmem>>
      %dma_start3A_120 = tpu.memref_squeeze %dma_start3A_119 : memref<1x128xi32, #tpu.memory_space<vmem>> -> memref<128xi32, #tpu.memory_space<vmem>>
      %dma_start3A_121 = arith.constant 0 : i32
      %dma_start3A_122 = arith.constant 0 : i32
      %dma_start3A_123 = tpu.memref_slice %arg7[%dma_start3A_121, %dma_start3A_122] : memref<10016x128xf32, #tpu.memory_space<vmem_shared>> -> memref<10016x128xf32, #tpu.memory_space<vmem_shared>>
      tpu.enqueue_indirect_dma source(%arg8 : memref<128x128xf32, #tpu.memory_space<vmem>>) target(%dma_start3A_123 : memref<10016x128xf32, #tpu.memory_space<vmem_shared>>) offsets(%dma_start3A_120 : memref<128xi32, #tpu.memory_space<vmem>>) semaphore(%run_scoped3A_117 : memref<!tpu.dma_semaphore, #tpu.memory_space<semaphore_mem>>) {add = true}
      %dma_wait3A_124 = arith.constant 0 : i32
      %dma_wait3A_125 = tpu.memref_slice %arg11[%run_scoped3A, %dma_wait3A_124] : memref<40x128xi32, #tpu.memory_space<vmem>> -> memref<1x128xi32, #tpu.memory_space<vmem>>
      %dma_wait3A_126 = tpu.memref_squeeze %dma_wait3A_125 : memref<1x128xi32, #tpu.memory_space<vmem>> -> memref<128xi32, #tpu.memory_space<vmem>>
      %dma_wait3A_127 = arith.constant 0 : i32
      %dma_wait3A_128 = arith.constant 0 : i32
      %dma_wait3A_129 = tpu.memref_slice %arg7[%dma_wait3A_127, %dma_wait3A_128] : memref<10016x128xf32, #tpu.memory_space<vmem_shared>> -> memref<10016x128xf32, #tpu.memory_space<vmem_shared>>
      tpu.wait_indirect_dma semaphore(%run_scoped3A_117 : memref<!tpu.dma_semaphore, #tpu.memory_space<semaphore_mem>>) src(%arg8 : memref<128x128xf32, #tpu.memory_space<vmem>>) dst(%dma_wait3A_129 : memref<10016x128xf32, #tpu.memory_space<vmem_shared>>)
      tpu.yield
    }) : () -> ()
    %dma_wait3A_42 = arith.constant 0 : i32
    %dma_wait3A_43 = arith.constant 0 : i32
    %dma_wait3A_44 = tpu.memref_slice %arg2[%dma_wait3A_42, %dma_wait3A_43] : memref<10000x128xf32, #tpu.memory_space<hbm>> -> memref<128x128xf32, #tpu.memory_space<hbm>>
    %dma_wait3A_45 = arith.constant 0 : i32
    %dma_wait3A_46 = arith.constant 0 : i32
    %dma_wait3A_47 = tpu.memref_slice %arg2[%dma_wait3A_45, %dma_wait3A_46] : memref<10000x128xf32, #tpu.memory_space<hbm>> -> memref<128x128xf32, #tpu.memory_space<hbm>>
    tpu.wait_dma2 semaphore(%arg13 : memref<!tpu.dma_semaphore, #tpu.memory_space<semaphore_mem>>) src(%dma_wait3A_47 : memref<128x128xf32, #tpu.memory_space<hbm>>) dst(%arg9 : memref<128x128xf32, #tpu.memory_space<vmem>>)
    %run_scoped3A_48 = arith.constant 39 : i32
    "tpu.region"() ({
      %run_scoped3A_117 = tpu.sem_alloc : memref<!tpu.dma_semaphore, #tpu.memory_space<semaphore_mem>>
      %dma_start3A_118 = arith.constant 0 : i32
      %dma_start3A_119 = tpu.memref_slice %arg11[%run_scoped3A_48, %dma_start3A_118] : memref<40x128xi32, #tpu.memory_space<vmem>> -> memref<1x128xi32, #tpu.memory_space<vmem>>
      %dma_start3A_120 = tpu.memref_squeeze %dma_start3A_119 : memref<1x128xi32, #tpu.memory_space<vmem>> -> memref<128xi32, #tpu.memory_space<vmem>>
      %dma_start3A_121 = arith.constant 0 : i32
      %dma_start3A_122 = arith.constant 0 : i32
      %dma_start3A_123 = tpu.memref_slice %arg7[%dma_start3A_121, %dma_start3A_122] : memref<10016x128xf32, #tpu.memory_space<vmem_shared>> -> memref<10016x128xf32, #tpu.memory_space<vmem_shared>>
      tpu.enqueue_indirect_dma source(%arg9 : memref<128x128xf32, #tpu.memory_space<vmem>>) target(%dma_start3A_123 : memref<10016x128xf32, #tpu.memory_space<vmem_shared>>) offsets(%dma_start3A_120 : memref<128xi32, #tpu.memory_space<vmem>>) semaphore(%run_scoped3A_117 : memref<!tpu.dma_semaphore, #tpu.memory_space<semaphore_mem>>) {add = true}
      %dma_wait3A_124 = arith.constant 0 : i32
      %dma_wait3A_125 = tpu.memref_slice %arg11[%run_scoped3A_48, %dma_wait3A_124] : memref<40x128xi32, #tpu.memory_space<vmem>> -> memref<1x128xi32, #tpu.memory_space<vmem>>
      %dma_wait3A_126 = tpu.memref_squeeze %dma_wait3A_125 : memref<1x128xi32, #tpu.memory_space<vmem>> -> memref<128xi32, #tpu.memory_space<vmem>>
      %dma_wait3A_127 = arith.constant 0 : i32
      %dma_wait3A_128 = arith.constant 0 : i32
      %dma_wait3A_129 = tpu.memref_slice %arg7[%dma_wait3A_127, %dma_wait3A_128] : memref<10016x128xf32, #tpu.memory_space<vmem_shared>> -> memref<10016x128xf32, #tpu.memory_space<vmem_shared>>
      tpu.wait_indirect_dma semaphore(%run_scoped3A_117 : memref<!tpu.dma_semaphore, #tpu.memory_space<semaphore_mem>>) src(%arg9 : memref<128x128xf32, #tpu.memory_space<vmem>>) dst(%dma_wait3A_129 : memref<10016x128xf32, #tpu.memory_space<vmem_shared>>)
      tpu.yield
    }) : () -> ()
    %add3A_49 = arith.constant 40 : i32
    %add3A_50 = arith.addi %mul3A_15, %add3A_49 : i32
    "tpu.region"() ({
      %run_scoped3A_117 = tpu.sem_alloc : memref<!tpu.dma_semaphore, #tpu.memory_space<semaphore_mem>>
      %dma_start3A_118 = arith.constant 0 : i32
      %dma_start3A_119 = tpu.memref_slice %arg3[%add3A_50, %dma_start3A_118] : memref<2560x128xi32, #tpu.memory_space<hbm>> -> memref<40x128xi32, #tpu.memory_space<hbm>>
      %dma_start3A_120 = arith.constant 0 : i32
      %dma_start3A_121 = tpu.memref_slice %arg3[%add3A_50, %dma_start3A_120] : memref<2560x128xi32, #tpu.memory_space<hbm>> -> memref<40x128xi32, #tpu.memory_space<hbm>>
      tpu.enqueue_dma source(%dma_start3A_121 : memref<40x128xi32, #tpu.memory_space<hbm>>) target(%arg10 : memref<40x128xi32, #tpu.memory_space<vmem>>) target_semaphore(%run_scoped3A_117 : memref<!tpu.dma_semaphore, #tpu.memory_space<semaphore_mem>>)
      %dma_wait3A_122 = arith.constant 0 : i32
      %dma_wait3A_123 = tpu.memref_slice %arg3[%add3A_50, %dma_wait3A_122] : memref<2560x128xi32, #tpu.memory_space<hbm>> -> memref<40x128xi32, #tpu.memory_space<hbm>>
      %dma_wait3A_124 = arith.constant 0 : i32
      %dma_wait3A_125 = tpu.memref_slice %arg3[%add3A_50, %dma_wait3A_124] : memref<2560x128xi32, #tpu.memory_space<hbm>> -> memref<40x128xi32, #tpu.memory_space<hbm>>
      tpu.wait_dma2 semaphore(%run_scoped3A_117 : memref<!tpu.dma_semaphore, #tpu.memory_space<semaphore_mem>>) src(%dma_wait3A_125 : memref<40x128xi32, #tpu.memory_space<hbm>>) dst(%arg10 : memref<40x128xi32, #tpu.memory_space<vmem>>)
      tpu.yield
    }) : () -> ()
    "tpu.region"() ({
      %run_scoped3A_117 = tpu.sem_alloc : memref<!tpu.dma_semaphore, #tpu.memory_space<semaphore_mem>>
      %dma_start3A_118 = arith.constant 0 : i32
      %dma_start3A_119 = tpu.memref_slice %arg4[%add3A_50, %dma_start3A_118] : memref<2560x128xi32, #tpu.memory_space<hbm>> -> memref<40x128xi32, #tpu.memory_space<hbm>>
      %dma_start3A_120 = arith.constant 0 : i32
      %dma_start3A_121 = tpu.memref_slice %arg4[%add3A_50, %dma_start3A_120] : memref<2560x128xi32, #tpu.memory_space<hbm>> -> memref<40x128xi32, #tpu.memory_space<hbm>>
      tpu.enqueue_dma source(%dma_start3A_121 : memref<40x128xi32, #tpu.memory_space<hbm>>) target(%arg11 : memref<40x128xi32, #tpu.memory_space<vmem>>) target_semaphore(%run_scoped3A_117 : memref<!tpu.dma_semaphore, #tpu.memory_space<semaphore_mem>>)
      %dma_wait3A_122 = arith.constant 0 : i32
      %dma_wait3A_123 = tpu.memref_slice %arg4[%add3A_50, %dma_wait3A_122] : memref<2560x128xi32, #tpu.memory_space<hbm>> -> memref<40x128xi32, #tpu.memory_space<hbm>>
      %dma_wait3A_124 = arith.constant 0 : i32
      %dma_wait3A_125 = tpu.memref_slice %arg4[%add3A_50, %dma_wait3A_124] : memref<2560x128xi32, #tpu.memory_space<hbm>> -> memref<40x128xi32, #tpu.memory_space<hbm>>
      tpu.wait_dma2 semaphore(%run_scoped3A_117 : memref<!tpu.dma_semaphore, #tpu.memory_space<semaphore_mem>>) src(%dma_wait3A_125 : memref<40x128xi32, #tpu.memory_space<hbm>>) dst(%arg11 : memref<40x128xi32, #tpu.memory_space<vmem>>)
      tpu.yield
    }) : () -> ()
    %dma_start3A_51 = arith.constant 0 : i32
    %dma_start3A_52 = arith.constant 0 : i32
    %dma_start3A_53 = tpu.memref_slice %arg10[%dma_start3A_51, %dma_start3A_52] : memref<40x128xi32, #tpu.memory_space<vmem>> -> memref<1x128xi32, #tpu.memory_space<vmem>>
    %dma_start3A_54 = tpu.memref_squeeze %dma_start3A_53 : memref<1x128xi32, #tpu.memory_space<vmem>> -> memref<128xi32, #tpu.memory_space<vmem>>
    %dma_start3A_55 = arith.constant 0 : i32
    %dma_start3A_56 = arith.constant 0 : i32
    %dma_start3A_57 = tpu.memref_slice %arg2[%dma_start3A_55, %dma_start3A_56] : memref<10000x128xf32, #tpu.memory_space<hbm>> -> memref<10000x128xf32, #tpu.memory_space<hbm>>
    tpu.enqueue_indirect_dma source(%dma_start3A_57 : memref<10000x128xf32, #tpu.memory_space<hbm>>) target(%arg8 : memref<128x128xf32, #tpu.memory_space<vmem>>) offsets(%dma_start3A_54 : memref<128xi32, #tpu.memory_space<vmem>>) semaphore(%arg12 : memref<!tpu.dma_semaphore, #tpu.memory_space<semaphore_mem>>)
    %dma_start3A_58 = arith.constant 1 : i32
    %dma_start3A_59 = arith.constant 0 : i32
    %dma_start3A_60 = tpu.memref_slice %arg10[%dma_start3A_58, %dma_start3A_59] : memref<40x128xi32, #tpu.memory_space<vmem>> -> memref<1x128xi32, #tpu.memory_space<vmem>>
    %dma_start3A_61 = tpu.memref_squeeze %dma_start3A_60 : memref<1x128xi32, #tpu.memory_space<vmem>> -> memref<128xi32, #tpu.memory_space<vmem>>
    %dma_start3A_62 = arith.constant 0 : i32
    %dma_start3A_63 = arith.constant 0 : i32
    %dma_start3A_64 = tpu.memref_slice %arg2[%dma_start3A_62, %dma_start3A_63] : memref<10000x128xf32, #tpu.memory_space<hbm>> -> memref<10000x128xf32, #tpu.memory_space<hbm>>
    tpu.enqueue_indirect_dma source(%dma_start3A_64 : memref<10000x128xf32, #tpu.memory_space<hbm>>) target(%arg9 : memref<128x128xf32, #tpu.memory_space<vmem>>) offsets(%dma_start3A_61 : memref<128xi32, #tpu.memory_space<vmem>>) semaphore(%arg13 : memref<!tpu.dma_semaphore, #tpu.memory_space<semaphore_mem>>)
    %scan3A_65 = arith.constant 0 : i32
    %scan3A_66 = arith.constant 0 : i32
    %scan3A_67 = arith.constant 19 : i32
    %scan3A_68 = arith.addi %scan3A_66, %scan3A_67 : i32
    %scan3A_69 = arith.constant 1 : i32
    scf.for %scan3A_117 = %scan3A_66 to %scan3A_68 step %scan3A_69  : i32 {
      %mul3A_118 = arith.constant 2 : i32
      %mul3A_119 = arith.muli %mul3A_118, %scan3A_117 : i32
      %dma_wait3A_120 = arith.constant 0 : i32
      %dma_wait3A_121 = arith.constant 0 : i32
      %dma_wait3A_122 = tpu.memref_slice %arg2[%dma_wait3A_120, %dma_wait3A_121] : memref<10000x128xf32, #tpu.memory_space<hbm>> -> memref<128x128xf32, #tpu.memory_space<hbm>>
      %dma_wait3A_123 = arith.constant 0 : i32
      %dma_wait3A_124 = arith.constant 0 : i32
      %dma_wait3A_125 = tpu.memref_slice %arg2[%dma_wait3A_123, %dma_wait3A_124] : memref<10000x128xf32, #tpu.memory_space<hbm>> -> memref<128x128xf32, #tpu.memory_space<hbm>>
      tpu.wait_dma2 semaphore(%arg12 : memref<!tpu.dma_semaphore, #tpu.memory_space<semaphore_mem>>) src(%dma_wait3A_125 : memref<128x128xf32, #tpu.memory_space<hbm>>) dst(%arg8 : memref<128x128xf32, #tpu.memory_space<vmem>>)
      "tpu.region"() ({
        %run_scoped3A_150 = tpu.sem_alloc : memref<!tpu.dma_semaphore, #tpu.memory_space<semaphore_mem>>
        %dma_start3A_151 = arith.constant 0 : i32
        %dma_start3A_152 = tpu.memref_slice %arg11[%mul3A_119, %dma_start3A_151] : memref<40x128xi32, #tpu.memory_space<vmem>> -> memref<1x128xi32, #tpu.memory_space<vmem>>
        %dma_start3A_153 = tpu.memref_squeeze %dma_start3A_152 : memref<1x128xi32, #tpu.memory_space<vmem>> -> memref<128xi32, #tpu.memory_space<vmem>>
        %dma_start3A_154 = arith.constant 0 : i32
        %dma_start3A_155 = arith.constant 0 : i32
        %dma_start3A_156 = tpu.memref_slice %arg7[%dma_start3A_154, %dma_start3A_155] : memref<10016x128xf32, #tpu.memory_space<vmem_shared>> -> memref<10016x128xf32, #tpu.memory_space<vmem_shared>>
        tpu.enqueue_indirect_dma source(%arg8 : memref<128x128xf32, #tpu.memory_space<vmem>>) target(%dma_start3A_156 : memref<10016x128xf32, #tpu.memory_space<vmem_shared>>) offsets(%dma_start3A_153 : memref<128xi32, #tpu.memory_space<vmem>>) semaphore(%run_scoped3A_150 : memref<!tpu.dma_semaphore, #tpu.memory_space<semaphore_mem>>) {add = true}
        %dma_wait3A_157 = arith.constant 0 : i32
        %dma_wait3A_158 = tpu.memref_slice %arg11[%mul3A_119, %dma_wait3A_157] : memref<40x128xi32, #tpu.memory_space<vmem>> -> memref<1x128xi32, #tpu.memory_space<vmem>>
        %dma_wait3A_159 = tpu.memref_squeeze %dma_wait3A_158 : memref<1x128xi32, #tpu.memory_space<vmem>> -> memref<128xi32, #tpu.memory_space<vmem>>
        %dma_wait3A_160 = arith.constant 0 : i32
        %dma_wait3A_161 = arith.constant 0 : i32
        %dma_wait3A_162 = tpu.memref_slice %arg7[%dma_wait3A_160, %dma_wait3A_161] : memref<10016x128xf32, #tpu.memory_space<vmem_shared>> -> memref<10016x128xf32, #tpu.memory_space<vmem_shared>>
        tpu.wait_indirect_dma semaphore(%run_scoped3A_150 : memref<!tpu.dma_semaphore, #tpu.memory_space<semaphore_mem>>) src(%arg8 : memref<128x128xf32, #tpu.memory_space<vmem>>) dst(%dma_wait3A_162 : memref<10016x128xf32, #tpu.memory_space<vmem_shared>>)
        tpu.yield
      }) : () -> ()
      %add3A_126 = arith.constant 2 : i32
      %add3A_127 = arith.addi %mul3A_119, %add3A_126 : i32
      %dma_start3A_128 = arith.constant 0 : i32
      %dma_start3A_129 = tpu.memref_slice %arg10[%add3A_127, %dma_start3A_128] : memref<40x128xi32, #tpu.memory_space<vmem>> -> memref<1x128xi32, #tpu.memory_space<vmem>>
      %dma_start3A_130 = tpu.memref_squeeze %dma_start3A_129 : memref<1x128xi32, #tpu.memory_space<vmem>> -> memref<128xi32, #tpu.memory_space<vmem>>
      %dma_start3A_131 = arith.constant 0 : i32
      %dma_start3A_132 = arith.constant 0 : i32
      %dma_start3A_133 = tpu.memref_slice %arg2[%dma_start3A_131, %dma_start3A_132] : memref<10000x128xf32, #tpu.memory_space<hbm>> -> memref<10000x128xf32, #tpu.memory_space<hbm>>
      tpu.enqueue_indirect_dma source(%dma_start3A_133 : memref<10000x128xf32, #tpu.memory_space<hbm>>) target(%arg8 : memref<128x128xf32, #tpu.memory_space<vmem>>) offsets(%dma_start3A_130 : memref<128xi32, #tpu.memory_space<vmem>>) semaphore(%arg12 : memref<!tpu.dma_semaphore, #tpu.memory_space<semaphore_mem>>)
      %dma_wait3A_134 = arith.constant 0 : i32
      %dma_wait3A_135 = arith.constant 0 : i32
      %dma_wait3A_136 = tpu.memref_slice %arg2[%dma_wait3A_134, %dma_wait3A_135] : memref<10000x128xf32, #tpu.memory_space<hbm>> -> memref<128x128xf32, #tpu.memory_space<hbm>>
      %dma_wait3A_137 = arith.constant 0 : i32
      %dma_wait3A_138 = arith.constant 0 : i32
      %dma_wait3A_139 = tpu.memref_slice %arg2[%dma_wait3A_137, %dma_wait3A_138] : memref<10000x128xf32, #tpu.memory_space<hbm>> -> memref<128x128xf32, #tpu.memory_space<hbm>>
      tpu.wait_dma2 semaphore(%arg13 : memref<!tpu.dma_semaphore, #tpu.memory_space<semaphore_mem>>) src(%dma_wait3A_139 : memref<128x128xf32, #tpu.memory_space<hbm>>) dst(%arg9 : memref<128x128xf32, #tpu.memory_space<vmem>>)
      %add3A_140 = arith.constant 1 : i32
      %add3A_141 = arith.addi %mul3A_119, %add3A_140 : i32
      "tpu.region"() ({
        %run_scoped3A_150 = tpu.sem_alloc : memref<!tpu.dma_semaphore, #tpu.memory_space<semaphore_mem>>
        %dma_start3A_151 = arith.constant 0 : i32
        %dma_start3A_152 = tpu.memref_slice %arg11[%add3A_141, %dma_start3A_151] : memref<40x128xi32, #tpu.memory_space<vmem>> -> memref<1x128xi32, #tpu.memory_space<vmem>>
        %dma_start3A_153 = tpu.memref_squeeze %dma_start3A_152 : memref<1x128xi32, #tpu.memory_space<vmem>> -> memref<128xi32, #tpu.memory_space<vmem>>
        %dma_start3A_154 = arith.constant 0 : i32
        %dma_start3A_155 = arith.constant 0 : i32
        %dma_start3A_156 = tpu.memref_slice %arg7[%dma_start3A_154, %dma_start3A_155] : memref<10016x128xf32, #tpu.memory_space<vmem_shared>> -> memref<10016x128xf32, #tpu.memory_space<vmem_shared>>
        tpu.enqueue_indirect_dma source(%arg9 : memref<128x128xf32, #tpu.memory_space<vmem>>) target(%dma_start3A_156 : memref<10016x128xf32, #tpu.memory_space<vmem_shared>>) offsets(%dma_start3A_153 : memref<128xi32, #tpu.memory_space<vmem>>) semaphore(%run_scoped3A_150 : memref<!tpu.dma_semaphore, #tpu.memory_space<semaphore_mem>>) {add = true}
        %dma_wait3A_157 = arith.constant 0 : i32
        %dma_wait3A_158 = tpu.memref_slice %arg11[%add3A_141, %dma_wait3A_157] : memref<40x128xi32, #tpu.memory_space<vmem>> -> memref<1x128xi32, #tpu.memory_space<vmem>>
        %dma_wait3A_159 = tpu.memref_squeeze %dma_wait3A_158 : memref<1x128xi32, #tpu.memory_space<vmem>> -> memref<128xi32, #tpu.memory_space<vmem>>
        %dma_wait3A_160 = arith.constant 0 : i32
        %dma_wait3A_161 = arith.constant 0 : i32
        %dma_wait3A_162 = tpu.memref_slice %arg7[%dma_wait3A_160, %dma_wait3A_161] : memref<10016x128xf32, #tpu.memory_space<vmem_shared>> -> memref<10016x128xf32, #tpu.memory_space<vmem_shared>>
        tpu.wait_indirect_dma semaphore(%run_scoped3A_150 : memref<!tpu.dma_semaphore, #tpu.memory_space<semaphore_mem>>) src(%arg9 : memref<128x128xf32, #tpu.memory_space<vmem>>) dst(%dma_wait3A_162 : memref<10016x128xf32, #tpu.memory_space<vmem_shared>>)
        tpu.yield
      }) : () -> ()
      %add3A_142 = arith.constant 3 : i32
      %add3A_143 = arith.addi %mul3A_119, %add3A_142 : i32
      %dma_start3A_144 = arith.constant 0 : i32
      %dma_start3A_145 = tpu.memref_slice %arg10[%add3A_143, %dma_start3A_144] : memref<40x128xi32, #tpu.memory_space<vmem>> -> memref<1x128xi32, #tpu.memory_space<vmem>>
      %dma_start3A_146 = tpu.memref_squeeze %dma_start3A_145 : memref<1x128xi32, #tpu.memory_space<vmem>> -> memref<128xi32, #tpu.memory_space<vmem>>
      %dma_start3A_147 = arith.constant 0 : i32
      %dma_start3A_148 = arith.constant 0 : i32
      %dma_start3A_149 = tpu.memref_slice %arg2[%dma_start3A_147, %dma_start3A_148] : memref<10000x128xf32, #tpu.memory_space<hbm>> -> memref<10000x128xf32, #tpu.memory_space<hbm>>
      tpu.enqueue_indirect_dma source(%dma_start3A_149 : memref<10000x128xf32, #tpu.memory_space<hbm>>) target(%arg9 : memref<128x128xf32, #tpu.memory_space<vmem>>) offsets(%dma_start3A_146 : memref<128xi32, #tpu.memory_space<vmem>>) semaphore(%arg13 : memref<!tpu.dma_semaphore, #tpu.memory_space<semaphore_mem>>)
    }
    %scan3A_70 = arith.constant 19 : i32
    %dma_wait3A_71 = arith.constant 0 : i32
    %dma_wait3A_72 = arith.constant 0 : i32
    %dma_wait3A_73 = tpu.memref_slice %arg2[%dma_wait3A_71, %dma_wait3A_72] : memref<10000x128xf32, #tpu.memory_space<hbm>> -> memref<128x128xf32, #tpu.memory_space<hbm>>
    %dma_wait3A_74 = arith.constant 0 : i32
    %dma_wait3A_75 = arith.constant 0 : i32
    %dma_wait3A_76 = tpu.memref_slice %arg2[%dma_wait3A_74, %dma_wait3A_75] : memref<10000x128xf32, #tpu.memory_space<hbm>> -> memref<128x128xf32, #tpu.memory_space<hbm>>
    tpu.wait_dma2 semaphore(%arg12 : memref<!tpu.dma_semaphore, #tpu.memory_space<semaphore_mem>>) src(%dma_wait3A_76 : memref<128x128xf32, #tpu.memory_space<hbm>>) dst(%arg8 : memref<128x128xf32, #tpu.memory_space<vmem>>)
    %run_scoped3A_77 = arith.constant 38 : i32
    "tpu.region"() ({
      %run_scoped3A_117 = tpu.sem_alloc : memref<!tpu.dma_semaphore, #tpu.memory_space<semaphore_mem>>
      %dma_start3A_118 = arith.constant 0 : i32
      %dma_start3A_119 = tpu.memref_slice %arg11[%run_scoped3A_77, %dma_start3A_118] : memref<40x128xi32, #tpu.memory_space<vmem>> -> memref<1x128xi32, #tpu.memory_space<vmem>>
      %dma_start3A_120 = tpu.memref_squeeze %dma_start3A_119 : memref<1x128xi32, #tpu.memory_space<vmem>> -> memref<128xi32, #tpu.memory_space<vmem>>
      %dma_start3A_121 = arith.constant 0 : i32
      %dma_start3A_122 = arith.constant 0 : i32
      %dma_start3A_123 = tpu.memref_slice %arg7[%dma_start3A_121, %dma_start3A_122] : memref<10016x128xf32, #tpu.memory_space<vmem_shared>> -> memref<10016x128xf32, #tpu.memory_space<vmem_shared>>
      tpu.enqueue_indirect_dma source(%arg8 : memref<128x128xf32, #tpu.memory_space<vmem>>) target(%dma_start3A_123 : memref<10016x128xf32, #tpu.memory_space<vmem_shared>>) offsets(%dma_start3A_120 : memref<128xi32, #tpu.memory_space<vmem>>) semaphore(%run_scoped3A_117 : memref<!tpu.dma_semaphore, #tpu.memory_space<semaphore_mem>>) {add = true}
      %dma_wait3A_124 = arith.constant 0 : i32
      %dma_wait3A_125 = tpu.memref_slice %arg11[%run_scoped3A_77, %dma_wait3A_124] : memref<40x128xi32, #tpu.memory_space<vmem>> -> memref<1x128xi32, #tpu.memory_space<vmem>>
      %dma_wait3A_126 = tpu.memref_squeeze %dma_wait3A_125 : memref<1x128xi32, #tpu.memory_space<vmem>> -> memref<128xi32, #tpu.memory_space<vmem>>
      %dma_wait3A_127 = arith.constant 0 : i32
      %dma_wait3A_128 = arith.constant 0 : i32
      %dma_wait3A_129 = tpu.memref_slice %arg7[%dma_wait3A_127, %dma_wait3A_128] : memref<10016x128xf32, #tpu.memory_space<vmem_shared>> -> memref<10016x128xf32, #tpu.memory_space<vmem_shared>>
      tpu.wait_indirect_dma semaphore(%run_scoped3A_117 : memref<!tpu.dma_semaphore, #tpu.memory_space<semaphore_mem>>) src(%arg8 : memref<128x128xf32, #tpu.memory_space<vmem>>) dst(%dma_wait3A_129 : memref<10016x128xf32, #tpu.memory_space<vmem_shared>>)
      tpu.yield
    }) : () -> ()
    %dma_wait3A_78 = arith.constant 0 : i32
    %dma_wait3A_79 = arith.constant 0 : i32
    %dma_wait3A_80 = tpu.memref_slice %arg2[%dma_wait3A_78, %dma_wait3A_79] : memref<10000x128xf32, #tpu.memory_space<hbm>> -> memref<128x128xf32, #tpu.memory_space<hbm>>
    %dma_wait3A_81 = arith.constant 0 : i32
    %dma_wait3A_82 = arith.constant 0 : i32
    %dma_wait3A_83 = tpu.memref_slice %arg2[%dma_wait3A_81, %dma_wait3A_82] : memref<10000x128xf32, #tpu.memory_space<hbm>> -> memref<128x128xf32, #tpu.memory_space<hbm>>
    tpu.wait_dma2 semaphore(%arg13 : memref<!tpu.dma_semaphore, #tpu.memory_space<semaphore_mem>>) src(%dma_wait3A_83 : memref<128x128xf32, #tpu.memory_space<hbm>>) dst(%arg9 : memref<128x128xf32, #tpu.memory_space<vmem>>)
    %run_scoped3A_84 = arith.constant 39 : i32
    "tpu.region"() ({
      %run_scoped3A_117 = tpu.sem_alloc : memref<!tpu.dma_semaphore, #tpu.memory_space<semaphore_mem>>
      %dma_start3A_118 = arith.constant 0 : i32
      %dma_start3A_119 = tpu.memref_slice %arg11[%run_scoped3A_84, %dma_start3A_118] : memref<40x128xi32, #tpu.memory_space<vmem>> -> memref<1x128xi32, #tpu.memory_space<vmem>>
      %dma_start3A_120 = tpu.memref_squeeze %dma_start3A_119 : memref<1x128xi32, #tpu.memory_space<vmem>> -> memref<128xi32, #tpu.memory_space<vmem>>
      %dma_start3A_121 = arith.constant 0 : i32
      %dma_start3A_122 = arith.constant 0 : i32
      %dma_start3A_123 = tpu.memref_slice %arg7[%dma_start3A_121, %dma_start3A_122] : memref<10016x128xf32, #tpu.memory_space<vmem_shared>> -> memref<10016x128xf32, #tpu.memory_space<vmem_shared>>
      tpu.enqueue_indirect_dma source(%arg9 : memref<128x128xf32, #tpu.memory_space<vmem>>) target(%dma_start3A_123 : memref<10016x128xf32, #tpu.memory_space<vmem_shared>>) offsets(%dma_start3A_120 : memref<128xi32, #tpu.memory_space<vmem>>) semaphore(%run_scoped3A_117 : memref<!tpu.dma_semaphore, #tpu.memory_space<semaphore_mem>>) {add = true}
      %dma_wait3A_124 = arith.constant 0 : i32
      %dma_wait3A_125 = tpu.memref_slice %arg11[%run_scoped3A_84, %dma_wait3A_124] : memref<40x128xi32, #tpu.memory_space<vmem>> -> memref<1x128xi32, #tpu.memory_space<vmem>>
      %dma_wait3A_126 = tpu.memref_squeeze %dma_wait3A_125 : memref<1x128xi32, #tpu.memory_space<vmem>> -> memref<128xi32, #tpu.memory_space<vmem>>
      %dma_wait3A_127 = arith.constant 0 : i32
      %dma_wait3A_128 = arith.constant 0 : i32
      %dma_wait3A_129 = tpu.memref_slice %arg7[%dma_wait3A_127, %dma_wait3A_128] : memref<10016x128xf32, #tpu.memory_space<vmem_shared>> -> memref<10016x128xf32, #tpu.memory_space<vmem_shared>>
      tpu.wait_indirect_dma semaphore(%run_scoped3A_117 : memref<!tpu.dma_semaphore, #tpu.memory_space<semaphore_mem>>) src(%arg9 : memref<128x128xf32, #tpu.memory_space<vmem>>) dst(%dma_wait3A_129 : memref<10016x128xf32, #tpu.memory_space<vmem_shared>>)
      tpu.yield
    }) : () -> ()
    %barrier3A_85 = arith.constant 0 : index
    tpu.barrier barrier_id(%barrier3A_85)
    %eq3A_86 = arith.constant 0 : i32
    %eq3A_87 = arith.cmpi eq, %arg0, %eq3A_86 : i32
    %lt3A_88 = arith.constant 15 : i32
    %lt3A_89 = arith.cmpi slt, %arg1, %lt3A_88 : i32
    %and3A = arith.andi %eq3A_87, %lt3A_89 : i1
    %convert_element_type3A_90 = arith.extui %and3A : i1 to i32
    %cond3A_91 = arith.constant 0 : i32
    %cond3A_92 = arith.cmpi ne, %convert_element_type3A_90, %cond3A_91 : i32
    scf.if %cond3A_92 {
      "tpu.region"() ({
        %run_scoped3A_117 = tpu.sem_alloc : memref<!tpu.dma_semaphore, #tpu.memory_space<semaphore_mem>>
        %dma_start3A_118 = arith.constant 0 : i32
        %dma_start3A_119 = tpu.memref_slice %arg5[%mul3A_7, %dma_start3A_118] : memref<10000x128xf32, #tpu.memory_space<hbm>> -> memref<632x128xf32, #tpu.memory_space<hbm>>
        %dma_start3A_120 = arith.constant 0 : i32
        %dma_start3A_121 = tpu.memref_slice %arg7[%mul3A_7, %dma_start3A_120] : memref<10016x128xf32, #tpu.memory_space<vmem_shared>> -> memref<632x128xf32, #tpu.memory_space<vmem_shared>>
        tpu.enqueue_dma source(%dma_start3A_121 : memref<632x128xf32, #tpu.memory_space<vmem_shared>>) target(%dma_start3A_119 : memref<632x128xf32, #tpu.memory_space<hbm>>) target_semaphore(%run_scoped3A_117 : memref<!tpu.dma_semaphore, #tpu.memory_space<semaphore_mem>>)
        %dma_wait3A_122 = arith.constant 0 : i32
        %dma_wait3A_123 = tpu.memref_slice %arg5[%mul3A_7, %dma_wait3A_122] : memref<10000x128xf32, #tpu.memory_space<hbm>> -> memref<632x128xf32, #tpu.memory_space<hbm>>
        %dma_wait3A_124 = arith.constant 0 : i32
        %dma_wait3A_125 = tpu.memref_slice %arg7[%mul3A_7, %dma_wait3A_124] : memref<10016x128xf32, #tpu.memory_space<vmem_shared>> -> memref<632x128xf32, #tpu.memory_space<vmem_shared>>
        tpu.wait_dma2 semaphore(%run_scoped3A_117 : memref<!tpu.dma_semaphore, #tpu.memory_space<semaphore_mem>>) src(%dma_wait3A_125 : memref<632x128xf32, #tpu.memory_space<vmem_shared>>) dst(%dma_wait3A_123 : memref<632x128xf32, #tpu.memory_space<hbm>>)
        tpu.yield
      }) : () -> ()
    } else {
    }
    %eq3A_93 = arith.constant 0 : i32
    %eq3A_94 = arith.cmpi eq, %arg0, %eq3A_93 : i32
    %eq3A_95 = arith.constant 15 : i32
    %eq3A_96 = arith.cmpi eq, %arg1, %eq3A_95 : i32
    %and3A_97 = arith.andi %eq3A_94, %eq3A_96 : i1
    %convert_element_type3A_98 = arith.extui %and3A_97 : i1 to i32
    %cond3A_99 = arith.constant 0 : i32
    %cond3A_100 = arith.cmpi ne, %convert_element_type3A_98, %cond3A_99 : i32
    scf.if %cond3A_100 {
      "tpu.region"() ({
        %run_scoped3A_117 = tpu.sem_alloc : memref<!tpu.dma_semaphore, #tpu.memory_space<semaphore_mem>>
        %dma_start3A_118 = arith.constant 9480 : i32
        %dma_start3A_119 = arith.constant 0 : i32
        %dma_start3A_120 = tpu.memref_slice %arg5[%dma_start3A_118, %dma_start3A_119] : memref<10000x128xf32, #tpu.memory_space<hbm>> -> memref<520x128xf32, #tpu.memory_space<hbm>>
        %dma_start3A_121 = arith.constant 9480 : i32
        %dma_start3A_122 = arith.constant 0 : i32
        %dma_start3A_123 = tpu.memref_slice %arg7[%dma_start3A_121, %dma_start3A_122] : memref<10016x128xf32, #tpu.memory_space<vmem_shared>> -> memref<520x128xf32, #tpu.memory_space<vmem_shared>>
        tpu.enqueue_dma source(%dma_start3A_123 : memref<520x128xf32, #tpu.memory_space<vmem_shared>>) target(%dma_start3A_120 : memref<520x128xf32, #tpu.memory_space<hbm>>) target_semaphore(%run_scoped3A_117 : memref<!tpu.dma_semaphore, #tpu.memory_space<semaphore_mem>>)
        %dma_wait3A_124 = arith.constant 9480 : i32
        %dma_wait3A_125 = arith.constant 0 : i32
        %dma_wait3A_126 = tpu.memref_slice %arg5[%dma_wait3A_124, %dma_wait3A_125] : memref<10000x128xf32, #tpu.memory_space<hbm>> -> memref<520x128xf32, #tpu.memory_space<hbm>>
        %dma_wait3A_127 = arith.constant 9480 : i32
        %dma_wait3A_128 = arith.constant 0 : i32
        %dma_wait3A_129 = tpu.memref_slice %arg7[%dma_wait3A_127, %dma_wait3A_128] : memref<10016x128xf32, #tpu.memory_space<vmem_shared>> -> memref<520x128xf32, #tpu.memory_space<vmem_shared>>
        tpu.wait_dma2 semaphore(%run_scoped3A_117 : memref<!tpu.dma_semaphore, #tpu.memory_space<semaphore_mem>>) src(%dma_wait3A_129 : memref<520x128xf32, #tpu.memory_space<vmem_shared>>) dst(%dma_wait3A_126 : memref<520x128xf32, #tpu.memory_space<hbm>>)
        tpu.yield
      }) : () -> ()
    } else {
    }
    %eq3A_101 = arith.constant 1 : i32
    %eq3A_102 = arith.cmpi eq, %arg0, %eq3A_101 : i32
    %lt3A_103 = arith.constant 15 : i32
    %lt3A_104 = arith.cmpi slt, %arg1, %lt3A_103 : i32
    %and3A_105 = arith.andi %eq3A_102, %lt3A_104 : i1
    %convert_element_type3A_106 = arith.extui %and3A_105 : i1 to i32
    %cond3A_107 = arith.constant 0 : i32
    %cond3A_108 = arith.cmpi ne, %convert_element_type3A_106, %cond3A_107 : i32
    scf.if %cond3A_108 {
      "tpu.region"() ({
        %run_scoped3A_117 = tpu.sem_alloc : memref<!tpu.dma_semaphore, #tpu.memory_space<semaphore_mem>>
        %dma_start3A_118 = arith.constant 0 : i32
        %dma_start3A_119 = tpu.memref_slice %arg6[%mul3A_7, %dma_start3A_118] : memref<10000x128xf32, #tpu.memory_space<hbm>> -> memref<632x128xf32, #tpu.memory_space<hbm>>
        %dma_start3A_120 = arith.constant 0 : i32
        %dma_start3A_121 = tpu.memref_slice %arg7[%mul3A_7, %dma_start3A_120] : memref<10016x128xf32, #tpu.memory_space<vmem_shared>> -> memref<632x128xf32, #tpu.memory_space<vmem_shared>>
        tpu.enqueue_dma source(%dma_start3A_121 : memref<632x128xf32, #tpu.memory_space<vmem_shared>>) target(%dma_start3A_119 : memref<632x128xf32, #tpu.memory_space<hbm>>) target_semaphore(%run_scoped3A_117 : memref<!tpu.dma_semaphore, #tpu.memory_space<semaphore_mem>>)
        %dma_wait3A_122 = arith.constant 0 : i32
        %dma_wait3A_123 = tpu.memref_slice %arg6[%mul3A_7, %dma_wait3A_122] : memref<10000x128xf32, #tpu.memory_space<hbm>> -> memref<632x128xf32, #tpu.memory_space<hbm>>
        %dma_wait3A_124 = arith.constant 0 : i32
        %dma_wait3A_125 = tpu.memref_slice %arg7[%mul3A_7, %dma_wait3A_124] : memref<10016x128xf32, #tpu.memory_space<vmem_shared>> -> memref<632x128xf32, #tpu.memory_space<vmem_shared>>
        tpu.wait_dma2 semaphore(%run_scoped3A_117 : memref<!tpu.dma_semaphore, #tpu.memory_space<semaphore_mem>>) src(%dma_wait3A_125 : memref<632x128xf32, #tpu.memory_space<vmem_shared>>) dst(%dma_wait3A_123 : memref<632x128xf32, #tpu.memory_space<hbm>>)
        tpu.yield
      }) : () -> ()
    } else {
    }
    %eq3A_109 = arith.constant 1 : i32
    %eq3A_110 = arith.cmpi eq, %arg0, %eq3A_109 : i32
    %eq3A_111 = arith.constant 15 : i32
    %eq3A_112 = arith.cmpi eq, %arg1, %eq3A_111 : i32
    %and3A_113 = arith.andi %eq3A_110, %eq3A_112 : i1
    %convert_element_type3A_114 = arith.extui %and3A_113 : i1 to i32
    %cond3A_115 = arith.constant 0 : i32
    %cond3A_116 = arith.cmpi ne, %convert_element_type3A_114, %cond3A_115 : i32
    scf.if %cond3A_116 {
      "tpu.region"() ({
        %run_scoped3A_117 = tpu.sem_alloc : memref<!tpu.dma_semaphore, #tpu.memory_space<semaphore_mem>>
        %dma_start3A_118 = arith.constant 9480 : i32
        %dma_start3A_119 = arith.constant 0 : i32
        %dma_start3A_120 = tpu.memref_slice %arg6[%dma_start3A_118, %dma_start3A_119] : memref<10000x128xf32, #tpu.memory_space<hbm>> -> memref<520x128xf32, #tpu.memory_space<hbm>>
        %dma_start3A_121 = arith.constant 9480 : i32
        %dma_start3A_122 = arith.constant 0 : i32
        %dma_start3A_123 = tpu.memref_slice %arg7[%dma_start3A_121, %dma_start3A_122] : memref<10016x128xf32, #tpu.memory_space<vmem_shared>> -> memref<520x128xf32, #tpu.memory_space<vmem_shared>>
        tpu.enqueue_dma source(%dma_start3A_123 : memref<520x128xf32, #tpu.memory_space<vmem_shared>>) target(%dma_start3A_120 : memref<520x128xf32, #tpu.memory_space<hbm>>) target_semaphore(%run_scoped3A_117 : memref<!tpu.dma_semaphore, #tpu.memory_space<semaphore_mem>>)
        %dma_wait3A_124 = arith.constant 9480 : i32
        %dma_wait3A_125 = arith.constant 0 : i32
        %dma_wait3A_126 = tpu.memref_slice %arg6[%dma_wait3A_124, %dma_wait3A_125] : memref<10000x128xf32, #tpu.memory_space<hbm>> -> memref<520x128xf32, #tpu.memory_space<hbm>>
        %dma_wait3A_127 = arith.constant 9480 : i32
        %dma_wait3A_128 = arith.constant 0 : i32
        %dma_wait3A_129 = tpu.memref_slice %arg7[%dma_wait3A_127, %dma_wait3A_128] : memref<10016x128xf32, #tpu.memory_space<vmem_shared>> -> memref<520x128xf32, #tpu.memory_space<vmem_shared>>
        tpu.wait_dma2 semaphore(%run_scoped3A_117 : memref<!tpu.dma_semaphore, #tpu.memory_space<semaphore_mem>>) src(%dma_wait3A_129 : memref<520x128xf32, #tpu.memory_space<vmem_shared>>) dst(%dma_wait3A_126 : memref<520x128xf32, #tpu.memory_space<hbm>>)
        tpu.yield
      }) : () -> ()
    } else {
    }
    return
  }
}

#map = affine_map<(d0, d1) -> (0, 0)>
module attributes {stable_mosaic.version = 14 : i64} {
  func.func @_agg_body(%arg0: i32, %arg1: i32, %arg2: memref<10000x128xf32, #tpu.memory_space<hbm>>, %arg3: memref<2560x128xi32, #tpu.memory_space<hbm>>, %arg4: memref<2560x128xi32, #tpu.memory_space<hbm>>, %arg5: memref<10000x128xf32, #tpu.memory_space<hbm>>, %arg6: memref<10000x128xf32, #tpu.memory_space<hbm>>, %arg7: memref<10016x128xf32, #tpu.memory_space<vmem_shared>>, %arg8: memref<128x128xf32, #tpu.memory_space<vmem>>, %arg9: memref<128x128xf32, #tpu.memory_space<vmem>>, %arg10: memref<40x128xi32, #tpu.memory_space<vmem>>, %arg11: memref<40x128xi32, #tpu.memory_space<vmem>>, %arg12: memref<!tpu.dma_semaphore, #tpu.memory_space<semaphore_mem>>, %arg13: memref<!tpu.dma_semaphore, #tpu.memory_space<semaphore_mem>>) attributes {dimension_semantics = [#tpu.dimension_semantics<core_parallel>, #tpu.dimension_semantics<subcore_parallel>], iteration_bounds = array<i64: 2, 16>, scalar_prefetch = 0 : i64, scratch_operands = 7 : i64, tpu.core_type = #tpu.core_type<sc_vector_subcore>, window_params = [{transform_indices = #map}, {transform_indices = #map}, {transform_indices = #map}, {transform_indices = #map}, {transform_indices = #map}]} {
    %mul3A = arith.constant 2 : i32
    %mul3A_0 = arith.muli %arg1, %mul3A : i32
    %add3A = arith.addi %mul3A_0, %arg0 : i32
    %scan3A = arith.constant 0 : i32
    %scan3A_1 = arith.constant 0 : i32
    %scan3A_2 = arith.constant 128 : i32
    %scan3A_3 = arith.addi %scan3A_1, %scan3A_2 : i32
    %scan3A_4 = arith.constant 1 : i32
    scf.for %scan3A_117 = %scan3A_1 to %scan3A_3 step %scan3A_4  : i32 {
      %broadcast_in_dim3A = arith.constant 0.000000e+00 : f32
      %broadcast_in_dim3A_118 = vector.broadcast %broadcast_in_dim3A : f32 to vector<16xf32>
      %swap3A = arith.index_cast %scan3A_117 : i32 to index
      %swap3A_119 = arith.constant 0 : index
      %swap3A_120 = tpu.vector_load %arg8[%swap3A, %swap3A_119] {strides = array<i32>} : memref<128x128xf32, #tpu.memory_space<vmem>>, vector<1x16xf32>,
      %swap3A_121 = vector.shape_cast %swap3A_120 : vector<1x16xf32> to vector<16xf32>
      %swap3A_122 = vector.shape_cast %broadcast_in_dim3A_118 : vector<16xf32> to vector<1x16xf32>
      tpu.vector_store %arg8[%swap3A, %swap3A_119], %swap3A_122 {strides = array<i32>} : memref<128x128xf32, #tpu.memory_space<vmem>>, vector<1x16xf32>,
      %broadcast_in_dim3A_123 = arith.constant 0.000000e+00 : f32
      %broadcast_in_dim3A_124 = vector.broadcast %broadcast_in_dim3A_123 : f32 to vector<16xf32>
      %swap3A_125 = arith.index_cast %scan3A_117 : i32 to index
      %swap3A_126 = arith.constant 16 : index
      %swap3A_127 = tpu.vector_load %arg8[%swap3A_125, %swap3A_126] {strides = array<i32>} : memref<128x128xf32, #tpu.memory_space<vmem>>, vector<1x16xf32>,
      %swap3A_128 = vector.shape_cast %swap3A_127 : vector<1x16xf32> to vector<16xf32>
      %swap3A_129 = vector.shape_cast %broadcast_in_dim3A_124 : vector<16xf32> to vector<1x16xf32>
      tpu.vector_store %arg8[%swap3A_125, %swap3A_126], %swap3A_129 {strides = array<i32>} : memref<128x128xf32, #tpu.memory_space<vmem>>, vector<1x16xf32>,
      %broadcast_in_dim3A_130 = arith.constant 0.000000e+00 : f32
      %broadcast_in_dim3A_131 = vector.broadcast %broadcast_in_dim3A_130 : f32 to vector<16xf32>
      %swap3A_132 = arith.index_cast %scan3A_117 : i32 to index
      %swap3A_133 = arith.constant 32 : index
      %swap3A_134 = tpu.vector_load %arg8[%swap3A_132, %swap3A_133] {strides = array<i32>} : memref<128x128xf32, #tpu.memory_space<vmem>>, vector<1x16xf32>,
      %swap3A_135 = vector.shape_cast %swap3A_134 : vector<1x16xf32> to vector<16xf32>
      %swap3A_136 = vector.shape_cast %broadcast_in_dim3A_131 : vector<16xf32> to vector<1x16xf32>
      tpu.vector_store %arg8[%swap3A_132, %swap3A_133], %swap3A_136 {strides = array<i32>} : memref<128x128xf32, #tpu.memory_space<vmem>>, vector<1x16xf32>,
      %broadcast_in_dim3A_137 = arith.constant 0.000000e+00 : f32
      %broadcast_in_dim3A_138 = vector.broadcast %broadcast_in_dim3A_137 : f32 to vector<16xf32>
      %swap3A_139 = arith.index_cast %scan3A_117 : i32 to index
      %swap3A_140 = arith.constant 48 : index
      %swap3A_141 = tpu.vector_load %arg8[%swap3A_139, %swap3A_140] {strides = array<i32>} : memref<128x128xf32, #tpu.memory_space<vmem>>, vector<1x16xf32>,
      %swap3A_142 = vector.shape_cast %swap3A_141 : vector<1x16xf32> to vector<16xf32>
      %swap3A_143 = vector.shape_cast %broadcast_in_dim3A_138 : vector<16xf32> to vector<1x16xf32>
      tpu.vector_store %arg8[%swap3A_139, %swap3A_140], %swap3A_143 {strides = array<i32>} : memref<128x128xf32, #tpu.memory_space<vmem>>, vector<1x16xf32>,
      %broadcast_in_dim3A_144 = arith.constant 0.000000e+00 : f32
      %broadcast_in_dim3A_145 = vector.broadcast %broadcast_in_dim3A_144 : f32 to vector<16xf32>
      %swap3A_146 = arith.index_cast %scan3A_117 : i32 to index
      %swap3A_147 = arith.constant 64 : index
      %swap3A_148 = tpu.vector_load %arg8[%swap3A_146, %swap3A_147] {strides = array<i32>} : memref<128x128xf32, #tpu.memory_space<vmem>>, vector<1x16xf32>,
      %swap3A_149 = vector.shape_cast %swap3A_148 : vector<1x16xf32> to vector<16xf32>
      %swap3A_150 = vector.shape_cast %broadcast_in_dim3A_145 : vector<16xf32> to vector<1x16xf32>
      tpu.vector_store %arg8[%swap3A_146, %swap3A_147], %swap3A_150 {strides = array<i32>} : memref<128x128xf32, #tpu.memory_space<vmem>>, vector<1x16xf32>,
      %broadcast_in_dim3A_151 = arith.constant 0.000000e+00 : f32
      %broadcast_in_dim3A_152 = vector.broadcast %broadcast_in_dim3A_151 : f32 to vector<16xf32>
      %swap3A_153 = arith.index_cast %scan3A_117 : i32 to index
      %swap3A_154 = arith.constant 80 : index
      %swap3A_155 = tpu.vector_load %arg8[%swap3A_153, %swap3A_154] {strides = array<i32>} : memref<128x128xf32, #tpu.memory_space<vmem>>, vector<1x16xf32>,
      %swap3A_156 = vector.shape_cast %swap3A_155 : vector<1x16xf32> to vector<16xf32>
      %swap3A_157 = vector.shape_cast %broadcast_in_dim3A_152 : vector<16xf32> to vector<1x16xf32>
      tpu.vector_store %arg8[%swap3A_153, %swap3A_154], %swap3A_157 {strides = array<i32>} : memref<128x128xf32, #tpu.memory_space<vmem>>, vector<1x16xf32>,
      %broadcast_in_dim3A_158 = arith.constant 0.000000e+00 : f32
      %broadcast_in_dim3A_159 = vector.broadcast %broadcast_in_dim3A_158 : f32 to vector<16xf32>
      %swap3A_160 = arith.index_cast %scan3A_117 : i32 to index
      %swap3A_161 = arith.constant 96 : index
      %swap3A_162 = tpu.vector_load %arg8[%swap3A_160, %swap3A_161] {strides = array<i32>} : memref<128x128xf32, #tpu.memory_space<vmem>>, vector<1x16xf32>,
      %swap3A_163 = vector.shape_cast %swap3A_162 : vector<1x16xf32> to vector<16xf32>
      %swap3A_164 = vector.shape_cast %broadcast_in_dim3A_159 : vector<16xf32> to vector<1x16xf32>
      tpu.vector_store %arg8[%swap3A_160, %swap3A_161], %swap3A_164 {strides = array<i32>} : memref<128x128xf32, #tpu.memory_space<vmem>>, vector<1x16xf32>,
      %broadcast_in_dim3A_165 = arith.constant 0.000000e+00 : f32
      %broadcast_in_dim3A_166 = vector.broadcast %broadcast_in_dim3A_165 : f32 to vector<16xf32>
      %swap3A_167 = arith.index_cast %scan3A_117 : i32 to index
      %swap3A_168 = arith.constant 112 : index
      %swap3A_169 = tpu.vector_load %arg8[%swap3A_167, %swap3A_168] {strides = array<i32>} : memref<128x128xf32, #tpu.memory_space<vmem>>, vector<1x16xf32>,
      %swap3A_170 = vector.shape_cast %swap3A_169 : vector<1x16xf32> to vector<16xf32>
      %swap3A_171 = vector.shape_cast %broadcast_in_dim3A_166 : vector<16xf32> to vector<1x16xf32>
      tpu.vector_store %arg8[%swap3A_167, %swap3A_168], %swap3A_171 {strides = array<i32>} : memref<128x128xf32, #tpu.memory_space<vmem>>, vector<1x16xf32>,
    }
    %scan3A_5 = arith.constant 128 : i32
    %mul3A_6 = arith.constant 632 : i32
    %mul3A_7 = arith.muli %arg1, %mul3A_6 : i32
    %lt3A = arith.constant 15 : i32
    %lt3A_8 = arith.cmpi slt, %arg1, %lt3A : i32
    %convert_element_type3A = arith.extui %lt3A_8 : i1 to i32
    %cond3A = arith.constant 0 : i32
    %cond3A_9 = arith.cmpi ne, %convert_element_type3A, %cond3A : i32
    scf.if %cond3A_9 {
      %add3A_117 = arith.constant 0 : i32
      %add3A_118 = arith.addi %mul3A_7, %add3A_117 : i32
      "tpu.region"() ({
        %run_scoped3A_127 = tpu.sem_alloc : memref<!tpu.dma_semaphore, #tpu.memory_space<semaphore_mem>>
        %dma_start3A_128 = arith.constant 0 : i32
        %dma_start3A_129 = tpu.memref_slice %arg7[%add3A_118, %dma_start3A_128] : memref<10016x128xf32, #tpu.memory_space<vmem_shared>> -> memref<128x128xf32, #tpu.memory_space<vmem_shared>>
        %dma_start3A_130 = arith.constant 0 : i32
        %dma_start3A_131 = tpu.memref_slice %arg7[%add3A_118, %dma_start3A_130] : memref<10016x128xf32, #tpu.memory_space<vmem_shared>> -> memref<128x128xf32, #tpu.memory_space<vmem_shared>>
        tpu.enqueue_dma source(%arg8 : memref<128x128xf32, #tpu.memory_space<vmem>>) target(%dma_start3A_131 : memref<128x128xf32, #tpu.memory_space<vmem_shared>>) target_semaphore(%run_scoped3A_127 : memref<!tpu.dma_semaphore, #tpu.memory_space<semaphore_mem>>)
        %dma_wait3A_132 = arith.constant 0 : i32
        %dma_wait3A_133 = tpu.memref_slice %arg7[%add3A_118, %dma_wait3A_132] : memref<10016x128xf32, #tpu.memory_space<vmem_shared>> -> memref<128x128xf32, #tpu.memory_space<vmem_shared>>
        %dma_wait3A_134 = arith.constant 0 : i32
        %dma_wait3A_135 = tpu.memref_slice %arg7[%add3A_118, %dma_wait3A_134] : memref<10016x128xf32, #tpu.memory_space<vmem_shared>> -> memref<128x128xf32, #tpu.memory_space<vmem_shared>>
        tpu.wait_dma2 semaphore(%run_scoped3A_127 : memref<!tpu.dma_semaphore, #tpu.memory_space<semaphore_mem>>) src(%arg8 : memref<128x128xf32, #tpu.memory_space<vmem>>) dst(%dma_wait3A_135 : memref<128x128xf32, #tpu.memory_space<vmem_shared>>)
        tpu.yield
      }) : () -> ()
      %add3A_119 = arith.constant 128 : i32
      %add3A_120 = arith.addi %mul3A_7, %add3A_119 : i32
      "tpu.region"() ({
        %run_scoped3A_127 = tpu.sem_alloc : memref<!tpu.dma_semaphore, #tpu.memory_space<semaphore_mem>>
        %dma_start3A_128 = arith.constant 0 : i32
        %dma_start3A_129 = tpu.memref_slice %arg7[%add3A_120, %dma_start3A_128] : memref<10016x128xf32, #tpu.memory_space<vmem_shared>> -> memref<128x128xf32, #tpu.memory_space<vmem_shared>>
        %dma_start3A_130 = arith.constant 0 : i32
        %dma_start3A_131 = tpu.memref_slice %arg7[%add3A_120, %dma_start3A_130] : memref<10016x128xf32, #tpu.memory_space<vmem_shared>> -> memref<128x128xf32, #tpu.memory_space<vmem_shared>>
        tpu.enqueue_dma source(%arg8 : memref<128x128xf32, #tpu.memory_space<vmem>>) target(%dma_start3A_131 : memref<128x128xf32, #tpu.memory_space<vmem_shared>>) target_semaphore(%run_scoped3A_127 : memref<!tpu.dma_semaphore, #tpu.memory_space<semaphore_mem>>)
        %dma_wait3A_132 = arith.constant 0 : i32
        %dma_wait3A_133 = tpu.memref_slice %arg7[%add3A_120, %dma_wait3A_132] : memref<10016x128xf32, #tpu.memory_space<vmem_shared>> -> memref<128x128xf32, #tpu.memory_space<vmem_shared>>
        %dma_wait3A_134 = arith.constant 0 : i32
        %dma_wait3A_135 = tpu.memref_slice %arg7[%add3A_120, %dma_wait3A_134] : memref<10016x128xf32, #tpu.memory_space<vmem_shared>> -> memref<128x128xf32, #tpu.memory_space<vmem_shared>>
        tpu.wait_dma2 semaphore(%run_scoped3A_127 : memref<!tpu.dma_semaphore, #tpu.memory_space<semaphore_mem>>) src(%arg8 : memref<128x128xf32, #tpu.memory_space<vmem>>) dst(%dma_wait3A_135 : memref<128x128xf32, #tpu.memory_space<vmem_shared>>)
        tpu.yield
      }) : () -> ()
      %add3A_121 = arith.constant 256 : i32
      %add3A_122 = arith.addi %mul3A_7, %add3A_121 : i32
      "tpu.region"() ({
        %run_scoped3A_127 = tpu.sem_alloc : memref<!tpu.dma_semaphore, #tpu.memory_space<semaphore_mem>>
        %dma_start3A_128 = arith.constant 0 : i32
        %dma_start3A_129 = tpu.memref_slice %arg7[%add3A_122, %dma_start3A_128] : memref<10016x128xf32, #tpu.memory_space<vmem_shared>> -> memref<128x128xf32, #tpu.memory_space<vmem_shared>>
        %dma_start3A_130 = arith.constant 0 : i32
        %dma_start3A_131 = tpu.memref_slice %arg7[%add3A_122, %dma_start3A_130] : memref<10016x128xf32, #tpu.memory_space<vmem_shared>> -> memref<128x128xf32, #tpu.memory_space<vmem_shared>>
        tpu.enqueue_dma source(%arg8 : memref<128x128xf32, #tpu.memory_space<vmem>>) target(%dma_start3A_131 : memref<128x128xf32, #tpu.memory_space<vmem_shared>>) target_semaphore(%run_scoped3A_127 : memref<!tpu.dma_semaphore, #tpu.memory_space<semaphore_mem>>)
        %dma_wait3A_132 = arith.constant 0 : i32
        %dma_wait3A_133 = tpu.memref_slice %arg7[%add3A_122, %dma_wait3A_132] : memref<10016x128xf32, #tpu.memory_space<vmem_shared>> -> memref<128x128xf32, #tpu.memory_space<vmem_shared>>
        %dma_wait3A_134 = arith.constant 0 : i32
        %dma_wait3A_135 = tpu.memref_slice %arg7[%add3A_122, %dma_wait3A_134] : memref<10016x128xf32, #tpu.memory_space<vmem_shared>> -> memref<128x128xf32, #tpu.memory_space<vmem_shared>>
        tpu.wait_dma2 semaphore(%run_scoped3A_127 : memref<!tpu.dma_semaphore, #tpu.memory_space<semaphore_mem>>) src(%arg8 : memref<128x128xf32, #tpu.memory_space<vmem>>) dst(%dma_wait3A_135 : memref<128x128xf32, #tpu.memory_space<vmem_shared>>)
        tpu.yield
      }) : () -> ()
      %add3A_123 = arith.constant 384 : i32
      %add3A_124 = arith.addi %mul3A_7, %add3A_123 : i32
      "tpu.region"() ({
        %run_scoped3A_127 = tpu.sem_alloc : memref<!tpu.dma_semaphore, #tpu.memory_space<semaphore_mem>>
        %dma_start3A_128 = arith.constant 0 : i32
        %dma_start3A_129 = tpu.memref_slice %arg7[%add3A_124, %dma_start3A_128] : memref<10016x128xf32, #tpu.memory_space<vmem_shared>> -> memref<128x128xf32, #tpu.memory_space<vmem_shared>>
        %dma_start3A_130 = arith.constant 0 : i32
        %dma_start3A_131 = tpu.memref_slice %arg7[%add3A_124, %dma_start3A_130] : memref<10016x128xf32, #tpu.memory_space<vmem_shared>> -> memref<128x128xf32, #tpu.memory_space<vmem_shared>>
        tpu.enqueue_dma source(%arg8 : memref<128x128xf32, #tpu.memory_space<vmem>>) target(%dma_start3A_131 : memref<128x128xf32, #tpu.memory_space<vmem_shared>>) target_semaphore(%run_scoped3A_127 : memref<!tpu.dma_semaphore, #tpu.memory_space<semaphore_mem>>)
        %dma_wait3A_132 = arith.constant 0 : i32
        %dma_wait3A_133 = tpu.memref_slice %arg7[%add3A_124, %dma_wait3A_132] : memref<10016x128xf32, #tpu.memory_space<vmem_shared>> -> memref<128x128xf32, #tpu.memory_space<vmem_shared>>
        %dma_wait3A_134 = arith.constant 0 : i32
        %dma_wait3A_135 = tpu.memref_slice %arg7[%add3A_124, %dma_wait3A_134] : memref<10016x128xf32, #tpu.memory_space<vmem_shared>> -> memref<128x128xf32, #tpu.memory_space<vmem_shared>>
        tpu.wait_dma2 semaphore(%run_scoped3A_127 : memref<!tpu.dma_semaphore, #tpu.memory_space<semaphore_mem>>) src(%arg8 : memref<128x128xf32, #tpu.memory_space<vmem>>) dst(%dma_wait3A_135 : memref<128x128xf32, #tpu.memory_space<vmem_shared>>)
        tpu.yield
      }) : () -> ()
      %add3A_125 = arith.constant 512 : i32
      %add3A_126 = arith.addi %mul3A_7, %add3A_125 : i32
      "tpu.region"() ({
        %run_scoped3A_127 = tpu.sem_alloc : memref<!tpu.dma_semaphore, #tpu.memory_space<semaphore_mem>>
        %dma_start3A_128 = arith.constant 0 : i32
        %dma_start3A_129 = arith.constant 0 : i32
        %dma_start3A_130 = tpu.memref_slice %arg8[%dma_start3A_128, %dma_start3A_129] : memref<128x128xf32, #tpu.memory_space<vmem>> -> memref<120x128xf32, #tpu.memory_space<vmem>>
        %dma_start3A_131 = arith.constant 0 : i32
        %dma_start3A_132 = tpu.memref_slice %arg7[%add3A_126, %dma_start3A_131] : memref<10016x128xf32, #tpu.memory_space<vmem_shared>> -> memref<120x128xf32, #tpu.memory_space<vmem_shared>>
        %dma_start3A_133 = arith.constant 0 : i32
        %dma_start3A_134 = tpu.memref_slice %arg7[%add3A_126, %dma_start3A_133] : memref<10016x128xf32, #tpu.memory_space<vmem_shared>> -> memref<120x128xf32, #tpu.memory_space<vmem_shared>>
        %dma_start3A_135 = arith.constant 0 : i32
        %dma_start3A_136 = arith.constant 0 : i32
        %dma_start3A_137 = tpu.memref_slice %arg8[%dma_start3A_135, %dma_start3A_136] : memref<128x128xf32, #tpu.memory_space<vmem>> -> memref<120x128xf32, #tpu.memory_space<vmem>>
        tpu.enqueue_dma source(%dma_start3A_137 : memref<120x128xf32, #tpu.memory_space<vmem>>) target(%dma_start3A_134 : memref<120x128xf32, #tpu.memory_space<vmem_shared>>) target_semaphore(%run_scoped3A_127 : memref<!tpu.dma_semaphore, #tpu.memory_space<semaphore_mem>>)
        %dma_wait3A_138 = arith.constant 0 : i32
        %dma_wait3A_139 = arith.constant 0 : i32
        %dma_wait3A_140 = tpu.memref_slice %arg8[%dma_wait3A_138, %dma_wait3A_139] : memref<128x128xf32, #tpu.memory_space<vmem>> -> memref<120x128xf32, #tpu.memory_space<vmem>>
        %dma_wait3A_141 = arith.constant 0 : i32
        %dma_wait3A_142 = tpu.memref_slice %arg7[%add3A_126, %dma_wait3A_141] : memref<10016x128xf32, #tpu.memory_space<vmem_shared>> -> memref<120x128xf32, #tpu.memory_space<vmem_shared>>
        %dma_wait3A_143 = arith.constant 0 : i32
        %dma_wait3A_144 = tpu.memref_slice %arg7[%add3A_126, %dma_wait3A_143] : memref<10016x128xf32, #tpu.memory_space<vmem_shared>> -> memref<120x128xf32, #tpu.memory_space<vmem_shared>>
        %dma_wait3A_145 = arith.constant 0 : i32
        %dma_wait3A_146 = arith.constant 0 : i32
        %dma_wait3A_147 = tpu.memref_slice %arg8[%dma_wait3A_145, %dma_wait3A_146] : memref<128x128xf32, #tpu.memory_space<vmem>> -> memref<120x128xf32, #tpu.memory_space<vmem>>
        tpu.wait_dma2 semaphore(%run_scoped3A_127 : memref<!tpu.dma_semaphore, #tpu.memory_space<semaphore_mem>>) src(%dma_wait3A_147 : memref<120x128xf32, #tpu.memory_space<vmem>>) dst(%dma_wait3A_144 : memref<120x128xf32, #tpu.memory_space<vmem_shared>>)
        tpu.yield
      }) : () -> ()
    } else {
    }
    %eq3A = arith.constant 15 : i32
    %eq3A_10 = arith.cmpi eq, %arg1, %eq3A : i32
    %convert_element_type3A_11 = arith.extui %eq3A_10 : i1 to i32
    %cond3A_12 = arith.constant 0 : i32
    %cond3A_13 = arith.cmpi ne, %convert_element_type3A_11, %cond3A_12 : i32
    scf.if %cond3A_13 {
      "tpu.region"() ({
        %run_scoped3A_117 = tpu.sem_alloc : memref<!tpu.dma_semaphore, #tpu.memory_space<semaphore_mem>>
        %dma_start3A_118 = arith.constant 9480 : i32
        %dma_start3A_119 = arith.constant 0 : i32
        %dma_start3A_120 = tpu.memref_slice %arg7[%dma_start3A_118, %dma_start3A_119] : memref<10016x128xf32, #tpu.memory_space<vmem_shared>> -> memref<128x128xf32, #tpu.memory_space<vmem_shared>>
        %dma_start3A_121 = arith.constant 9480 : i32
        %dma_start3A_122 = arith.constant 0 : i32
        %dma_start3A_123 = tpu.memref_slice %arg7[%dma_start3A_121, %dma_start3A_122] : memref<10016x128xf32, #tpu.memory_space<vmem_shared>> -> memref<128x128xf32, #tpu.memory_space<vmem_shared>>
        tpu.enqueue_dma source(%arg8 : memref<128x128xf32, #tpu.memory_space<vmem>>) target(%dma_start3A_123 : memref<128x128xf32, #tpu.memory_space<vmem_shared>>) target_semaphore(%run_scoped3A_117 : memref<!tpu.dma_semaphore, #tpu.memory_space<semaphore_mem>>)
        %dma_wait3A_124 = arith.constant 9480 : i32
        %dma_wait3A_125 = arith.constant 0 : i32
        %dma_wait3A_126 = tpu.memref_slice %arg7[%dma_wait3A_124, %dma_wait3A_125] : memref<10016x128xf32, #tpu.memory_space<vmem_shared>> -> memref<128x128xf32, #tpu.memory_space<vmem_shared>>
        %dma_wait3A_127 = arith.constant 9480 : i32
        %dma_wait3A_128 = arith.constant 0 : i32
        %dma_wait3A_129 = tpu.memref_slice %arg7[%dma_wait3A_127, %dma_wait3A_128] : memref<10016x128xf32, #tpu.memory_space<vmem_shared>> -> memref<128x128xf32, #tpu.memory_space<vmem_shared>>
        tpu.wait_dma2 semaphore(%run_scoped3A_117 : memref<!tpu.dma_semaphore, #tpu.memory_space<semaphore_mem>>) src(%arg8 : memref<128x128xf32, #tpu.memory_space<vmem>>) dst(%dma_wait3A_129 : memref<128x128xf32, #tpu.memory_space<vmem_shared>>)
        tpu.yield
      }) : () -> ()
      "tpu.region"() ({
        %run_scoped3A_117 = tpu.sem_alloc : memref<!tpu.dma_semaphore, #tpu.memory_space<semaphore_mem>>
        %dma_start3A_118 = arith.constant 9608 : i32
        %dma_start3A_119 = arith.constant 0 : i32
        %dma_start3A_120 = tpu.memref_slice %arg7[%dma_start3A_118, %dma_start3A_119] : memref<10016x128xf32, #tpu.memory_space<vmem_shared>> -> memref<128x128xf32, #tpu.memory_space<vmem_shared>>
        %dma_start3A_121 = arith.constant 9608 : i32
        %dma_start3A_122 = arith.constant 0 : i32
        %dma_start3A_123 = tpu.memref_slice %arg7[%dma_start3A_121, %dma_start3A_122] : memref<10016x128xf32, #tpu.memory_space<vmem_shared>> -> memref<128x128xf32, #tpu.memory_space<vmem_shared>>
        tpu.enqueue_dma source(%arg8 : memref<128x128xf32, #tpu.memory_space<vmem>>) target(%dma_start3A_123 : memref<128x128xf32, #tpu.memory_space<vmem_shared>>) target_semaphore(%run_scoped3A_117 : memref<!tpu.dma_semaphore, #tpu.memory_space<semaphore_mem>>)
        %dma_wait3A_124 = arith.constant 9608 : i32
        %dma_wait3A_125 = arith.constant 0 : i32
        %dma_wait3A_126 = tpu.memref_slice %arg7[%dma_wait3A_124, %dma_wait3A_125] : memref<10016x128xf32, #tpu.memory_space<vmem_shared>> -> memref<128x128xf32, #tpu.memory_space<vmem_shared>>
        %dma_wait3A_127 = arith.constant 9608 : i32
        %dma_wait3A_128 = arith.constant 0 : i32
        %dma_wait3A_129 = tpu.memref_slice %arg7[%dma_wait3A_127, %dma_wait3A_128] : memref<10016x128xf32, #tpu.memory_space<vmem_shared>> -> memref<128x128xf32, #tpu.memory_space<vmem_shared>>
        tpu.wait_dma2 semaphore(%run_scoped3A_117 : memref<!tpu.dma_semaphore, #tpu.memory_space<semaphore_mem>>) src(%arg8 : memref<128x128xf32, #tpu.memory_space<vmem>>) dst(%dma_wait3A_129 : memref<128x128xf32, #tpu.memory_space<vmem_shared>>)
        tpu.yield
      }) : () -> ()
      "tpu.region"() ({
        %run_scoped3A_117 = tpu.sem_alloc : memref<!tpu.dma_semaphore, #tpu.memory_space<semaphore_mem>>
        %dma_start3A_118 = arith.constant 9736 : i32
        %dma_start3A_119 = arith.constant 0 : i32
        %dma_start3A_120 = tpu.memref_slice %arg7[%dma_start3A_118, %dma_start3A_119] : memref<10016x128xf32, #tpu.memory_space<vmem_shared>> -> memref<128x128xf32, #tpu.memory_space<vmem_shared>>
        %dma_start3A_121 = arith.constant 9736 : i32
        %dma_start3A_122 = arith.constant 0 : i32
        %dma_start3A_123 = tpu.memref_slice %arg7[%dma_start3A_121, %dma_start3A_122] : memref<10016x128xf32, #tpu.memory_space<vmem_shared>> -> memref<128x128xf32, #tpu.memory_space<vmem_shared>>
        tpu.enqueue_dma source(%arg8 : memref<128x128xf32, #tpu.memory_space<vmem>>) target(%dma_start3A_123 : memref<128x128xf32, #tpu.memory_space<vmem_shared>>) target_semaphore(%run_scoped3A_117 : memref<!tpu.dma_semaphore, #tpu.memory_space<semaphore_mem>>)
        %dma_wait3A_124 = arith.constant 9736 : i32
        %dma_wait3A_125 = arith.constant 0 : i32
        %dma_wait3A_126 = tpu.memref_slice %arg7[%dma_wait3A_124, %dma_wait3A_125] : memref<10016x128xf32, #tpu.memory_space<vmem_shared>> -> memref<128x128xf32, #tpu.memory_space<vmem_shared>>
        %dma_wait3A_127 = arith.constant 9736 : i32
        %dma_wait3A_128 = arith.constant 0 : i32
        %dma_wait3A_129 = tpu.memref_slice %arg7[%dma_wait3A_127, %dma_wait3A_128] : memref<10016x128xf32, #tpu.memory_space<vmem_shared>> -> memref<128x128xf32, #tpu.memory_space<vmem_shared>>
        tpu.wait_dma2 semaphore(%run_scoped3A_117 : memref<!tpu.dma_semaphore, #tpu.memory_space<semaphore_mem>>) src(%arg8 : memref<128x128xf32, #tpu.memory_space<vmem>>) dst(%dma_wait3A_129 : memref<128x128xf32, #tpu.memory_space<vmem_shared>>)
        tpu.yield
      }) : () -> ()
      "tpu.region"() ({
        %run_scoped3A_117 = tpu.sem_alloc : memref<!tpu.dma_semaphore, #tpu.memory_space<semaphore_mem>>
        %dma_start3A_118 = arith.constant 9864 : i32
        %dma_start3A_119 = arith.constant 0 : i32
        %dma_start3A_120 = tpu.memref_slice %arg7[%dma_start3A_118, %dma_start3A_119] : memref<10016x128xf32, #tpu.memory_space<vmem_shared>> -> memref<128x128xf32, #tpu.memory_space<vmem_shared>>
        %dma_start3A_121 = arith.constant 9864 : i32
        %dma_start3A_122 = arith.constant 0 : i32
        %dma_start3A_123 = tpu.memref_slice %arg7[%dma_start3A_121, %dma_start3A_122] : memref<10016x128xf32, #tpu.memory_space<vmem_shared>> -> memref<128x128xf32, #tpu.memory_space<vmem_shared>>
        tpu.enqueue_dma source(%arg8 : memref<128x128xf32, #tpu.memory_space<vmem>>) target(%dma_start3A_123 : memref<128x128xf32, #tpu.memory_space<vmem_shared>>) target_semaphore(%run_scoped3A_117 : memref<!tpu.dma_semaphore, #tpu.memory_space<semaphore_mem>>)
        %dma_wait3A_124 = arith.constant 9864 : i32
        %dma_wait3A_125 = arith.constant 0 : i32
        %dma_wait3A_126 = tpu.memref_slice %arg7[%dma_wait3A_124, %dma_wait3A_125] : memref<10016x128xf32, #tpu.memory_space<vmem_shared>> -> memref<128x128xf32, #tpu.memory_space<vmem_shared>>
        %dma_wait3A_127 = arith.constant 9864 : i32
        %dma_wait3A_128 = arith.constant 0 : i32
        %dma_wait3A_129 = tpu.memref_slice %arg7[%dma_wait3A_127, %dma_wait3A_128] : memref<10016x128xf32, #tpu.memory_space<vmem_shared>> -> memref<128x128xf32, #tpu.memory_space<vmem_shared>>
        tpu.wait_dma2 semaphore(%run_scoped3A_117 : memref<!tpu.dma_semaphore, #tpu.memory_space<semaphore_mem>>) src(%arg8 : memref<128x128xf32, #tpu.memory_space<vmem>>) dst(%dma_wait3A_129 : memref<128x128xf32, #tpu.memory_space<vmem_shared>>)
        tpu.yield
      }) : () -> ()
      "tpu.region"() ({
        %run_scoped3A_117 = tpu.sem_alloc : memref<!tpu.dma_semaphore, #tpu.memory_space<semaphore_mem>>
        %dma_start3A_118 = arith.constant 0 : i32
        %dma_start3A_119 = arith.constant 0 : i32
        %dma_start3A_120 = tpu.memref_slice %arg8[%dma_start3A_118, %dma_start3A_119] : memref<128x128xf32, #tpu.memory_space<vmem>> -> memref<24x128xf32, #tpu.memory_space<vmem>>
        %dma_start3A_121 = arith.constant 9992 : i32
        %dma_start3A_122 = arith.constant 0 : i32
        %dma_start3A_123 = tpu.memref_slice %arg7[%dma_start3A_121, %dma_start3A_122] : memref<10016x128xf32, #tpu.memory_space<vmem_shared>> -> memref<24x128xf32, #tpu.memory_space<vmem_shared>>
        %dma_start3A_124 = arith.constant 9992 : i32
        %dma_start3A_125 = arith.constant 0 : i32
        %dma_start3A_126 = tpu.memref_slice %arg7[%dma_start3A_124, %dma_start3A_125] : memref<10016x128xf32, #tpu.memory_space<vmem_shared>> -> memref<24x128xf32, #tpu.memory_space<vmem_shared>>
        %dma_start3A_127 = arith.constant 0 : i32
        %dma_start3A_128 = arith.constant 0 : i32
        %dma_start3A_129 = tpu.memref_slice %arg8[%dma_start3A_127, %dma_start3A_128] : memref<128x128xf32, #tpu.memory_space<vmem>> -> memref<24x128xf32, #tpu.memory_space<vmem>>
        tpu.enqueue_dma source(%dma_start3A_129 : memref<24x128xf32, #tpu.memory_space<vmem>>) target(%dma_start3A_126 : memref<24x128xf32, #tpu.memory_space<vmem_shared>>) target_semaphore(%run_scoped3A_117 : memref<!tpu.dma_semaphore, #tpu.memory_space<semaphore_mem>>)
        %dma_wait3A_130 = arith.constant 0 : i32
        %dma_wait3A_131 = arith.constant 0 : i32
        %dma_wait3A_132 = tpu.memref_slice %arg8[%dma_wait3A_130, %dma_wait3A_131] : memref<128x128xf32, #tpu.memory_space<vmem>> -> memref<24x128xf32, #tpu.memory_space<vmem>>
        %dma_wait3A_133 = arith.constant 9992 : i32
        %dma_wait3A_134 = arith.constant 0 : i32
        %dma_wait3A_135 = tpu.memref_slice %arg7[%dma_wait3A_133, %dma_wait3A_134] : memref<10016x128xf32, #tpu.memory_space<vmem_shared>> -> memref<24x128xf32, #tpu.memory_space<vmem_shared>>
        %dma_wait3A_136 = arith.constant 9992 : i32
        %dma_wait3A_137 = arith.constant 0 : i32
        %dma_wait3A_138 = tpu.memref_slice %arg7[%dma_wait3A_136, %dma_wait3A_137] : memref<10016x128xf32, #tpu.memory_space<vmem_shared>> -> memref<24x128xf32, #tpu.memory_space<vmem_shared>>
        %dma_wait3A_139 = arith.constant 0 : i32
        %dma_wait3A_140 = arith.constant 0 : i32
        %dma_wait3A_141 = tpu.memref_slice %arg8[%dma_wait3A_139, %dma_wait3A_140] : memref<128x128xf32, #tpu.memory_space<vmem>> -> memref<24x128xf32, #tpu.memory_space<vmem>>
        tpu.wait_dma2 semaphore(%run_scoped3A_117 : memref<!tpu.dma_semaphore, #tpu.memory_space<semaphore_mem>>) src(%dma_wait3A_141 : memref<24x128xf32, #tpu.memory_space<vmem>>) dst(%dma_wait3A_138 : memref<24x128xf32, #tpu.memory_space<vmem_shared>>)
        tpu.yield
      }) : () -> ()
    } else {
    }
    %barrier3A = arith.constant 0 : index
    tpu.barrier barrier_id(%barrier3A)
    %mul3A_14 = arith.constant 80 : i32
    %mul3A_15 = arith.muli %add3A, %mul3A_14 : i32
    %add3A_16 = arith.constant 0 : i32
    %add3A_17 = arith.addi %mul3A_15, %add3A_16 : i32
    "tpu.region"() ({
      %run_scoped3A_117 = tpu.sem_alloc : memref<!tpu.dma_semaphore, #tpu.memory_space<semaphore_mem>>
      %dma_start3A_118 = arith.constant 0 : i32
      %dma_start3A_119 = tpu.memref_slice %arg3[%add3A_17, %dma_start3A_118] : memref<2560x128xi32, #tpu.memory_space<hbm>> -> memref<40x128xi32, #tpu.memory_space<hbm>>
      %dma_start3A_120 = arith.constant 0 : i32
      %dma_start3A_121 = tpu.memref_slice %arg3[%add3A_17, %dma_start3A_120] : memref<2560x128xi32, #tpu.memory_space<hbm>> -> memref<40x128xi32, #tpu.memory_space<hbm>>
      tpu.enqueue_dma source(%dma_start3A_121 : memref<40x128xi32, #tpu.memory_space<hbm>>) target(%arg10 : memref<40x128xi32, #tpu.memory_space<vmem>>) target_semaphore(%run_scoped3A_117 : memref<!tpu.dma_semaphore, #tpu.memory_space<semaphore_mem>>)
      %dma_wait3A_122 = arith.constant 0 : i32
      %dma_wait3A_123 = tpu.memref_slice %arg3[%add3A_17, %dma_wait3A_122] : memref<2560x128xi32, #tpu.memory_space<hbm>> -> memref<40x128xi32, #tpu.memory_space<hbm>>
      %dma_wait3A_124 = arith.constant 0 : i32
      %dma_wait3A_125 = tpu.memref_slice %arg3[%add3A_17, %dma_wait3A_124] : memref<2560x128xi32, #tpu.memory_space<hbm>> -> memref<40x128xi32, #tpu.memory_space<hbm>>
      tpu.wait_dma2 semaphore(%run_scoped3A_117 : memref<!tpu.dma_semaphore, #tpu.memory_space<semaphore_mem>>) src(%dma_wait3A_125 : memref<40x128xi32, #tpu.memory_space<hbm>>) dst(%arg10 : memref<40x128xi32, #tpu.memory_space<vmem>>)
      tpu.yield
    }) : () -> ()
    "tpu.region"() ({
      %run_scoped3A_117 = tpu.sem_alloc : memref<!tpu.dma_semaphore, #tpu.memory_space<semaphore_mem>>
      %dma_start3A_118 = arith.constant 0 : i32
      %dma_start3A_119 = tpu.memref_slice %arg4[%add3A_17, %dma_start3A_118] : memref<2560x128xi32, #tpu.memory_space<hbm>> -> memref<40x128xi32, #tpu.memory_space<hbm>>
      %dma_start3A_120 = arith.constant 0 : i32
      %dma_start3A_121 = tpu.memref_slice %arg4[%add3A_17, %dma_start3A_120] : memref<2560x128xi32, #tpu.memory_space<hbm>> -> memref<40x128xi32, #tpu.memory_space<hbm>>
      tpu.enqueue_dma source(%dma_start3A_121 : memref<40x128xi32, #tpu.memory_space<hbm>>) target(%arg11 : memref<40x128xi32, #tpu.memory_space<vmem>>) target_semaphore(%run_scoped3A_117 : memref<!tpu.dma_semaphore, #tpu.memory_space<semaphore_mem>>)
      %dma_wait3A_122 = arith.constant 0 : i32
      %dma_wait3A_123 = tpu.memref_slice %arg4[%add3A_17, %dma_wait3A_122] : memref<2560x128xi32, #tpu.memory_space<hbm>> -> memref<40x128xi32, #tpu.memory_space<hbm>>
      %dma_wait3A_124 = arith.constant 0 : i32
      %dma_wait3A_125 = tpu.memref_slice %arg4[%add3A_17, %dma_wait3A_124] : memref<2560x128xi32, #tpu.memory_space<hbm>> -> memref<40x128xi32, #tpu.memory_space<hbm>>
      tpu.wait_dma2 semaphore(%run_scoped3A_117 : memref<!tpu.dma_semaphore, #tpu.memory_space<semaphore_mem>>) src(%dma_wait3A_125 : memref<40x128xi32, #tpu.memory_space<hbm>>) dst(%arg11 : memref<40x128xi32, #tpu.memory_space<vmem>>)
      tpu.yield
    }) : () -> ()
    %dma_start3A = arith.constant 0 : i32
    %dma_start3A_18 = arith.constant 0 : i32
    %dma_start3A_19 = tpu.memref_slice %arg10[%dma_start3A, %dma_start3A_18] : memref<40x128xi32, #tpu.memory_space<vmem>> -> memref<1x128xi32, #tpu.memory_space<vmem>>
    %dma_start3A_20 = tpu.memref_squeeze %dma_start3A_19 : memref<1x128xi32, #tpu.memory_space<vmem>> -> memref<128xi32, #tpu.memory_space<vmem>>
    %dma_start3A_21 = arith.constant 0 : i32
    %dma_start3A_22 = arith.constant 0 : i32
    %dma_start3A_23 = tpu.memref_slice %arg2[%dma_start3A_21, %dma_start3A_22] : memref<10000x128xf32, #tpu.memory_space<hbm>> -> memref<10000x128xf32, #tpu.memory_space<hbm>>
    tpu.enqueue_indirect_dma source(%dma_start3A_23 : memref<10000x128xf32, #tpu.memory_space<hbm>>) target(%arg8 : memref<128x128xf32, #tpu.memory_space<vmem>>) offsets(%dma_start3A_20 : memref<128xi32, #tpu.memory_space<vmem>>) semaphore(%arg12 : memref<!tpu.dma_semaphore, #tpu.memory_space<semaphore_mem>>)
    %dma_start3A_24 = arith.constant 1 : i32
    %dma_start3A_25 = arith.constant 0 : i32
    %dma_start3A_26 = tpu.memref_slice %arg10[%dma_start3A_24, %dma_start3A_25] : memref<40x128xi32, #tpu.memory_space<vmem>> -> memref<1x128xi32, #tpu.memory_space<vmem>>
    %dma_start3A_27 = tpu.memref_squeeze %dma_start3A_26 : memref<1x128xi32, #tpu.memory_space<vmem>> -> memref<128xi32, #tpu.memory_space<vmem>>
    %dma_start3A_28 = arith.constant 0 : i32
    %dma_start3A_29 = arith.constant 0 : i32
    %dma_start3A_30 = tpu.memref_slice %arg2[%dma_start3A_28, %dma_start3A_29] : memref<10000x128xf32, #tpu.memory_space<hbm>> -> memref<10000x128xf32, #tpu.memory_space<hbm>>
    tpu.enqueue_indirect_dma source(%dma_start3A_30 : memref<10000x128xf32, #tpu.memory_space<hbm>>) target(%arg9 : memref<128x128xf32, #tpu.memory_space<vmem>>) offsets(%dma_start3A_27 : memref<128xi32, #tpu.memory_space<vmem>>) semaphore(%arg13 : memref<!tpu.dma_semaphore, #tpu.memory_space<semaphore_mem>>)
    %scan3A_31 = arith.constant 0 : i32
    %scan3A_32 = arith.constant 0 : i32
    %scan3A_33 = arith.constant 19 : i32
    %scan3A_34 = arith.addi %scan3A_32, %scan3A_33 : i32
    %scan3A_35 = arith.constant 1 : i32
    scf.for %scan3A_117 = %scan3A_32 to %scan3A_34 step %scan3A_35  : i32 {
      %mul3A_118 = arith.constant 2 : i32
      %mul3A_119 = arith.muli %mul3A_118, %scan3A_117 : i32
      %dma_wait3A_120 = arith.constant 0 : i32
      %dma_wait3A_121 = arith.constant 0 : i32
      %dma_wait3A_122 = tpu.memref_slice %arg2[%dma_wait3A_120, %dma_wait3A_121] : memref<10000x128xf32, #tpu.memory_space<hbm>> -> memref<128x128xf32, #tpu.memory_space<hbm>>
      %dma_wait3A_123 = arith.constant 0 : i32
      %dma_wait3A_124 = arith.constant 0 : i32
      %dma_wait3A_125 = tpu.memref_slice %arg2[%dma_wait3A_123, %dma_wait3A_124] : memref<10000x128xf32, #tpu.memory_space<hbm>> -> memref<128x128xf32, #tpu.memory_space<hbm>>
      tpu.wait_dma2 semaphore(%arg12 : memref<!tpu.dma_semaphore, #tpu.memory_space<semaphore_mem>>) src(%dma_wait3A_125 : memref<128x128xf32, #tpu.memory_space<hbm>>) dst(%arg8 : memref<128x128xf32, #tpu.memory_space<vmem>>)
      "tpu.region"() ({
        %run_scoped3A_150 = tpu.sem_alloc : memref<!tpu.dma_semaphore, #tpu.memory_space<semaphore_mem>>
        %dma_start3A_151 = arith.constant 0 : i32
        %dma_start3A_152 = tpu.memref_slice %arg11[%mul3A_119, %dma_start3A_151] : memref<40x128xi32, #tpu.memory_space<vmem>> -> memref<1x128xi32, #tpu.memory_space<vmem>>
        %dma_start3A_153 = tpu.memref_squeeze %dma_start3A_152 : memref<1x128xi32, #tpu.memory_space<vmem>> -> memref<128xi32, #tpu.memory_space<vmem>>
        %dma_start3A_154 = arith.constant 0 : i32
        %dma_start3A_155 = arith.constant 0 : i32
        %dma_start3A_156 = tpu.memref_slice %arg7[%dma_start3A_154, %dma_start3A_155] : memref<10016x128xf32, #tpu.memory_space<vmem_shared>> -> memref<10016x128xf32, #tpu.memory_space<vmem_shared>>
        tpu.enqueue_indirect_dma source(%arg8 : memref<128x128xf32, #tpu.memory_space<vmem>>) target(%dma_start3A_156 : memref<10016x128xf32, #tpu.memory_space<vmem_shared>>) offsets(%dma_start3A_153 : memref<128xi32, #tpu.memory_space<vmem>>) semaphore(%run_scoped3A_150 : memref<!tpu.dma_semaphore, #tpu.memory_space<semaphore_mem>>) {add = true}
        %dma_wait3A_157 = arith.constant 0 : i32
        %dma_wait3A_158 = tpu.memref_slice %arg11[%mul3A_119, %dma_wait3A_157] : memref<40x128xi32, #tpu.memory_space<vmem>> -> memref<1x128xi32, #tpu.memory_space<vmem>>
        %dma_wait3A_159 = tpu.memref_squeeze %dma_wait3A_158 : memref<1x128xi32, #tpu.memory_space<vmem>> -> memref<128xi32, #tpu.memory_space<vmem>>
        %dma_wait3A_160 = arith.constant 0 : i32
        %dma_wait3A_161 = arith.constant 0 : i32
        %dma_wait3A_162 = tpu.memref_slice %arg7[%dma_wait3A_160, %dma_wait3A_161] : memref<10016x128xf32, #tpu.memory_space<vmem_shared>> -> memref<10016x128xf32, #tpu.memory_space<vmem_shared>>
        tpu.wait_indirect_dma semaphore(%run_scoped3A_150 : memref<!tpu.dma_semaphore, #tpu.memory_space<semaphore_mem>>) src(%arg8 : memref<128x128xf32, #tpu.memory_space<vmem>>) dst(%dma_wait3A_162 : memref<10016x128xf32, #tpu.memory_space<vmem_shared>>)
        tpu.yield
      }) : () -> ()
      %add3A_126 = arith.constant 2 : i32
      %add3A_127 = arith.addi %mul3A_119, %add3A_126 : i32
      %dma_start3A_128 = arith.constant 0 : i32
      %dma_start3A_129 = tpu.memref_slice %arg10[%add3A_127, %dma_start3A_128] : memref<40x128xi32, #tpu.memory_space<vmem>> -> memref<1x128xi32, #tpu.memory_space<vmem>>
      %dma_start3A_130 = tpu.memref_squeeze %dma_start3A_129 : memref<1x128xi32, #tpu.memory_space<vmem>> -> memref<128xi32, #tpu.memory_space<vmem>>
      %dma_start3A_131 = arith.constant 0 : i32
      %dma_start3A_132 = arith.constant 0 : i32
      %dma_start3A_133 = tpu.memref_slice %arg2[%dma_start3A_131, %dma_start3A_132] : memref<10000x128xf32, #tpu.memory_space<hbm>> -> memref<10000x128xf32, #tpu.memory_space<hbm>>
      tpu.enqueue_indirect_dma source(%dma_start3A_133 : memref<10000x128xf32, #tpu.memory_space<hbm>>) target(%arg8 : memref<128x128xf32, #tpu.memory_space<vmem>>) offsets(%dma_start3A_130 : memref<128xi32, #tpu.memory_space<vmem>>) semaphore(%arg12 : memref<!tpu.dma_semaphore, #tpu.memory_space<semaphore_mem>>)
      %dma_wait3A_134 = arith.constant 0 : i32
      %dma_wait3A_135 = arith.constant 0 : i32
      %dma_wait3A_136 = tpu.memref_slice %arg2[%dma_wait3A_134, %dma_wait3A_135] : memref<10000x128xf32, #tpu.memory_space<hbm>> -> memref<128x128xf32, #tpu.memory_space<hbm>>
      %dma_wait3A_137 = arith.constant 0 : i32
      %dma_wait3A_138 = arith.constant 0 : i32
      %dma_wait3A_139 = tpu.memref_slice %arg2[%dma_wait3A_137, %dma_wait3A_138] : memref<10000x128xf32, #tpu.memory_space<hbm>> -> memref<128x128xf32, #tpu.memory_space<hbm>>
      tpu.wait_dma2 semaphore(%arg13 : memref<!tpu.dma_semaphore, #tpu.memory_space<semaphore_mem>>) src(%dma_wait3A_139 : memref<128x128xf32, #tpu.memory_space<hbm>>) dst(%arg9 : memref<128x128xf32, #tpu.memory_space<vmem>>)
      %add3A_140 = arith.constant 1 : i32
      %add3A_141 = arith.addi %mul3A_119, %add3A_140 : i32
      "tpu.region"() ({
        %run_scoped3A_150 = tpu.sem_alloc : memref<!tpu.dma_semaphore, #tpu.memory_space<semaphore_mem>>
        %dma_start3A_151 = arith.constant 0 : i32
        %dma_start3A_152 = tpu.memref_slice %arg11[%add3A_141, %dma_start3A_151] : memref<40x128xi32, #tpu.memory_space<vmem>> -> memref<1x128xi32, #tpu.memory_space<vmem>>
        %dma_start3A_153 = tpu.memref_squeeze %dma_start3A_152 : memref<1x128xi32, #tpu.memory_space<vmem>> -> memref<128xi32, #tpu.memory_space<vmem>>
        %dma_start3A_154 = arith.constant 0 : i32
        %dma_start3A_155 = arith.constant 0 : i32
        %dma_start3A_156 = tpu.memref_slice %arg7[%dma_start3A_154, %dma_start3A_155] : memref<10016x128xf32, #tpu.memory_space<vmem_shared>> -> memref<10016x128xf32, #tpu.memory_space<vmem_shared>>
        tpu.enqueue_indirect_dma source(%arg9 : memref<128x128xf32, #tpu.memory_space<vmem>>) target(%dma_start3A_156 : memref<10016x128xf32, #tpu.memory_space<vmem_shared>>) offsets(%dma_start3A_153 : memref<128xi32, #tpu.memory_space<vmem>>) semaphore(%run_scoped3A_150 : memref<!tpu.dma_semaphore, #tpu.memory_space<semaphore_mem>>) {add = true}
        %dma_wait3A_157 = arith.constant 0 : i32
        %dma_wait3A_158 = tpu.memref_slice %arg11[%add3A_141, %dma_wait3A_157] : memref<40x128xi32, #tpu.memory_space<vmem>> -> memref<1x128xi32, #tpu.memory_space<vmem>>
        %dma_wait3A_159 = tpu.memref_squeeze %dma_wait3A_158 : memref<1x128xi32, #tpu.memory_space<vmem>> -> memref<128xi32, #tpu.memory_space<vmem>>
        %dma_wait3A_160 = arith.constant 0 : i32
        %dma_wait3A_161 = arith.constant 0 : i32
        %dma_wait3A_162 = tpu.memref_slice %arg7[%dma_wait3A_160, %dma_wait3A_161] : memref<10016x128xf32, #tpu.memory_space<vmem_shared>> -> memref<10016x128xf32, #tpu.memory_space<vmem_shared>>
        tpu.wait_indirect_dma semaphore(%run_scoped3A_150 : memref<!tpu.dma_semaphore, #tpu.memory_space<semaphore_mem>>) src(%arg9 : memref<128x128xf32, #tpu.memory_space<vmem>>) dst(%dma_wait3A_162 : memref<10016x128xf32, #tpu.memory_space<vmem_shared>>)
        tpu.yield
      }) : () -> ()
      %add3A_142 = arith.constant 3 : i32
      %add3A_143 = arith.addi %mul3A_119, %add3A_142 : i32
      %dma_start3A_144 = arith.constant 0 : i32
      %dma_start3A_145 = tpu.memref_slice %arg10[%add3A_143, %dma_start3A_144] : memref<40x128xi32, #tpu.memory_space<vmem>> -> memref<1x128xi32, #tpu.memory_space<vmem>>
      %dma_start3A_146 = tpu.memref_squeeze %dma_start3A_145 : memref<1x128xi32, #tpu.memory_space<vmem>> -> memref<128xi32, #tpu.memory_space<vmem>>
      %dma_start3A_147 = arith.constant 0 : i32
      %dma_start3A_148 = arith.constant 0 : i32
      %dma_start3A_149 = tpu.memref_slice %arg2[%dma_start3A_147, %dma_start3A_148] : memref<10000x128xf32, #tpu.memory_space<hbm>> -> memref<10000x128xf32, #tpu.memory_space<hbm>>
      tpu.enqueue_indirect_dma source(%dma_start3A_149 : memref<10000x128xf32, #tpu.memory_space<hbm>>) target(%arg9 : memref<128x128xf32, #tpu.memory_space<vmem>>) offsets(%dma_start3A_146 : memref<128xi32, #tpu.memory_space<vmem>>) semaphore(%arg13 : memref<!tpu.dma_semaphore, #tpu.memory_space<semaphore_mem>>)
    }
    %scan3A_36 = arith.constant 19 : i32
    %dma_wait3A = arith.constant 0 : i32
    %dma_wait3A_37 = arith.constant 0 : i32
    %dma_wait3A_38 = tpu.memref_slice %arg2[%dma_wait3A, %dma_wait3A_37] : memref<10000x128xf32, #tpu.memory_space<hbm>> -> memref<128x128xf32, #tpu.memory_space<hbm>>
    %dma_wait3A_39 = arith.constant 0 : i32
    %dma_wait3A_40 = arith.constant 0 : i32
    %dma_wait3A_41 = tpu.memref_slice %arg2[%dma_wait3A_39, %dma_wait3A_40] : memref<10000x128xf32, #tpu.memory_space<hbm>> -> memref<128x128xf32, #tpu.memory_space<hbm>>
    tpu.wait_dma2 semaphore(%arg12 : memref<!tpu.dma_semaphore, #tpu.memory_space<semaphore_mem>>) src(%dma_wait3A_41 : memref<128x128xf32, #tpu.memory_space<hbm>>) dst(%arg8 : memref<128x128xf32, #tpu.memory_space<vmem>>)
    %run_scoped3A = arith.constant 38 : i32
    "tpu.region"() ({
      %run_scoped3A_117 = tpu.sem_alloc : memref<!tpu.dma_semaphore, #tpu.memory_space<semaphore_mem>>
      %dma_start3A_118 = arith.constant 0 : i32
      %dma_start3A_119 = tpu.memref_slice %arg11[%run_scoped3A, %dma_start3A_118] : memref<40x128xi32, #tpu.memory_space<vmem>> -> memref<1x128xi32, #tpu.memory_space<vmem>>
      %dma_start3A_120 = tpu.memref_squeeze %dma_start3A_119 : memref<1x128xi32, #tpu.memory_space<vmem>> -> memref<128xi32, #tpu.memory_space<vmem>>
      %dma_start3A_121 = arith.constant 0 : i32
      %dma_start3A_122 = arith.constant 0 : i32
      %dma_start3A_123 = tpu.memref_slice %arg7[%dma_start3A_121, %dma_start3A_122] : memref<10016x128xf32, #tpu.memory_space<vmem_shared>> -> memref<10016x128xf32, #tpu.memory_space<vmem_shared>>
      tpu.enqueue_indirect_dma source(%arg8 : memref<128x128xf32, #tpu.memory_space<vmem>>) target(%dma_start3A_123 : memref<10016x128xf32, #tpu.memory_space<vmem_shared>>) offsets(%dma_start3A_120 : memref<128xi32, #tpu.memory_space<vmem>>) semaphore(%run_scoped3A_117 : memref<!tpu.dma_semaphore, #tpu.memory_space<semaphore_mem>>) {add = true}
      %dma_wait3A_124 = arith.constant 0 : i32
      %dma_wait3A_125 = tpu.memref_slice %arg11[%run_scoped3A, %dma_wait3A_124] : memref<40x128xi32, #tpu.memory_space<vmem>> -> memref<1x128xi32, #tpu.memory_space<vmem>>
      %dma_wait3A_126 = tpu.memref_squeeze %dma_wait3A_125 : memref<1x128xi32, #tpu.memory_space<vmem>> -> memref<128xi32, #tpu.memory_space<vmem>>
      %dma_wait3A_127 = arith.constant 0 : i32
      %dma_wait3A_128 = arith.constant 0 : i32
      %dma_wait3A_129 = tpu.memref_slice %arg7[%dma_wait3A_127, %dma_wait3A_128] : memref<10016x128xf32, #tpu.memory_space<vmem_shared>> -> memref<10016x128xf32, #tpu.memory_space<vmem_shared>>
      tpu.wait_indirect_dma semaphore(%run_scoped3A_117 : memref<!tpu.dma_semaphore, #tpu.memory_space<semaphore_mem>>) src(%arg8 : memref<128x128xf32, #tpu.memory_space<vmem>>) dst(%dma_wait3A_129 : memref<10016x128xf32, #tpu.memory_space<vmem_shared>>)
      tpu.yield
    }) : () -> ()
    %dma_wait3A_42 = arith.constant 0 : i32
    %dma_wait3A_43 = arith.constant 0 : i32
    %dma_wait3A_44 = tpu.memref_slice %arg2[%dma_wait3A_42, %dma_wait3A_43] : memref<10000x128xf32, #tpu.memory_space<hbm>> -> memref<128x128xf32, #tpu.memory_space<hbm>>
    %dma_wait3A_45 = arith.constant 0 : i32
    %dma_wait3A_46 = arith.constant 0 : i32
    %dma_wait3A_47 = tpu.memref_slice %arg2[%dma_wait3A_45, %dma_wait3A_46] : memref<10000x128xf32, #tpu.memory_space<hbm>> -> memref<128x128xf32, #tpu.memory_space<hbm>>
    tpu.wait_dma2 semaphore(%arg13 : memref<!tpu.dma_semaphore, #tpu.memory_space<semaphore_mem>>) src(%dma_wait3A_47 : memref<128x128xf32, #tpu.memory_space<hbm>>) dst(%arg9 : memref<128x128xf32, #tpu.memory_space<vmem>>)
    %run_scoped3A_48 = arith.constant 39 : i32
    "tpu.region"() ({
      %run_scoped3A_117 = tpu.sem_alloc : memref<!tpu.dma_semaphore, #tpu.memory_space<semaphore_mem>>
      %dma_start3A_118 = arith.constant 0 : i32
      %dma_start3A_119 = tpu.memref_slice %arg11[%run_scoped3A_48, %dma_start3A_118] : memref<40x128xi32, #tpu.memory_space<vmem>> -> memref<1x128xi32, #tpu.memory_space<vmem>>
      %dma_start3A_120 = tpu.memref_squeeze %dma_start3A_119 : memref<1x128xi32, #tpu.memory_space<vmem>> -> memref<128xi32, #tpu.memory_space<vmem>>
      %dma_start3A_121 = arith.constant 0 : i32
      %dma_start3A_122 = arith.constant 0 : i32
      %dma_start3A_123 = tpu.memref_slice %arg7[%dma_start3A_121, %dma_start3A_122] : memref<10016x128xf32, #tpu.memory_space<vmem_shared>> -> memref<10016x128xf32, #tpu.memory_space<vmem_shared>>
      tpu.enqueue_indirect_dma source(%arg9 : memref<128x128xf32, #tpu.memory_space<vmem>>) target(%dma_start3A_123 : memref<10016x128xf32, #tpu.memory_space<vmem_shared>>) offsets(%dma_start3A_120 : memref<128xi32, #tpu.memory_space<vmem>>) semaphore(%run_scoped3A_117 : memref<!tpu.dma_semaphore, #tpu.memory_space<semaphore_mem>>) {add = true}
      %dma_wait3A_124 = arith.constant 0 : i32
      %dma_wait3A_125 = tpu.memref_slice %arg11[%run_scoped3A_48, %dma_wait3A_124] : memref<40x128xi32, #tpu.memory_space<vmem>> -> memref<1x128xi32, #tpu.memory_space<vmem>>
      %dma_wait3A_126 = tpu.memref_squeeze %dma_wait3A_125 : memref<1x128xi32, #tpu.memory_space<vmem>> -> memref<128xi32, #tpu.memory_space<vmem>>
      %dma_wait3A_127 = arith.constant 0 : i32
      %dma_wait3A_128 = arith.constant 0 : i32
      %dma_wait3A_129 = tpu.memref_slice %arg7[%dma_wait3A_127, %dma_wait3A_128] : memref<10016x128xf32, #tpu.memory_space<vmem_shared>> -> memref<10016x128xf32, #tpu.memory_space<vmem_shared>>
      tpu.wait_indirect_dma semaphore(%run_scoped3A_117 : memref<!tpu.dma_semaphore, #tpu.memory_space<semaphore_mem>>) src(%arg9 : memref<128x128xf32, #tpu.memory_space<vmem>>) dst(%dma_wait3A_129 : memref<10016x128xf32, #tpu.memory_space<vmem_shared>>)
      tpu.yield
    }) : () -> ()
    %add3A_49 = arith.constant 40 : i32
    %add3A_50 = arith.addi %mul3A_15, %add3A_49 : i32
    "tpu.region"() ({
      %run_scoped3A_117 = tpu.sem_alloc : memref<!tpu.dma_semaphore, #tpu.memory_space<semaphore_mem>>
      %dma_start3A_118 = arith.constant 0 : i32
      %dma_start3A_119 = tpu.memref_slice %arg3[%add3A_50, %dma_start3A_118] : memref<2560x128xi32, #tpu.memory_space<hbm>> -> memref<40x128xi32, #tpu.memory_space<hbm>>
      %dma_start3A_120 = arith.constant 0 : i32
      %dma_start3A_121 = tpu.memref_slice %arg3[%add3A_50, %dma_start3A_120] : memref<2560x128xi32, #tpu.memory_space<hbm>> -> memref<40x128xi32, #tpu.memory_space<hbm>>
      tpu.enqueue_dma source(%dma_start3A_121 : memref<40x128xi32, #tpu.memory_space<hbm>>) target(%arg10 : memref<40x128xi32, #tpu.memory_space<vmem>>) target_semaphore(%run_scoped3A_117 : memref<!tpu.dma_semaphore, #tpu.memory_space<semaphore_mem>>)
      %dma_wait3A_122 = arith.constant 0 : i32
      %dma_wait3A_123 = tpu.memref_slice %arg3[%add3A_50, %dma_wait3A_122] : memref<2560x128xi32, #tpu.memory_space<hbm>> -> memref<40x128xi32, #tpu.memory_space<hbm>>
      %dma_wait3A_124 = arith.constant 0 : i32
      %dma_wait3A_125 = tpu.memref_slice %arg3[%add3A_50, %dma_wait3A_124] : memref<2560x128xi32, #tpu.memory_space<hbm>> -> memref<40x128xi32, #tpu.memory_space<hbm>>
      tpu.wait_dma2 semaphore(%run_scoped3A_117 : memref<!tpu.dma_semaphore, #tpu.memory_space<semaphore_mem>>) src(%dma_wait3A_125 : memref<40x128xi32, #tpu.memory_space<hbm>>) dst(%arg10 : memref<40x128xi32, #tpu.memory_space<vmem>>)
      tpu.yield
    }) : () -> ()
    "tpu.region"() ({
      %run_scoped3A_117 = tpu.sem_alloc : memref<!tpu.dma_semaphore, #tpu.memory_space<semaphore_mem>>
      %dma_start3A_118 = arith.constant 0 : i32
      %dma_start3A_119 = tpu.memref_slice %arg4[%add3A_50, %dma_start3A_118] : memref<2560x128xi32, #tpu.memory_space<hbm>> -> memref<40x128xi32, #tpu.memory_space<hbm>>
      %dma_start3A_120 = arith.constant 0 : i32
      %dma_start3A_121 = tpu.memref_slice %arg4[%add3A_50, %dma_start3A_120] : memref<2560x128xi32, #tpu.memory_space<hbm>> -> memref<40x128xi32, #tpu.memory_space<hbm>>
      tpu.enqueue_dma source(%dma_start3A_121 : memref<40x128xi32, #tpu.memory_space<hbm>>) target(%arg11 : memref<40x128xi32, #tpu.memory_space<vmem>>) target_semaphore(%run_scoped3A_117 : memref<!tpu.dma_semaphore, #tpu.memory_space<semaphore_mem>>)
      %dma_wait3A_122 = arith.constant 0 : i32
      %dma_wait3A_123 = tpu.memref_slice %arg4[%add3A_50, %dma_wait3A_122] : memref<2560x128xi32, #tpu.memory_space<hbm>> -> memref<40x128xi32, #tpu.memory_space<hbm>>
      %dma_wait3A_124 = arith.constant 0 : i32
      %dma_wait3A_125 = tpu.memref_slice %arg4[%add3A_50, %dma_wait3A_124] : memref<2560x128xi32, #tpu.memory_space<hbm>> -> memref<40x128xi32, #tpu.memory_space<hbm>>
      tpu.wait_dma2 semaphore(%run_scoped3A_117 : memref<!tpu.dma_semaphore, #tpu.memory_space<semaphore_mem>>) src(%dma_wait3A_125 : memref<40x128xi32, #tpu.memory_space<hbm>>) dst(%arg11 : memref<40x128xi32, #tpu.memory_space<vmem>>)
      tpu.yield
    }) : () -> ()
    %dma_start3A_51 = arith.constant 0 : i32
    %dma_start3A_52 = arith.constant 0 : i32
    %dma_start3A_53 = tpu.memref_slice %arg10[%dma_start3A_51, %dma_start3A_52] : memref<40x128xi32, #tpu.memory_space<vmem>> -> memref<1x128xi32, #tpu.memory_space<vmem>>
    %dma_start3A_54 = tpu.memref_squeeze %dma_start3A_53 : memref<1x128xi32, #tpu.memory_space<vmem>> -> memref<128xi32, #tpu.memory_space<vmem>>
    %dma_start3A_55 = arith.constant 0 : i32
    %dma_start3A_56 = arith.constant 0 : i32
    %dma_start3A_57 = tpu.memref_slice %arg2[%dma_start3A_55, %dma_start3A_56] : memref<10000x128xf32, #tpu.memory_space<hbm>> -> memref<10000x128xf32, #tpu.memory_space<hbm>>
    tpu.enqueue_indirect_dma source(%dma_start3A_57 : memref<10000x128xf32, #tpu.memory_space<hbm>>) target(%arg8 : memref<128x128xf32, #tpu.memory_space<vmem>>) offsets(%dma_start3A_54 : memref<128xi32, #tpu.memory_space<vmem>>) semaphore(%arg12 : memref<!tpu.dma_semaphore, #tpu.memory_space<semaphore_mem>>)
    %dma_start3A_58 = arith.constant 1 : i32
    %dma_start3A_59 = arith.constant 0 : i32
    %dma_start3A_60 = tpu.memref_slice %arg10[%dma_start3A_58, %dma_start3A_59] : memref<40x128xi32, #tpu.memory_space<vmem>> -> memref<1x128xi32, #tpu.memory_space<vmem>>
    %dma_start3A_61 = tpu.memref_squeeze %dma_start3A_60 : memref<1x128xi32, #tpu.memory_space<vmem>> -> memref<128xi32, #tpu.memory_space<vmem>>
    %dma_start3A_62 = arith.constant 0 : i32
    %dma_start3A_63 = arith.constant 0 : i32
    %dma_start3A_64 = tpu.memref_slice %arg2[%dma_start3A_62, %dma_start3A_63] : memref<10000x128xf32, #tpu.memory_space<hbm>> -> memref<10000x128xf32, #tpu.memory_space<hbm>>
    tpu.enqueue_indirect_dma source(%dma_start3A_64 : memref<10000x128xf32, #tpu.memory_space<hbm>>) target(%arg9 : memref<128x128xf32, #tpu.memory_space<vmem>>) offsets(%dma_start3A_61 : memref<128xi32, #tpu.memory_space<vmem>>) semaphore(%arg13 : memref<!tpu.dma_semaphore, #tpu.memory_space<semaphore_mem>>)
    %scan3A_65 = arith.constant 0 : i32
    %scan3A_66 = arith.constant 0 : i32
    %scan3A_67 = arith.constant 19 : i32
    %scan3A_68 = arith.addi %scan3A_66, %scan3A_67 : i32
    %scan3A_69 = arith.constant 1 : i32
    scf.for %scan3A_117 = %scan3A_66 to %scan3A_68 step %scan3A_69  : i32 {
      %mul3A_118 = arith.constant 2 : i32
      %mul3A_119 = arith.muli %mul3A_118, %scan3A_117 : i32
      %dma_wait3A_120 = arith.constant 0 : i32
      %dma_wait3A_121 = arith.constant 0 : i32
      %dma_wait3A_122 = tpu.memref_slice %arg2[%dma_wait3A_120, %dma_wait3A_121] : memref<10000x128xf32, #tpu.memory_space<hbm>> -> memref<128x128xf32, #tpu.memory_space<hbm>>
      %dma_wait3A_123 = arith.constant 0 : i32
      %dma_wait3A_124 = arith.constant 0 : i32
      %dma_wait3A_125 = tpu.memref_slice %arg2[%dma_wait3A_123, %dma_wait3A_124] : memref<10000x128xf32, #tpu.memory_space<hbm>> -> memref<128x128xf32, #tpu.memory_space<hbm>>
      tpu.wait_dma2 semaphore(%arg12 : memref<!tpu.dma_semaphore, #tpu.memory_space<semaphore_mem>>) src(%dma_wait3A_125 : memref<128x128xf32, #tpu.memory_space<hbm>>) dst(%arg8 : memref<128x128xf32, #tpu.memory_space<vmem>>)
      "tpu.region"() ({
        %run_scoped3A_150 = tpu.sem_alloc : memref<!tpu.dma_semaphore, #tpu.memory_space<semaphore_mem>>
        %dma_start3A_151 = arith.constant 0 : i32
        %dma_start3A_152 = tpu.memref_slice %arg11[%mul3A_119, %dma_start3A_151] : memref<40x128xi32, #tpu.memory_space<vmem>> -> memref<1x128xi32, #tpu.memory_space<vmem>>
        %dma_start3A_153 = tpu.memref_squeeze %dma_start3A_152 : memref<1x128xi32, #tpu.memory_space<vmem>> -> memref<128xi32, #tpu.memory_space<vmem>>
        %dma_start3A_154 = arith.constant 0 : i32
        %dma_start3A_155 = arith.constant 0 : i32
        %dma_start3A_156 = tpu.memref_slice %arg7[%dma_start3A_154, %dma_start3A_155] : memref<10016x128xf32, #tpu.memory_space<vmem_shared>> -> memref<10016x128xf32, #tpu.memory_space<vmem_shared>>
        tpu.enqueue_indirect_dma source(%arg8 : memref<128x128xf32, #tpu.memory_space<vmem>>) target(%dma_start3A_156 : memref<10016x128xf32, #tpu.memory_space<vmem_shared>>) offsets(%dma_start3A_153 : memref<128xi32, #tpu.memory_space<vmem>>) semaphore(%run_scoped3A_150 : memref<!tpu.dma_semaphore, #tpu.memory_space<semaphore_mem>>) {add = true}
        %dma_wait3A_157 = arith.constant 0 : i32
        %dma_wait3A_158 = tpu.memref_slice %arg11[%mul3A_119, %dma_wait3A_157] : memref<40x128xi32, #tpu.memory_space<vmem>> -> memref<1x128xi32, #tpu.memory_space<vmem>>
        %dma_wait3A_159 = tpu.memref_squeeze %dma_wait3A_158 : memref<1x128xi32, #tpu.memory_space<vmem>> -> memref<128xi32, #tpu.memory_space<vmem>>
        %dma_wait3A_160 = arith.constant 0 : i32
        %dma_wait3A_161 = arith.constant 0 : i32
        %dma_wait3A_162 = tpu.memref_slice %arg7[%dma_wait3A_160, %dma_wait3A_161] : memref<10016x128xf32, #tpu.memory_space<vmem_shared>> -> memref<10016x128xf32, #tpu.memory_space<vmem_shared>>
        tpu.wait_indirect_dma semaphore(%run_scoped3A_150 : memref<!tpu.dma_semaphore, #tpu.memory_space<semaphore_mem>>) src(%arg8 : memref<128x128xf32, #tpu.memory_space<vmem>>) dst(%dma_wait3A_162 : memref<10016x128xf32, #tpu.memory_space<vmem_shared>>)
        tpu.yield
      }) : () -> ()
      %add3A_126 = arith.constant 2 : i32
      %add3A_127 = arith.addi %mul3A_119, %add3A_126 : i32
      %dma_start3A_128 = arith.constant 0 : i32
      %dma_start3A_129 = tpu.memref_slice %arg10[%add3A_127, %dma_start3A_128] : memref<40x128xi32, #tpu.memory_space<vmem>> -> memref<1x128xi32, #tpu.memory_space<vmem>>
      %dma_start3A_130 = tpu.memref_squeeze %dma_start3A_129 : memref<1x128xi32, #tpu.memory_space<vmem>> -> memref<128xi32, #tpu.memory_space<vmem>>
      %dma_start3A_131 = arith.constant 0 : i32
      %dma_start3A_132 = arith.constant 0 : i32
      %dma_start3A_133 = tpu.memref_slice %arg2[%dma_start3A_131, %dma_start3A_132] : memref<10000x128xf32, #tpu.memory_space<hbm>> -> memref<10000x128xf32, #tpu.memory_space<hbm>>
      tpu.enqueue_indirect_dma source(%dma_start3A_133 : memref<10000x128xf32, #tpu.memory_space<hbm>>) target(%arg8 : memref<128x128xf32, #tpu.memory_space<vmem>>) offsets(%dma_start3A_130 : memref<128xi32, #tpu.memory_space<vmem>>) semaphore(%arg12 : memref<!tpu.dma_semaphore, #tpu.memory_space<semaphore_mem>>)
      %dma_wait3A_134 = arith.constant 0 : i32
      %dma_wait3A_135 = arith.constant 0 : i32
      %dma_wait3A_136 = tpu.memref_slice %arg2[%dma_wait3A_134, %dma_wait3A_135] : memref<10000x128xf32, #tpu.memory_space<hbm>> -> memref<128x128xf32, #tpu.memory_space<hbm>>
      %dma_wait3A_137 = arith.constant 0 : i32
      %dma_wait3A_138 = arith.constant 0 : i32
      %dma_wait3A_139 = tpu.memref_slice %arg2[%dma_wait3A_137, %dma_wait3A_138] : memref<10000x128xf32, #tpu.memory_space<hbm>> -> memref<128x128xf32, #tpu.memory_space<hbm>>
      tpu.wait_dma2 semaphore(%arg13 : memref<!tpu.dma_semaphore, #tpu.memory_space<semaphore_mem>>) src(%dma_wait3A_139 : memref<128x128xf32, #tpu.memory_space<hbm>>) dst(%arg9 : memref<128x128xf32, #tpu.memory_space<vmem>>)
      %add3A_140 = arith.constant 1 : i32
      %add3A_141 = arith.addi %mul3A_119, %add3A_140 : i32
      "tpu.region"() ({
        %run_scoped3A_150 = tpu.sem_alloc : memref<!tpu.dma_semaphore, #tpu.memory_space<semaphore_mem>>
        %dma_start3A_151 = arith.constant 0 : i32
        %dma_start3A_152 = tpu.memref_slice %arg11[%add3A_141, %dma_start3A_151] : memref<40x128xi32, #tpu.memory_space<vmem>> -> memref<1x128xi32, #tpu.memory_space<vmem>>
        %dma_start3A_153 = tpu.memref_squeeze %dma_start3A_152 : memref<1x128xi32, #tpu.memory_space<vmem>> -> memref<128xi32, #tpu.memory_space<vmem>>
        %dma_start3A_154 = arith.constant 0 : i32
        %dma_start3A_155 = arith.constant 0 : i32
        %dma_start3A_156 = tpu.memref_slice %arg7[%dma_start3A_154, %dma_start3A_155] : memref<10016x128xf32, #tpu.memory_space<vmem_shared>> -> memref<10016x128xf32, #tpu.memory_space<vmem_shared>>
        tpu.enqueue_indirect_dma source(%arg9 : memref<128x128xf32, #tpu.memory_space<vmem>>) target(%dma_start3A_156 : memref<10016x128xf32, #tpu.memory_space<vmem_shared>>) offsets(%dma_start3A_153 : memref<128xi32, #tpu.memory_space<vmem>>) semaphore(%run_scoped3A_150 : memref<!tpu.dma_semaphore, #tpu.memory_space<semaphore_mem>>) {add = true}
        %dma_wait3A_157 = arith.constant 0 : i32
        %dma_wait3A_158 = tpu.memref_slice %arg11[%add3A_141, %dma_wait3A_157] : memref<40x128xi32, #tpu.memory_space<vmem>> -> memref<1x128xi32, #tpu.memory_space<vmem>>
        %dma_wait3A_159 = tpu.memref_squeeze %dma_wait3A_158 : memref<1x128xi32, #tpu.memory_space<vmem>> -> memref<128xi32, #tpu.memory_space<vmem>>
        %dma_wait3A_160 = arith.constant 0 : i32
        %dma_wait3A_161 = arith.constant 0 : i32
        %dma_wait3A_162 = tpu.memref_slice %arg7[%dma_wait3A_160, %dma_wait3A_161] : memref<10016x128xf32, #tpu.memory_space<vmem_shared>> -> memref<10016x128xf32, #tpu.memory_space<vmem_shared>>
        tpu.wait_indirect_dma semaphore(%run_scoped3A_150 : memref<!tpu.dma_semaphore, #tpu.memory_space<semaphore_mem>>) src(%arg9 : memref<128x128xf32, #tpu.memory_space<vmem>>) dst(%dma_wait3A_162 : memref<10016x128xf32, #tpu.memory_space<vmem_shared>>)
        tpu.yield
      }) : () -> ()
      %add3A_142 = arith.constant 3 : i32
      %add3A_143 = arith.addi %mul3A_119, %add3A_142 : i32
      %dma_start3A_144 = arith.constant 0 : i32
      %dma_start3A_145 = tpu.memref_slice %arg10[%add3A_143, %dma_start3A_144] : memref<40x128xi32, #tpu.memory_space<vmem>> -> memref<1x128xi32, #tpu.memory_space<vmem>>
      %dma_start3A_146 = tpu.memref_squeeze %dma_start3A_145 : memref<1x128xi32, #tpu.memory_space<vmem>> -> memref<128xi32, #tpu.memory_space<vmem>>
      %dma_start3A_147 = arith.constant 0 : i32
      %dma_start3A_148 = arith.constant 0 : i32
      %dma_start3A_149 = tpu.memref_slice %arg2[%dma_start3A_147, %dma_start3A_148] : memref<10000x128xf32, #tpu.memory_space<hbm>> -> memref<10000x128xf32, #tpu.memory_space<hbm>>
      tpu.enqueue_indirect_dma source(%dma_start3A_149 : memref<10000x128xf32, #tpu.memory_space<hbm>>) target(%arg9 : memref<128x128xf32, #tpu.memory_space<vmem>>) offsets(%dma_start3A_146 : memref<128xi32, #tpu.memory_space<vmem>>) semaphore(%arg13 : memref<!tpu.dma_semaphore, #tpu.memory_space<semaphore_mem>>)
    }
    %scan3A_70 = arith.constant 19 : i32
    %dma_wait3A_71 = arith.constant 0 : i32
    %dma_wait3A_72 = arith.constant 0 : i32
    %dma_wait3A_73 = tpu.memref_slice %arg2[%dma_wait3A_71, %dma_wait3A_72] : memref<10000x128xf32, #tpu.memory_space<hbm>> -> memref<128x128xf32, #tpu.memory_space<hbm>>
    %dma_wait3A_74 = arith.constant 0 : i32
    %dma_wait3A_75 = arith.constant 0 : i32
    %dma_wait3A_76 = tpu.memref_slice %arg2[%dma_wait3A_74, %dma_wait3A_75] : memref<10000x128xf32, #tpu.memory_space<hbm>> -> memref<128x128xf32, #tpu.memory_space<hbm>>
    tpu.wait_dma2 semaphore(%arg12 : memref<!tpu.dma_semaphore, #tpu.memory_space<semaphore_mem>>) src(%dma_wait3A_76 : memref<128x128xf32, #tpu.memory_space<hbm>>) dst(%arg8 : memref<128x128xf32, #tpu.memory_space<vmem>>)
    %run_scoped3A_77 = arith.constant 38 : i32
    "tpu.region"() ({
      %run_scoped3A_117 = tpu.sem_alloc : memref<!tpu.dma_semaphore, #tpu.memory_space<semaphore_mem>>
      %dma_start3A_118 = arith.constant 0 : i32
      %dma_start3A_119 = tpu.memref_slice %arg11[%run_scoped3A_77, %dma_start3A_118] : memref<40x128xi32, #tpu.memory_space<vmem>> -> memref<1x128xi32, #tpu.memory_space<vmem>>
      %dma_start3A_120 = tpu.memref_squeeze %dma_start3A_119 : memref<1x128xi32, #tpu.memory_space<vmem>> -> memref<128xi32, #tpu.memory_space<vmem>>
      %dma_start3A_121 = arith.constant 0 : i32
      %dma_start3A_122 = arith.constant 0 : i32
      %dma_start3A_123 = tpu.memref_slice %arg7[%dma_start3A_121, %dma_start3A_122] : memref<10016x128xf32, #tpu.memory_space<vmem_shared>> -> memref<10016x128xf32, #tpu.memory_space<vmem_shared>>
      tpu.enqueue_indirect_dma source(%arg8 : memref<128x128xf32, #tpu.memory_space<vmem>>) target(%dma_start3A_123 : memref<10016x128xf32, #tpu.memory_space<vmem_shared>>) offsets(%dma_start3A_120 : memref<128xi32, #tpu.memory_space<vmem>>) semaphore(%run_scoped3A_117 : memref<!tpu.dma_semaphore, #tpu.memory_space<semaphore_mem>>) {add = true}
      %dma_wait3A_124 = arith.constant 0 : i32
      %dma_wait3A_125 = tpu.memref_slice %arg11[%run_scoped3A_77, %dma_wait3A_124] : memref<40x128xi32, #tpu.memory_space<vmem>> -> memref<1x128xi32, #tpu.memory_space<vmem>>
      %dma_wait3A_126 = tpu.memref_squeeze %dma_wait3A_125 : memref<1x128xi32, #tpu.memory_space<vmem>> -> memref<128xi32, #tpu.memory_space<vmem>>
      %dma_wait3A_127 = arith.constant 0 : i32
      %dma_wait3A_128 = arith.constant 0 : i32
      %dma_wait3A_129 = tpu.memref_slice %arg7[%dma_wait3A_127, %dma_wait3A_128] : memref<10016x128xf32, #tpu.memory_space<vmem_shared>> -> memref<10016x128xf32, #tpu.memory_space<vmem_shared>>
      tpu.wait_indirect_dma semaphore(%run_scoped3A_117 : memref<!tpu.dma_semaphore, #tpu.memory_space<semaphore_mem>>) src(%arg8 : memref<128x128xf32, #tpu.memory_space<vmem>>) dst(%dma_wait3A_129 : memref<10016x128xf32, #tpu.memory_space<vmem_shared>>)
      tpu.yield
    }) : () -> ()
    %dma_wait3A_78 = arith.constant 0 : i32
    %dma_wait3A_79 = arith.constant 0 : i32
    %dma_wait3A_80 = tpu.memref_slice %arg2[%dma_wait3A_78, %dma_wait3A_79] : memref<10000x128xf32, #tpu.memory_space<hbm>> -> memref<128x128xf32, #tpu.memory_space<hbm>>
    %dma_wait3A_81 = arith.constant 0 : i32
    %dma_wait3A_82 = arith.constant 0 : i32
    %dma_wait3A_83 = tpu.memref_slice %arg2[%dma_wait3A_81, %dma_wait3A_82] : memref<10000x128xf32, #tpu.memory_space<hbm>> -> memref<128x128xf32, #tpu.memory_space<hbm>>
    tpu.wait_dma2 semaphore(%arg13 : memref<!tpu.dma_semaphore, #tpu.memory_space<semaphore_mem>>) src(%dma_wait3A_83 : memref<128x128xf32, #tpu.memory_space<hbm>>) dst(%arg9 : memref<128x128xf32, #tpu.memory_space<vmem>>)
    %run_scoped3A_84 = arith.constant 39 : i32
    "tpu.region"() ({
      %run_scoped3A_117 = tpu.sem_alloc : memref<!tpu.dma_semaphore, #tpu.memory_space<semaphore_mem>>
      %dma_start3A_118 = arith.constant 0 : i32
      %dma_start3A_119 = tpu.memref_slice %arg11[%run_scoped3A_84, %dma_start3A_118] : memref<40x128xi32, #tpu.memory_space<vmem>> -> memref<1x128xi32, #tpu.memory_space<vmem>>
      %dma_start3A_120 = tpu.memref_squeeze %dma_start3A_119 : memref<1x128xi32, #tpu.memory_space<vmem>> -> memref<128xi32, #tpu.memory_space<vmem>>
      %dma_start3A_121 = arith.constant 0 : i32
      %dma_start3A_122 = arith.constant 0 : i32
      %dma_start3A_123 = tpu.memref_slice %arg7[%dma_start3A_121, %dma_start3A_122] : memref<10016x128xf32, #tpu.memory_space<vmem_shared>> -> memref<10016x128xf32, #tpu.memory_space<vmem_shared>>
      tpu.enqueue_indirect_dma source(%arg9 : memref<128x128xf32, #tpu.memory_space<vmem>>) target(%dma_start3A_123 : memref<10016x128xf32, #tpu.memory_space<vmem_shared>>) offsets(%dma_start3A_120 : memref<128xi32, #tpu.memory_space<vmem>>) semaphore(%run_scoped3A_117 : memref<!tpu.dma_semaphore, #tpu.memory_space<semaphore_mem>>) {add = true}
      %dma_wait3A_124 = arith.constant 0 : i32
      %dma_wait3A_125 = tpu.memref_slice %arg11[%run_scoped3A_84, %dma_wait3A_124] : memref<40x128xi32, #tpu.memory_space<vmem>> -> memref<1x128xi32, #tpu.memory_space<vmem>>
      %dma_wait3A_126 = tpu.memref_squeeze %dma_wait3A_125 : memref<1x128xi32, #tpu.memory_space<vmem>> -> memref<128xi32, #tpu.memory_space<vmem>>
      %dma_wait3A_127 = arith.constant 0 : i32
      %dma_wait3A_128 = arith.constant 0 : i32
      %dma_wait3A_129 = tpu.memref_slice %arg7[%dma_wait3A_127, %dma_wait3A_128] : memref<10016x128xf32, #tpu.memory_space<vmem_shared>> -> memref<10016x128xf32, #tpu.memory_space<vmem_shared>>
      tpu.wait_indirect_dma semaphore(%run_scoped3A_117 : memref<!tpu.dma_semaphore, #tpu.memory_space<semaphore_mem>>) src(%arg9 : memref<128x128xf32, #tpu.memory_space<vmem>>) dst(%dma_wait3A_129 : memref<10016x128xf32, #tpu.memory_space<vmem_shared>>)
      tpu.yield
    }) : () -> ()
    %barrier3A_85 = arith.constant 0 : index
    tpu.barrier barrier_id(%barrier3A_85)
    %eq3A_86 = arith.constant 0 : i32
    %eq3A_87 = arith.cmpi eq, %arg0, %eq3A_86 : i32
    %lt3A_88 = arith.constant 15 : i32
    %lt3A_89 = arith.cmpi slt, %arg1, %lt3A_88 : i32
    %and3A = arith.andi %eq3A_87, %lt3A_89 : i1
    %convert_element_type3A_90 = arith.extui %and3A : i1 to i32
    %cond3A_91 = arith.constant 0 : i32
    %cond3A_92 = arith.cmpi ne, %convert_element_type3A_90, %cond3A_91 : i32
    scf.if %cond3A_92 {
      "tpu.region"() ({
        %run_scoped3A_117 = tpu.sem_alloc : memref<!tpu.dma_semaphore, #tpu.memory_space<semaphore_mem>>
        %dma_start3A_118 = arith.constant 0 : i32
        %dma_start3A_119 = tpu.memref_slice %arg5[%mul3A_7, %dma_start3A_118] : memref<10000x128xf32, #tpu.memory_space<hbm>> -> memref<632x128xf32, #tpu.memory_space<hbm>>
        %dma_start3A_120 = arith.constant 0 : i32
        %dma_start3A_121 = tpu.memref_slice %arg7[%mul3A_7, %dma_start3A_120] : memref<10016x128xf32, #tpu.memory_space<vmem_shared>> -> memref<632x128xf32, #tpu.memory_space<vmem_shared>>
        tpu.enqueue_dma source(%dma_start3A_121 : memref<632x128xf32, #tpu.memory_space<vmem_shared>>) target(%dma_start3A_119 : memref<632x128xf32, #tpu.memory_space<hbm>>) target_semaphore(%run_scoped3A_117 : memref<!tpu.dma_semaphore, #tpu.memory_space<semaphore_mem>>)
        %dma_wait3A_122 = arith.constant 0 : i32
        %dma_wait3A_123 = tpu.memref_slice %arg5[%mul3A_7, %dma_wait3A_122] : memref<10000x128xf32, #tpu.memory_space<hbm>> -> memref<632x128xf32, #tpu.memory_space<hbm>>
        %dma_wait3A_124 = arith.constant 0 : i32
        %dma_wait3A_125 = tpu.memref_slice %arg7[%mul3A_7, %dma_wait3A_124] : memref<10016x128xf32, #tpu.memory_space<vmem_shared>> -> memref<632x128xf32, #tpu.memory_space<vmem_shared>>
        tpu.wait_dma2 semaphore(%run_scoped3A_117 : memref<!tpu.dma_semaphore, #tpu.memory_space<semaphore_mem>>) src(%dma_wait3A_125 : memref<632x128xf32, #tpu.memory_space<vmem_shared>>) dst(%dma_wait3A_123 : memref<632x128xf32, #tpu.memory_space<hbm>>)
        tpu.yield
      }) : () -> ()
    } else {
    }
    %eq3A_93 = arith.constant 0 : i32
    %eq3A_94 = arith.cmpi eq, %arg0, %eq3A_93 : i32
    %eq3A_95 = arith.constant 15 : i32
    %eq3A_96 = arith.cmpi eq, %arg1, %eq3A_95 : i32
    %and3A_97 = arith.andi %eq3A_94, %eq3A_96 : i1
    %convert_element_type3A_98 = arith.extui %and3A_97 : i1 to i32
    %cond3A_99 = arith.constant 0 : i32
    %cond3A_100 = arith.cmpi ne, %convert_element_type3A_98, %cond3A_99 : i32
    scf.if %cond3A_100 {
      "tpu.region"() ({
        %run_scoped3A_117 = tpu.sem_alloc : memref<!tpu.dma_semaphore, #tpu.memory_space<semaphore_mem>>
        %dma_start3A_118 = arith.constant 9480 : i32
        %dma_start3A_119 = arith.constant 0 : i32
        %dma_start3A_120 = tpu.memref_slice %arg5[%dma_start3A_118, %dma_start3A_119] : memref<10000x128xf32, #tpu.memory_space<hbm>> -> memref<520x128xf32, #tpu.memory_space<hbm>>
        %dma_start3A_121 = arith.constant 9480 : i32
        %dma_start3A_122 = arith.constant 0 : i32
        %dma_start3A_123 = tpu.memref_slice %arg7[%dma_start3A_121, %dma_start3A_122] : memref<10016x128xf32, #tpu.memory_space<vmem_shared>> -> memref<520x128xf32, #tpu.memory_space<vmem_shared>>
        tpu.enqueue_dma source(%dma_start3A_123 : memref<520x128xf32, #tpu.memory_space<vmem_shared>>) target(%dma_start3A_120 : memref<520x128xf32, #tpu.memory_space<hbm>>) target_semaphore(%run_scoped3A_117 : memref<!tpu.dma_semaphore, #tpu.memory_space<semaphore_mem>>)
        %dma_wait3A_124 = arith.constant 9480 : i32
        %dma_wait3A_125 = arith.constant 0 : i32
        %dma_wait3A_126 = tpu.memref_slice %arg5[%dma_wait3A_124, %dma_wait3A_125] : memref<10000x128xf32, #tpu.memory_space<hbm>> -> memref<520x128xf32, #tpu.memory_space<hbm>>
        %dma_wait3A_127 = arith.constant 9480 : i32
        %dma_wait3A_128 = arith.constant 0 : i32
        %dma_wait3A_129 = tpu.memref_slice %arg7[%dma_wait3A_127, %dma_wait3A_128] : memref<10016x128xf32, #tpu.memory_space<vmem_shared>> -> memref<520x128xf32, #tpu.memory_space<vmem_shared>>
        tpu.wait_dma2 semaphore(%run_scoped3A_117 : memref<!tpu.dma_semaphore, #tpu.memory_space<semaphore_mem>>) src(%dma_wait3A_129 : memref<520x128xf32, #tpu.memory_space<vmem_shared>>) dst(%dma_wait3A_126 : memref<520x128xf32, #tpu.memory_space<hbm>>)
        tpu.yield
      }) : () -> ()
    } else {
    }
    %eq3A_101 = arith.constant 1 : i32
    %eq3A_102 = arith.cmpi eq, %arg0, %eq3A_101 : i32
    %lt3A_103 = arith.constant 15 : i32
    %lt3A_104 = arith.cmpi slt, %arg1, %lt3A_103 : i32
    %and3A_105 = arith.andi %eq3A_102, %lt3A_104 : i1
    %convert_element_type3A_106 = arith.extui %and3A_105 : i1 to i32
    %cond3A_107 = arith.constant 0 : i32
    %cond3A_108 = arith.cmpi ne, %convert_element_type3A_106, %cond3A_107 : i32
    scf.if %cond3A_108 {
      "tpu.region"() ({
        %run_scoped3A_117 = tpu.sem_alloc : memref<!tpu.dma_semaphore, #tpu.memory_space<semaphore_mem>>
        %dma_start3A_118 = arith.constant 0 : i32
        %dma_start3A_119 = tpu.memref_slice %arg6[%mul3A_7, %dma_start3A_118] : memref<10000x128xf32, #tpu.memory_space<hbm>> -> memref<632x128xf32, #tpu.memory_space<hbm>>
        %dma_start3A_120 = arith.constant 0 : i32
        %dma_start3A_121 = tpu.memref_slice %arg7[%mul3A_7, %dma_start3A_120] : memref<10016x128xf32, #tpu.memory_space<vmem_shared>> -> memref<632x128xf32, #tpu.memory_space<vmem_shared>>
        tpu.enqueue_dma source(%dma_start3A_121 : memref<632x128xf32, #tpu.memory_space<vmem_shared>>) target(%dma_start3A_119 : memref<632x128xf32, #tpu.memory_space<hbm>>) target_semaphore(%run_scoped3A_117 : memref<!tpu.dma_semaphore, #tpu.memory_space<semaphore_mem>>)
        %dma_wait3A_122 = arith.constant 0 : i32
        %dma_wait3A_123 = tpu.memref_slice %arg6[%mul3A_7, %dma_wait3A_122] : memref<10000x128xf32, #tpu.memory_space<hbm>> -> memref<632x128xf32, #tpu.memory_space<hbm>>
        %dma_wait3A_124 = arith.constant 0 : i32
        %dma_wait3A_125 = tpu.memref_slice %arg7[%mul3A_7, %dma_wait3A_124] : memref<10016x128xf32, #tpu.memory_space<vmem_shared>> -> memref<632x128xf32, #tpu.memory_space<vmem_shared>>
        tpu.wait_dma2 semaphore(%run_scoped3A_117 : memref<!tpu.dma_semaphore, #tpu.memory_space<semaphore_mem>>) src(%dma_wait3A_125 : memref<632x128xf32, #tpu.memory_space<vmem_shared>>) dst(%dma_wait3A_123 : memref<632x128xf32, #tpu.memory_space<hbm>>)
        tpu.yield
      }) : () -> ()
    } else {
    }
    %eq3A_109 = arith.constant 1 : i32
    %eq3A_110 = arith.cmpi eq, %arg0, %eq3A_109 : i32
    %eq3A_111 = arith.constant 15 : i32
    %eq3A_112 = arith.cmpi eq, %arg1, %eq3A_111 : i32
    %and3A_113 = arith.andi %eq3A_110, %eq3A_112 : i1
    %convert_element_type3A_114 = arith.extui %and3A_113 : i1 to i32
    %cond3A_115 = arith.constant 0 : i32
    %cond3A_116 = arith.cmpi ne, %convert_element_type3A_114, %cond3A_115 : i32
    scf.if %cond3A_116 {
      "tpu.region"() ({
        %run_scoped3A_117 = tpu.sem_alloc : memref<!tpu.dma_semaphore, #tpu.memory_space<semaphore_mem>>
        %dma_start3A_118 = arith.constant 9480 : i32
        %dma_start3A_119 = arith.constant 0 : i32
        %dma_start3A_120 = tpu.memref_slice %arg6[%dma_start3A_118, %dma_start3A_119] : memref<10000x128xf32, #tpu.memory_space<hbm>> -> memref<520x128xf32, #tpu.memory_space<hbm>>
        %dma_start3A_121 = arith.constant 9480 : i32
        %dma_start3A_122 = arith.constant 0 : i32
        %dma_start3A_123 = tpu.memref_slice %arg7[%dma_start3A_121, %dma_start3A_122] : memref<10016x128xf32, #tpu.memory_space<vmem_shared>> -> memref<520x128xf32, #tpu.memory_space<vmem_shared>>
        tpu.enqueue_dma source(%dma_start3A_123 : memref<520x128xf32, #tpu.memory_space<vmem_shared>>) target(%dma_start3A_120 : memref<520x128xf32, #tpu.memory_space<hbm>>) target_semaphore(%run_scoped3A_117 : memref<!tpu.dma_semaphore, #tpu.memory_space<semaphore_mem>>)
        %dma_wait3A_124 = arith.constant 9480 : i32
        %dma_wait3A_125 = arith.constant 0 : i32
        %dma_wait3A_126 = tpu.memref_slice %arg6[%dma_wait3A_124, %dma_wait3A_125] : memref<10000x128xf32, #tpu.memory_space<hbm>> -> memref<520x128xf32, #tpu.memory_space<hbm>>
        %dma_wait3A_127 = arith.constant 9480 : i32
        %dma_wait3A_128 = arith.constant 0 : i32
        %dma_wait3A_129 = tpu.memref_slice %arg7[%dma_wait3A_127, %dma_wait3A_128] : memref<10016x128xf32, #tpu.memory_space<vmem_shared>> -> memref<520x128xf32, #tpu.memory_space<vmem_shared>>
        tpu.wait_dma2 semaphore(%run_scoped3A_117 : memref<!tpu.dma_semaphore, #tpu.memory_space<semaphore_mem>>) src(%dma_wait3A_129 : memref<520x128xf32, #tpu.memory_space<vmem_shared>>) dst(%dma_wait3A_126 : memref<520x128xf32, #tpu.memory_space<hbm>>)
        tpu.yield
      }) : () -> ()
    } else {
    }
    return
  }
}

#map = affine_map<(d0, d1) -> (0, 0)>
module attributes {stable_mosaic.version = 14 : i64} {
  func.func @_agg_body(%arg0: i32, %arg1: i32, %arg2: memref<10000x128xf32, #tpu.memory_space<hbm>>, %arg3: memref<2560x128xi32, #tpu.memory_space<hbm>>, %arg4: memref<2560x128xi32, #tpu.memory_space<hbm>>, %arg5: memref<10000x128xf32, #tpu.memory_space<hbm>>, %arg6: memref<10000x128xf32, #tpu.memory_space<hbm>>, %arg7: memref<10016x128xf32, #tpu.memory_space<vmem_shared>>, %arg8: memref<128x128xf32, #tpu.memory_space<vmem>>, %arg9: memref<128x128xf32, #tpu.memory_space<vmem>>, %arg10: memref<40x128xi32, #tpu.memory_space<vmem>>, %arg11: memref<40x128xi32, #tpu.memory_space<vmem>>, %arg12: memref<!tpu.dma_semaphore, #tpu.memory_space<semaphore_mem>>, %arg13: memref<!tpu.dma_semaphore, #tpu.memory_space<semaphore_mem>>) attributes {dimension_semantics = [#tpu.dimension_semantics<core_parallel>, #tpu.dimension_semantics<subcore_parallel>], iteration_bounds = array<i64: 2, 16>, scalar_prefetch = 0 : i64, scratch_operands = 7 : i64, tpu.core_type = #tpu.core_type<sc_vector_subcore>, window_params = [{transform_indices = #map}, {transform_indices = #map}, {transform_indices = #map}, {transform_indices = #map}, {transform_indices = #map}]} {
    %mul3A = arith.constant 2 : i32
    %mul3A_0 = arith.muli %arg1, %mul3A : i32
    %add3A = arith.addi %mul3A_0, %arg0 : i32
    %scan3A = arith.constant 0 : i32
    %scan3A_1 = arith.constant 0 : i32
    %scan3A_2 = arith.constant 128 : i32
    %scan3A_3 = arith.addi %scan3A_1, %scan3A_2 : i32
    %scan3A_4 = arith.constant 1 : i32
    scf.for %scan3A_117 = %scan3A_1 to %scan3A_3 step %scan3A_4  : i32 {
      %broadcast_in_dim3A = arith.constant 0.000000e+00 : f32
      %broadcast_in_dim3A_118 = vector.broadcast %broadcast_in_dim3A : f32 to vector<16xf32>
      %swap3A = arith.index_cast %scan3A_117 : i32 to index
      %swap3A_119 = arith.constant 0 : index
      %swap3A_120 = tpu.vector_load %arg8[%swap3A, %swap3A_119] {strides = array<i32>} : memref<128x128xf32, #tpu.memory_space<vmem>>, vector<1x16xf32>,
      %swap3A_121 = vector.shape_cast %swap3A_120 : vector<1x16xf32> to vector<16xf32>
      %swap3A_122 = vector.shape_cast %broadcast_in_dim3A_118 : vector<16xf32> to vector<1x16xf32>
      tpu.vector_store %arg8[%swap3A, %swap3A_119], %swap3A_122 {strides = array<i32>} : memref<128x128xf32, #tpu.memory_space<vmem>>, vector<1x16xf32>,
      %broadcast_in_dim3A_123 = arith.constant 0.000000e+00 : f32
      %broadcast_in_dim3A_124 = vector.broadcast %broadcast_in_dim3A_123 : f32 to vector<16xf32>
      %swap3A_125 = arith.index_cast %scan3A_117 : i32 to index
      %swap3A_126 = arith.constant 16 : index
      %swap3A_127 = tpu.vector_load %arg8[%swap3A_125, %swap3A_126] {strides = array<i32>} : memref<128x128xf32, #tpu.memory_space<vmem>>, vector<1x16xf32>,
      %swap3A_128 = vector.shape_cast %swap3A_127 : vector<1x16xf32> to vector<16xf32>
      %swap3A_129 = vector.shape_cast %broadcast_in_dim3A_124 : vector<16xf32> to vector<1x16xf32>
      tpu.vector_store %arg8[%swap3A_125, %swap3A_126], %swap3A_129 {strides = array<i32>} : memref<128x128xf32, #tpu.memory_space<vmem>>, vector<1x16xf32>,
      %broadcast_in_dim3A_130 = arith.constant 0.000000e+00 : f32
      %broadcast_in_dim3A_131 = vector.broadcast %broadcast_in_dim3A_130 : f32 to vector<16xf32>
      %swap3A_132 = arith.index_cast %scan3A_117 : i32 to index
      %swap3A_133 = arith.constant 32 : index
      %swap3A_134 = tpu.vector_load %arg8[%swap3A_132, %swap3A_133] {strides = array<i32>} : memref<128x128xf32, #tpu.memory_space<vmem>>, vector<1x16xf32>,
      %swap3A_135 = vector.shape_cast %swap3A_134 : vector<1x16xf32> to vector<16xf32>
      %swap3A_136 = vector.shape_cast %broadcast_in_dim3A_131 : vector<16xf32> to vector<1x16xf32>
      tpu.vector_store %arg8[%swap3A_132, %swap3A_133], %swap3A_136 {strides = array<i32>} : memref<128x128xf32, #tpu.memory_space<vmem>>, vector<1x16xf32>,
      %broadcast_in_dim3A_137 = arith.constant 0.000000e+00 : f32
      %broadcast_in_dim3A_138 = vector.broadcast %broadcast_in_dim3A_137 : f32 to vector<16xf32>
      %swap3A_139 = arith.index_cast %scan3A_117 : i32 to index
      %swap3A_140 = arith.constant 48 : index
      %swap3A_141 = tpu.vector_load %arg8[%swap3A_139, %swap3A_140] {strides = array<i32>} : memref<128x128xf32, #tpu.memory_space<vmem>>, vector<1x16xf32>,
      %swap3A_142 = vector.shape_cast %swap3A_141 : vector<1x16xf32> to vector<16xf32>
      %swap3A_143 = vector.shape_cast %broadcast_in_dim3A_138 : vector<16xf32> to vector<1x16xf32>
      tpu.vector_store %arg8[%swap3A_139, %swap3A_140], %swap3A_143 {strides = array<i32>} : memref<128x128xf32, #tpu.memory_space<vmem>>, vector<1x16xf32>,
      %broadcast_in_dim3A_144 = arith.constant 0.000000e+00 : f32
      %broadcast_in_dim3A_145 = vector.broadcast %broadcast_in_dim3A_144 : f32 to vector<16xf32>
      %swap3A_146 = arith.index_cast %scan3A_117 : i32 to index
      %swap3A_147 = arith.constant 64 : index
      %swap3A_148 = tpu.vector_load %arg8[%swap3A_146, %swap3A_147] {strides = array<i32>} : memref<128x128xf32, #tpu.memory_space<vmem>>, vector<1x16xf32>,
      %swap3A_149 = vector.shape_cast %swap3A_148 : vector<1x16xf32> to vector<16xf32>
      %swap3A_150 = vector.shape_cast %broadcast_in_dim3A_145 : vector<16xf32> to vector<1x16xf32>
      tpu.vector_store %arg8[%swap3A_146, %swap3A_147], %swap3A_150 {strides = array<i32>} : memref<128x128xf32, #tpu.memory_space<vmem>>, vector<1x16xf32>,
      %broadcast_in_dim3A_151 = arith.constant 0.000000e+00 : f32
      %broadcast_in_dim3A_152 = vector.broadcast %broadcast_in_dim3A_151 : f32 to vector<16xf32>
      %swap3A_153 = arith.index_cast %scan3A_117 : i32 to index
      %swap3A_154 = arith.constant 80 : index
      %swap3A_155 = tpu.vector_load %arg8[%swap3A_153, %swap3A_154] {strides = array<i32>} : memref<128x128xf32, #tpu.memory_space<vmem>>, vector<1x16xf32>,
      %swap3A_156 = vector.shape_cast %swap3A_155 : vector<1x16xf32> to vector<16xf32>
      %swap3A_157 = vector.shape_cast %broadcast_in_dim3A_152 : vector<16xf32> to vector<1x16xf32>
      tpu.vector_store %arg8[%swap3A_153, %swap3A_154], %swap3A_157 {strides = array<i32>} : memref<128x128xf32, #tpu.memory_space<vmem>>, vector<1x16xf32>,
      %broadcast_in_dim3A_158 = arith.constant 0.000000e+00 : f32
      %broadcast_in_dim3A_159 = vector.broadcast %broadcast_in_dim3A_158 : f32 to vector<16xf32>
      %swap3A_160 = arith.index_cast %scan3A_117 : i32 to index
      %swap3A_161 = arith.constant 96 : index
      %swap3A_162 = tpu.vector_load %arg8[%swap3A_160, %swap3A_161] {strides = array<i32>} : memref<128x128xf32, #tpu.memory_space<vmem>>, vector<1x16xf32>,
      %swap3A_163 = vector.shape_cast %swap3A_162 : vector<1x16xf32> to vector<16xf32>
      %swap3A_164 = vector.shape_cast %broadcast_in_dim3A_159 : vector<16xf32> to vector<1x16xf32>
      tpu.vector_store %arg8[%swap3A_160, %swap3A_161], %swap3A_164 {strides = array<i32>} : memref<128x128xf32, #tpu.memory_space<vmem>>, vector<1x16xf32>,
      %broadcast_in_dim3A_165 = arith.constant 0.000000e+00 : f32
      %broadcast_in_dim3A_166 = vector.broadcast %broadcast_in_dim3A_165 : f32 to vector<16xf32>
      %swap3A_167 = arith.index_cast %scan3A_117 : i32 to index
      %swap3A_168 = arith.constant 112 : index
      %swap3A_169 = tpu.vector_load %arg8[%swap3A_167, %swap3A_168] {strides = array<i32>} : memref<128x128xf32, #tpu.memory_space<vmem>>, vector<1x16xf32>,
      %swap3A_170 = vector.shape_cast %swap3A_169 : vector<1x16xf32> to vector<16xf32>
      %swap3A_171 = vector.shape_cast %broadcast_in_dim3A_166 : vector<16xf32> to vector<1x16xf32>
      tpu.vector_store %arg8[%swap3A_167, %swap3A_168], %swap3A_171 {strides = array<i32>} : memref<128x128xf32, #tpu.memory_space<vmem>>, vector<1x16xf32>,
    }
    %scan3A_5 = arith.constant 128 : i32
    %mul3A_6 = arith.constant 632 : i32
    %mul3A_7 = arith.muli %arg1, %mul3A_6 : i32
    %lt3A = arith.constant 15 : i32
    %lt3A_8 = arith.cmpi slt, %arg1, %lt3A : i32
    %convert_element_type3A = arith.extui %lt3A_8 : i1 to i32
    %cond3A = arith.constant 0 : i32
    %cond3A_9 = arith.cmpi ne, %convert_element_type3A, %cond3A : i32
    scf.if %cond3A_9 {
      %add3A_117 = arith.constant 0 : i32
      %add3A_118 = arith.addi %mul3A_7, %add3A_117 : i32
      "tpu.region"() ({
        %run_scoped3A_127 = tpu.sem_alloc : memref<!tpu.dma_semaphore, #tpu.memory_space<semaphore_mem>>
        %dma_start3A_128 = arith.constant 0 : i32
        %dma_start3A_129 = tpu.memref_slice %arg7[%add3A_118, %dma_start3A_128] : memref<10016x128xf32, #tpu.memory_space<vmem_shared>> -> memref<128x128xf32, #tpu.memory_space<vmem_shared>>
        %dma_start3A_130 = arith.constant 0 : i32
        %dma_start3A_131 = tpu.memref_slice %arg7[%add3A_118, %dma_start3A_130] : memref<10016x128xf32, #tpu.memory_space<vmem_shared>> -> memref<128x128xf32, #tpu.memory_space<vmem_shared>>
        tpu.enqueue_dma source(%arg8 : memref<128x128xf32, #tpu.memory_space<vmem>>) target(%dma_start3A_131 : memref<128x128xf32, #tpu.memory_space<vmem_shared>>) target_semaphore(%run_scoped3A_127 : memref<!tpu.dma_semaphore, #tpu.memory_space<semaphore_mem>>)
        %dma_wait3A_132 = arith.constant 0 : i32
        %dma_wait3A_133 = tpu.memref_slice %arg7[%add3A_118, %dma_wait3A_132] : memref<10016x128xf32, #tpu.memory_space<vmem_shared>> -> memref<128x128xf32, #tpu.memory_space<vmem_shared>>
        %dma_wait3A_134 = arith.constant 0 : i32
        %dma_wait3A_135 = tpu.memref_slice %arg7[%add3A_118, %dma_wait3A_134] : memref<10016x128xf32, #tpu.memory_space<vmem_shared>> -> memref<128x128xf32, #tpu.memory_space<vmem_shared>>
        tpu.wait_dma2 semaphore(%run_scoped3A_127 : memref<!tpu.dma_semaphore, #tpu.memory_space<semaphore_mem>>) src(%arg8 : memref<128x128xf32, #tpu.memory_space<vmem>>) dst(%dma_wait3A_135 : memref<128x128xf32, #tpu.memory_space<vmem_shared>>)
        tpu.yield
      }) : () -> ()
      %add3A_119 = arith.constant 128 : i32
      %add3A_120 = arith.addi %mul3A_7, %add3A_119 : i32
      "tpu.region"() ({
        %run_scoped3A_127 = tpu.sem_alloc : memref<!tpu.dma_semaphore, #tpu.memory_space<semaphore_mem>>
        %dma_start3A_128 = arith.constant 0 : i32
        %dma_start3A_129 = tpu.memref_slice %arg7[%add3A_120, %dma_start3A_128] : memref<10016x128xf32, #tpu.memory_space<vmem_shared>> -> memref<128x128xf32, #tpu.memory_space<vmem_shared>>
        %dma_start3A_130 = arith.constant 0 : i32
        %dma_start3A_131 = tpu.memref_slice %arg7[%add3A_120, %dma_start3A_130] : memref<10016x128xf32, #tpu.memory_space<vmem_shared>> -> memref<128x128xf32, #tpu.memory_space<vmem_shared>>
        tpu.enqueue_dma source(%arg8 : memref<128x128xf32, #tpu.memory_space<vmem>>) target(%dma_start3A_131 : memref<128x128xf32, #tpu.memory_space<vmem_shared>>) target_semaphore(%run_scoped3A_127 : memref<!tpu.dma_semaphore, #tpu.memory_space<semaphore_mem>>)
        %dma_wait3A_132 = arith.constant 0 : i32
        %dma_wait3A_133 = tpu.memref_slice %arg7[%add3A_120, %dma_wait3A_132] : memref<10016x128xf32, #tpu.memory_space<vmem_shared>> -> memref<128x128xf32, #tpu.memory_space<vmem_shared>>
        %dma_wait3A_134 = arith.constant 0 : i32
        %dma_wait3A_135 = tpu.memref_slice %arg7[%add3A_120, %dma_wait3A_134] : memref<10016x128xf32, #tpu.memory_space<vmem_shared>> -> memref<128x128xf32, #tpu.memory_space<vmem_shared>>
        tpu.wait_dma2 semaphore(%run_scoped3A_127 : memref<!tpu.dma_semaphore, #tpu.memory_space<semaphore_mem>>) src(%arg8 : memref<128x128xf32, #tpu.memory_space<vmem>>) dst(%dma_wait3A_135 : memref<128x128xf32, #tpu.memory_space<vmem_shared>>)
        tpu.yield
      }) : () -> ()
      %add3A_121 = arith.constant 256 : i32
      %add3A_122 = arith.addi %mul3A_7, %add3A_121 : i32
      "tpu.region"() ({
        %run_scoped3A_127 = tpu.sem_alloc : memref<!tpu.dma_semaphore, #tpu.memory_space<semaphore_mem>>
        %dma_start3A_128 = arith.constant 0 : i32
        %dma_start3A_129 = tpu.memref_slice %arg7[%add3A_122, %dma_start3A_128] : memref<10016x128xf32, #tpu.memory_space<vmem_shared>> -> memref<128x128xf32, #tpu.memory_space<vmem_shared>>
        %dma_start3A_130 = arith.constant 0 : i32
        %dma_start3A_131 = tpu.memref_slice %arg7[%add3A_122, %dma_start3A_130] : memref<10016x128xf32, #tpu.memory_space<vmem_shared>> -> memref<128x128xf32, #tpu.memory_space<vmem_shared>>
        tpu.enqueue_dma source(%arg8 : memref<128x128xf32, #tpu.memory_space<vmem>>) target(%dma_start3A_131 : memref<128x128xf32, #tpu.memory_space<vmem_shared>>) target_semaphore(%run_scoped3A_127 : memref<!tpu.dma_semaphore, #tpu.memory_space<semaphore_mem>>)
        %dma_wait3A_132 = arith.constant 0 : i32
        %dma_wait3A_133 = tpu.memref_slice %arg7[%add3A_122, %dma_wait3A_132] : memref<10016x128xf32, #tpu.memory_space<vmem_shared>> -> memref<128x128xf32, #tpu.memory_space<vmem_shared>>
        %dma_wait3A_134 = arith.constant 0 : i32
        %dma_wait3A_135 = tpu.memref_slice %arg7[%add3A_122, %dma_wait3A_134] : memref<10016x128xf32, #tpu.memory_space<vmem_shared>> -> memref<128x128xf32, #tpu.memory_space<vmem_shared>>
        tpu.wait_dma2 semaphore(%run_scoped3A_127 : memref<!tpu.dma_semaphore, #tpu.memory_space<semaphore_mem>>) src(%arg8 : memref<128x128xf32, #tpu.memory_space<vmem>>) dst(%dma_wait3A_135 : memref<128x128xf32, #tpu.memory_space<vmem_shared>>)
        tpu.yield
      }) : () -> ()
      %add3A_123 = arith.constant 384 : i32
      %add3A_124 = arith.addi %mul3A_7, %add3A_123 : i32
      "tpu.region"() ({
        %run_scoped3A_127 = tpu.sem_alloc : memref<!tpu.dma_semaphore, #tpu.memory_space<semaphore_mem>>
        %dma_start3A_128 = arith.constant 0 : i32
        %dma_start3A_129 = tpu.memref_slice %arg7[%add3A_124, %dma_start3A_128] : memref<10016x128xf32, #tpu.memory_space<vmem_shared>> -> memref<128x128xf32, #tpu.memory_space<vmem_shared>>
        %dma_start3A_130 = arith.constant 0 : i32
        %dma_start3A_131 = tpu.memref_slice %arg7[%add3A_124, %dma_start3A_130] : memref<10016x128xf32, #tpu.memory_space<vmem_shared>> -> memref<128x128xf32, #tpu.memory_space<vmem_shared>>
        tpu.enqueue_dma source(%arg8 : memref<128x128xf32, #tpu.memory_space<vmem>>) target(%dma_start3A_131 : memref<128x128xf32, #tpu.memory_space<vmem_shared>>) target_semaphore(%run_scoped3A_127 : memref<!tpu.dma_semaphore, #tpu.memory_space<semaphore_mem>>)
        %dma_wait3A_132 = arith.constant 0 : i32
        %dma_wait3A_133 = tpu.memref_slice %arg7[%add3A_124, %dma_wait3A_132] : memref<10016x128xf32, #tpu.memory_space<vmem_shared>> -> memref<128x128xf32, #tpu.memory_space<vmem_shared>>
        %dma_wait3A_134 = arith.constant 0 : i32
        %dma_wait3A_135 = tpu.memref_slice %arg7[%add3A_124, %dma_wait3A_134] : memref<10016x128xf32, #tpu.memory_space<vmem_shared>> -> memref<128x128xf32, #tpu.memory_space<vmem_shared>>
        tpu.wait_dma2 semaphore(%run_scoped3A_127 : memref<!tpu.dma_semaphore, #tpu.memory_space<semaphore_mem>>) src(%arg8 : memref<128x128xf32, #tpu.memory_space<vmem>>) dst(%dma_wait3A_135 : memref<128x128xf32, #tpu.memory_space<vmem_shared>>)
        tpu.yield
      }) : () -> ()
      %add3A_125 = arith.constant 512 : i32
      %add3A_126 = arith.addi %mul3A_7, %add3A_125 : i32
      "tpu.region"() ({
        %run_scoped3A_127 = tpu.sem_alloc : memref<!tpu.dma_semaphore, #tpu.memory_space<semaphore_mem>>
        %dma_start3A_128 = arith.constant 0 : i32
        %dma_start3A_129 = arith.constant 0 : i32
        %dma_start3A_130 = tpu.memref_slice %arg8[%dma_start3A_128, %dma_start3A_129] : memref<128x128xf32, #tpu.memory_space<vmem>> -> memref<120x128xf32, #tpu.memory_space<vmem>>
        %dma_start3A_131 = arith.constant 0 : i32
        %dma_start3A_132 = tpu.memref_slice %arg7[%add3A_126, %dma_start3A_131] : memref<10016x128xf32, #tpu.memory_space<vmem_shared>> -> memref<120x128xf32, #tpu.memory_space<vmem_shared>>
        %dma_start3A_133 = arith.constant 0 : i32
        %dma_start3A_134 = tpu.memref_slice %arg7[%add3A_126, %dma_start3A_133] : memref<10016x128xf32, #tpu.memory_space<vmem_shared>> -> memref<120x128xf32, #tpu.memory_space<vmem_shared>>
        %dma_start3A_135 = arith.constant 0 : i32
        %dma_start3A_136 = arith.constant 0 : i32
        %dma_start3A_137 = tpu.memref_slice %arg8[%dma_start3A_135, %dma_start3A_136] : memref<128x128xf32, #tpu.memory_space<vmem>> -> memref<120x128xf32, #tpu.memory_space<vmem>>
        tpu.enqueue_dma source(%dma_start3A_137 : memref<120x128xf32, #tpu.memory_space<vmem>>) target(%dma_start3A_134 : memref<120x128xf32, #tpu.memory_space<vmem_shared>>) target_semaphore(%run_scoped3A_127 : memref<!tpu.dma_semaphore, #tpu.memory_space<semaphore_mem>>)
        %dma_wait3A_138 = arith.constant 0 : i32
        %dma_wait3A_139 = arith.constant 0 : i32
        %dma_wait3A_140 = tpu.memref_slice %arg8[%dma_wait3A_138, %dma_wait3A_139] : memref<128x128xf32, #tpu.memory_space<vmem>> -> memref<120x128xf32, #tpu.memory_space<vmem>>
        %dma_wait3A_141 = arith.constant 0 : i32
        %dma_wait3A_142 = tpu.memref_slice %arg7[%add3A_126, %dma_wait3A_141] : memref<10016x128xf32, #tpu.memory_space<vmem_shared>> -> memref<120x128xf32, #tpu.memory_space<vmem_shared>>
        %dma_wait3A_143 = arith.constant 0 : i32
        %dma_wait3A_144 = tpu.memref_slice %arg7[%add3A_126, %dma_wait3A_143] : memref<10016x128xf32, #tpu.memory_space<vmem_shared>> -> memref<120x128xf32, #tpu.memory_space<vmem_shared>>
        %dma_wait3A_145 = arith.constant 0 : i32
        %dma_wait3A_146 = arith.constant 0 : i32
        %dma_wait3A_147 = tpu.memref_slice %arg8[%dma_wait3A_145, %dma_wait3A_146] : memref<128x128xf32, #tpu.memory_space<vmem>> -> memref<120x128xf32, #tpu.memory_space<vmem>>
        tpu.wait_dma2 semaphore(%run_scoped3A_127 : memref<!tpu.dma_semaphore, #tpu.memory_space<semaphore_mem>>) src(%dma_wait3A_147 : memref<120x128xf32, #tpu.memory_space<vmem>>) dst(%dma_wait3A_144 : memref<120x128xf32, #tpu.memory_space<vmem_shared>>)
        tpu.yield
      }) : () -> ()
    } else {
    }
    %eq3A = arith.constant 15 : i32
    %eq3A_10 = arith.cmpi eq, %arg1, %eq3A : i32
    %convert_element_type3A_11 = arith.extui %eq3A_10 : i1 to i32
    %cond3A_12 = arith.constant 0 : i32
    %cond3A_13 = arith.cmpi ne, %convert_element_type3A_11, %cond3A_12 : i32
    scf.if %cond3A_13 {
      "tpu.region"() ({
        %run_scoped3A_117 = tpu.sem_alloc : memref<!tpu.dma_semaphore, #tpu.memory_space<semaphore_mem>>
        %dma_start3A_118 = arith.constant 9480 : i32
        %dma_start3A_119 = arith.constant 0 : i32
        %dma_start3A_120 = tpu.memref_slice %arg7[%dma_start3A_118, %dma_start3A_119] : memref<10016x128xf32, #tpu.memory_space<vmem_shared>> -> memref<128x128xf32, #tpu.memory_space<vmem_shared>>
        %dma_start3A_121 = arith.constant 9480 : i32
        %dma_start3A_122 = arith.constant 0 : i32
        %dma_start3A_123 = tpu.memref_slice %arg7[%dma_start3A_121, %dma_start3A_122] : memref<10016x128xf32, #tpu.memory_space<vmem_shared>> -> memref<128x128xf32, #tpu.memory_space<vmem_shared>>
        tpu.enqueue_dma source(%arg8 : memref<128x128xf32, #tpu.memory_space<vmem>>) target(%dma_start3A_123 : memref<128x128xf32, #tpu.memory_space<vmem_shared>>) target_semaphore(%run_scoped3A_117 : memref<!tpu.dma_semaphore, #tpu.memory_space<semaphore_mem>>)
        %dma_wait3A_124 = arith.constant 9480 : i32
        %dma_wait3A_125 = arith.constant 0 : i32
        %dma_wait3A_126 = tpu.memref_slice %arg7[%dma_wait3A_124, %dma_wait3A_125] : memref<10016x128xf32, #tpu.memory_space<vmem_shared>> -> memref<128x128xf32, #tpu.memory_space<vmem_shared>>
        %dma_wait3A_127 = arith.constant 9480 : i32
        %dma_wait3A_128 = arith.constant 0 : i32
        %dma_wait3A_129 = tpu.memref_slice %arg7[%dma_wait3A_127, %dma_wait3A_128] : memref<10016x128xf32, #tpu.memory_space<vmem_shared>> -> memref<128x128xf32, #tpu.memory_space<vmem_shared>>
        tpu.wait_dma2 semaphore(%run_scoped3A_117 : memref<!tpu.dma_semaphore, #tpu.memory_space<semaphore_mem>>) src(%arg8 : memref<128x128xf32, #tpu.memory_space<vmem>>) dst(%dma_wait3A_129 : memref<128x128xf32, #tpu.memory_space<vmem_shared>>)
        tpu.yield
      }) : () -> ()
      "tpu.region"() ({
        %run_scoped3A_117 = tpu.sem_alloc : memref<!tpu.dma_semaphore, #tpu.memory_space<semaphore_mem>>
        %dma_start3A_118 = arith.constant 9608 : i32
        %dma_start3A_119 = arith.constant 0 : i32
        %dma_start3A_120 = tpu.memref_slice %arg7[%dma_start3A_118, %dma_start3A_119] : memref<10016x128xf32, #tpu.memory_space<vmem_shared>> -> memref<128x128xf32, #tpu.memory_space<vmem_shared>>
        %dma_start3A_121 = arith.constant 9608 : i32
        %dma_start3A_122 = arith.constant 0 : i32
        %dma_start3A_123 = tpu.memref_slice %arg7[%dma_start3A_121, %dma_start3A_122] : memref<10016x128xf32, #tpu.memory_space<vmem_shared>> -> memref<128x128xf32, #tpu.memory_space<vmem_shared>>
        tpu.enqueue_dma source(%arg8 : memref<128x128xf32, #tpu.memory_space<vmem>>) target(%dma_start3A_123 : memref<128x128xf32, #tpu.memory_space<vmem_shared>>) target_semaphore(%run_scoped3A_117 : memref<!tpu.dma_semaphore, #tpu.memory_space<semaphore_mem>>)
        %dma_wait3A_124 = arith.constant 9608 : i32
        %dma_wait3A_125 = arith.constant 0 : i32
        %dma_wait3A_126 = tpu.memref_slice %arg7[%dma_wait3A_124, %dma_wait3A_125] : memref<10016x128xf32, #tpu.memory_space<vmem_shared>> -> memref<128x128xf32, #tpu.memory_space<vmem_shared>>
        %dma_wait3A_127 = arith.constant 9608 : i32
        %dma_wait3A_128 = arith.constant 0 : i32
        %dma_wait3A_129 = tpu.memref_slice %arg7[%dma_wait3A_127, %dma_wait3A_128] : memref<10016x128xf32, #tpu.memory_space<vmem_shared>> -> memref<128x128xf32, #tpu.memory_space<vmem_shared>>
        tpu.wait_dma2 semaphore(%run_scoped3A_117 : memref<!tpu.dma_semaphore, #tpu.memory_space<semaphore_mem>>) src(%arg8 : memref<128x128xf32, #tpu.memory_space<vmem>>) dst(%dma_wait3A_129 : memref<128x128xf32, #tpu.memory_space<vmem_shared>>)
        tpu.yield
      }) : () -> ()
      "tpu.region"() ({
        %run_scoped3A_117 = tpu.sem_alloc : memref<!tpu.dma_semaphore, #tpu.memory_space<semaphore_mem>>
        %dma_start3A_118 = arith.constant 9736 : i32
        %dma_start3A_119 = arith.constant 0 : i32
        %dma_start3A_120 = tpu.memref_slice %arg7[%dma_start3A_118, %dma_start3A_119] : memref<10016x128xf32, #tpu.memory_space<vmem_shared>> -> memref<128x128xf32, #tpu.memory_space<vmem_shared>>
        %dma_start3A_121 = arith.constant 9736 : i32
        %dma_start3A_122 = arith.constant 0 : i32
        %dma_start3A_123 = tpu.memref_slice %arg7[%dma_start3A_121, %dma_start3A_122] : memref<10016x128xf32, #tpu.memory_space<vmem_shared>> -> memref<128x128xf32, #tpu.memory_space<vmem_shared>>
        tpu.enqueue_dma source(%arg8 : memref<128x128xf32, #tpu.memory_space<vmem>>) target(%dma_start3A_123 : memref<128x128xf32, #tpu.memory_space<vmem_shared>>) target_semaphore(%run_scoped3A_117 : memref<!tpu.dma_semaphore, #tpu.memory_space<semaphore_mem>>)
        %dma_wait3A_124 = arith.constant 9736 : i32
        %dma_wait3A_125 = arith.constant 0 : i32
        %dma_wait3A_126 = tpu.memref_slice %arg7[%dma_wait3A_124, %dma_wait3A_125] : memref<10016x128xf32, #tpu.memory_space<vmem_shared>> -> memref<128x128xf32, #tpu.memory_space<vmem_shared>>
        %dma_wait3A_127 = arith.constant 9736 : i32
        %dma_wait3A_128 = arith.constant 0 : i32
        %dma_wait3A_129 = tpu.memref_slice %arg7[%dma_wait3A_127, %dma_wait3A_128] : memref<10016x128xf32, #tpu.memory_space<vmem_shared>> -> memref<128x128xf32, #tpu.memory_space<vmem_shared>>
        tpu.wait_dma2 semaphore(%run_scoped3A_117 : memref<!tpu.dma_semaphore, #tpu.memory_space<semaphore_mem>>) src(%arg8 : memref<128x128xf32, #tpu.memory_space<vmem>>) dst(%dma_wait3A_129 : memref<128x128xf32, #tpu.memory_space<vmem_shared>>)
        tpu.yield
      }) : () -> ()
      "tpu.region"() ({
        %run_scoped3A_117 = tpu.sem_alloc : memref<!tpu.dma_semaphore, #tpu.memory_space<semaphore_mem>>
        %dma_start3A_118 = arith.constant 9864 : i32
        %dma_start3A_119 = arith.constant 0 : i32
        %dma_start3A_120 = tpu.memref_slice %arg7[%dma_start3A_118, %dma_start3A_119] : memref<10016x128xf32, #tpu.memory_space<vmem_shared>> -> memref<128x128xf32, #tpu.memory_space<vmem_shared>>
        %dma_start3A_121 = arith.constant 9864 : i32
        %dma_start3A_122 = arith.constant 0 : i32
        %dma_start3A_123 = tpu.memref_slice %arg7[%dma_start3A_121, %dma_start3A_122] : memref<10016x128xf32, #tpu.memory_space<vmem_shared>> -> memref<128x128xf32, #tpu.memory_space<vmem_shared>>
        tpu.enqueue_dma source(%arg8 : memref<128x128xf32, #tpu.memory_space<vmem>>) target(%dma_start3A_123 : memref<128x128xf32, #tpu.memory_space<vmem_shared>>) target_semaphore(%run_scoped3A_117 : memref<!tpu.dma_semaphore, #tpu.memory_space<semaphore_mem>>)
        %dma_wait3A_124 = arith.constant 9864 : i32
        %dma_wait3A_125 = arith.constant 0 : i32
        %dma_wait3A_126 = tpu.memref_slice %arg7[%dma_wait3A_124, %dma_wait3A_125] : memref<10016x128xf32, #tpu.memory_space<vmem_shared>> -> memref<128x128xf32, #tpu.memory_space<vmem_shared>>
        %dma_wait3A_127 = arith.constant 9864 : i32
        %dma_wait3A_128 = arith.constant 0 : i32
        %dma_wait3A_129 = tpu.memref_slice %arg7[%dma_wait3A_127, %dma_wait3A_128] : memref<10016x128xf32, #tpu.memory_space<vmem_shared>> -> memref<128x128xf32, #tpu.memory_space<vmem_shared>>
        tpu.wait_dma2 semaphore(%run_scoped3A_117 : memref<!tpu.dma_semaphore, #tpu.memory_space<semaphore_mem>>) src(%arg8 : memref<128x128xf32, #tpu.memory_space<vmem>>) dst(%dma_wait3A_129 : memref<128x128xf32, #tpu.memory_space<vmem_shared>>)
        tpu.yield
      }) : () -> ()
      "tpu.region"() ({
        %run_scoped3A_117 = tpu.sem_alloc : memref<!tpu.dma_semaphore, #tpu.memory_space<semaphore_mem>>
        %dma_start3A_118 = arith.constant 0 : i32
        %dma_start3A_119 = arith.constant 0 : i32
        %dma_start3A_120 = tpu.memref_slice %arg8[%dma_start3A_118, %dma_start3A_119] : memref<128x128xf32, #tpu.memory_space<vmem>> -> memref<24x128xf32, #tpu.memory_space<vmem>>
        %dma_start3A_121 = arith.constant 9992 : i32
        %dma_start3A_122 = arith.constant 0 : i32
        %dma_start3A_123 = tpu.memref_slice %arg7[%dma_start3A_121, %dma_start3A_122] : memref<10016x128xf32, #tpu.memory_space<vmem_shared>> -> memref<24x128xf32, #tpu.memory_space<vmem_shared>>
        %dma_start3A_124 = arith.constant 9992 : i32
        %dma_start3A_125 = arith.constant 0 : i32
        %dma_start3A_126 = tpu.memref_slice %arg7[%dma_start3A_124, %dma_start3A_125] : memref<10016x128xf32, #tpu.memory_space<vmem_shared>> -> memref<24x128xf32, #tpu.memory_space<vmem_shared>>
        %dma_start3A_127 = arith.constant 0 : i32
        %dma_start3A_128 = arith.constant 0 : i32
        %dma_start3A_129 = tpu.memref_slice %arg8[%dma_start3A_127, %dma_start3A_128] : memref<128x128xf32, #tpu.memory_space<vmem>> -> memref<24x128xf32, #tpu.memory_space<vmem>>
        tpu.enqueue_dma source(%dma_start3A_129 : memref<24x128xf32, #tpu.memory_space<vmem>>) target(%dma_start3A_126 : memref<24x128xf32, #tpu.memory_space<vmem_shared>>) target_semaphore(%run_scoped3A_117 : memref<!tpu.dma_semaphore, #tpu.memory_space<semaphore_mem>>)
        %dma_wait3A_130 = arith.constant 0 : i32
        %dma_wait3A_131 = arith.constant 0 : i32
        %dma_wait3A_132 = tpu.memref_slice %arg8[%dma_wait3A_130, %dma_wait3A_131] : memref<128x128xf32, #tpu.memory_space<vmem>> -> memref<24x128xf32, #tpu.memory_space<vmem>>
        %dma_wait3A_133 = arith.constant 9992 : i32
        %dma_wait3A_134 = arith.constant 0 : i32
        %dma_wait3A_135 = tpu.memref_slice %arg7[%dma_wait3A_133, %dma_wait3A_134] : memref<10016x128xf32, #tpu.memory_space<vmem_shared>> -> memref<24x128xf32, #tpu.memory_space<vmem_shared>>
        %dma_wait3A_136 = arith.constant 9992 : i32
        %dma_wait3A_137 = arith.constant 0 : i32
        %dma_wait3A_138 = tpu.memref_slice %arg7[%dma_wait3A_136, %dma_wait3A_137] : memref<10016x128xf32, #tpu.memory_space<vmem_shared>> -> memref<24x128xf32, #tpu.memory_space<vmem_shared>>
        %dma_wait3A_139 = arith.constant 0 : i32
        %dma_wait3A_140 = arith.constant 0 : i32
        %dma_wait3A_141 = tpu.memref_slice %arg8[%dma_wait3A_139, %dma_wait3A_140] : memref<128x128xf32, #tpu.memory_space<vmem>> -> memref<24x128xf32, #tpu.memory_space<vmem>>
        tpu.wait_dma2 semaphore(%run_scoped3A_117 : memref<!tpu.dma_semaphore, #tpu.memory_space<semaphore_mem>>) src(%dma_wait3A_141 : memref<24x128xf32, #tpu.memory_space<vmem>>) dst(%dma_wait3A_138 : memref<24x128xf32, #tpu.memory_space<vmem_shared>>)
        tpu.yield
      }) : () -> ()
    } else {
    }
    %barrier3A = arith.constant 0 : index
    tpu.barrier barrier_id(%barrier3A)
    %mul3A_14 = arith.constant 80 : i32
    %mul3A_15 = arith.muli %add3A, %mul3A_14 : i32
    %add3A_16 = arith.constant 0 : i32
    %add3A_17 = arith.addi %mul3A_15, %add3A_16 : i32
    "tpu.region"() ({
      %run_scoped3A_117 = tpu.sem_alloc : memref<!tpu.dma_semaphore, #tpu.memory_space<semaphore_mem>>
      %dma_start3A_118 = arith.constant 0 : i32
      %dma_start3A_119 = tpu.memref_slice %arg3[%add3A_17, %dma_start3A_118] : memref<2560x128xi32, #tpu.memory_space<hbm>> -> memref<40x128xi32, #tpu.memory_space<hbm>>
      %dma_start3A_120 = arith.constant 0 : i32
      %dma_start3A_121 = tpu.memref_slice %arg3[%add3A_17, %dma_start3A_120] : memref<2560x128xi32, #tpu.memory_space<hbm>> -> memref<40x128xi32, #tpu.memory_space<hbm>>
      tpu.enqueue_dma source(%dma_start3A_121 : memref<40x128xi32, #tpu.memory_space<hbm>>) target(%arg10 : memref<40x128xi32, #tpu.memory_space<vmem>>) target_semaphore(%run_scoped3A_117 : memref<!tpu.dma_semaphore, #tpu.memory_space<semaphore_mem>>)
      %dma_wait3A_122 = arith.constant 0 : i32
      %dma_wait3A_123 = tpu.memref_slice %arg3[%add3A_17, %dma_wait3A_122] : memref<2560x128xi32, #tpu.memory_space<hbm>> -> memref<40x128xi32, #tpu.memory_space<hbm>>
      %dma_wait3A_124 = arith.constant 0 : i32
      %dma_wait3A_125 = tpu.memref_slice %arg3[%add3A_17, %dma_wait3A_124] : memref<2560x128xi32, #tpu.memory_space<hbm>> -> memref<40x128xi32, #tpu.memory_space<hbm>>
      tpu.wait_dma2 semaphore(%run_scoped3A_117 : memref<!tpu.dma_semaphore, #tpu.memory_space<semaphore_mem>>) src(%dma_wait3A_125 : memref<40x128xi32, #tpu.memory_space<hbm>>) dst(%arg10 : memref<40x128xi32, #tpu.memory_space<vmem>>)
      tpu.yield
    }) : () -> ()
    "tpu.region"() ({
      %run_scoped3A_117 = tpu.sem_alloc : memref<!tpu.dma_semaphore, #tpu.memory_space<semaphore_mem>>
      %dma_start3A_118 = arith.constant 0 : i32
      %dma_start3A_119 = tpu.memref_slice %arg4[%add3A_17, %dma_start3A_118] : memref<2560x128xi32, #tpu.memory_space<hbm>> -> memref<40x128xi32, #tpu.memory_space<hbm>>
      %dma_start3A_120 = arith.constant 0 : i32
      %dma_start3A_121 = tpu.memref_slice %arg4[%add3A_17, %dma_start3A_120] : memref<2560x128xi32, #tpu.memory_space<hbm>> -> memref<40x128xi32, #tpu.memory_space<hbm>>
      tpu.enqueue_dma source(%dma_start3A_121 : memref<40x128xi32, #tpu.memory_space<hbm>>) target(%arg11 : memref<40x128xi32, #tpu.memory_space<vmem>>) target_semaphore(%run_scoped3A_117 : memref<!tpu.dma_semaphore, #tpu.memory_space<semaphore_mem>>)
      %dma_wait3A_122 = arith.constant 0 : i32
      %dma_wait3A_123 = tpu.memref_slice %arg4[%add3A_17, %dma_wait3A_122] : memref<2560x128xi32, #tpu.memory_space<hbm>> -> memref<40x128xi32, #tpu.memory_space<hbm>>
      %dma_wait3A_124 = arith.constant 0 : i32
      %dma_wait3A_125 = tpu.memref_slice %arg4[%add3A_17, %dma_wait3A_124] : memref<2560x128xi32, #tpu.memory_space<hbm>> -> memref<40x128xi32, #tpu.memory_space<hbm>>
      tpu.wait_dma2 semaphore(%run_scoped3A_117 : memref<!tpu.dma_semaphore, #tpu.memory_space<semaphore_mem>>) src(%dma_wait3A_125 : memref<40x128xi32, #tpu.memory_space<hbm>>) dst(%arg11 : memref<40x128xi32, #tpu.memory_space<vmem>>)
      tpu.yield
    }) : () -> ()
    %dma_start3A = arith.constant 0 : i32
    %dma_start3A_18 = arith.constant 0 : i32
    %dma_start3A_19 = tpu.memref_slice %arg10[%dma_start3A, %dma_start3A_18] : memref<40x128xi32, #tpu.memory_space<vmem>> -> memref<1x128xi32, #tpu.memory_space<vmem>>
    %dma_start3A_20 = tpu.memref_squeeze %dma_start3A_19 : memref<1x128xi32, #tpu.memory_space<vmem>> -> memref<128xi32, #tpu.memory_space<vmem>>
    %dma_start3A_21 = arith.constant 0 : i32
    %dma_start3A_22 = arith.constant 0 : i32
    %dma_start3A_23 = tpu.memref_slice %arg2[%dma_start3A_21, %dma_start3A_22] : memref<10000x128xf32, #tpu.memory_space<hbm>> -> memref<10000x128xf32, #tpu.memory_space<hbm>>
    tpu.enqueue_indirect_dma source(%dma_start3A_23 : memref<10000x128xf32, #tpu.memory_space<hbm>>) target(%arg8 : memref<128x128xf32, #tpu.memory_space<vmem>>) offsets(%dma_start3A_20 : memref<128xi32, #tpu.memory_space<vmem>>) semaphore(%arg12 : memref<!tpu.dma_semaphore, #tpu.memory_space<semaphore_mem>>)
    %dma_start3A_24 = arith.constant 1 : i32
    %dma_start3A_25 = arith.constant 0 : i32
    %dma_start3A_26 = tpu.memref_slice %arg10[%dma_start3A_24, %dma_start3A_25] : memref<40x128xi32, #tpu.memory_space<vmem>> -> memref<1x128xi32, #tpu.memory_space<vmem>>
    %dma_start3A_27 = tpu.memref_squeeze %dma_start3A_26 : memref<1x128xi32, #tpu.memory_space<vmem>> -> memref<128xi32, #tpu.memory_space<vmem>>
    %dma_start3A_28 = arith.constant 0 : i32
    %dma_start3A_29 = arith.constant 0 : i32
    %dma_start3A_30 = tpu.memref_slice %arg2[%dma_start3A_28, %dma_start3A_29] : memref<10000x128xf32, #tpu.memory_space<hbm>> -> memref<10000x128xf32, #tpu.memory_space<hbm>>
    tpu.enqueue_indirect_dma source(%dma_start3A_30 : memref<10000x128xf32, #tpu.memory_space<hbm>>) target(%arg9 : memref<128x128xf32, #tpu.memory_space<vmem>>) offsets(%dma_start3A_27 : memref<128xi32, #tpu.memory_space<vmem>>) semaphore(%arg13 : memref<!tpu.dma_semaphore, #tpu.memory_space<semaphore_mem>>)
    %scan3A_31 = arith.constant 0 : i32
    %scan3A_32 = arith.constant 0 : i32
    %scan3A_33 = arith.constant 19 : i32
    %scan3A_34 = arith.addi %scan3A_32, %scan3A_33 : i32
    %scan3A_35 = arith.constant 1 : i32
    scf.for %scan3A_117 = %scan3A_32 to %scan3A_34 step %scan3A_35  : i32 {
      %mul3A_118 = arith.constant 2 : i32
      %mul3A_119 = arith.muli %mul3A_118, %scan3A_117 : i32
      %dma_wait3A_120 = arith.constant 0 : i32
      %dma_wait3A_121 = arith.constant 0 : i32
      %dma_wait3A_122 = tpu.memref_slice %arg2[%dma_wait3A_120, %dma_wait3A_121] : memref<10000x128xf32, #tpu.memory_space<hbm>> -> memref<128x128xf32, #tpu.memory_space<hbm>>
      %dma_wait3A_123 = arith.constant 0 : i32
      %dma_wait3A_124 = arith.constant 0 : i32
      %dma_wait3A_125 = tpu.memref_slice %arg2[%dma_wait3A_123, %dma_wait3A_124] : memref<10000x128xf32, #tpu.memory_space<hbm>> -> memref<128x128xf32, #tpu.memory_space<hbm>>
      tpu.wait_dma2 semaphore(%arg12 : memref<!tpu.dma_semaphore, #tpu.memory_space<semaphore_mem>>) src(%dma_wait3A_125 : memref<128x128xf32, #tpu.memory_space<hbm>>) dst(%arg8 : memref<128x128xf32, #tpu.memory_space<vmem>>)
      "tpu.region"() ({
        %run_scoped3A_150 = tpu.sem_alloc : memref<!tpu.dma_semaphore, #tpu.memory_space<semaphore_mem>>
        %dma_start3A_151 = arith.constant 0 : i32
        %dma_start3A_152 = tpu.memref_slice %arg11[%mul3A_119, %dma_start3A_151] : memref<40x128xi32, #tpu.memory_space<vmem>> -> memref<1x128xi32, #tpu.memory_space<vmem>>
        %dma_start3A_153 = tpu.memref_squeeze %dma_start3A_152 : memref<1x128xi32, #tpu.memory_space<vmem>> -> memref<128xi32, #tpu.memory_space<vmem>>
        %dma_start3A_154 = arith.constant 0 : i32
        %dma_start3A_155 = arith.constant 0 : i32
        %dma_start3A_156 = tpu.memref_slice %arg7[%dma_start3A_154, %dma_start3A_155] : memref<10016x128xf32, #tpu.memory_space<vmem_shared>> -> memref<10016x128xf32, #tpu.memory_space<vmem_shared>>
        tpu.enqueue_indirect_dma source(%arg8 : memref<128x128xf32, #tpu.memory_space<vmem>>) target(%dma_start3A_156 : memref<10016x128xf32, #tpu.memory_space<vmem_shared>>) offsets(%dma_start3A_153 : memref<128xi32, #tpu.memory_space<vmem>>) semaphore(%run_scoped3A_150 : memref<!tpu.dma_semaphore, #tpu.memory_space<semaphore_mem>>) {add = true}
        %dma_wait3A_157 = arith.constant 0 : i32
        %dma_wait3A_158 = tpu.memref_slice %arg11[%mul3A_119, %dma_wait3A_157] : memref<40x128xi32, #tpu.memory_space<vmem>> -> memref<1x128xi32, #tpu.memory_space<vmem>>
        %dma_wait3A_159 = tpu.memref_squeeze %dma_wait3A_158 : memref<1x128xi32, #tpu.memory_space<vmem>> -> memref<128xi32, #tpu.memory_space<vmem>>
        %dma_wait3A_160 = arith.constant 0 : i32
        %dma_wait3A_161 = arith.constant 0 : i32
        %dma_wait3A_162 = tpu.memref_slice %arg7[%dma_wait3A_160, %dma_wait3A_161] : memref<10016x128xf32, #tpu.memory_space<vmem_shared>> -> memref<10016x128xf32, #tpu.memory_space<vmem_shared>>
        tpu.wait_indirect_dma semaphore(%run_scoped3A_150 : memref<!tpu.dma_semaphore, #tpu.memory_space<semaphore_mem>>) src(%arg8 : memref<128x128xf32, #tpu.memory_space<vmem>>) dst(%dma_wait3A_162 : memref<10016x128xf32, #tpu.memory_space<vmem_shared>>)
        tpu.yield
      }) : () -> ()
      %add3A_126 = arith.constant 2 : i32
      %add3A_127 = arith.addi %mul3A_119, %add3A_126 : i32
      %dma_start3A_128 = arith.constant 0 : i32
      %dma_start3A_129 = tpu.memref_slice %arg10[%add3A_127, %dma_start3A_128] : memref<40x128xi32, #tpu.memory_space<vmem>> -> memref<1x128xi32, #tpu.memory_space<vmem>>
      %dma_start3A_130 = tpu.memref_squeeze %dma_start3A_129 : memref<1x128xi32, #tpu.memory_space<vmem>> -> memref<128xi32, #tpu.memory_space<vmem>>
      %dma_start3A_131 = arith.constant 0 : i32
      %dma_start3A_132 = arith.constant 0 : i32
      %dma_start3A_133 = tpu.memref_slice %arg2[%dma_start3A_131, %dma_start3A_132] : memref<10000x128xf32, #tpu.memory_space<hbm>> -> memref<10000x128xf32, #tpu.memory_space<hbm>>
      tpu.enqueue_indirect_dma source(%dma_start3A_133 : memref<10000x128xf32, #tpu.memory_space<hbm>>) target(%arg8 : memref<128x128xf32, #tpu.memory_space<vmem>>) offsets(%dma_start3A_130 : memref<128xi32, #tpu.memory_space<vmem>>) semaphore(%arg12 : memref<!tpu.dma_semaphore, #tpu.memory_space<semaphore_mem>>)
      %dma_wait3A_134 = arith.constant 0 : i32
      %dma_wait3A_135 = arith.constant 0 : i32
      %dma_wait3A_136 = tpu.memref_slice %arg2[%dma_wait3A_134, %dma_wait3A_135] : memref<10000x128xf32, #tpu.memory_space<hbm>> -> memref<128x128xf32, #tpu.memory_space<hbm>>
      %dma_wait3A_137 = arith.constant 0 : i32
      %dma_wait3A_138 = arith.constant 0 : i32
      %dma_wait3A_139 = tpu.memref_slice %arg2[%dma_wait3A_137, %dma_wait3A_138] : memref<10000x128xf32, #tpu.memory_space<hbm>> -> memref<128x128xf32, #tpu.memory_space<hbm>>
      tpu.wait_dma2 semaphore(%arg13 : memref<!tpu.dma_semaphore, #tpu.memory_space<semaphore_mem>>) src(%dma_wait3A_139 : memref<128x128xf32, #tpu.memory_space<hbm>>) dst(%arg9 : memref<128x128xf32, #tpu.memory_space<vmem>>)
      %add3A_140 = arith.constant 1 : i32
      %add3A_141 = arith.addi %mul3A_119, %add3A_140 : i32
      "tpu.region"() ({
        %run_scoped3A_150 = tpu.sem_alloc : memref<!tpu.dma_semaphore, #tpu.memory_space<semaphore_mem>>
        %dma_start3A_151 = arith.constant 0 : i32
        %dma_start3A_152 = tpu.memref_slice %arg11[%add3A_141, %dma_start3A_151] : memref<40x128xi32, #tpu.memory_space<vmem>> -> memref<1x128xi32, #tpu.memory_space<vmem>>
        %dma_start3A_153 = tpu.memref_squeeze %dma_start3A_152 : memref<1x128xi32, #tpu.memory_space<vmem>> -> memref<128xi32, #tpu.memory_space<vmem>>
        %dma_start3A_154 = arith.constant 0 : i32
        %dma_start3A_155 = arith.constant 0 : i32
        %dma_start3A_156 = tpu.memref_slice %arg7[%dma_start3A_154, %dma_start3A_155] : memref<10016x128xf32, #tpu.memory_space<vmem_shared>> -> memref<10016x128xf32, #tpu.memory_space<vmem_shared>>
        tpu.enqueue_indirect_dma source(%arg9 : memref<128x128xf32, #tpu.memory_space<vmem>>) target(%dma_start3A_156 : memref<10016x128xf32, #tpu.memory_space<vmem_shared>>) offsets(%dma_start3A_153 : memref<128xi32, #tpu.memory_space<vmem>>) semaphore(%run_scoped3A_150 : memref<!tpu.dma_semaphore, #tpu.memory_space<semaphore_mem>>) {add = true}
        %dma_wait3A_157 = arith.constant 0 : i32
        %dma_wait3A_158 = tpu.memref_slice %arg11[%add3A_141, %dma_wait3A_157] : memref<40x128xi32, #tpu.memory_space<vmem>> -> memref<1x128xi32, #tpu.memory_space<vmem>>
        %dma_wait3A_159 = tpu.memref_squeeze %dma_wait3A_158 : memref<1x128xi32, #tpu.memory_space<vmem>> -> memref<128xi32, #tpu.memory_space<vmem>>
        %dma_wait3A_160 = arith.constant 0 : i32
        %dma_wait3A_161 = arith.constant 0 : i32
        %dma_wait3A_162 = tpu.memref_slice %arg7[%dma_wait3A_160, %dma_wait3A_161] : memref<10016x128xf32, #tpu.memory_space<vmem_shared>> -> memref<10016x128xf32, #tpu.memory_space<vmem_shared>>
        tpu.wait_indirect_dma semaphore(%run_scoped3A_150 : memref<!tpu.dma_semaphore, #tpu.memory_space<semaphore_mem>>) src(%arg9 : memref<128x128xf32, #tpu.memory_space<vmem>>) dst(%dma_wait3A_162 : memref<10016x128xf32, #tpu.memory_space<vmem_shared>>)
        tpu.yield
      }) : () -> ()
      %add3A_142 = arith.constant 3 : i32
      %add3A_143 = arith.addi %mul3A_119, %add3A_142 : i32
      %dma_start3A_144 = arith.constant 0 : i32
      %dma_start3A_145 = tpu.memref_slice %arg10[%add3A_143, %dma_start3A_144] : memref<40x128xi32, #tpu.memory_space<vmem>> -> memref<1x128xi32, #tpu.memory_space<vmem>>
      %dma_start3A_146 = tpu.memref_squeeze %dma_start3A_145 : memref<1x128xi32, #tpu.memory_space<vmem>> -> memref<128xi32, #tpu.memory_space<vmem>>
      %dma_start3A_147 = arith.constant 0 : i32
      %dma_start3A_148 = arith.constant 0 : i32
      %dma_start3A_149 = tpu.memref_slice %arg2[%dma_start3A_147, %dma_start3A_148] : memref<10000x128xf32, #tpu.memory_space<hbm>> -> memref<10000x128xf32, #tpu.memory_space<hbm>>
      tpu.enqueue_indirect_dma source(%dma_start3A_149 : memref<10000x128xf32, #tpu.memory_space<hbm>>) target(%arg9 : memref<128x128xf32, #tpu.memory_space<vmem>>) offsets(%dma_start3A_146 : memref<128xi32, #tpu.memory_space<vmem>>) semaphore(%arg13 : memref<!tpu.dma_semaphore, #tpu.memory_space<semaphore_mem>>)
    }
    %scan3A_36 = arith.constant 19 : i32
    %dma_wait3A = arith.constant 0 : i32
    %dma_wait3A_37 = arith.constant 0 : i32
    %dma_wait3A_38 = tpu.memref_slice %arg2[%dma_wait3A, %dma_wait3A_37] : memref<10000x128xf32, #tpu.memory_space<hbm>> -> memref<128x128xf32, #tpu.memory_space<hbm>>
    %dma_wait3A_39 = arith.constant 0 : i32
    %dma_wait3A_40 = arith.constant 0 : i32
    %dma_wait3A_41 = tpu.memref_slice %arg2[%dma_wait3A_39, %dma_wait3A_40] : memref<10000x128xf32, #tpu.memory_space<hbm>> -> memref<128x128xf32, #tpu.memory_space<hbm>>
    tpu.wait_dma2 semaphore(%arg12 : memref<!tpu.dma_semaphore, #tpu.memory_space<semaphore_mem>>) src(%dma_wait3A_41 : memref<128x128xf32, #tpu.memory_space<hbm>>) dst(%arg8 : memref<128x128xf32, #tpu.memory_space<vmem>>)
    %run_scoped3A = arith.constant 38 : i32
    "tpu.region"() ({
      %run_scoped3A_117 = tpu.sem_alloc : memref<!tpu.dma_semaphore, #tpu.memory_space<semaphore_mem>>
      %dma_start3A_118 = arith.constant 0 : i32
      %dma_start3A_119 = tpu.memref_slice %arg11[%run_scoped3A, %dma_start3A_118] : memref<40x128xi32, #tpu.memory_space<vmem>> -> memref<1x128xi32, #tpu.memory_space<vmem>>
      %dma_start3A_120 = tpu.memref_squeeze %dma_start3A_119 : memref<1x128xi32, #tpu.memory_space<vmem>> -> memref<128xi32, #tpu.memory_space<vmem>>
      %dma_start3A_121 = arith.constant 0 : i32
      %dma_start3A_122 = arith.constant 0 : i32
      %dma_start3A_123 = tpu.memref_slice %arg7[%dma_start3A_121, %dma_start3A_122] : memref<10016x128xf32, #tpu.memory_space<vmem_shared>> -> memref<10016x128xf32, #tpu.memory_space<vmem_shared>>
      tpu.enqueue_indirect_dma source(%arg8 : memref<128x128xf32, #tpu.memory_space<vmem>>) target(%dma_start3A_123 : memref<10016x128xf32, #tpu.memory_space<vmem_shared>>) offsets(%dma_start3A_120 : memref<128xi32, #tpu.memory_space<vmem>>) semaphore(%run_scoped3A_117 : memref<!tpu.dma_semaphore, #tpu.memory_space<semaphore_mem>>) {add = true}
      %dma_wait3A_124 = arith.constant 0 : i32
      %dma_wait3A_125 = tpu.memref_slice %arg11[%run_scoped3A, %dma_wait3A_124] : memref<40x128xi32, #tpu.memory_space<vmem>> -> memref<1x128xi32, #tpu.memory_space<vmem>>
      %dma_wait3A_126 = tpu.memref_squeeze %dma_wait3A_125 : memref<1x128xi32, #tpu.memory_space<vmem>> -> memref<128xi32, #tpu.memory_space<vmem>>
      %dma_wait3A_127 = arith.constant 0 : i32
      %dma_wait3A_128 = arith.constant 0 : i32
      %dma_wait3A_129 = tpu.memref_slice %arg7[%dma_wait3A_127, %dma_wait3A_128] : memref<10016x128xf32, #tpu.memory_space<vmem_shared>> -> memref<10016x128xf32, #tpu.memory_space<vmem_shared>>
      tpu.wait_indirect_dma semaphore(%run_scoped3A_117 : memref<!tpu.dma_semaphore, #tpu.memory_space<semaphore_mem>>) src(%arg8 : memref<128x128xf32, #tpu.memory_space<vmem>>) dst(%dma_wait3A_129 : memref<10016x128xf32, #tpu.memory_space<vmem_shared>>)
      tpu.yield
    }) : () -> ()
    %dma_wait3A_42 = arith.constant 0 : i32
    %dma_wait3A_43 = arith.constant 0 : i32
    %dma_wait3A_44 = tpu.memref_slice %arg2[%dma_wait3A_42, %dma_wait3A_43] : memref<10000x128xf32, #tpu.memory_space<hbm>> -> memref<128x128xf32, #tpu.memory_space<hbm>>
    %dma_wait3A_45 = arith.constant 0 : i32
    %dma_wait3A_46 = arith.constant 0 : i32
    %dma_wait3A_47 = tpu.memref_slice %arg2[%dma_wait3A_45, %dma_wait3A_46] : memref<10000x128xf32, #tpu.memory_space<hbm>> -> memref<128x128xf32, #tpu.memory_space<hbm>>
    tpu.wait_dma2 semaphore(%arg13 : memref<!tpu.dma_semaphore, #tpu.memory_space<semaphore_mem>>) src(%dma_wait3A_47 : memref<128x128xf32, #tpu.memory_space<hbm>>) dst(%arg9 : memref<128x128xf32, #tpu.memory_space<vmem>>)
    %run_scoped3A_48 = arith.constant 39 : i32
    "tpu.region"() ({
      %run_scoped3A_117 = tpu.sem_alloc : memref<!tpu.dma_semaphore, #tpu.memory_space<semaphore_mem>>
      %dma_start3A_118 = arith.constant 0 : i32
      %dma_start3A_119 = tpu.memref_slice %arg11[%run_scoped3A_48, %dma_start3A_118] : memref<40x128xi32, #tpu.memory_space<vmem>> -> memref<1x128xi32, #tpu.memory_space<vmem>>
      %dma_start3A_120 = tpu.memref_squeeze %dma_start3A_119 : memref<1x128xi32, #tpu.memory_space<vmem>> -> memref<128xi32, #tpu.memory_space<vmem>>
      %dma_start3A_121 = arith.constant 0 : i32
      %dma_start3A_122 = arith.constant 0 : i32
      %dma_start3A_123 = tpu.memref_slice %arg7[%dma_start3A_121, %dma_start3A_122] : memref<10016x128xf32, #tpu.memory_space<vmem_shared>> -> memref<10016x128xf32, #tpu.memory_space<vmem_shared>>
      tpu.enqueue_indirect_dma source(%arg9 : memref<128x128xf32, #tpu.memory_space<vmem>>) target(%dma_start3A_123 : memref<10016x128xf32, #tpu.memory_space<vmem_shared>>) offsets(%dma_start3A_120 : memref<128xi32, #tpu.memory_space<vmem>>) semaphore(%run_scoped3A_117 : memref<!tpu.dma_semaphore, #tpu.memory_space<semaphore_mem>>) {add = true}
      %dma_wait3A_124 = arith.constant 0 : i32
      %dma_wait3A_125 = tpu.memref_slice %arg11[%run_scoped3A_48, %dma_wait3A_124] : memref<40x128xi32, #tpu.memory_space<vmem>> -> memref<1x128xi32, #tpu.memory_space<vmem>>
      %dma_wait3A_126 = tpu.memref_squeeze %dma_wait3A_125 : memref<1x128xi32, #tpu.memory_space<vmem>> -> memref<128xi32, #tpu.memory_space<vmem>>
      %dma_wait3A_127 = arith.constant 0 : i32
      %dma_wait3A_128 = arith.constant 0 : i32
      %dma_wait3A_129 = tpu.memref_slice %arg7[%dma_wait3A_127, %dma_wait3A_128] : memref<10016x128xf32, #tpu.memory_space<vmem_shared>> -> memref<10016x128xf32, #tpu.memory_space<vmem_shared>>
      tpu.wait_indirect_dma semaphore(%run_scoped3A_117 : memref<!tpu.dma_semaphore, #tpu.memory_space<semaphore_mem>>) src(%arg9 : memref<128x128xf32, #tpu.memory_space<vmem>>) dst(%dma_wait3A_129 : memref<10016x128xf32, #tpu.memory_space<vmem_shared>>)
      tpu.yield
    }) : () -> ()
    %add3A_49 = arith.constant 40 : i32
    %add3A_50 = arith.addi %mul3A_15, %add3A_49 : i32
    "tpu.region"() ({
      %run_scoped3A_117 = tpu.sem_alloc : memref<!tpu.dma_semaphore, #tpu.memory_space<semaphore_mem>>
      %dma_start3A_118 = arith.constant 0 : i32
      %dma_start3A_119 = tpu.memref_slice %arg3[%add3A_50, %dma_start3A_118] : memref<2560x128xi32, #tpu.memory_space<hbm>> -> memref<40x128xi32, #tpu.memory_space<hbm>>
      %dma_start3A_120 = arith.constant 0 : i32
      %dma_start3A_121 = tpu.memref_slice %arg3[%add3A_50, %dma_start3A_120] : memref<2560x128xi32, #tpu.memory_space<hbm>> -> memref<40x128xi32, #tpu.memory_space<hbm>>
      tpu.enqueue_dma source(%dma_start3A_121 : memref<40x128xi32, #tpu.memory_space<hbm>>) target(%arg10 : memref<40x128xi32, #tpu.memory_space<vmem>>) target_semaphore(%run_scoped3A_117 : memref<!tpu.dma_semaphore, #tpu.memory_space<semaphore_mem>>)
      %dma_wait3A_122 = arith.constant 0 : i32
      %dma_wait3A_123 = tpu.memref_slice %arg3[%add3A_50, %dma_wait3A_122] : memref<2560x128xi32, #tpu.memory_space<hbm>> -> memref<40x128xi32, #tpu.memory_space<hbm>>
      %dma_wait3A_124 = arith.constant 0 : i32
      %dma_wait3A_125 = tpu.memref_slice %arg3[%add3A_50, %dma_wait3A_124] : memref<2560x128xi32, #tpu.memory_space<hbm>> -> memref<40x128xi32, #tpu.memory_space<hbm>>
      tpu.wait_dma2 semaphore(%run_scoped3A_117 : memref<!tpu.dma_semaphore, #tpu.memory_space<semaphore_mem>>) src(%dma_wait3A_125 : memref<40x128xi32, #tpu.memory_space<hbm>>) dst(%arg10 : memref<40x128xi32, #tpu.memory_space<vmem>>)
      tpu.yield
    }) : () -> ()
    "tpu.region"() ({
      %run_scoped3A_117 = tpu.sem_alloc : memref<!tpu.dma_semaphore, #tpu.memory_space<semaphore_mem>>
      %dma_start3A_118 = arith.constant 0 : i32
      %dma_start3A_119 = tpu.memref_slice %arg4[%add3A_50, %dma_start3A_118] : memref<2560x128xi32, #tpu.memory_space<hbm>> -> memref<40x128xi32, #tpu.memory_space<hbm>>
      %dma_start3A_120 = arith.constant 0 : i32
      %dma_start3A_121 = tpu.memref_slice %arg4[%add3A_50, %dma_start3A_120] : memref<2560x128xi32, #tpu.memory_space<hbm>> -> memref<40x128xi32, #tpu.memory_space<hbm>>
      tpu.enqueue_dma source(%dma_start3A_121 : memref<40x128xi32, #tpu.memory_space<hbm>>) target(%arg11 : memref<40x128xi32, #tpu.memory_space<vmem>>) target_semaphore(%run_scoped3A_117 : memref<!tpu.dma_semaphore, #tpu.memory_space<semaphore_mem>>)
      %dma_wait3A_122 = arith.constant 0 : i32
      %dma_wait3A_123 = tpu.memref_slice %arg4[%add3A_50, %dma_wait3A_122] : memref<2560x128xi32, #tpu.memory_space<hbm>> -> memref<40x128xi32, #tpu.memory_space<hbm>>
      %dma_wait3A_124 = arith.constant 0 : i32
      %dma_wait3A_125 = tpu.memref_slice %arg4[%add3A_50, %dma_wait3A_124] : memref<2560x128xi32, #tpu.memory_space<hbm>> -> memref<40x128xi32, #tpu.memory_space<hbm>>
      tpu.wait_dma2 semaphore(%run_scoped3A_117 : memref<!tpu.dma_semaphore, #tpu.memory_space<semaphore_mem>>) src(%dma_wait3A_125 : memref<40x128xi32, #tpu.memory_space<hbm>>) dst(%arg11 : memref<40x128xi32, #tpu.memory_space<vmem>>)
      tpu.yield
    }) : () -> ()
    %dma_start3A_51 = arith.constant 0 : i32
    %dma_start3A_52 = arith.constant 0 : i32
    %dma_start3A_53 = tpu.memref_slice %arg10[%dma_start3A_51, %dma_start3A_52] : memref<40x128xi32, #tpu.memory_space<vmem>> -> memref<1x128xi32, #tpu.memory_space<vmem>>
    %dma_start3A_54 = tpu.memref_squeeze %dma_start3A_53 : memref<1x128xi32, #tpu.memory_space<vmem>> -> memref<128xi32, #tpu.memory_space<vmem>>
    %dma_start3A_55 = arith.constant 0 : i32
    %dma_start3A_56 = arith.constant 0 : i32
    %dma_start3A_57 = tpu.memref_slice %arg2[%dma_start3A_55, %dma_start3A_56] : memref<10000x128xf32, #tpu.memory_space<hbm>> -> memref<10000x128xf32, #tpu.memory_space<hbm>>
    tpu.enqueue_indirect_dma source(%dma_start3A_57 : memref<10000x128xf32, #tpu.memory_space<hbm>>) target(%arg8 : memref<128x128xf32, #tpu.memory_space<vmem>>) offsets(%dma_start3A_54 : memref<128xi32, #tpu.memory_space<vmem>>) semaphore(%arg12 : memref<!tpu.dma_semaphore, #tpu.memory_space<semaphore_mem>>)
    %dma_start3A_58 = arith.constant 1 : i32
    %dma_start3A_59 = arith.constant 0 : i32
    %dma_start3A_60 = tpu.memref_slice %arg10[%dma_start3A_58, %dma_start3A_59] : memref<40x128xi32, #tpu.memory_space<vmem>> -> memref<1x128xi32, #tpu.memory_space<vmem>>
    %dma_start3A_61 = tpu.memref_squeeze %dma_start3A_60 : memref<1x128xi32, #tpu.memory_space<vmem>> -> memref<128xi32, #tpu.memory_space<vmem>>
    %dma_start3A_62 = arith.constant 0 : i32
    %dma_start3A_63 = arith.constant 0 : i32
    %dma_start3A_64 = tpu.memref_slice %arg2[%dma_start3A_62, %dma_start3A_63] : memref<10000x128xf32, #tpu.memory_space<hbm>> -> memref<10000x128xf32, #tpu.memory_space<hbm>>
    tpu.enqueue_indirect_dma source(%dma_start3A_64 : memref<10000x128xf32, #tpu.memory_space<hbm>>) target(%arg9 : memref<128x128xf32, #tpu.memory_space<vmem>>) offsets(%dma_start3A_61 : memref<128xi32, #tpu.memory_space<vmem>>) semaphore(%arg13 : memref<!tpu.dma_semaphore, #tpu.memory_space<semaphore_mem>>)
    %scan3A_65 = arith.constant 0 : i32
    %scan3A_66 = arith.constant 0 : i32
    %scan3A_67 = arith.constant 19 : i32
    %scan3A_68 = arith.addi %scan3A_66, %scan3A_67 : i32
    %scan3A_69 = arith.constant 1 : i32
    scf.for %scan3A_117 = %scan3A_66 to %scan3A_68 step %scan3A_69  : i32 {
      %mul3A_118 = arith.constant 2 : i32
      %mul3A_119 = arith.muli %mul3A_118, %scan3A_117 : i32
      %dma_wait3A_120 = arith.constant 0 : i32
      %dma_wait3A_121 = arith.constant 0 : i32
      %dma_wait3A_122 = tpu.memref_slice %arg2[%dma_wait3A_120, %dma_wait3A_121] : memref<10000x128xf32, #tpu.memory_space<hbm>> -> memref<128x128xf32, #tpu.memory_space<hbm>>
      %dma_wait3A_123 = arith.constant 0 : i32
      %dma_wait3A_124 = arith.constant 0 : i32
      %dma_wait3A_125 = tpu.memref_slice %arg2[%dma_wait3A_123, %dma_wait3A_124] : memref<10000x128xf32, #tpu.memory_space<hbm>> -> memref<128x128xf32, #tpu.memory_space<hbm>>
      tpu.wait_dma2 semaphore(%arg12 : memref<!tpu.dma_semaphore, #tpu.memory_space<semaphore_mem>>) src(%dma_wait3A_125 : memref<128x128xf32, #tpu.memory_space<hbm>>) dst(%arg8 : memref<128x128xf32, #tpu.memory_space<vmem>>)
      "tpu.region"() ({
        %run_scoped3A_150 = tpu.sem_alloc : memref<!tpu.dma_semaphore, #tpu.memory_space<semaphore_mem>>
        %dma_start3A_151 = arith.constant 0 : i32
        %dma_start3A_152 = tpu.memref_slice %arg11[%mul3A_119, %dma_start3A_151] : memref<40x128xi32, #tpu.memory_space<vmem>> -> memref<1x128xi32, #tpu.memory_space<vmem>>
        %dma_start3A_153 = tpu.memref_squeeze %dma_start3A_152 : memref<1x128xi32, #tpu.memory_space<vmem>> -> memref<128xi32, #tpu.memory_space<vmem>>
        %dma_start3A_154 = arith.constant 0 : i32
        %dma_start3A_155 = arith.constant 0 : i32
        %dma_start3A_156 = tpu.memref_slice %arg7[%dma_start3A_154, %dma_start3A_155] : memref<10016x128xf32, #tpu.memory_space<vmem_shared>> -> memref<10016x128xf32, #tpu.memory_space<vmem_shared>>
        tpu.enqueue_indirect_dma source(%arg8 : memref<128x128xf32, #tpu.memory_space<vmem>>) target(%dma_start3A_156 : memref<10016x128xf32, #tpu.memory_space<vmem_shared>>) offsets(%dma_start3A_153 : memref<128xi32, #tpu.memory_space<vmem>>) semaphore(%run_scoped3A_150 : memref<!tpu.dma_semaphore, #tpu.memory_space<semaphore_mem>>) {add = true}
        %dma_wait3A_157 = arith.constant 0 : i32
        %dma_wait3A_158 = tpu.memref_slice %arg11[%mul3A_119, %dma_wait3A_157] : memref<40x128xi32, #tpu.memory_space<vmem>> -> memref<1x128xi32, #tpu.memory_space<vmem>>
        %dma_wait3A_159 = tpu.memref_squeeze %dma_wait3A_158 : memref<1x128xi32, #tpu.memory_space<vmem>> -> memref<128xi32, #tpu.memory_space<vmem>>
        %dma_wait3A_160 = arith.constant 0 : i32
        %dma_wait3A_161 = arith.constant 0 : i32
        %dma_wait3A_162 = tpu.memref_slice %arg7[%dma_wait3A_160, %dma_wait3A_161] : memref<10016x128xf32, #tpu.memory_space<vmem_shared>> -> memref<10016x128xf32, #tpu.memory_space<vmem_shared>>
        tpu.wait_indirect_dma semaphore(%run_scoped3A_150 : memref<!tpu.dma_semaphore, #tpu.memory_space<semaphore_mem>>) src(%arg8 : memref<128x128xf32, #tpu.memory_space<vmem>>) dst(%dma_wait3A_162 : memref<10016x128xf32, #tpu.memory_space<vmem_shared>>)
        tpu.yield
      }) : () -> ()
      %add3A_126 = arith.constant 2 : i32
      %add3A_127 = arith.addi %mul3A_119, %add3A_126 : i32
      %dma_start3A_128 = arith.constant 0 : i32
      %dma_start3A_129 = tpu.memref_slice %arg10[%add3A_127, %dma_start3A_128] : memref<40x128xi32, #tpu.memory_space<vmem>> -> memref<1x128xi32, #tpu.memory_space<vmem>>
      %dma_start3A_130 = tpu.memref_squeeze %dma_start3A_129 : memref<1x128xi32, #tpu.memory_space<vmem>> -> memref<128xi32, #tpu.memory_space<vmem>>
      %dma_start3A_131 = arith.constant 0 : i32
      %dma_start3A_132 = arith.constant 0 : i32
      %dma_start3A_133 = tpu.memref_slice %arg2[%dma_start3A_131, %dma_start3A_132] : memref<10000x128xf32, #tpu.memory_space<hbm>> -> memref<10000x128xf32, #tpu.memory_space<hbm>>
      tpu.enqueue_indirect_dma source(%dma_start3A_133 : memref<10000x128xf32, #tpu.memory_space<hbm>>) target(%arg8 : memref<128x128xf32, #tpu.memory_space<vmem>>) offsets(%dma_start3A_130 : memref<128xi32, #tpu.memory_space<vmem>>) semaphore(%arg12 : memref<!tpu.dma_semaphore, #tpu.memory_space<semaphore_mem>>)
      %dma_wait3A_134 = arith.constant 0 : i32
      %dma_wait3A_135 = arith.constant 0 : i32
      %dma_wait3A_136 = tpu.memref_slice %arg2[%dma_wait3A_134, %dma_wait3A_135] : memref<10000x128xf32, #tpu.memory_space<hbm>> -> memref<128x128xf32, #tpu.memory_space<hbm>>
      %dma_wait3A_137 = arith.constant 0 : i32
      %dma_wait3A_138 = arith.constant 0 : i32
      %dma_wait3A_139 = tpu.memref_slice %arg2[%dma_wait3A_137, %dma_wait3A_138] : memref<10000x128xf32, #tpu.memory_space<hbm>> -> memref<128x128xf32, #tpu.memory_space<hbm>>
      tpu.wait_dma2 semaphore(%arg13 : memref<!tpu.dma_semaphore, #tpu.memory_space<semaphore_mem>>) src(%dma_wait3A_139 : memref<128x128xf32, #tpu.memory_space<hbm>>) dst(%arg9 : memref<128x128xf32, #tpu.memory_space<vmem>>)
      %add3A_140 = arith.constant 1 : i32
      %add3A_141 = arith.addi %mul3A_119, %add3A_140 : i32
      "tpu.region"() ({
        %run_scoped3A_150 = tpu.sem_alloc : memref<!tpu.dma_semaphore, #tpu.memory_space<semaphore_mem>>
        %dma_start3A_151 = arith.constant 0 : i32
        %dma_start3A_152 = tpu.memref_slice %arg11[%add3A_141, %dma_start3A_151] : memref<40x128xi32, #tpu.memory_space<vmem>> -> memref<1x128xi32, #tpu.memory_space<vmem>>
        %dma_start3A_153 = tpu.memref_squeeze %dma_start3A_152 : memref<1x128xi32, #tpu.memory_space<vmem>> -> memref<128xi32, #tpu.memory_space<vmem>>
        %dma_start3A_154 = arith.constant 0 : i32
        %dma_start3A_155 = arith.constant 0 : i32
        %dma_start3A_156 = tpu.memref_slice %arg7[%dma_start3A_154, %dma_start3A_155] : memref<10016x128xf32, #tpu.memory_space<vmem_shared>> -> memref<10016x128xf32, #tpu.memory_space<vmem_shared>>
        tpu.enqueue_indirect_dma source(%arg9 : memref<128x128xf32, #tpu.memory_space<vmem>>) target(%dma_start3A_156 : memref<10016x128xf32, #tpu.memory_space<vmem_shared>>) offsets(%dma_start3A_153 : memref<128xi32, #tpu.memory_space<vmem>>) semaphore(%run_scoped3A_150 : memref<!tpu.dma_semaphore, #tpu.memory_space<semaphore_mem>>) {add = true}
        %dma_wait3A_157 = arith.constant 0 : i32
        %dma_wait3A_158 = tpu.memref_slice %arg11[%add3A_141, %dma_wait3A_157] : memref<40x128xi32, #tpu.memory_space<vmem>> -> memref<1x128xi32, #tpu.memory_space<vmem>>
        %dma_wait3A_159 = tpu.memref_squeeze %dma_wait3A_158 : memref<1x128xi32, #tpu.memory_space<vmem>> -> memref<128xi32, #tpu.memory_space<vmem>>
        %dma_wait3A_160 = arith.constant 0 : i32
        %dma_wait3A_161 = arith.constant 0 : i32
        %dma_wait3A_162 = tpu.memref_slice %arg7[%dma_wait3A_160, %dma_wait3A_161] : memref<10016x128xf32, #tpu.memory_space<vmem_shared>> -> memref<10016x128xf32, #tpu.memory_space<vmem_shared>>
        tpu.wait_indirect_dma semaphore(%run_scoped3A_150 : memref<!tpu.dma_semaphore, #tpu.memory_space<semaphore_mem>>) src(%arg9 : memref<128x128xf32, #tpu.memory_space<vmem>>) dst(%dma_wait3A_162 : memref<10016x128xf32, #tpu.memory_space<vmem_shared>>)
        tpu.yield
      }) : () -> ()
      %add3A_142 = arith.constant 3 : i32
      %add3A_143 = arith.addi %mul3A_119, %add3A_142 : i32
      %dma_start3A_144 = arith.constant 0 : i32
      %dma_start3A_145 = tpu.memref_slice %arg10[%add3A_143, %dma_start3A_144] : memref<40x128xi32, #tpu.memory_space<vmem>> -> memref<1x128xi32, #tpu.memory_space<vmem>>
      %dma_start3A_146 = tpu.memref_squeeze %dma_start3A_145 : memref<1x128xi32, #tpu.memory_space<vmem>> -> memref<128xi32, #tpu.memory_space<vmem>>
      %dma_start3A_147 = arith.constant 0 : i32
      %dma_start3A_148 = arith.constant 0 : i32
      %dma_start3A_149 = tpu.memref_slice %arg2[%dma_start3A_147, %dma_start3A_148] : memref<10000x128xf32, #tpu.memory_space<hbm>> -> memref<10000x128xf32, #tpu.memory_space<hbm>>
      tpu.enqueue_indirect_dma source(%dma_start3A_149 : memref<10000x128xf32, #tpu.memory_space<hbm>>) target(%arg9 : memref<128x128xf32, #tpu.memory_space<vmem>>) offsets(%dma_start3A_146 : memref<128xi32, #tpu.memory_space<vmem>>) semaphore(%arg13 : memref<!tpu.dma_semaphore, #tpu.memory_space<semaphore_mem>>)
    }
    %scan3A_70 = arith.constant 19 : i32
    %dma_wait3A_71 = arith.constant 0 : i32
    %dma_wait3A_72 = arith.constant 0 : i32
    %dma_wait3A_73 = tpu.memref_slice %arg2[%dma_wait3A_71, %dma_wait3A_72] : memref<10000x128xf32, #tpu.memory_space<hbm>> -> memref<128x128xf32, #tpu.memory_space<hbm>>
    %dma_wait3A_74 = arith.constant 0 : i32
    %dma_wait3A_75 = arith.constant 0 : i32
    %dma_wait3A_76 = tpu.memref_slice %arg2[%dma_wait3A_74, %dma_wait3A_75] : memref<10000x128xf32, #tpu.memory_space<hbm>> -> memref<128x128xf32, #tpu.memory_space<hbm>>
    tpu.wait_dma2 semaphore(%arg12 : memref<!tpu.dma_semaphore, #tpu.memory_space<semaphore_mem>>) src(%dma_wait3A_76 : memref<128x128xf32, #tpu.memory_space<hbm>>) dst(%arg8 : memref<128x128xf32, #tpu.memory_space<vmem>>)
    %run_scoped3A_77 = arith.constant 38 : i32
    "tpu.region"() ({
      %run_scoped3A_117 = tpu.sem_alloc : memref<!tpu.dma_semaphore, #tpu.memory_space<semaphore_mem>>
      %dma_start3A_118 = arith.constant 0 : i32
      %dma_start3A_119 = tpu.memref_slice %arg11[%run_scoped3A_77, %dma_start3A_118] : memref<40x128xi32, #tpu.memory_space<vmem>> -> memref<1x128xi32, #tpu.memory_space<vmem>>
      %dma_start3A_120 = tpu.memref_squeeze %dma_start3A_119 : memref<1x128xi32, #tpu.memory_space<vmem>> -> memref<128xi32, #tpu.memory_space<vmem>>
      %dma_start3A_121 = arith.constant 0 : i32
      %dma_start3A_122 = arith.constant 0 : i32
      %dma_start3A_123 = tpu.memref_slice %arg7[%dma_start3A_121, %dma_start3A_122] : memref<10016x128xf32, #tpu.memory_space<vmem_shared>> -> memref<10016x128xf32, #tpu.memory_space<vmem_shared>>
      tpu.enqueue_indirect_dma source(%arg8 : memref<128x128xf32, #tpu.memory_space<vmem>>) target(%dma_start3A_123 : memref<10016x128xf32, #tpu.memory_space<vmem_shared>>) offsets(%dma_start3A_120 : memref<128xi32, #tpu.memory_space<vmem>>) semaphore(%run_scoped3A_117 : memref<!tpu.dma_semaphore, #tpu.memory_space<semaphore_mem>>) {add = true}
      %dma_wait3A_124 = arith.constant 0 : i32
      %dma_wait3A_125 = tpu.memref_slice %arg11[%run_scoped3A_77, %dma_wait3A_124] : memref<40x128xi32, #tpu.memory_space<vmem>> -> memref<1x128xi32, #tpu.memory_space<vmem>>
      %dma_wait3A_126 = tpu.memref_squeeze %dma_wait3A_125 : memref<1x128xi32, #tpu.memory_space<vmem>> -> memref<128xi32, #tpu.memory_space<vmem>>
      %dma_wait3A_127 = arith.constant 0 : i32
      %dma_wait3A_128 = arith.constant 0 : i32
      %dma_wait3A_129 = tpu.memref_slice %arg7[%dma_wait3A_127, %dma_wait3A_128] : memref<10016x128xf32, #tpu.memory_space<vmem_shared>> -> memref<10016x128xf32, #tpu.memory_space<vmem_shared>>
      tpu.wait_indirect_dma semaphore(%run_scoped3A_117 : memref<!tpu.dma_semaphore, #tpu.memory_space<semaphore_mem>>) src(%arg8 : memref<128x128xf32, #tpu.memory_space<vmem>>) dst(%dma_wait3A_129 : memref<10016x128xf32, #tpu.memory_space<vmem_shared>>)
      tpu.yield
    }) : () -> ()
    %dma_wait3A_78 = arith.constant 0 : i32
    %dma_wait3A_79 = arith.constant 0 : i32
    %dma_wait3A_80 = tpu.memref_slice %arg2[%dma_wait3A_78, %dma_wait3A_79] : memref<10000x128xf32, #tpu.memory_space<hbm>> -> memref<128x128xf32, #tpu.memory_space<hbm>>
    %dma_wait3A_81 = arith.constant 0 : i32
    %dma_wait3A_82 = arith.constant 0 : i32
    %dma_wait3A_83 = tpu.memref_slice %arg2[%dma_wait3A_81, %dma_wait3A_82] : memref<10000x128xf32, #tpu.memory_space<hbm>> -> memref<128x128xf32, #tpu.memory_space<hbm>>
    tpu.wait_dma2 semaphore(%arg13 : memref<!tpu.dma_semaphore, #tpu.memory_space<semaphore_mem>>) src(%dma_wait3A_83 : memref<128x128xf32, #tpu.memory_space<hbm>>) dst(%arg9 : memref<128x128xf32, #tpu.memory_space<vmem>>)
    %run_scoped3A_84 = arith.constant 39 : i32
    "tpu.region"() ({
      %run_scoped3A_117 = tpu.sem_alloc : memref<!tpu.dma_semaphore, #tpu.memory_space<semaphore_mem>>
      %dma_start3A_118 = arith.constant 0 : i32
      %dma_start3A_119 = tpu.memref_slice %arg11[%run_scoped3A_84, %dma_start3A_118] : memref<40x128xi32, #tpu.memory_space<vmem>> -> memref<1x128xi32, #tpu.memory_space<vmem>>
      %dma_start3A_120 = tpu.memref_squeeze %dma_start3A_119 : memref<1x128xi32, #tpu.memory_space<vmem>> -> memref<128xi32, #tpu.memory_space<vmem>>
      %dma_start3A_121 = arith.constant 0 : i32
      %dma_start3A_122 = arith.constant 0 : i32
      %dma_start3A_123 = tpu.memref_slice %arg7[%dma_start3A_121, %dma_start3A_122] : memref<10016x128xf32, #tpu.memory_space<vmem_shared>> -> memref<10016x128xf32, #tpu.memory_space<vmem_shared>>
      tpu.enqueue_indirect_dma source(%arg9 : memref<128x128xf32, #tpu.memory_space<vmem>>) target(%dma_start3A_123 : memref<10016x128xf32, #tpu.memory_space<vmem_shared>>) offsets(%dma_start3A_120 : memref<128xi32, #tpu.memory_space<vmem>>) semaphore(%run_scoped3A_117 : memref<!tpu.dma_semaphore, #tpu.memory_space<semaphore_mem>>) {add = true}
      %dma_wait3A_124 = arith.constant 0 : i32
      %dma_wait3A_125 = tpu.memref_slice %arg11[%run_scoped3A_84, %dma_wait3A_124] : memref<40x128xi32, #tpu.memory_space<vmem>> -> memref<1x128xi32, #tpu.memory_space<vmem>>
      %dma_wait3A_126 = tpu.memref_squeeze %dma_wait3A_125 : memref<1x128xi32, #tpu.memory_space<vmem>> -> memref<128xi32, #tpu.memory_space<vmem>>
      %dma_wait3A_127 = arith.constant 0 : i32
      %dma_wait3A_128 = arith.constant 0 : i32
      %dma_wait3A_129 = tpu.memref_slice %arg7[%dma_wait3A_127, %dma_wait3A_128] : memref<10016x128xf32, #tpu.memory_space<vmem_shared>> -> memref<10016x128xf32, #tpu.memory_space<vmem_shared>>
      tpu.wait_indirect_dma semaphore(%run_scoped3A_117 : memref<!tpu.dma_semaphore, #tpu.memory_space<semaphore_mem>>) src(%arg9 : memref<128x128xf32, #tpu.memory_space<vmem>>) dst(%dma_wait3A_129 : memref<10016x128xf32, #tpu.memory_space<vmem_shared>>)
      tpu.yield
    }) : () -> ()
    %barrier3A_85 = arith.constant 0 : index
    tpu.barrier barrier_id(%barrier3A_85)
    %eq3A_86 = arith.constant 0 : i32
    %eq3A_87 = arith.cmpi eq, %arg0, %eq3A_86 : i32
    %lt3A_88 = arith.constant 15 : i32
    %lt3A_89 = arith.cmpi slt, %arg1, %lt3A_88 : i32
    %and3A = arith.andi %eq3A_87, %lt3A_89 : i1
    %convert_element_type3A_90 = arith.extui %and3A : i1 to i32
    %cond3A_91 = arith.constant 0 : i32
    %cond3A_92 = arith.cmpi ne, %convert_element_type3A_90, %cond3A_91 : i32
    scf.if %cond3A_92 {
      "tpu.region"() ({
        %run_scoped3A_117 = tpu.sem_alloc : memref<!tpu.dma_semaphore, #tpu.memory_space<semaphore_mem>>
        %dma_start3A_118 = arith.constant 0 : i32
        %dma_start3A_119 = tpu.memref_slice %arg5[%mul3A_7, %dma_start3A_118] : memref<10000x128xf32, #tpu.memory_space<hbm>> -> memref<632x128xf32, #tpu.memory_space<hbm>>
        %dma_start3A_120 = arith.constant 0 : i32
        %dma_start3A_121 = tpu.memref_slice %arg7[%mul3A_7, %dma_start3A_120] : memref<10016x128xf32, #tpu.memory_space<vmem_shared>> -> memref<632x128xf32, #tpu.memory_space<vmem_shared>>
        tpu.enqueue_dma source(%dma_start3A_121 : memref<632x128xf32, #tpu.memory_space<vmem_shared>>) target(%dma_start3A_119 : memref<632x128xf32, #tpu.memory_space<hbm>>) target_semaphore(%run_scoped3A_117 : memref<!tpu.dma_semaphore, #tpu.memory_space<semaphore_mem>>)
        %dma_wait3A_122 = arith.constant 0 : i32
        %dma_wait3A_123 = tpu.memref_slice %arg5[%mul3A_7, %dma_wait3A_122] : memref<10000x128xf32, #tpu.memory_space<hbm>> -> memref<632x128xf32, #tpu.memory_space<hbm>>
        %dma_wait3A_124 = arith.constant 0 : i32
        %dma_wait3A_125 = tpu.memref_slice %arg7[%mul3A_7, %dma_wait3A_124] : memref<10016x128xf32, #tpu.memory_space<vmem_shared>> -> memref<632x128xf32, #tpu.memory_space<vmem_shared>>
        tpu.wait_dma2 semaphore(%run_scoped3A_117 : memref<!tpu.dma_semaphore, #tpu.memory_space<semaphore_mem>>) src(%dma_wait3A_125 : memref<632x128xf32, #tpu.memory_space<vmem_shared>>) dst(%dma_wait3A_123 : memref<632x128xf32, #tpu.memory_space<hbm>>)
        tpu.yield
      }) : () -> ()
    } else {
    }
    %eq3A_93 = arith.constant 0 : i32
    %eq3A_94 = arith.cmpi eq, %arg0, %eq3A_93 : i32
    %eq3A_95 = arith.constant 15 : i32
    %eq3A_96 = arith.cmpi eq, %arg1, %eq3A_95 : i32
    %and3A_97 = arith.andi %eq3A_94, %eq3A_96 : i1
    %convert_element_type3A_98 = arith.extui %and3A_97 : i1 to i32
    %cond3A_99 = arith.constant 0 : i32
    %cond3A_100 = arith.cmpi ne, %convert_element_type3A_98, %cond3A_99 : i32
    scf.if %cond3A_100 {
      "tpu.region"() ({
        %run_scoped3A_117 = tpu.sem_alloc : memref<!tpu.dma_semaphore, #tpu.memory_space<semaphore_mem>>
        %dma_start3A_118 = arith.constant 9480 : i32
        %dma_start3A_119 = arith.constant 0 : i32
        %dma_start3A_120 = tpu.memref_slice %arg5[%dma_start3A_118, %dma_start3A_119] : memref<10000x128xf32, #tpu.memory_space<hbm>> -> memref<520x128xf32, #tpu.memory_space<hbm>>
        %dma_start3A_121 = arith.constant 9480 : i32
        %dma_start3A_122 = arith.constant 0 : i32
        %dma_start3A_123 = tpu.memref_slice %arg7[%dma_start3A_121, %dma_start3A_122] : memref<10016x128xf32, #tpu.memory_space<vmem_shared>> -> memref<520x128xf32, #tpu.memory_space<vmem_shared>>
        tpu.enqueue_dma source(%dma_start3A_123 : memref<520x128xf32, #tpu.memory_space<vmem_shared>>) target(%dma_start3A_120 : memref<520x128xf32, #tpu.memory_space<hbm>>) target_semaphore(%run_scoped3A_117 : memref<!tpu.dma_semaphore, #tpu.memory_space<semaphore_mem>>)
        %dma_wait3A_124 = arith.constant 9480 : i32
        %dma_wait3A_125 = arith.constant 0 : i32
        %dma_wait3A_126 = tpu.memref_slice %arg5[%dma_wait3A_124, %dma_wait3A_125] : memref<10000x128xf32, #tpu.memory_space<hbm>> -> memref<520x128xf32, #tpu.memory_space<hbm>>
        %dma_wait3A_127 = arith.constant 9480 : i32
        %dma_wait3A_128 = arith.constant 0 : i32
        %dma_wait3A_129 = tpu.memref_slice %arg7[%dma_wait3A_127, %dma_wait3A_128] : memref<10016x128xf32, #tpu.memory_space<vmem_shared>> -> memref<520x128xf32, #tpu.memory_space<vmem_shared>>
        tpu.wait_dma2 semaphore(%run_scoped3A_117 : memref<!tpu.dma_semaphore, #tpu.memory_space<semaphore_mem>>) src(%dma_wait3A_129 : memref<520x128xf32, #tpu.memory_space<vmem_shared>>) dst(%dma_wait3A_126 : memref<520x128xf32, #tpu.memory_space<hbm>>)
        tpu.yield
      }) : () -> ()
    } else {
    }
    %eq3A_101 = arith.constant 1 : i32
    %eq3A_102 = arith.cmpi eq, %arg0, %eq3A_101 : i32
    %lt3A_103 = arith.constant 15 : i32
    %lt3A_104 = arith.cmpi slt, %arg1, %lt3A_103 : i32
    %and3A_105 = arith.andi %eq3A_102, %lt3A_104 : i1
    %convert_element_type3A_106 = arith.extui %and3A_105 : i1 to i32
    %cond3A_107 = arith.constant 0 : i32
    %cond3A_108 = arith.cmpi ne, %convert_element_type3A_106, %cond3A_107 : i32
    scf.if %cond3A_108 {
      "tpu.region"() ({
        %run_scoped3A_117 = tpu.sem_alloc : memref<!tpu.dma_semaphore, #tpu.memory_space<semaphore_mem>>
        %dma_start3A_118 = arith.constant 0 : i32
        %dma_start3A_119 = tpu.memref_slice %arg6[%mul3A_7, %dma_start3A_118] : memref<10000x128xf32, #tpu.memory_space<hbm>> -> memref<632x128xf32, #tpu.memory_space<hbm>>
        %dma_start3A_120 = arith.constant 0 : i32
        %dma_start3A_121 = tpu.memref_slice %arg7[%mul3A_7, %dma_start3A_120] : memref<10016x128xf32, #tpu.memory_space<vmem_shared>> -> memref<632x128xf32, #tpu.memory_space<vmem_shared>>
        tpu.enqueue_dma source(%dma_start3A_121 : memref<632x128xf32, #tpu.memory_space<vmem_shared>>) target(%dma_start3A_119 : memref<632x128xf32, #tpu.memory_space<hbm>>) target_semaphore(%run_scoped3A_117 : memref<!tpu.dma_semaphore, #tpu.memory_space<semaphore_mem>>)
        %dma_wait3A_122 = arith.constant 0 : i32
        %dma_wait3A_123 = tpu.memref_slice %arg6[%mul3A_7, %dma_wait3A_122] : memref<10000x128xf32, #tpu.memory_space<hbm>> -> memref<632x128xf32, #tpu.memory_space<hbm>>
        %dma_wait3A_124 = arith.constant 0 : i32
        %dma_wait3A_125 = tpu.memref_slice %arg7[%mul3A_7, %dma_wait3A_124] : memref<10016x128xf32, #tpu.memory_space<vmem_shared>> -> memref<632x128xf32, #tpu.memory_space<vmem_shared>>
        tpu.wait_dma2 semaphore(%run_scoped3A_117 : memref<!tpu.dma_semaphore, #tpu.memory_space<semaphore_mem>>) src(%dma_wait3A_125 : memref<632x128xf32, #tpu.memory_space<vmem_shared>>) dst(%dma_wait3A_123 : memref<632x128xf32, #tpu.memory_space<hbm>>)
        tpu.yield
      }) : () -> ()
    } else {
    }
    %eq3A_109 = arith.constant 1 : i32
    %eq3A_110 = arith.cmpi eq, %arg0, %eq3A_109 : i32
    %eq3A_111 = arith.constant 15 : i32
    %eq3A_112 = arith.cmpi eq, %arg1, %eq3A_111 : i32
    %and3A_113 = arith.andi %eq3A_110, %eq3A_112 : i1
    %convert_element_type3A_114 = arith.extui %and3A_113 : i1 to i32
    %cond3A_115 = arith.constant 0 : i32
    %cond3A_116 = arith.cmpi ne, %convert_element_type3A_114, %cond3A_115 : i32
    scf.if %cond3A_116 {
      "tpu.region"() ({
        %run_scoped3A_117 = tpu.sem_alloc : memref<!tpu.dma_semaphore, #tpu.memory_space<semaphore_mem>>
        %dma_start3A_118 = arith.constant 9480 : i32
        %dma_start3A_119 = arith.constant 0 : i32
        %dma_start3A_120 = tpu.memref_slice %arg6[%dma_start3A_118, %dma_start3A_119] : memref<10000x128xf32, #tpu.memory_space<hbm>> -> memref<520x128xf32, #tpu.memory_space<hbm>>
        %dma_start3A_121 = arith.constant 9480 : i32
        %dma_start3A_122 = arith.constant 0 : i32
        %dma_start3A_123 = tpu.memref_slice %arg7[%dma_start3A_121, %dma_start3A_122] : memref<10016x128xf32, #tpu.memory_space<vmem_shared>> -> memref<520x128xf32, #tpu.memory_space<vmem_shared>>
        tpu.enqueue_dma source(%dma_start3A_123 : memref<520x128xf32, #tpu.memory_space<vmem_shared>>) target(%dma_start3A_120 : memref<520x128xf32, #tpu.memory_space<hbm>>) target_semaphore(%run_scoped3A_117 : memref<!tpu.dma_semaphore, #tpu.memory_space<semaphore_mem>>)
        %dma_wait3A_124 = arith.constant 9480 : i32
        %dma_wait3A_125 = arith.constant 0 : i32
        %dma_wait3A_126 = tpu.memref_slice %arg6[%dma_wait3A_124, %dma_wait3A_125] : memref<10000x128xf32, #tpu.memory_space<hbm>> -> memref<520x128xf32, #tpu.memory_space<hbm>>
        %dma_wait3A_127 = arith.constant 9480 : i32
        %dma_wait3A_128 = arith.constant 0 : i32
        %dma_wait3A_129 = tpu.memref_slice %arg7[%dma_wait3A_127, %dma_wait3A_128] : memref<10016x128xf32, #tpu.memory_space<vmem_shared>> -> memref<520x128xf32, #tpu.memory_space<vmem_shared>>
        tpu.wait_dma2 semaphore(%run_scoped3A_117 : memref<!tpu.dma_semaphore, #tpu.memory_space<semaphore_mem>>) src(%dma_wait3A_129 : memref<520x128xf32, #tpu.memory_space<vmem_shared>>) dst(%dma_wait3A_126 : memref<520x128xf32, #tpu.memory_space<hbm>>)
        tpu.yield
      }) : () -> ()
    } else {
    }
    return
  }
}

#map = affine_map<(d0, d1) -> (0, 0)>
module attributes {stable_mosaic.version = 14 : i64} {
  func.func @_agg_body(%arg0: i32, %arg1: i32, %arg2: memref<10000x128xf32, #tpu.memory_space<hbm>>, %arg3: memref<2560x128xi32, #tpu.memory_space<hbm>>, %arg4: memref<2560x128xi32, #tpu.memory_space<hbm>>, %arg5: memref<10000x128xf32, #tpu.memory_space<hbm>>, %arg6: memref<10000x128xf32, #tpu.memory_space<hbm>>, %arg7: memref<10016x128xf32, #tpu.memory_space<vmem_shared>>, %arg8: memref<128x128xf32, #tpu.memory_space<vmem>>, %arg9: memref<128x128xf32, #tpu.memory_space<vmem>>, %arg10: memref<40x128xi32, #tpu.memory_space<vmem>>, %arg11: memref<40x128xi32, #tpu.memory_space<vmem>>, %arg12: memref<!tpu.dma_semaphore, #tpu.memory_space<semaphore_mem>>, %arg13: memref<!tpu.dma_semaphore, #tpu.memory_space<semaphore_mem>>) attributes {dimension_semantics = [#tpu.dimension_semantics<core_parallel>, #tpu.dimension_semantics<subcore_parallel>], iteration_bounds = array<i64: 2, 16>, scalar_prefetch = 0 : i64, scratch_operands = 7 : i64, tpu.core_type = #tpu.core_type<sc_vector_subcore>, window_params = [{transform_indices = #map}, {transform_indices = #map}, {transform_indices = #map}, {transform_indices = #map}, {transform_indices = #map}]} {
    %mul3A = arith.constant 2 : i32
    %mul3A_0 = arith.muli %arg1, %mul3A : i32
    %add3A = arith.addi %mul3A_0, %arg0 : i32
    %scan3A = arith.constant 0 : i32
    %scan3A_1 = arith.constant 0 : i32
    %scan3A_2 = arith.constant 128 : i32
    %scan3A_3 = arith.addi %scan3A_1, %scan3A_2 : i32
    %scan3A_4 = arith.constant 1 : i32
    scf.for %scan3A_117 = %scan3A_1 to %scan3A_3 step %scan3A_4  : i32 {
      %broadcast_in_dim3A = arith.constant 0.000000e+00 : f32
      %broadcast_in_dim3A_118 = vector.broadcast %broadcast_in_dim3A : f32 to vector<16xf32>
      %swap3A = arith.index_cast %scan3A_117 : i32 to index
      %swap3A_119 = arith.constant 0 : index
      %swap3A_120 = tpu.vector_load %arg8[%swap3A, %swap3A_119] {strides = array<i32>} : memref<128x128xf32, #tpu.memory_space<vmem>>, vector<1x16xf32>,
      %swap3A_121 = vector.shape_cast %swap3A_120 : vector<1x16xf32> to vector<16xf32>
      %swap3A_122 = vector.shape_cast %broadcast_in_dim3A_118 : vector<16xf32> to vector<1x16xf32>
      tpu.vector_store %arg8[%swap3A, %swap3A_119], %swap3A_122 {strides = array<i32>} : memref<128x128xf32, #tpu.memory_space<vmem>>, vector<1x16xf32>,
      %broadcast_in_dim3A_123 = arith.constant 0.000000e+00 : f32
      %broadcast_in_dim3A_124 = vector.broadcast %broadcast_in_dim3A_123 : f32 to vector<16xf32>
      %swap3A_125 = arith.index_cast %scan3A_117 : i32 to index
      %swap3A_126 = arith.constant 16 : index
      %swap3A_127 = tpu.vector_load %arg8[%swap3A_125, %swap3A_126] {strides = array<i32>} : memref<128x128xf32, #tpu.memory_space<vmem>>, vector<1x16xf32>,
      %swap3A_128 = vector.shape_cast %swap3A_127 : vector<1x16xf32> to vector<16xf32>
      %swap3A_129 = vector.shape_cast %broadcast_in_dim3A_124 : vector<16xf32> to vector<1x16xf32>
      tpu.vector_store %arg8[%swap3A_125, %swap3A_126], %swap3A_129 {strides = array<i32>} : memref<128x128xf32, #tpu.memory_space<vmem>>, vector<1x16xf32>,
      %broadcast_in_dim3A_130 = arith.constant 0.000000e+00 : f32
      %broadcast_in_dim3A_131 = vector.broadcast %broadcast_in_dim3A_130 : f32 to vector<16xf32>
      %swap3A_132 = arith.index_cast %scan3A_117 : i32 to index
      %swap3A_133 = arith.constant 32 : index
      %swap3A_134 = tpu.vector_load %arg8[%swap3A_132, %swap3A_133] {strides = array<i32>} : memref<128x128xf32, #tpu.memory_space<vmem>>, vector<1x16xf32>,
      %swap3A_135 = vector.shape_cast %swap3A_134 : vector<1x16xf32> to vector<16xf32>
      %swap3A_136 = vector.shape_cast %broadcast_in_dim3A_131 : vector<16xf32> to vector<1x16xf32>
      tpu.vector_store %arg8[%swap3A_132, %swap3A_133], %swap3A_136 {strides = array<i32>} : memref<128x128xf32, #tpu.memory_space<vmem>>, vector<1x16xf32>,
      %broadcast_in_dim3A_137 = arith.constant 0.000000e+00 : f32
      %broadcast_in_dim3A_138 = vector.broadcast %broadcast_in_dim3A_137 : f32 to vector<16xf32>
      %swap3A_139 = arith.index_cast %scan3A_117 : i32 to index
      %swap3A_140 = arith.constant 48 : index
      %swap3A_141 = tpu.vector_load %arg8[%swap3A_139, %swap3A_140] {strides = array<i32>} : memref<128x128xf32, #tpu.memory_space<vmem>>, vector<1x16xf32>,
      %swap3A_142 = vector.shape_cast %swap3A_141 : vector<1x16xf32> to vector<16xf32>
      %swap3A_143 = vector.shape_cast %broadcast_in_dim3A_138 : vector<16xf32> to vector<1x16xf32>
      tpu.vector_store %arg8[%swap3A_139, %swap3A_140], %swap3A_143 {strides = array<i32>} : memref<128x128xf32, #tpu.memory_space<vmem>>, vector<1x16xf32>,
      %broadcast_in_dim3A_144 = arith.constant 0.000000e+00 : f32
      %broadcast_in_dim3A_145 = vector.broadcast %broadcast_in_dim3A_144 : f32 to vector<16xf32>
      %swap3A_146 = arith.index_cast %scan3A_117 : i32 to index
      %swap3A_147 = arith.constant 64 : index
      %swap3A_148 = tpu.vector_load %arg8[%swap3A_146, %swap3A_147] {strides = array<i32>} : memref<128x128xf32, #tpu.memory_space<vmem>>, vector<1x16xf32>,
      %swap3A_149 = vector.shape_cast %swap3A_148 : vector<1x16xf32> to vector<16xf32>
      %swap3A_150 = vector.shape_cast %broadcast_in_dim3A_145 : vector<16xf32> to vector<1x16xf32>
      tpu.vector_store %arg8[%swap3A_146, %swap3A_147], %swap3A_150 {strides = array<i32>} : memref<128x128xf32, #tpu.memory_space<vmem>>, vector<1x16xf32>,
      %broadcast_in_dim3A_151 = arith.constant 0.000000e+00 : f32
      %broadcast_in_dim3A_152 = vector.broadcast %broadcast_in_dim3A_151 : f32 to vector<16xf32>
      %swap3A_153 = arith.index_cast %scan3A_117 : i32 to index
      %swap3A_154 = arith.constant 80 : index
      %swap3A_155 = tpu.vector_load %arg8[%swap3A_153, %swap3A_154] {strides = array<i32>} : memref<128x128xf32, #tpu.memory_space<vmem>>, vector<1x16xf32>,
      %swap3A_156 = vector.shape_cast %swap3A_155 : vector<1x16xf32> to vector<16xf32>
      %swap3A_157 = vector.shape_cast %broadcast_in_dim3A_152 : vector<16xf32> to vector<1x16xf32>
      tpu.vector_store %arg8[%swap3A_153, %swap3A_154], %swap3A_157 {strides = array<i32>} : memref<128x128xf32, #tpu.memory_space<vmem>>, vector<1x16xf32>,
      %broadcast_in_dim3A_158 = arith.constant 0.000000e+00 : f32
      %broadcast_in_dim3A_159 = vector.broadcast %broadcast_in_dim3A_158 : f32 to vector<16xf32>
      %swap3A_160 = arith.index_cast %scan3A_117 : i32 to index
      %swap3A_161 = arith.constant 96 : index
      %swap3A_162 = tpu.vector_load %arg8[%swap3A_160, %swap3A_161] {strides = array<i32>} : memref<128x128xf32, #tpu.memory_space<vmem>>, vector<1x16xf32>,
      %swap3A_163 = vector.shape_cast %swap3A_162 : vector<1x16xf32> to vector<16xf32>
      %swap3A_164 = vector.shape_cast %broadcast_in_dim3A_159 : vector<16xf32> to vector<1x16xf32>
      tpu.vector_store %arg8[%swap3A_160, %swap3A_161], %swap3A_164 {strides = array<i32>} : memref<128x128xf32, #tpu.memory_space<vmem>>, vector<1x16xf32>,
      %broadcast_in_dim3A_165 = arith.constant 0.000000e+00 : f32
      %broadcast_in_dim3A_166 = vector.broadcast %broadcast_in_dim3A_165 : f32 to vector<16xf32>
      %swap3A_167 = arith.index_cast %scan3A_117 : i32 to index
      %swap3A_168 = arith.constant 112 : index
      %swap3A_169 = tpu.vector_load %arg8[%swap3A_167, %swap3A_168] {strides = array<i32>} : memref<128x128xf32, #tpu.memory_space<vmem>>, vector<1x16xf32>,
      %swap3A_170 = vector.shape_cast %swap3A_169 : vector<1x16xf32> to vector<16xf32>
      %swap3A_171 = vector.shape_cast %broadcast_in_dim3A_166 : vector<16xf32> to vector<1x16xf32>
      tpu.vector_store %arg8[%swap3A_167, %swap3A_168], %swap3A_171 {strides = array<i32>} : memref<128x128xf32, #tpu.memory_space<vmem>>, vector<1x16xf32>,
    }
    %scan3A_5 = arith.constant 128 : i32
    %mul3A_6 = arith.constant 632 : i32
    %mul3A_7 = arith.muli %arg1, %mul3A_6 : i32
    %lt3A = arith.constant 15 : i32
    %lt3A_8 = arith.cmpi slt, %arg1, %lt3A : i32
    %convert_element_type3A = arith.extui %lt3A_8 : i1 to i32
    %cond3A = arith.constant 0 : i32
    %cond3A_9 = arith.cmpi ne, %convert_element_type3A, %cond3A : i32
    scf.if %cond3A_9 {
      %add3A_117 = arith.constant 0 : i32
      %add3A_118 = arith.addi %mul3A_7, %add3A_117 : i32
      "tpu.region"() ({
        %run_scoped3A_127 = tpu.sem_alloc : memref<!tpu.dma_semaphore, #tpu.memory_space<semaphore_mem>>
        %dma_start3A_128 = arith.constant 0 : i32
        %dma_start3A_129 = tpu.memref_slice %arg7[%add3A_118, %dma_start3A_128] : memref<10016x128xf32, #tpu.memory_space<vmem_shared>> -> memref<128x128xf32, #tpu.memory_space<vmem_shared>>
        %dma_start3A_130 = arith.constant 0 : i32
        %dma_start3A_131 = tpu.memref_slice %arg7[%add3A_118, %dma_start3A_130] : memref<10016x128xf32, #tpu.memory_space<vmem_shared>> -> memref<128x128xf32, #tpu.memory_space<vmem_shared>>
        tpu.enqueue_dma source(%arg8 : memref<128x128xf32, #tpu.memory_space<vmem>>) target(%dma_start3A_131 : memref<128x128xf32, #tpu.memory_space<vmem_shared>>) target_semaphore(%run_scoped3A_127 : memref<!tpu.dma_semaphore, #tpu.memory_space<semaphore_mem>>)
        %dma_wait3A_132 = arith.constant 0 : i32
        %dma_wait3A_133 = tpu.memref_slice %arg7[%add3A_118, %dma_wait3A_132] : memref<10016x128xf32, #tpu.memory_space<vmem_shared>> -> memref<128x128xf32, #tpu.memory_space<vmem_shared>>
        %dma_wait3A_134 = arith.constant 0 : i32
        %dma_wait3A_135 = tpu.memref_slice %arg7[%add3A_118, %dma_wait3A_134] : memref<10016x128xf32, #tpu.memory_space<vmem_shared>> -> memref<128x128xf32, #tpu.memory_space<vmem_shared>>
        tpu.wait_dma2 semaphore(%run_scoped3A_127 : memref<!tpu.dma_semaphore, #tpu.memory_space<semaphore_mem>>) src(%arg8 : memref<128x128xf32, #tpu.memory_space<vmem>>) dst(%dma_wait3A_135 : memref<128x128xf32, #tpu.memory_space<vmem_shared>>)
        tpu.yield
      }) : () -> ()
      %add3A_119 = arith.constant 128 : i32
      %add3A_120 = arith.addi %mul3A_7, %add3A_119 : i32
      "tpu.region"() ({
        %run_scoped3A_127 = tpu.sem_alloc : memref<!tpu.dma_semaphore, #tpu.memory_space<semaphore_mem>>
        %dma_start3A_128 = arith.constant 0 : i32
        %dma_start3A_129 = tpu.memref_slice %arg7[%add3A_120, %dma_start3A_128] : memref<10016x128xf32, #tpu.memory_space<vmem_shared>> -> memref<128x128xf32, #tpu.memory_space<vmem_shared>>
        %dma_start3A_130 = arith.constant 0 : i32
        %dma_start3A_131 = tpu.memref_slice %arg7[%add3A_120, %dma_start3A_130] : memref<10016x128xf32, #tpu.memory_space<vmem_shared>> -> memref<128x128xf32, #tpu.memory_space<vmem_shared>>
        tpu.enqueue_dma source(%arg8 : memref<128x128xf32, #tpu.memory_space<vmem>>) target(%dma_start3A_131 : memref<128x128xf32, #tpu.memory_space<vmem_shared>>) target_semaphore(%run_scoped3A_127 : memref<!tpu.dma_semaphore, #tpu.memory_space<semaphore_mem>>)
        %dma_wait3A_132 = arith.constant 0 : i32
        %dma_wait3A_133 = tpu.memref_slice %arg7[%add3A_120, %dma_wait3A_132] : memref<10016x128xf32, #tpu.memory_space<vmem_shared>> -> memref<128x128xf32, #tpu.memory_space<vmem_shared>>
        %dma_wait3A_134 = arith.constant 0 : i32
        %dma_wait3A_135 = tpu.memref_slice %arg7[%add3A_120, %dma_wait3A_134] : memref<10016x128xf32, #tpu.memory_space<vmem_shared>> -> memref<128x128xf32, #tpu.memory_space<vmem_shared>>
        tpu.wait_dma2 semaphore(%run_scoped3A_127 : memref<!tpu.dma_semaphore, #tpu.memory_space<semaphore_mem>>) src(%arg8 : memref<128x128xf32, #tpu.memory_space<vmem>>) dst(%dma_wait3A_135 : memref<128x128xf32, #tpu.memory_space<vmem_shared>>)
        tpu.yield
      }) : () -> ()
      %add3A_121 = arith.constant 256 : i32
      %add3A_122 = arith.addi %mul3A_7, %add3A_121 : i32
      "tpu.region"() ({
        %run_scoped3A_127 = tpu.sem_alloc : memref<!tpu.dma_semaphore, #tpu.memory_space<semaphore_mem>>
        %dma_start3A_128 = arith.constant 0 : i32
        %dma_start3A_129 = tpu.memref_slice %arg7[%add3A_122, %dma_start3A_128] : memref<10016x128xf32, #tpu.memory_space<vmem_shared>> -> memref<128x128xf32, #tpu.memory_space<vmem_shared>>
        %dma_start3A_130 = arith.constant 0 : i32
        %dma_start3A_131 = tpu.memref_slice %arg7[%add3A_122, %dma_start3A_130] : memref<10016x128xf32, #tpu.memory_space<vmem_shared>> -> memref<128x128xf32, #tpu.memory_space<vmem_shared>>
        tpu.enqueue_dma source(%arg8 : memref<128x128xf32, #tpu.memory_space<vmem>>) target(%dma_start3A_131 : memref<128x128xf32, #tpu.memory_space<vmem_shared>>) target_semaphore(%run_scoped3A_127 : memref<!tpu.dma_semaphore, #tpu.memory_space<semaphore_mem>>)
        %dma_wait3A_132 = arith.constant 0 : i32
        %dma_wait3A_133 = tpu.memref_slice %arg7[%add3A_122, %dma_wait3A_132] : memref<10016x128xf32, #tpu.memory_space<vmem_shared>> -> memref<128x128xf32, #tpu.memory_space<vmem_shared>>
        %dma_wait3A_134 = arith.constant 0 : i32
        %dma_wait3A_135 = tpu.memref_slice %arg7[%add3A_122, %dma_wait3A_134] : memref<10016x128xf32, #tpu.memory_space<vmem_shared>> -> memref<128x128xf32, #tpu.memory_space<vmem_shared>>
        tpu.wait_dma2 semaphore(%run_scoped3A_127 : memref<!tpu.dma_semaphore, #tpu.memory_space<semaphore_mem>>) src(%arg8 : memref<128x128xf32, #tpu.memory_space<vmem>>) dst(%dma_wait3A_135 : memref<128x128xf32, #tpu.memory_space<vmem_shared>>)
        tpu.yield
      }) : () -> ()
      %add3A_123 = arith.constant 384 : i32
      %add3A_124 = arith.addi %mul3A_7, %add3A_123 : i32
      "tpu.region"() ({
        %run_scoped3A_127 = tpu.sem_alloc : memref<!tpu.dma_semaphore, #tpu.memory_space<semaphore_mem>>
        %dma_start3A_128 = arith.constant 0 : i32
        %dma_start3A_129 = tpu.memref_slice %arg7[%add3A_124, %dma_start3A_128] : memref<10016x128xf32, #tpu.memory_space<vmem_shared>> -> memref<128x128xf32, #tpu.memory_space<vmem_shared>>
        %dma_start3A_130 = arith.constant 0 : i32
        %dma_start3A_131 = tpu.memref_slice %arg7[%add3A_124, %dma_start3A_130] : memref<10016x128xf32, #tpu.memory_space<vmem_shared>> -> memref<128x128xf32, #tpu.memory_space<vmem_shared>>
        tpu.enqueue_dma source(%arg8 : memref<128x128xf32, #tpu.memory_space<vmem>>) target(%dma_start3A_131 : memref<128x128xf32, #tpu.memory_space<vmem_shared>>) target_semaphore(%run_scoped3A_127 : memref<!tpu.dma_semaphore, #tpu.memory_space<semaphore_mem>>)
        %dma_wait3A_132 = arith.constant 0 : i32
        %dma_wait3A_133 = tpu.memref_slice %arg7[%add3A_124, %dma_wait3A_132] : memref<10016x128xf32, #tpu.memory_space<vmem_shared>> -> memref<128x128xf32, #tpu.memory_space<vmem_shared>>
        %dma_wait3A_134 = arith.constant 0 : i32
        %dma_wait3A_135 = tpu.memref_slice %arg7[%add3A_124, %dma_wait3A_134] : memref<10016x128xf32, #tpu.memory_space<vmem_shared>> -> memref<128x128xf32, #tpu.memory_space<vmem_shared>>
        tpu.wait_dma2 semaphore(%run_scoped3A_127 : memref<!tpu.dma_semaphore, #tpu.memory_space<semaphore_mem>>) src(%arg8 : memref<128x128xf32, #tpu.memory_space<vmem>>) dst(%dma_wait3A_135 : memref<128x128xf32, #tpu.memory_space<vmem_shared>>)
        tpu.yield
      }) : () -> ()
      %add3A_125 = arith.constant 512 : i32
      %add3A_126 = arith.addi %mul3A_7, %add3A_125 : i32
      "tpu.region"() ({
        %run_scoped3A_127 = tpu.sem_alloc : memref<!tpu.dma_semaphore, #tpu.memory_space<semaphore_mem>>
        %dma_start3A_128 = arith.constant 0 : i32
        %dma_start3A_129 = arith.constant 0 : i32
        %dma_start3A_130 = tpu.memref_slice %arg8[%dma_start3A_128, %dma_start3A_129] : memref<128x128xf32, #tpu.memory_space<vmem>> -> memref<120x128xf32, #tpu.memory_space<vmem>>
        %dma_start3A_131 = arith.constant 0 : i32
        %dma_start3A_132 = tpu.memref_slice %arg7[%add3A_126, %dma_start3A_131] : memref<10016x128xf32, #tpu.memory_space<vmem_shared>> -> memref<120x128xf32, #tpu.memory_space<vmem_shared>>
        %dma_start3A_133 = arith.constant 0 : i32
        %dma_start3A_134 = tpu.memref_slice %arg7[%add3A_126, %dma_start3A_133] : memref<10016x128xf32, #tpu.memory_space<vmem_shared>> -> memref<120x128xf32, #tpu.memory_space<vmem_shared>>
        %dma_start3A_135 = arith.constant 0 : i32
        %dma_start3A_136 = arith.constant 0 : i32
        %dma_start3A_137 = tpu.memref_slice %arg8[%dma_start3A_135, %dma_start3A_136] : memref<128x128xf32, #tpu.memory_space<vmem>> -> memref<120x128xf32, #tpu.memory_space<vmem>>
        tpu.enqueue_dma source(%dma_start3A_137 : memref<120x128xf32, #tpu.memory_space<vmem>>) target(%dma_start3A_134 : memref<120x128xf32, #tpu.memory_space<vmem_shared>>) target_semaphore(%run_scoped3A_127 : memref<!tpu.dma_semaphore, #tpu.memory_space<semaphore_mem>>)
        %dma_wait3A_138 = arith.constant 0 : i32
        %dma_wait3A_139 = arith.constant 0 : i32
        %dma_wait3A_140 = tpu.memref_slice %arg8[%dma_wait3A_138, %dma_wait3A_139] : memref<128x128xf32, #tpu.memory_space<vmem>> -> memref<120x128xf32, #tpu.memory_space<vmem>>
        %dma_wait3A_141 = arith.constant 0 : i32
        %dma_wait3A_142 = tpu.memref_slice %arg7[%add3A_126, %dma_wait3A_141] : memref<10016x128xf32, #tpu.memory_space<vmem_shared>> -> memref<120x128xf32, #tpu.memory_space<vmem_shared>>
        %dma_wait3A_143 = arith.constant 0 : i32
        %dma_wait3A_144 = tpu.memref_slice %arg7[%add3A_126, %dma_wait3A_143] : memref<10016x128xf32, #tpu.memory_space<vmem_shared>> -> memref<120x128xf32, #tpu.memory_space<vmem_shared>>
        %dma_wait3A_145 = arith.constant 0 : i32
        %dma_wait3A_146 = arith.constant 0 : i32
        %dma_wait3A_147 = tpu.memref_slice %arg8[%dma_wait3A_145, %dma_wait3A_146] : memref<128x128xf32, #tpu.memory_space<vmem>> -> memref<120x128xf32, #tpu.memory_space<vmem>>
        tpu.wait_dma2 semaphore(%run_scoped3A_127 : memref<!tpu.dma_semaphore, #tpu.memory_space<semaphore_mem>>) src(%dma_wait3A_147 : memref<120x128xf32, #tpu.memory_space<vmem>>) dst(%dma_wait3A_144 : memref<120x128xf32, #tpu.memory_space<vmem_shared>>)
        tpu.yield
      }) : () -> ()
    } else {
    }
    %eq3A = arith.constant 15 : i32
    %eq3A_10 = arith.cmpi eq, %arg1, %eq3A : i32
    %convert_element_type3A_11 = arith.extui %eq3A_10 : i1 to i32
    %cond3A_12 = arith.constant 0 : i32
    %cond3A_13 = arith.cmpi ne, %convert_element_type3A_11, %cond3A_12 : i32
    scf.if %cond3A_13 {
      "tpu.region"() ({
        %run_scoped3A_117 = tpu.sem_alloc : memref<!tpu.dma_semaphore, #tpu.memory_space<semaphore_mem>>
        %dma_start3A_118 = arith.constant 9480 : i32
        %dma_start3A_119 = arith.constant 0 : i32
        %dma_start3A_120 = tpu.memref_slice %arg7[%dma_start3A_118, %dma_start3A_119] : memref<10016x128xf32, #tpu.memory_space<vmem_shared>> -> memref<128x128xf32, #tpu.memory_space<vmem_shared>>
        %dma_start3A_121 = arith.constant 9480 : i32
        %dma_start3A_122 = arith.constant 0 : i32
        %dma_start3A_123 = tpu.memref_slice %arg7[%dma_start3A_121, %dma_start3A_122] : memref<10016x128xf32, #tpu.memory_space<vmem_shared>> -> memref<128x128xf32, #tpu.memory_space<vmem_shared>>
        tpu.enqueue_dma source(%arg8 : memref<128x128xf32, #tpu.memory_space<vmem>>) target(%dma_start3A_123 : memref<128x128xf32, #tpu.memory_space<vmem_shared>>) target_semaphore(%run_scoped3A_117 : memref<!tpu.dma_semaphore, #tpu.memory_space<semaphore_mem>>)
        %dma_wait3A_124 = arith.constant 9480 : i32
        %dma_wait3A_125 = arith.constant 0 : i32
        %dma_wait3A_126 = tpu.memref_slice %arg7[%dma_wait3A_124, %dma_wait3A_125] : memref<10016x128xf32, #tpu.memory_space<vmem_shared>> -> memref<128x128xf32, #tpu.memory_space<vmem_shared>>
        %dma_wait3A_127 = arith.constant 9480 : i32
        %dma_wait3A_128 = arith.constant 0 : i32
        %dma_wait3A_129 = tpu.memref_slice %arg7[%dma_wait3A_127, %dma_wait3A_128] : memref<10016x128xf32, #tpu.memory_space<vmem_shared>> -> memref<128x128xf32, #tpu.memory_space<vmem_shared>>
        tpu.wait_dma2 semaphore(%run_scoped3A_117 : memref<!tpu.dma_semaphore, #tpu.memory_space<semaphore_mem>>) src(%arg8 : memref<128x128xf32, #tpu.memory_space<vmem>>) dst(%dma_wait3A_129 : memref<128x128xf32, #tpu.memory_space<vmem_shared>>)
        tpu.yield
      }) : () -> ()
      "tpu.region"() ({
        %run_scoped3A_117 = tpu.sem_alloc : memref<!tpu.dma_semaphore, #tpu.memory_space<semaphore_mem>>
        %dma_start3A_118 = arith.constant 9608 : i32
        %dma_start3A_119 = arith.constant 0 : i32
        %dma_start3A_120 = tpu.memref_slice %arg7[%dma_start3A_118, %dma_start3A_119] : memref<10016x128xf32, #tpu.memory_space<vmem_shared>> -> memref<128x128xf32, #tpu.memory_space<vmem_shared>>
        %dma_start3A_121 = arith.constant 9608 : i32
        %dma_start3A_122 = arith.constant 0 : i32
        %dma_start3A_123 = tpu.memref_slice %arg7[%dma_start3A_121, %dma_start3A_122] : memref<10016x128xf32, #tpu.memory_space<vmem_shared>> -> memref<128x128xf32, #tpu.memory_space<vmem_shared>>
        tpu.enqueue_dma source(%arg8 : memref<128x128xf32, #tpu.memory_space<vmem>>) target(%dma_start3A_123 : memref<128x128xf32, #tpu.memory_space<vmem_shared>>) target_semaphore(%run_scoped3A_117 : memref<!tpu.dma_semaphore, #tpu.memory_space<semaphore_mem>>)
        %dma_wait3A_124 = arith.constant 9608 : i32
        %dma_wait3A_125 = arith.constant 0 : i32
        %dma_wait3A_126 = tpu.memref_slice %arg7[%dma_wait3A_124, %dma_wait3A_125] : memref<10016x128xf32, #tpu.memory_space<vmem_shared>> -> memref<128x128xf32, #tpu.memory_space<vmem_shared>>
        %dma_wait3A_127 = arith.constant 9608 : i32
        %dma_wait3A_128 = arith.constant 0 : i32
        %dma_wait3A_129 = tpu.memref_slice %arg7[%dma_wait3A_127, %dma_wait3A_128] : memref<10016x128xf32, #tpu.memory_space<vmem_shared>> -> memref<128x128xf32, #tpu.memory_space<vmem_shared>>
        tpu.wait_dma2 semaphore(%run_scoped3A_117 : memref<!tpu.dma_semaphore, #tpu.memory_space<semaphore_mem>>) src(%arg8 : memref<128x128xf32, #tpu.memory_space<vmem>>) dst(%dma_wait3A_129 : memref<128x128xf32, #tpu.memory_space<vmem_shared>>)
        tpu.yield
      }) : () -> ()
      "tpu.region"() ({
        %run_scoped3A_117 = tpu.sem_alloc : memref<!tpu.dma_semaphore, #tpu.memory_space<semaphore_mem>>
        %dma_start3A_118 = arith.constant 9736 : i32
        %dma_start3A_119 = arith.constant 0 : i32
        %dma_start3A_120 = tpu.memref_slice %arg7[%dma_start3A_118, %dma_start3A_119] : memref<10016x128xf32, #tpu.memory_space<vmem_shared>> -> memref<128x128xf32, #tpu.memory_space<vmem_shared>>
        %dma_start3A_121 = arith.constant 9736 : i32
        %dma_start3A_122 = arith.constant 0 : i32
        %dma_start3A_123 = tpu.memref_slice %arg7[%dma_start3A_121, %dma_start3A_122] : memref<10016x128xf32, #tpu.memory_space<vmem_shared>> -> memref<128x128xf32, #tpu.memory_space<vmem_shared>>
        tpu.enqueue_dma source(%arg8 : memref<128x128xf32, #tpu.memory_space<vmem>>) target(%dma_start3A_123 : memref<128x128xf32, #tpu.memory_space<vmem_shared>>) target_semaphore(%run_scoped3A_117 : memref<!tpu.dma_semaphore, #tpu.memory_space<semaphore_mem>>)
        %dma_wait3A_124 = arith.constant 9736 : i32
        %dma_wait3A_125 = arith.constant 0 : i32
        %dma_wait3A_126 = tpu.memref_slice %arg7[%dma_wait3A_124, %dma_wait3A_125] : memref<10016x128xf32, #tpu.memory_space<vmem_shared>> -> memref<128x128xf32, #tpu.memory_space<vmem_shared>>
        %dma_wait3A_127 = arith.constant 9736 : i32
        %dma_wait3A_128 = arith.constant 0 : i32
        %dma_wait3A_129 = tpu.memref_slice %arg7[%dma_wait3A_127, %dma_wait3A_128] : memref<10016x128xf32, #tpu.memory_space<vmem_shared>> -> memref<128x128xf32, #tpu.memory_space<vmem_shared>>
        tpu.wait_dma2 semaphore(%run_scoped3A_117 : memref<!tpu.dma_semaphore, #tpu.memory_space<semaphore_mem>>) src(%arg8 : memref<128x128xf32, #tpu.memory_space<vmem>>) dst(%dma_wait3A_129 : memref<128x128xf32, #tpu.memory_space<vmem_shared>>)
        tpu.yield
      }) : () -> ()
      "tpu.region"() ({
        %run_scoped3A_117 = tpu.sem_alloc : memref<!tpu.dma_semaphore, #tpu.memory_space<semaphore_mem>>
        %dma_start3A_118 = arith.constant 9864 : i32
        %dma_start3A_119 = arith.constant 0 : i32
        %dma_start3A_120 = tpu.memref_slice %arg7[%dma_start3A_118, %dma_start3A_119] : memref<10016x128xf32, #tpu.memory_space<vmem_shared>> -> memref<128x128xf32, #tpu.memory_space<vmem_shared>>
        %dma_start3A_121 = arith.constant 9864 : i32
        %dma_start3A_122 = arith.constant 0 : i32
        %dma_start3A_123 = tpu.memref_slice %arg7[%dma_start3A_121, %dma_start3A_122] : memref<10016x128xf32, #tpu.memory_space<vmem_shared>> -> memref<128x128xf32, #tpu.memory_space<vmem_shared>>
        tpu.enqueue_dma source(%arg8 : memref<128x128xf32, #tpu.memory_space<vmem>>) target(%dma_start3A_123 : memref<128x128xf32, #tpu.memory_space<vmem_shared>>) target_semaphore(%run_scoped3A_117 : memref<!tpu.dma_semaphore, #tpu.memory_space<semaphore_mem>>)
        %dma_wait3A_124 = arith.constant 9864 : i32
        %dma_wait3A_125 = arith.constant 0 : i32
        %dma_wait3A_126 = tpu.memref_slice %arg7[%dma_wait3A_124, %dma_wait3A_125] : memref<10016x128xf32, #tpu.memory_space<vmem_shared>> -> memref<128x128xf32, #tpu.memory_space<vmem_shared>>
        %dma_wait3A_127 = arith.constant 9864 : i32
        %dma_wait3A_128 = arith.constant 0 : i32
        %dma_wait3A_129 = tpu.memref_slice %arg7[%dma_wait3A_127, %dma_wait3A_128] : memref<10016x128xf32, #tpu.memory_space<vmem_shared>> -> memref<128x128xf32, #tpu.memory_space<vmem_shared>>
        tpu.wait_dma2 semaphore(%run_scoped3A_117 : memref<!tpu.dma_semaphore, #tpu.memory_space<semaphore_mem>>) src(%arg8 : memref<128x128xf32, #tpu.memory_space<vmem>>) dst(%dma_wait3A_129 : memref<128x128xf32, #tpu.memory_space<vmem_shared>>)
        tpu.yield
      }) : () -> ()
      "tpu.region"() ({
        %run_scoped3A_117 = tpu.sem_alloc : memref<!tpu.dma_semaphore, #tpu.memory_space<semaphore_mem>>
        %dma_start3A_118 = arith.constant 0 : i32
        %dma_start3A_119 = arith.constant 0 : i32
        %dma_start3A_120 = tpu.memref_slice %arg8[%dma_start3A_118, %dma_start3A_119] : memref<128x128xf32, #tpu.memory_space<vmem>> -> memref<24x128xf32, #tpu.memory_space<vmem>>
        %dma_start3A_121 = arith.constant 9992 : i32
        %dma_start3A_122 = arith.constant 0 : i32
        %dma_start3A_123 = tpu.memref_slice %arg7[%dma_start3A_121, %dma_start3A_122] : memref<10016x128xf32, #tpu.memory_space<vmem_shared>> -> memref<24x128xf32, #tpu.memory_space<vmem_shared>>
        %dma_start3A_124 = arith.constant 9992 : i32
        %dma_start3A_125 = arith.constant 0 : i32
        %dma_start3A_126 = tpu.memref_slice %arg7[%dma_start3A_124, %dma_start3A_125] : memref<10016x128xf32, #tpu.memory_space<vmem_shared>> -> memref<24x128xf32, #tpu.memory_space<vmem_shared>>
        %dma_start3A_127 = arith.constant 0 : i32
        %dma_start3A_128 = arith.constant 0 : i32
        %dma_start3A_129 = tpu.memref_slice %arg8[%dma_start3A_127, %dma_start3A_128] : memref<128x128xf32, #tpu.memory_space<vmem>> -> memref<24x128xf32, #tpu.memory_space<vmem>>
        tpu.enqueue_dma source(%dma_start3A_129 : memref<24x128xf32, #tpu.memory_space<vmem>>) target(%dma_start3A_126 : memref<24x128xf32, #tpu.memory_space<vmem_shared>>) target_semaphore(%run_scoped3A_117 : memref<!tpu.dma_semaphore, #tpu.memory_space<semaphore_mem>>)
        %dma_wait3A_130 = arith.constant 0 : i32
        %dma_wait3A_131 = arith.constant 0 : i32
        %dma_wait3A_132 = tpu.memref_slice %arg8[%dma_wait3A_130, %dma_wait3A_131] : memref<128x128xf32, #tpu.memory_space<vmem>> -> memref<24x128xf32, #tpu.memory_space<vmem>>
        %dma_wait3A_133 = arith.constant 9992 : i32
        %dma_wait3A_134 = arith.constant 0 : i32
        %dma_wait3A_135 = tpu.memref_slice %arg7[%dma_wait3A_133, %dma_wait3A_134] : memref<10016x128xf32, #tpu.memory_space<vmem_shared>> -> memref<24x128xf32, #tpu.memory_space<vmem_shared>>
        %dma_wait3A_136 = arith.constant 9992 : i32
        %dma_wait3A_137 = arith.constant 0 : i32
        %dma_wait3A_138 = tpu.memref_slice %arg7[%dma_wait3A_136, %dma_wait3A_137] : memref<10016x128xf32, #tpu.memory_space<vmem_shared>> -> memref<24x128xf32, #tpu.memory_space<vmem_shared>>
        %dma_wait3A_139 = arith.constant 0 : i32
        %dma_wait3A_140 = arith.constant 0 : i32
        %dma_wait3A_141 = tpu.memref_slice %arg8[%dma_wait3A_139, %dma_wait3A_140] : memref<128x128xf32, #tpu.memory_space<vmem>> -> memref<24x128xf32, #tpu.memory_space<vmem>>
        tpu.wait_dma2 semaphore(%run_scoped3A_117 : memref<!tpu.dma_semaphore, #tpu.memory_space<semaphore_mem>>) src(%dma_wait3A_141 : memref<24x128xf32, #tpu.memory_space<vmem>>) dst(%dma_wait3A_138 : memref<24x128xf32, #tpu.memory_space<vmem_shared>>)
        tpu.yield
      }) : () -> ()
    } else {
    }
    %barrier3A = arith.constant 0 : index
    tpu.barrier barrier_id(%barrier3A)
    %mul3A_14 = arith.constant 80 : i32
    %mul3A_15 = arith.muli %add3A, %mul3A_14 : i32
    %add3A_16 = arith.constant 0 : i32
    %add3A_17 = arith.addi %mul3A_15, %add3A_16 : i32
    "tpu.region"() ({
      %run_scoped3A_117 = tpu.sem_alloc : memref<!tpu.dma_semaphore, #tpu.memory_space<semaphore_mem>>
      %dma_start3A_118 = arith.constant 0 : i32
      %dma_start3A_119 = tpu.memref_slice %arg3[%add3A_17, %dma_start3A_118] : memref<2560x128xi32, #tpu.memory_space<hbm>> -> memref<40x128xi32, #tpu.memory_space<hbm>>
      %dma_start3A_120 = arith.constant 0 : i32
      %dma_start3A_121 = tpu.memref_slice %arg3[%add3A_17, %dma_start3A_120] : memref<2560x128xi32, #tpu.memory_space<hbm>> -> memref<40x128xi32, #tpu.memory_space<hbm>>
      tpu.enqueue_dma source(%dma_start3A_121 : memref<40x128xi32, #tpu.memory_space<hbm>>) target(%arg10 : memref<40x128xi32, #tpu.memory_space<vmem>>) target_semaphore(%run_scoped3A_117 : memref<!tpu.dma_semaphore, #tpu.memory_space<semaphore_mem>>)
      %dma_wait3A_122 = arith.constant 0 : i32
      %dma_wait3A_123 = tpu.memref_slice %arg3[%add3A_17, %dma_wait3A_122] : memref<2560x128xi32, #tpu.memory_space<hbm>> -> memref<40x128xi32, #tpu.memory_space<hbm>>
      %dma_wait3A_124 = arith.constant 0 : i32
      %dma_wait3A_125 = tpu.memref_slice %arg3[%add3A_17, %dma_wait3A_124] : memref<2560x128xi32, #tpu.memory_space<hbm>> -> memref<40x128xi32, #tpu.memory_space<hbm>>
      tpu.wait_dma2 semaphore(%run_scoped3A_117 : memref<!tpu.dma_semaphore, #tpu.memory_space<semaphore_mem>>) src(%dma_wait3A_125 : memref<40x128xi32, #tpu.memory_space<hbm>>) dst(%arg10 : memref<40x128xi32, #tpu.memory_space<vmem>>)
      tpu.yield
    }) : () -> ()
    "tpu.region"() ({
      %run_scoped3A_117 = tpu.sem_alloc : memref<!tpu.dma_semaphore, #tpu.memory_space<semaphore_mem>>
      %dma_start3A_118 = arith.constant 0 : i32
      %dma_start3A_119 = tpu.memref_slice %arg4[%add3A_17, %dma_start3A_118] : memref<2560x128xi32, #tpu.memory_space<hbm>> -> memref<40x128xi32, #tpu.memory_space<hbm>>
      %dma_start3A_120 = arith.constant 0 : i32
      %dma_start3A_121 = tpu.memref_slice %arg4[%add3A_17, %dma_start3A_120] : memref<2560x128xi32, #tpu.memory_space<hbm>> -> memref<40x128xi32, #tpu.memory_space<hbm>>
      tpu.enqueue_dma source(%dma_start3A_121 : memref<40x128xi32, #tpu.memory_space<hbm>>) target(%arg11 : memref<40x128xi32, #tpu.memory_space<vmem>>) target_semaphore(%run_scoped3A_117 : memref<!tpu.dma_semaphore, #tpu.memory_space<semaphore_mem>>)
      %dma_wait3A_122 = arith.constant 0 : i32
      %dma_wait3A_123 = tpu.memref_slice %arg4[%add3A_17, %dma_wait3A_122] : memref<2560x128xi32, #tpu.memory_space<hbm>> -> memref<40x128xi32, #tpu.memory_space<hbm>>
      %dma_wait3A_124 = arith.constant 0 : i32
      %dma_wait3A_125 = tpu.memref_slice %arg4[%add3A_17, %dma_wait3A_124] : memref<2560x128xi32, #tpu.memory_space<hbm>> -> memref<40x128xi32, #tpu.memory_space<hbm>>
      tpu.wait_dma2 semaphore(%run_scoped3A_117 : memref<!tpu.dma_semaphore, #tpu.memory_space<semaphore_mem>>) src(%dma_wait3A_125 : memref<40x128xi32, #tpu.memory_space<hbm>>) dst(%arg11 : memref<40x128xi32, #tpu.memory_space<vmem>>)
      tpu.yield
    }) : () -> ()
    %dma_start3A = arith.constant 0 : i32
    %dma_start3A_18 = arith.constant 0 : i32
    %dma_start3A_19 = tpu.memref_slice %arg10[%dma_start3A, %dma_start3A_18] : memref<40x128xi32, #tpu.memory_space<vmem>> -> memref<1x128xi32, #tpu.memory_space<vmem>>
    %dma_start3A_20 = tpu.memref_squeeze %dma_start3A_19 : memref<1x128xi32, #tpu.memory_space<vmem>> -> memref<128xi32, #tpu.memory_space<vmem>>
    %dma_start3A_21 = arith.constant 0 : i32
    %dma_start3A_22 = arith.constant 0 : i32
    %dma_start3A_23 = tpu.memref_slice %arg2[%dma_start3A_21, %dma_start3A_22] : memref<10000x128xf32, #tpu.memory_space<hbm>> -> memref<10000x128xf32, #tpu.memory_space<hbm>>
    tpu.enqueue_indirect_dma source(%dma_start3A_23 : memref<10000x128xf32, #tpu.memory_space<hbm>>) target(%arg8 : memref<128x128xf32, #tpu.memory_space<vmem>>) offsets(%dma_start3A_20 : memref<128xi32, #tpu.memory_space<vmem>>) semaphore(%arg12 : memref<!tpu.dma_semaphore, #tpu.memory_space<semaphore_mem>>)
    %dma_start3A_24 = arith.constant 1 : i32
    %dma_start3A_25 = arith.constant 0 : i32
    %dma_start3A_26 = tpu.memref_slice %arg10[%dma_start3A_24, %dma_start3A_25] : memref<40x128xi32, #tpu.memory_space<vmem>> -> memref<1x128xi32, #tpu.memory_space<vmem>>
    %dma_start3A_27 = tpu.memref_squeeze %dma_start3A_26 : memref<1x128xi32, #tpu.memory_space<vmem>> -> memref<128xi32, #tpu.memory_space<vmem>>
    %dma_start3A_28 = arith.constant 0 : i32
    %dma_start3A_29 = arith.constant 0 : i32
    %dma_start3A_30 = tpu.memref_slice %arg2[%dma_start3A_28, %dma_start3A_29] : memref<10000x128xf32, #tpu.memory_space<hbm>> -> memref<10000x128xf32, #tpu.memory_space<hbm>>
    tpu.enqueue_indirect_dma source(%dma_start3A_30 : memref<10000x128xf32, #tpu.memory_space<hbm>>) target(%arg9 : memref<128x128xf32, #tpu.memory_space<vmem>>) offsets(%dma_start3A_27 : memref<128xi32, #tpu.memory_space<vmem>>) semaphore(%arg13 : memref<!tpu.dma_semaphore, #tpu.memory_space<semaphore_mem>>)
    %scan3A_31 = arith.constant 0 : i32
    %scan3A_32 = arith.constant 0 : i32
    %scan3A_33 = arith.constant 19 : i32
    %scan3A_34 = arith.addi %scan3A_32, %scan3A_33 : i32
    %scan3A_35 = arith.constant 1 : i32
    scf.for %scan3A_117 = %scan3A_32 to %scan3A_34 step %scan3A_35  : i32 {
      %mul3A_118 = arith.constant 2 : i32
      %mul3A_119 = arith.muli %mul3A_118, %scan3A_117 : i32
      %dma_wait3A_120 = arith.constant 0 : i32
      %dma_wait3A_121 = arith.constant 0 : i32
      %dma_wait3A_122 = tpu.memref_slice %arg2[%dma_wait3A_120, %dma_wait3A_121] : memref<10000x128xf32, #tpu.memory_space<hbm>> -> memref<128x128xf32, #tpu.memory_space<hbm>>
      %dma_wait3A_123 = arith.constant 0 : i32
      %dma_wait3A_124 = arith.constant 0 : i32
      %dma_wait3A_125 = tpu.memref_slice %arg2[%dma_wait3A_123, %dma_wait3A_124] : memref<10000x128xf32, #tpu.memory_space<hbm>> -> memref<128x128xf32, #tpu.memory_space<hbm>>
      tpu.wait_dma2 semaphore(%arg12 : memref<!tpu.dma_semaphore, #tpu.memory_space<semaphore_mem>>) src(%dma_wait3A_125 : memref<128x128xf32, #tpu.memory_space<hbm>>) dst(%arg8 : memref<128x128xf32, #tpu.memory_space<vmem>>)
      "tpu.region"() ({
        %run_scoped3A_150 = tpu.sem_alloc : memref<!tpu.dma_semaphore, #tpu.memory_space<semaphore_mem>>
        %dma_start3A_151 = arith.constant 0 : i32
        %dma_start3A_152 = tpu.memref_slice %arg11[%mul3A_119, %dma_start3A_151] : memref<40x128xi32, #tpu.memory_space<vmem>> -> memref<1x128xi32, #tpu.memory_space<vmem>>
        %dma_start3A_153 = tpu.memref_squeeze %dma_start3A_152 : memref<1x128xi32, #tpu.memory_space<vmem>> -> memref<128xi32, #tpu.memory_space<vmem>>
        %dma_start3A_154 = arith.constant 0 : i32
        %dma_start3A_155 = arith.constant 0 : i32
        %dma_start3A_156 = tpu.memref_slice %arg7[%dma_start3A_154, %dma_start3A_155] : memref<10016x128xf32, #tpu.memory_space<vmem_shared>> -> memref<10016x128xf32, #tpu.memory_space<vmem_shared>>
        tpu.enqueue_indirect_dma source(%arg8 : memref<128x128xf32, #tpu.memory_space<vmem>>) target(%dma_start3A_156 : memref<10016x128xf32, #tpu.memory_space<vmem_shared>>) offsets(%dma_start3A_153 : memref<128xi32, #tpu.memory_space<vmem>>) semaphore(%run_scoped3A_150 : memref<!tpu.dma_semaphore, #tpu.memory_space<semaphore_mem>>) {add = true}
        %dma_wait3A_157 = arith.constant 0 : i32
        %dma_wait3A_158 = tpu.memref_slice %arg11[%mul3A_119, %dma_wait3A_157] : memref<40x128xi32, #tpu.memory_space<vmem>> -> memref<1x128xi32, #tpu.memory_space<vmem>>
        %dma_wait3A_159 = tpu.memref_squeeze %dma_wait3A_158 : memref<1x128xi32, #tpu.memory_space<vmem>> -> memref<128xi32, #tpu.memory_space<vmem>>
        %dma_wait3A_160 = arith.constant 0 : i32
        %dma_wait3A_161 = arith.constant 0 : i32
        %dma_wait3A_162 = tpu.memref_slice %arg7[%dma_wait3A_160, %dma_wait3A_161] : memref<10016x128xf32, #tpu.memory_space<vmem_shared>> -> memref<10016x128xf32, #tpu.memory_space<vmem_shared>>
        tpu.wait_indirect_dma semaphore(%run_scoped3A_150 : memref<!tpu.dma_semaphore, #tpu.memory_space<semaphore_mem>>) src(%arg8 : memref<128x128xf32, #tpu.memory_space<vmem>>) dst(%dma_wait3A_162 : memref<10016x128xf32, #tpu.memory_space<vmem_shared>>)
        tpu.yield
      }) : () -> ()
      %add3A_126 = arith.constant 2 : i32
      %add3A_127 = arith.addi %mul3A_119, %add3A_126 : i32
      %dma_start3A_128 = arith.constant 0 : i32
      %dma_start3A_129 = tpu.memref_slice %arg10[%add3A_127, %dma_start3A_128] : memref<40x128xi32, #tpu.memory_space<vmem>> -> memref<1x128xi32, #tpu.memory_space<vmem>>
      %dma_start3A_130 = tpu.memref_squeeze %dma_start3A_129 : memref<1x128xi32, #tpu.memory_space<vmem>> -> memref<128xi32, #tpu.memory_space<vmem>>
      %dma_start3A_131 = arith.constant 0 : i32
      %dma_start3A_132 = arith.constant 0 : i32
      %dma_start3A_133 = tpu.memref_slice %arg2[%dma_start3A_131, %dma_start3A_132] : memref<10000x128xf32, #tpu.memory_space<hbm>> -> memref<10000x128xf32, #tpu.memory_space<hbm>>
      tpu.enqueue_indirect_dma source(%dma_start3A_133 : memref<10000x128xf32, #tpu.memory_space<hbm>>) target(%arg8 : memref<128x128xf32, #tpu.memory_space<vmem>>) offsets(%dma_start3A_130 : memref<128xi32, #tpu.memory_space<vmem>>) semaphore(%arg12 : memref<!tpu.dma_semaphore, #tpu.memory_space<semaphore_mem>>)
      %dma_wait3A_134 = arith.constant 0 : i32
      %dma_wait3A_135 = arith.constant 0 : i32
      %dma_wait3A_136 = tpu.memref_slice %arg2[%dma_wait3A_134, %dma_wait3A_135] : memref<10000x128xf32, #tpu.memory_space<hbm>> -> memref<128x128xf32, #tpu.memory_space<hbm>>
      %dma_wait3A_137 = arith.constant 0 : i32
      %dma_wait3A_138 = arith.constant 0 : i32
      %dma_wait3A_139 = tpu.memref_slice %arg2[%dma_wait3A_137, %dma_wait3A_138] : memref<10000x128xf32, #tpu.memory_space<hbm>> -> memref<128x128xf32, #tpu.memory_space<hbm>>
      tpu.wait_dma2 semaphore(%arg13 : memref<!tpu.dma_semaphore, #tpu.memory_space<semaphore_mem>>) src(%dma_wait3A_139 : memref<128x128xf32, #tpu.memory_space<hbm>>) dst(%arg9 : memref<128x128xf32, #tpu.memory_space<vmem>>)
      %add3A_140 = arith.constant 1 : i32
      %add3A_141 = arith.addi %mul3A_119, %add3A_140 : i32
      "tpu.region"() ({
        %run_scoped3A_150 = tpu.sem_alloc : memref<!tpu.dma_semaphore, #tpu.memory_space<semaphore_mem>>
        %dma_start3A_151 = arith.constant 0 : i32
        %dma_start3A_152 = tpu.memref_slice %arg11[%add3A_141, %dma_start3A_151] : memref<40x128xi32, #tpu.memory_space<vmem>> -> memref<1x128xi32, #tpu.memory_space<vmem>>
        %dma_start3A_153 = tpu.memref_squeeze %dma_start3A_152 : memref<1x128xi32, #tpu.memory_space<vmem>> -> memref<128xi32, #tpu.memory_space<vmem>>
        %dma_start3A_154 = arith.constant 0 : i32
        %dma_start3A_155 = arith.constant 0 : i32
        %dma_start3A_156 = tpu.memref_slice %arg7[%dma_start3A_154, %dma_start3A_155] : memref<10016x128xf32, #tpu.memory_space<vmem_shared>> -> memref<10016x128xf32, #tpu.memory_space<vmem_shared>>
        tpu.enqueue_indirect_dma source(%arg9 : memref<128x128xf32, #tpu.memory_space<vmem>>) target(%dma_start3A_156 : memref<10016x128xf32, #tpu.memory_space<vmem_shared>>) offsets(%dma_start3A_153 : memref<128xi32, #tpu.memory_space<vmem>>) semaphore(%run_scoped3A_150 : memref<!tpu.dma_semaphore, #tpu.memory_space<semaphore_mem>>) {add = true}
        %dma_wait3A_157 = arith.constant 0 : i32
        %dma_wait3A_158 = tpu.memref_slice %arg11[%add3A_141, %dma_wait3A_157] : memref<40x128xi32, #tpu.memory_space<vmem>> -> memref<1x128xi32, #tpu.memory_space<vmem>>
        %dma_wait3A_159 = tpu.memref_squeeze %dma_wait3A_158 : memref<1x128xi32, #tpu.memory_space<vmem>> -> memref<128xi32, #tpu.memory_space<vmem>>
        %dma_wait3A_160 = arith.constant 0 : i32
        %dma_wait3A_161 = arith.constant 0 : i32
        %dma_wait3A_162 = tpu.memref_slice %arg7[%dma_wait3A_160, %dma_wait3A_161] : memref<10016x128xf32, #tpu.memory_space<vmem_shared>> -> memref<10016x128xf32, #tpu.memory_space<vmem_shared>>
        tpu.wait_indirect_dma semaphore(%run_scoped3A_150 : memref<!tpu.dma_semaphore, #tpu.memory_space<semaphore_mem>>) src(%arg9 : memref<128x128xf32, #tpu.memory_space<vmem>>) dst(%dma_wait3A_162 : memref<10016x128xf32, #tpu.memory_space<vmem_shared>>)
        tpu.yield
      }) : () -> ()
      %add3A_142 = arith.constant 3 : i32
      %add3A_143 = arith.addi %mul3A_119, %add3A_142 : i32
      %dma_start3A_144 = arith.constant 0 : i32
      %dma_start3A_145 = tpu.memref_slice %arg10[%add3A_143, %dma_start3A_144] : memref<40x128xi32, #tpu.memory_space<vmem>> -> memref<1x128xi32, #tpu.memory_space<vmem>>
      %dma_start3A_146 = tpu.memref_squeeze %dma_start3A_145 : memref<1x128xi32, #tpu.memory_space<vmem>> -> memref<128xi32, #tpu.memory_space<vmem>>
      %dma_start3A_147 = arith.constant 0 : i32
      %dma_start3A_148 = arith.constant 0 : i32
      %dma_start3A_149 = tpu.memref_slice %arg2[%dma_start3A_147, %dma_start3A_148] : memref<10000x128xf32, #tpu.memory_space<hbm>> -> memref<10000x128xf32, #tpu.memory_space<hbm>>
      tpu.enqueue_indirect_dma source(%dma_start3A_149 : memref<10000x128xf32, #tpu.memory_space<hbm>>) target(%arg9 : memref<128x128xf32, #tpu.memory_space<vmem>>) offsets(%dma_start3A_146 : memref<128xi32, #tpu.memory_space<vmem>>) semaphore(%arg13 : memref<!tpu.dma_semaphore, #tpu.memory_space<semaphore_mem>>)
    }
    %scan3A_36 = arith.constant 19 : i32
    %dma_wait3A = arith.constant 0 : i32
    %dma_wait3A_37 = arith.constant 0 : i32
    %dma_wait3A_38 = tpu.memref_slice %arg2[%dma_wait3A, %dma_wait3A_37] : memref<10000x128xf32, #tpu.memory_space<hbm>> -> memref<128x128xf32, #tpu.memory_space<hbm>>
    %dma_wait3A_39 = arith.constant 0 : i32
    %dma_wait3A_40 = arith.constant 0 : i32
    %dma_wait3A_41 = tpu.memref_slice %arg2[%dma_wait3A_39, %dma_wait3A_40] : memref<10000x128xf32, #tpu.memory_space<hbm>> -> memref<128x128xf32, #tpu.memory_space<hbm>>
    tpu.wait_dma2 semaphore(%arg12 : memref<!tpu.dma_semaphore, #tpu.memory_space<semaphore_mem>>) src(%dma_wait3A_41 : memref<128x128xf32, #tpu.memory_space<hbm>>) dst(%arg8 : memref<128x128xf32, #tpu.memory_space<vmem>>)
    %run_scoped3A = arith.constant 38 : i32
    "tpu.region"() ({
      %run_scoped3A_117 = tpu.sem_alloc : memref<!tpu.dma_semaphore, #tpu.memory_space<semaphore_mem>>
      %dma_start3A_118 = arith.constant 0 : i32
      %dma_start3A_119 = tpu.memref_slice %arg11[%run_scoped3A, %dma_start3A_118] : memref<40x128xi32, #tpu.memory_space<vmem>> -> memref<1x128xi32, #tpu.memory_space<vmem>>
      %dma_start3A_120 = tpu.memref_squeeze %dma_start3A_119 : memref<1x128xi32, #tpu.memory_space<vmem>> -> memref<128xi32, #tpu.memory_space<vmem>>
      %dma_start3A_121 = arith.constant 0 : i32
      %dma_start3A_122 = arith.constant 0 : i32
      %dma_start3A_123 = tpu.memref_slice %arg7[%dma_start3A_121, %dma_start3A_122] : memref<10016x128xf32, #tpu.memory_space<vmem_shared>> -> memref<10016x128xf32, #tpu.memory_space<vmem_shared>>
      tpu.enqueue_indirect_dma source(%arg8 : memref<128x128xf32, #tpu.memory_space<vmem>>) target(%dma_start3A_123 : memref<10016x128xf32, #tpu.memory_space<vmem_shared>>) offsets(%dma_start3A_120 : memref<128xi32, #tpu.memory_space<vmem>>) semaphore(%run_scoped3A_117 : memref<!tpu.dma_semaphore, #tpu.memory_space<semaphore_mem>>) {add = true}
      %dma_wait3A_124 = arith.constant 0 : i32
      %dma_wait3A_125 = tpu.memref_slice %arg11[%run_scoped3A, %dma_wait3A_124] : memref<40x128xi32, #tpu.memory_space<vmem>> -> memref<1x128xi32, #tpu.memory_space<vmem>>
      %dma_wait3A_126 = tpu.memref_squeeze %dma_wait3A_125 : memref<1x128xi32, #tpu.memory_space<vmem>> -> memref<128xi32, #tpu.memory_space<vmem>>
      %dma_wait3A_127 = arith.constant 0 : i32
      %dma_wait3A_128 = arith.constant 0 : i32
      %dma_wait3A_129 = tpu.memref_slice %arg7[%dma_wait3A_127, %dma_wait3A_128] : memref<10016x128xf32, #tpu.memory_space<vmem_shared>> -> memref<10016x128xf32, #tpu.memory_space<vmem_shared>>
      tpu.wait_indirect_dma semaphore(%run_scoped3A_117 : memref<!tpu.dma_semaphore, #tpu.memory_space<semaphore_mem>>) src(%arg8 : memref<128x128xf32, #tpu.memory_space<vmem>>) dst(%dma_wait3A_129 : memref<10016x128xf32, #tpu.memory_space<vmem_shared>>)
      tpu.yield
    }) : () -> ()
    %dma_wait3A_42 = arith.constant 0 : i32
    %dma_wait3A_43 = arith.constant 0 : i32
    %dma_wait3A_44 = tpu.memref_slice %arg2[%dma_wait3A_42, %dma_wait3A_43] : memref<10000x128xf32, #tpu.memory_space<hbm>> -> memref<128x128xf32, #tpu.memory_space<hbm>>
    %dma_wait3A_45 = arith.constant 0 : i32
    %dma_wait3A_46 = arith.constant 0 : i32
    %dma_wait3A_47 = tpu.memref_slice %arg2[%dma_wait3A_45, %dma_wait3A_46] : memref<10000x128xf32, #tpu.memory_space<hbm>> -> memref<128x128xf32, #tpu.memory_space<hbm>>
    tpu.wait_dma2 semaphore(%arg13 : memref<!tpu.dma_semaphore, #tpu.memory_space<semaphore_mem>>) src(%dma_wait3A_47 : memref<128x128xf32, #tpu.memory_space<hbm>>) dst(%arg9 : memref<128x128xf32, #tpu.memory_space<vmem>>)
    %run_scoped3A_48 = arith.constant 39 : i32
    "tpu.region"() ({
      %run_scoped3A_117 = tpu.sem_alloc : memref<!tpu.dma_semaphore, #tpu.memory_space<semaphore_mem>>
      %dma_start3A_118 = arith.constant 0 : i32
      %dma_start3A_119 = tpu.memref_slice %arg11[%run_scoped3A_48, %dma_start3A_118] : memref<40x128xi32, #tpu.memory_space<vmem>> -> memref<1x128xi32, #tpu.memory_space<vmem>>
      %dma_start3A_120 = tpu.memref_squeeze %dma_start3A_119 : memref<1x128xi32, #tpu.memory_space<vmem>> -> memref<128xi32, #tpu.memory_space<vmem>>
      %dma_start3A_121 = arith.constant 0 : i32
      %dma_start3A_122 = arith.constant 0 : i32
      %dma_start3A_123 = tpu.memref_slice %arg7[%dma_start3A_121, %dma_start3A_122] : memref<10016x128xf32, #tpu.memory_space<vmem_shared>> -> memref<10016x128xf32, #tpu.memory_space<vmem_shared>>
      tpu.enqueue_indirect_dma source(%arg9 : memref<128x128xf32, #tpu.memory_space<vmem>>) target(%dma_start3A_123 : memref<10016x128xf32, #tpu.memory_space<vmem_shared>>) offsets(%dma_start3A_120 : memref<128xi32, #tpu.memory_space<vmem>>) semaphore(%run_scoped3A_117 : memref<!tpu.dma_semaphore, #tpu.memory_space<semaphore_mem>>) {add = true}
      %dma_wait3A_124 = arith.constant 0 : i32
      %dma_wait3A_125 = tpu.memref_slice %arg11[%run_scoped3A_48, %dma_wait3A_124] : memref<40x128xi32, #tpu.memory_space<vmem>> -> memref<1x128xi32, #tpu.memory_space<vmem>>
      %dma_wait3A_126 = tpu.memref_squeeze %dma_wait3A_125 : memref<1x128xi32, #tpu.memory_space<vmem>> -> memref<128xi32, #tpu.memory_space<vmem>>
      %dma_wait3A_127 = arith.constant 0 : i32
      %dma_wait3A_128 = arith.constant 0 : i32
      %dma_wait3A_129 = tpu.memref_slice %arg7[%dma_wait3A_127, %dma_wait3A_128] : memref<10016x128xf32, #tpu.memory_space<vmem_shared>> -> memref<10016x128xf32, #tpu.memory_space<vmem_shared>>
      tpu.wait_indirect_dma semaphore(%run_scoped3A_117 : memref<!tpu.dma_semaphore, #tpu.memory_space<semaphore_mem>>) src(%arg9 : memref<128x128xf32, #tpu.memory_space<vmem>>) dst(%dma_wait3A_129 : memref<10016x128xf32, #tpu.memory_space<vmem_shared>>)
      tpu.yield
    }) : () -> ()
    %add3A_49 = arith.constant 40 : i32
    %add3A_50 = arith.addi %mul3A_15, %add3A_49 : i32
    "tpu.region"() ({
      %run_scoped3A_117 = tpu.sem_alloc : memref<!tpu.dma_semaphore, #tpu.memory_space<semaphore_mem>>
      %dma_start3A_118 = arith.constant 0 : i32
      %dma_start3A_119 = tpu.memref_slice %arg3[%add3A_50, %dma_start3A_118] : memref<2560x128xi32, #tpu.memory_space<hbm>> -> memref<40x128xi32, #tpu.memory_space<hbm>>
      %dma_start3A_120 = arith.constant 0 : i32
      %dma_start3A_121 = tpu.memref_slice %arg3[%add3A_50, %dma_start3A_120] : memref<2560x128xi32, #tpu.memory_space<hbm>> -> memref<40x128xi32, #tpu.memory_space<hbm>>
      tpu.enqueue_dma source(%dma_start3A_121 : memref<40x128xi32, #tpu.memory_space<hbm>>) target(%arg10 : memref<40x128xi32, #tpu.memory_space<vmem>>) target_semaphore(%run_scoped3A_117 : memref<!tpu.dma_semaphore, #tpu.memory_space<semaphore_mem>>)
      %dma_wait3A_122 = arith.constant 0 : i32
      %dma_wait3A_123 = tpu.memref_slice %arg3[%add3A_50, %dma_wait3A_122] : memref<2560x128xi32, #tpu.memory_space<hbm>> -> memref<40x128xi32, #tpu.memory_space<hbm>>
      %dma_wait3A_124 = arith.constant 0 : i32
      %dma_wait3A_125 = tpu.memref_slice %arg3[%add3A_50, %dma_wait3A_124] : memref<2560x128xi32, #tpu.memory_space<hbm>> -> memref<40x128xi32, #tpu.memory_space<hbm>>
      tpu.wait_dma2 semaphore(%run_scoped3A_117 : memref<!tpu.dma_semaphore, #tpu.memory_space<semaphore_mem>>) src(%dma_wait3A_125 : memref<40x128xi32, #tpu.memory_space<hbm>>) dst(%arg10 : memref<40x128xi32, #tpu.memory_space<vmem>>)
      tpu.yield
    }) : () -> ()
    "tpu.region"() ({
      %run_scoped3A_117 = tpu.sem_alloc : memref<!tpu.dma_semaphore, #tpu.memory_space<semaphore_mem>>
      %dma_start3A_118 = arith.constant 0 : i32
      %dma_start3A_119 = tpu.memref_slice %arg4[%add3A_50, %dma_start3A_118] : memref<2560x128xi32, #tpu.memory_space<hbm>> -> memref<40x128xi32, #tpu.memory_space<hbm>>
      %dma_start3A_120 = arith.constant 0 : i32
      %dma_start3A_121 = tpu.memref_slice %arg4[%add3A_50, %dma_start3A_120] : memref<2560x128xi32, #tpu.memory_space<hbm>> -> memref<40x128xi32, #tpu.memory_space<hbm>>
      tpu.enqueue_dma source(%dma_start3A_121 : memref<40x128xi32, #tpu.memory_space<hbm>>) target(%arg11 : memref<40x128xi32, #tpu.memory_space<vmem>>) target_semaphore(%run_scoped3A_117 : memref<!tpu.dma_semaphore, #tpu.memory_space<semaphore_mem>>)
      %dma_wait3A_122 = arith.constant 0 : i32
      %dma_wait3A_123 = tpu.memref_slice %arg4[%add3A_50, %dma_wait3A_122] : memref<2560x128xi32, #tpu.memory_space<hbm>> -> memref<40x128xi32, #tpu.memory_space<hbm>>
      %dma_wait3A_124 = arith.constant 0 : i32
      %dma_wait3A_125 = tpu.memref_slice %arg4[%add3A_50, %dma_wait3A_124] : memref<2560x128xi32, #tpu.memory_space<hbm>> -> memref<40x128xi32, #tpu.memory_space<hbm>>
      tpu.wait_dma2 semaphore(%run_scoped3A_117 : memref<!tpu.dma_semaphore, #tpu.memory_space<semaphore_mem>>) src(%dma_wait3A_125 : memref<40x128xi32, #tpu.memory_space<hbm>>) dst(%arg11 : memref<40x128xi32, #tpu.memory_space<vmem>>)
      tpu.yield
    }) : () -> ()
    %dma_start3A_51 = arith.constant 0 : i32
    %dma_start3A_52 = arith.constant 0 : i32
    %dma_start3A_53 = tpu.memref_slice %arg10[%dma_start3A_51, %dma_start3A_52] : memref<40x128xi32, #tpu.memory_space<vmem>> -> memref<1x128xi32, #tpu.memory_space<vmem>>
    %dma_start3A_54 = tpu.memref_squeeze %dma_start3A_53 : memref<1x128xi32, #tpu.memory_space<vmem>> -> memref<128xi32, #tpu.memory_space<vmem>>
    %dma_start3A_55 = arith.constant 0 : i32
    %dma_start3A_56 = arith.constant 0 : i32
    %dma_start3A_57 = tpu.memref_slice %arg2[%dma_start3A_55, %dma_start3A_56] : memref<10000x128xf32, #tpu.memory_space<hbm>> -> memref<10000x128xf32, #tpu.memory_space<hbm>>
    tpu.enqueue_indirect_dma source(%dma_start3A_57 : memref<10000x128xf32, #tpu.memory_space<hbm>>) target(%arg8 : memref<128x128xf32, #tpu.memory_space<vmem>>) offsets(%dma_start3A_54 : memref<128xi32, #tpu.memory_space<vmem>>) semaphore(%arg12 : memref<!tpu.dma_semaphore, #tpu.memory_space<semaphore_mem>>)
    %dma_start3A_58 = arith.constant 1 : i32
    %dma_start3A_59 = arith.constant 0 : i32
    %dma_start3A_60 = tpu.memref_slice %arg10[%dma_start3A_58, %dma_start3A_59] : memref<40x128xi32, #tpu.memory_space<vmem>> -> memref<1x128xi32, #tpu.memory_space<vmem>>
    %dma_start3A_61 = tpu.memref_squeeze %dma_start3A_60 : memref<1x128xi32, #tpu.memory_space<vmem>> -> memref<128xi32, #tpu.memory_space<vmem>>
    %dma_start3A_62 = arith.constant 0 : i32
    %dma_start3A_63 = arith.constant 0 : i32
    %dma_start3A_64 = tpu.memref_slice %arg2[%dma_start3A_62, %dma_start3A_63] : memref<10000x128xf32, #tpu.memory_space<hbm>> -> memref<10000x128xf32, #tpu.memory_space<hbm>>
    tpu.enqueue_indirect_dma source(%dma_start3A_64 : memref<10000x128xf32, #tpu.memory_space<hbm>>) target(%arg9 : memref<128x128xf32, #tpu.memory_space<vmem>>) offsets(%dma_start3A_61 : memref<128xi32, #tpu.memory_space<vmem>>) semaphore(%arg13 : memref<!tpu.dma_semaphore, #tpu.memory_space<semaphore_mem>>)
    %scan3A_65 = arith.constant 0 : i32
    %scan3A_66 = arith.constant 0 : i32
    %scan3A_67 = arith.constant 19 : i32
    %scan3A_68 = arith.addi %scan3A_66, %scan3A_67 : i32
    %scan3A_69 = arith.constant 1 : i32
    scf.for %scan3A_117 = %scan3A_66 to %scan3A_68 step %scan3A_69  : i32 {
      %mul3A_118 = arith.constant 2 : i32
      %mul3A_119 = arith.muli %mul3A_118, %scan3A_117 : i32
      %dma_wait3A_120 = arith.constant 0 : i32
      %dma_wait3A_121 = arith.constant 0 : i32
      %dma_wait3A_122 = tpu.memref_slice %arg2[%dma_wait3A_120, %dma_wait3A_121] : memref<10000x128xf32, #tpu.memory_space<hbm>> -> memref<128x128xf32, #tpu.memory_space<hbm>>
      %dma_wait3A_123 = arith.constant 0 : i32
      %dma_wait3A_124 = arith.constant 0 : i32
      %dma_wait3A_125 = tpu.memref_slice %arg2[%dma_wait3A_123, %dma_wait3A_124] : memref<10000x128xf32, #tpu.memory_space<hbm>> -> memref<128x128xf32, #tpu.memory_space<hbm>>
      tpu.wait_dma2 semaphore(%arg12 : memref<!tpu.dma_semaphore, #tpu.memory_space<semaphore_mem>>) src(%dma_wait3A_125 : memref<128x128xf32, #tpu.memory_space<hbm>>) dst(%arg8 : memref<128x128xf32, #tpu.memory_space<vmem>>)
      "tpu.region"() ({
        %run_scoped3A_150 = tpu.sem_alloc : memref<!tpu.dma_semaphore, #tpu.memory_space<semaphore_mem>>
        %dma_start3A_151 = arith.constant 0 : i32
        %dma_start3A_152 = tpu.memref_slice %arg11[%mul3A_119, %dma_start3A_151] : memref<40x128xi32, #tpu.memory_space<vmem>> -> memref<1x128xi32, #tpu.memory_space<vmem>>
        %dma_start3A_153 = tpu.memref_squeeze %dma_start3A_152 : memref<1x128xi32, #tpu.memory_space<vmem>> -> memref<128xi32, #tpu.memory_space<vmem>>
        %dma_start3A_154 = arith.constant 0 : i32
        %dma_start3A_155 = arith.constant 0 : i32
        %dma_start3A_156 = tpu.memref_slice %arg7[%dma_start3A_154, %dma_start3A_155] : memref<10016x128xf32, #tpu.memory_space<vmem_shared>> -> memref<10016x128xf32, #tpu.memory_space<vmem_shared>>
        tpu.enqueue_indirect_dma source(%arg8 : memref<128x128xf32, #tpu.memory_space<vmem>>) target(%dma_start3A_156 : memref<10016x128xf32, #tpu.memory_space<vmem_shared>>) offsets(%dma_start3A_153 : memref<128xi32, #tpu.memory_space<vmem>>) semaphore(%run_scoped3A_150 : memref<!tpu.dma_semaphore, #tpu.memory_space<semaphore_mem>>) {add = true}
        %dma_wait3A_157 = arith.constant 0 : i32
        %dma_wait3A_158 = tpu.memref_slice %arg11[%mul3A_119, %dma_wait3A_157] : memref<40x128xi32, #tpu.memory_space<vmem>> -> memref<1x128xi32, #tpu.memory_space<vmem>>
        %dma_wait3A_159 = tpu.memref_squeeze %dma_wait3A_158 : memref<1x128xi32, #tpu.memory_space<vmem>> -> memref<128xi32, #tpu.memory_space<vmem>>
        %dma_wait3A_160 = arith.constant 0 : i32
        %dma_wait3A_161 = arith.constant 0 : i32
        %dma_wait3A_162 = tpu.memref_slice %arg7[%dma_wait3A_160, %dma_wait3A_161] : memref<10016x128xf32, #tpu.memory_space<vmem_shared>> -> memref<10016x128xf32, #tpu.memory_space<vmem_shared>>
        tpu.wait_indirect_dma semaphore(%run_scoped3A_150 : memref<!tpu.dma_semaphore, #tpu.memory_space<semaphore_mem>>) src(%arg8 : memref<128x128xf32, #tpu.memory_space<vmem>>) dst(%dma_wait3A_162 : memref<10016x128xf32, #tpu.memory_space<vmem_shared>>)
        tpu.yield
      }) : () -> ()
      %add3A_126 = arith.constant 2 : i32
      %add3A_127 = arith.addi %mul3A_119, %add3A_126 : i32
      %dma_start3A_128 = arith.constant 0 : i32
      %dma_start3A_129 = tpu.memref_slice %arg10[%add3A_127, %dma_start3A_128] : memref<40x128xi32, #tpu.memory_space<vmem>> -> memref<1x128xi32, #tpu.memory_space<vmem>>
      %dma_start3A_130 = tpu.memref_squeeze %dma_start3A_129 : memref<1x128xi32, #tpu.memory_space<vmem>> -> memref<128xi32, #tpu.memory_space<vmem>>
      %dma_start3A_131 = arith.constant 0 : i32
      %dma_start3A_132 = arith.constant 0 : i32
      %dma_start3A_133 = tpu.memref_slice %arg2[%dma_start3A_131, %dma_start3A_132] : memref<10000x128xf32, #tpu.memory_space<hbm>> -> memref<10000x128xf32, #tpu.memory_space<hbm>>
      tpu.enqueue_indirect_dma source(%dma_start3A_133 : memref<10000x128xf32, #tpu.memory_space<hbm>>) target(%arg8 : memref<128x128xf32, #tpu.memory_space<vmem>>) offsets(%dma_start3A_130 : memref<128xi32, #tpu.memory_space<vmem>>) semaphore(%arg12 : memref<!tpu.dma_semaphore, #tpu.memory_space<semaphore_mem>>)
      %dma_wait3A_134 = arith.constant 0 : i32
      %dma_wait3A_135 = arith.constant 0 : i32
      %dma_wait3A_136 = tpu.memref_slice %arg2[%dma_wait3A_134, %dma_wait3A_135] : memref<10000x128xf32, #tpu.memory_space<hbm>> -> memref<128x128xf32, #tpu.memory_space<hbm>>
      %dma_wait3A_137 = arith.constant 0 : i32
      %dma_wait3A_138 = arith.constant 0 : i32
      %dma_wait3A_139 = tpu.memref_slice %arg2[%dma_wait3A_137, %dma_wait3A_138] : memref<10000x128xf32, #tpu.memory_space<hbm>> -> memref<128x128xf32, #tpu.memory_space<hbm>>
      tpu.wait_dma2 semaphore(%arg13 : memref<!tpu.dma_semaphore, #tpu.memory_space<semaphore_mem>>) src(%dma_wait3A_139 : memref<128x128xf32, #tpu.memory_space<hbm>>) dst(%arg9 : memref<128x128xf32, #tpu.memory_space<vmem>>)
      %add3A_140 = arith.constant 1 : i32
      %add3A_141 = arith.addi %mul3A_119, %add3A_140 : i32
      "tpu.region"() ({
        %run_scoped3A_150 = tpu.sem_alloc : memref<!tpu.dma_semaphore, #tpu.memory_space<semaphore_mem>>
        %dma_start3A_151 = arith.constant 0 : i32
        %dma_start3A_152 = tpu.memref_slice %arg11[%add3A_141, %dma_start3A_151] : memref<40x128xi32, #tpu.memory_space<vmem>> -> memref<1x128xi32, #tpu.memory_space<vmem>>
        %dma_start3A_153 = tpu.memref_squeeze %dma_start3A_152 : memref<1x128xi32, #tpu.memory_space<vmem>> -> memref<128xi32, #tpu.memory_space<vmem>>
        %dma_start3A_154 = arith.constant 0 : i32
        %dma_start3A_155 = arith.constant 0 : i32
        %dma_start3A_156 = tpu.memref_slice %arg7[%dma_start3A_154, %dma_start3A_155] : memref<10016x128xf32, #tpu.memory_space<vmem_shared>> -> memref<10016x128xf32, #tpu.memory_space<vmem_shared>>
        tpu.enqueue_indirect_dma source(%arg9 : memref<128x128xf32, #tpu.memory_space<vmem>>) target(%dma_start3A_156 : memref<10016x128xf32, #tpu.memory_space<vmem_shared>>) offsets(%dma_start3A_153 : memref<128xi32, #tpu.memory_space<vmem>>) semaphore(%run_scoped3A_150 : memref<!tpu.dma_semaphore, #tpu.memory_space<semaphore_mem>>) {add = true}
        %dma_wait3A_157 = arith.constant 0 : i32
        %dma_wait3A_158 = tpu.memref_slice %arg11[%add3A_141, %dma_wait3A_157] : memref<40x128xi32, #tpu.memory_space<vmem>> -> memref<1x128xi32, #tpu.memory_space<vmem>>
        %dma_wait3A_159 = tpu.memref_squeeze %dma_wait3A_158 : memref<1x128xi32, #tpu.memory_space<vmem>> -> memref<128xi32, #tpu.memory_space<vmem>>
        %dma_wait3A_160 = arith.constant 0 : i32
        %dma_wait3A_161 = arith.constant 0 : i32
        %dma_wait3A_162 = tpu.memref_slice %arg7[%dma_wait3A_160, %dma_wait3A_161] : memref<10016x128xf32, #tpu.memory_space<vmem_shared>> -> memref<10016x128xf32, #tpu.memory_space<vmem_shared>>
        tpu.wait_indirect_dma semaphore(%run_scoped3A_150 : memref<!tpu.dma_semaphore, #tpu.memory_space<semaphore_mem>>) src(%arg9 : memref<128x128xf32, #tpu.memory_space<vmem>>) dst(%dma_wait3A_162 : memref<10016x128xf32, #tpu.memory_space<vmem_shared>>)
        tpu.yield
      }) : () -> ()
      %add3A_142 = arith.constant 3 : i32
      %add3A_143 = arith.addi %mul3A_119, %add3A_142 : i32
      %dma_start3A_144 = arith.constant 0 : i32
      %dma_start3A_145 = tpu.memref_slice %arg10[%add3A_143, %dma_start3A_144] : memref<40x128xi32, #tpu.memory_space<vmem>> -> memref<1x128xi32, #tpu.memory_space<vmem>>
      %dma_start3A_146 = tpu.memref_squeeze %dma_start3A_145 : memref<1x128xi32, #tpu.memory_space<vmem>> -> memref<128xi32, #tpu.memory_space<vmem>>
      %dma_start3A_147 = arith.constant 0 : i32
      %dma_start3A_148 = arith.constant 0 : i32
      %dma_start3A_149 = tpu.memref_slice %arg2[%dma_start3A_147, %dma_start3A_148] : memref<10000x128xf32, #tpu.memory_space<hbm>> -> memref<10000x128xf32, #tpu.memory_space<hbm>>
      tpu.enqueue_indirect_dma source(%dma_start3A_149 : memref<10000x128xf32, #tpu.memory_space<hbm>>) target(%arg9 : memref<128x128xf32, #tpu.memory_space<vmem>>) offsets(%dma_start3A_146 : memref<128xi32, #tpu.memory_space<vmem>>) semaphore(%arg13 : memref<!tpu.dma_semaphore, #tpu.memory_space<semaphore_mem>>)
    }
    %scan3A_70 = arith.constant 19 : i32
    %dma_wait3A_71 = arith.constant 0 : i32
    %dma_wait3A_72 = arith.constant 0 : i32
    %dma_wait3A_73 = tpu.memref_slice %arg2[%dma_wait3A_71, %dma_wait3A_72] : memref<10000x128xf32, #tpu.memory_space<hbm>> -> memref<128x128xf32, #tpu.memory_space<hbm>>
    %dma_wait3A_74 = arith.constant 0 : i32
    %dma_wait3A_75 = arith.constant 0 : i32
    %dma_wait3A_76 = tpu.memref_slice %arg2[%dma_wait3A_74, %dma_wait3A_75] : memref<10000x128xf32, #tpu.memory_space<hbm>> -> memref<128x128xf32, #tpu.memory_space<hbm>>
    tpu.wait_dma2 semaphore(%arg12 : memref<!tpu.dma_semaphore, #tpu.memory_space<semaphore_mem>>) src(%dma_wait3A_76 : memref<128x128xf32, #tpu.memory_space<hbm>>) dst(%arg8 : memref<128x128xf32, #tpu.memory_space<vmem>>)
    %run_scoped3A_77 = arith.constant 38 : i32
    "tpu.region"() ({
      %run_scoped3A_117 = tpu.sem_alloc : memref<!tpu.dma_semaphore, #tpu.memory_space<semaphore_mem>>
      %dma_start3A_118 = arith.constant 0 : i32
      %dma_start3A_119 = tpu.memref_slice %arg11[%run_scoped3A_77, %dma_start3A_118] : memref<40x128xi32, #tpu.memory_space<vmem>> -> memref<1x128xi32, #tpu.memory_space<vmem>>
      %dma_start3A_120 = tpu.memref_squeeze %dma_start3A_119 : memref<1x128xi32, #tpu.memory_space<vmem>> -> memref<128xi32, #tpu.memory_space<vmem>>
      %dma_start3A_121 = arith.constant 0 : i32
      %dma_start3A_122 = arith.constant 0 : i32
      %dma_start3A_123 = tpu.memref_slice %arg7[%dma_start3A_121, %dma_start3A_122] : memref<10016x128xf32, #tpu.memory_space<vmem_shared>> -> memref<10016x128xf32, #tpu.memory_space<vmem_shared>>
      tpu.enqueue_indirect_dma source(%arg8 : memref<128x128xf32, #tpu.memory_space<vmem>>) target(%dma_start3A_123 : memref<10016x128xf32, #tpu.memory_space<vmem_shared>>) offsets(%dma_start3A_120 : memref<128xi32, #tpu.memory_space<vmem>>) semaphore(%run_scoped3A_117 : memref<!tpu.dma_semaphore, #tpu.memory_space<semaphore_mem>>) {add = true}
      %dma_wait3A_124 = arith.constant 0 : i32
      %dma_wait3A_125 = tpu.memref_slice %arg11[%run_scoped3A_77, %dma_wait3A_124] : memref<40x128xi32, #tpu.memory_space<vmem>> -> memref<1x128xi32, #tpu.memory_space<vmem>>
      %dma_wait3A_126 = tpu.memref_squeeze %dma_wait3A_125 : memref<1x128xi32, #tpu.memory_space<vmem>> -> memref<128xi32, #tpu.memory_space<vmem>>
      %dma_wait3A_127 = arith.constant 0 : i32
      %dma_wait3A_128 = arith.constant 0 : i32
      %dma_wait3A_129 = tpu.memref_slice %arg7[%dma_wait3A_127, %dma_wait3A_128] : memref<10016x128xf32, #tpu.memory_space<vmem_shared>> -> memref<10016x128xf32, #tpu.memory_space<vmem_shared>>
      tpu.wait_indirect_dma semaphore(%run_scoped3A_117 : memref<!tpu.dma_semaphore, #tpu.memory_space<semaphore_mem>>) src(%arg8 : memref<128x128xf32, #tpu.memory_space<vmem>>) dst(%dma_wait3A_129 : memref<10016x128xf32, #tpu.memory_space<vmem_shared>>)
      tpu.yield
    }) : () -> ()
    %dma_wait3A_78 = arith.constant 0 : i32
    %dma_wait3A_79 = arith.constant 0 : i32
    %dma_wait3A_80 = tpu.memref_slice %arg2[%dma_wait3A_78, %dma_wait3A_79] : memref<10000x128xf32, #tpu.memory_space<hbm>> -> memref<128x128xf32, #tpu.memory_space<hbm>>
    %dma_wait3A_81 = arith.constant 0 : i32
    %dma_wait3A_82 = arith.constant 0 : i32
    %dma_wait3A_83 = tpu.memref_slice %arg2[%dma_wait3A_81, %dma_wait3A_82] : memref<10000x128xf32, #tpu.memory_space<hbm>> -> memref<128x128xf32, #tpu.memory_space<hbm>>
    tpu.wait_dma2 semaphore(%arg13 : memref<!tpu.dma_semaphore, #tpu.memory_space<semaphore_mem>>) src(%dma_wait3A_83 : memref<128x128xf32, #tpu.memory_space<hbm>>) dst(%arg9 : memref<128x128xf32, #tpu.memory_space<vmem>>)
    %run_scoped3A_84 = arith.constant 39 : i32
    "tpu.region"() ({
      %run_scoped3A_117 = tpu.sem_alloc : memref<!tpu.dma_semaphore, #tpu.memory_space<semaphore_mem>>
      %dma_start3A_118 = arith.constant 0 : i32
      %dma_start3A_119 = tpu.memref_slice %arg11[%run_scoped3A_84, %dma_start3A_118] : memref<40x128xi32, #tpu.memory_space<vmem>> -> memref<1x128xi32, #tpu.memory_space<vmem>>
      %dma_start3A_120 = tpu.memref_squeeze %dma_start3A_119 : memref<1x128xi32, #tpu.memory_space<vmem>> -> memref<128xi32, #tpu.memory_space<vmem>>
      %dma_start3A_121 = arith.constant 0 : i32
      %dma_start3A_122 = arith.constant 0 : i32
      %dma_start3A_123 = tpu.memref_slice %arg7[%dma_start3A_121, %dma_start3A_122] : memref<10016x128xf32, #tpu.memory_space<vmem_shared>> -> memref<10016x128xf32, #tpu.memory_space<vmem_shared>>
      tpu.enqueue_indirect_dma source(%arg9 : memref<128x128xf32, #tpu.memory_space<vmem>>) target(%dma_start3A_123 : memref<10016x128xf32, #tpu.memory_space<vmem_shared>>) offsets(%dma_start3A_120 : memref<128xi32, #tpu.memory_space<vmem>>) semaphore(%run_scoped3A_117 : memref<!tpu.dma_semaphore, #tpu.memory_space<semaphore_mem>>) {add = true}
      %dma_wait3A_124 = arith.constant 0 : i32
      %dma_wait3A_125 = tpu.memref_slice %arg11[%run_scoped3A_84, %dma_wait3A_124] : memref<40x128xi32, #tpu.memory_space<vmem>> -> memref<1x128xi32, #tpu.memory_space<vmem>>
      %dma_wait3A_126 = tpu.memref_squeeze %dma_wait3A_125 : memref<1x128xi32, #tpu.memory_space<vmem>> -> memref<128xi32, #tpu.memory_space<vmem>>
      %dma_wait3A_127 = arith.constant 0 : i32
      %dma_wait3A_128 = arith.constant 0 : i32
      %dma_wait3A_129 = tpu.memref_slice %arg7[%dma_wait3A_127, %dma_wait3A_128] : memref<10016x128xf32, #tpu.memory_space<vmem_shared>> -> memref<10016x128xf32, #tpu.memory_space<vmem_shared>>
      tpu.wait_indirect_dma semaphore(%run_scoped3A_117 : memref<!tpu.dma_semaphore, #tpu.memory_space<semaphore_mem>>) src(%arg9 : memref<128x128xf32, #tpu.memory_space<vmem>>) dst(%dma_wait3A_129 : memref<10016x128xf32, #tpu.memory_space<vmem_shared>>)
      tpu.yield
    }) : () -> ()
    %barrier3A_85 = arith.constant 0 : index
    tpu.barrier barrier_id(%barrier3A_85)
    %eq3A_86 = arith.constant 0 : i32
    %eq3A_87 = arith.cmpi eq, %arg0, %eq3A_86 : i32
    %lt3A_88 = arith.constant 15 : i32
    %lt3A_89 = arith.cmpi slt, %arg1, %lt3A_88 : i32
    %and3A = arith.andi %eq3A_87, %lt3A_89 : i1
    %convert_element_type3A_90 = arith.extui %and3A : i1 to i32
    %cond3A_91 = arith.constant 0 : i32
    %cond3A_92 = arith.cmpi ne, %convert_element_type3A_90, %cond3A_91 : i32
    scf.if %cond3A_92 {
      "tpu.region"() ({
        %run_scoped3A_117 = tpu.sem_alloc : memref<!tpu.dma_semaphore, #tpu.memory_space<semaphore_mem>>
        %dma_start3A_118 = arith.constant 0 : i32
        %dma_start3A_119 = tpu.memref_slice %arg5[%mul3A_7, %dma_start3A_118] : memref<10000x128xf32, #tpu.memory_space<hbm>> -> memref<632x128xf32, #tpu.memory_space<hbm>>
        %dma_start3A_120 = arith.constant 0 : i32
        %dma_start3A_121 = tpu.memref_slice %arg7[%mul3A_7, %dma_start3A_120] : memref<10016x128xf32, #tpu.memory_space<vmem_shared>> -> memref<632x128xf32, #tpu.memory_space<vmem_shared>>
        tpu.enqueue_dma source(%dma_start3A_121 : memref<632x128xf32, #tpu.memory_space<vmem_shared>>) target(%dma_start3A_119 : memref<632x128xf32, #tpu.memory_space<hbm>>) target_semaphore(%run_scoped3A_117 : memref<!tpu.dma_semaphore, #tpu.memory_space<semaphore_mem>>)
        %dma_wait3A_122 = arith.constant 0 : i32
        %dma_wait3A_123 = tpu.memref_slice %arg5[%mul3A_7, %dma_wait3A_122] : memref<10000x128xf32, #tpu.memory_space<hbm>> -> memref<632x128xf32, #tpu.memory_space<hbm>>
        %dma_wait3A_124 = arith.constant 0 : i32
        %dma_wait3A_125 = tpu.memref_slice %arg7[%mul3A_7, %dma_wait3A_124] : memref<10016x128xf32, #tpu.memory_space<vmem_shared>> -> memref<632x128xf32, #tpu.memory_space<vmem_shared>>
        tpu.wait_dma2 semaphore(%run_scoped3A_117 : memref<!tpu.dma_semaphore, #tpu.memory_space<semaphore_mem>>) src(%dma_wait3A_125 : memref<632x128xf32, #tpu.memory_space<vmem_shared>>) dst(%dma_wait3A_123 : memref<632x128xf32, #tpu.memory_space<hbm>>)
        tpu.yield
      }) : () -> ()
    } else {
    }
    %eq3A_93 = arith.constant 0 : i32
    %eq3A_94 = arith.cmpi eq, %arg0, %eq3A_93 : i32
    %eq3A_95 = arith.constant 15 : i32
    %eq3A_96 = arith.cmpi eq, %arg1, %eq3A_95 : i32
    %and3A_97 = arith.andi %eq3A_94, %eq3A_96 : i1
    %convert_element_type3A_98 = arith.extui %and3A_97 : i1 to i32
    %cond3A_99 = arith.constant 0 : i32
    %cond3A_100 = arith.cmpi ne, %convert_element_type3A_98, %cond3A_99 : i32
    scf.if %cond3A_100 {
      "tpu.region"() ({
        %run_scoped3A_117 = tpu.sem_alloc : memref<!tpu.dma_semaphore, #tpu.memory_space<semaphore_mem>>
        %dma_start3A_118 = arith.constant 9480 : i32
        %dma_start3A_119 = arith.constant 0 : i32
        %dma_start3A_120 = tpu.memref_slice %arg5[%dma_start3A_118, %dma_start3A_119] : memref<10000x128xf32, #tpu.memory_space<hbm>> -> memref<520x128xf32, #tpu.memory_space<hbm>>
        %dma_start3A_121 = arith.constant 9480 : i32
        %dma_start3A_122 = arith.constant 0 : i32
        %dma_start3A_123 = tpu.memref_slice %arg7[%dma_start3A_121, %dma_start3A_122] : memref<10016x128xf32, #tpu.memory_space<vmem_shared>> -> memref<520x128xf32, #tpu.memory_space<vmem_shared>>
        tpu.enqueue_dma source(%dma_start3A_123 : memref<520x128xf32, #tpu.memory_space<vmem_shared>>) target(%dma_start3A_120 : memref<520x128xf32, #tpu.memory_space<hbm>>) target_semaphore(%run_scoped3A_117 : memref<!tpu.dma_semaphore, #tpu.memory_space<semaphore_mem>>)
        %dma_wait3A_124 = arith.constant 9480 : i32
        %dma_wait3A_125 = arith.constant 0 : i32
        %dma_wait3A_126 = tpu.memref_slice %arg5[%dma_wait3A_124, %dma_wait3A_125] : memref<10000x128xf32, #tpu.memory_space<hbm>> -> memref<520x128xf32, #tpu.memory_space<hbm>>
        %dma_wait3A_127 = arith.constant 9480 : i32
        %dma_wait3A_128 = arith.constant 0 : i32
        %dma_wait3A_129 = tpu.memref_slice %arg7[%dma_wait3A_127, %dma_wait3A_128] : memref<10016x128xf32, #tpu.memory_space<vmem_shared>> -> memref<520x128xf32, #tpu.memory_space<vmem_shared>>
        tpu.wait_dma2 semaphore(%run_scoped3A_117 : memref<!tpu.dma_semaphore, #tpu.memory_space<semaphore_mem>>) src(%dma_wait3A_129 : memref<520x128xf32, #tpu.memory_space<vmem_shared>>) dst(%dma_wait3A_126 : memref<520x128xf32, #tpu.memory_space<hbm>>)
        tpu.yield
      }) : () -> ()
    } else {
    }
    %eq3A_101 = arith.constant 1 : i32
    %eq3A_102 = arith.cmpi eq, %arg0, %eq3A_101 : i32
    %lt3A_103 = arith.constant 15 : i32
    %lt3A_104 = arith.cmpi slt, %arg1, %lt3A_103 : i32
    %and3A_105 = arith.andi %eq3A_102, %lt3A_104 : i1
    %convert_element_type3A_106 = arith.extui %and3A_105 : i1 to i32
    %cond3A_107 = arith.constant 0 : i32
    %cond3A_108 = arith.cmpi ne, %convert_element_type3A_106, %cond3A_107 : i32
    scf.if %cond3A_108 {
      "tpu.region"() ({
        %run_scoped3A_117 = tpu.sem_alloc : memref<!tpu.dma_semaphore, #tpu.memory_space<semaphore_mem>>
        %dma_start3A_118 = arith.constant 0 : i32
        %dma_start3A_119 = tpu.memref_slice %arg6[%mul3A_7, %dma_start3A_118] : memref<10000x128xf32, #tpu.memory_space<hbm>> -> memref<632x128xf32, #tpu.memory_space<hbm>>
        %dma_start3A_120 = arith.constant 0 : i32
        %dma_start3A_121 = tpu.memref_slice %arg7[%mul3A_7, %dma_start3A_120] : memref<10016x128xf32, #tpu.memory_space<vmem_shared>> -> memref<632x128xf32, #tpu.memory_space<vmem_shared>>
        tpu.enqueue_dma source(%dma_start3A_121 : memref<632x128xf32, #tpu.memory_space<vmem_shared>>) target(%dma_start3A_119 : memref<632x128xf32, #tpu.memory_space<hbm>>) target_semaphore(%run_scoped3A_117 : memref<!tpu.dma_semaphore, #tpu.memory_space<semaphore_mem>>)
        %dma_wait3A_122 = arith.constant 0 : i32
        %dma_wait3A_123 = tpu.memref_slice %arg6[%mul3A_7, %dma_wait3A_122] : memref<10000x128xf32, #tpu.memory_space<hbm>> -> memref<632x128xf32, #tpu.memory_space<hbm>>
        %dma_wait3A_124 = arith.constant 0 : i32
        %dma_wait3A_125 = tpu.memref_slice %arg7[%mul3A_7, %dma_wait3A_124] : memref<10016x128xf32, #tpu.memory_space<vmem_shared>> -> memref<632x128xf32, #tpu.memory_space<vmem_shared>>
        tpu.wait_dma2 semaphore(%run_scoped3A_117 : memref<!tpu.dma_semaphore, #tpu.memory_space<semaphore_mem>>) src(%dma_wait3A_125 : memref<632x128xf32, #tpu.memory_space<vmem_shared>>) dst(%dma_wait3A_123 : memref<632x128xf32, #tpu.memory_space<hbm>>)
        tpu.yield
      }) : () -> ()
    } else {
    }
    %eq3A_109 = arith.constant 1 : i32
    %eq3A_110 = arith.cmpi eq, %arg0, %eq3A_109 : i32
    %eq3A_111 = arith.constant 15 : i32
    %eq3A_112 = arith.cmpi eq, %arg1, %eq3A_111 : i32
    %and3A_113 = arith.andi %eq3A_110, %eq3A_112 : i1
    %convert_element_type3A_114 = arith.extui %and3A_113 : i1 to i32
    %cond3A_115 = arith.constant 0 : i32
    %cond3A_116 = arith.cmpi ne, %convert_element_type3A_114, %cond3A_115 : i32
    scf.if %cond3A_116 {
      "tpu.region"() ({
        %run_scoped3A_117 = tpu.sem_alloc : memref<!tpu.dma_semaphore, #tpu.memory_space<semaphore_mem>>
        %dma_start3A_118 = arith.constant 9480 : i32
        %dma_start3A_119 = arith.constant 0 : i32
        %dma_start3A_120 = tpu.memref_slice %arg6[%dma_start3A_118, %dma_start3A_119] : memref<10000x128xf32, #tpu.memory_space<hbm>> -> memref<520x128xf32, #tpu.memory_space<hbm>>
        %dma_start3A_121 = arith.constant 9480 : i32
        %dma_start3A_122 = arith.constant 0 : i32
        %dma_start3A_123 = tpu.memref_slice %arg7[%dma_start3A_121, %dma_start3A_122] : memref<10016x128xf32, #tpu.memory_space<vmem_shared>> -> memref<520x128xf32, #tpu.memory_space<vmem_shared>>
        tpu.enqueue_dma source(%dma_start3A_123 : memref<520x128xf32, #tpu.memory_space<vmem_shared>>) target(%dma_start3A_120 : memref<520x128xf32, #tpu.memory_space<hbm>>) target_semaphore(%run_scoped3A_117 : memref<!tpu.dma_semaphore, #tpu.memory_space<semaphore_mem>>)
        %dma_wait3A_124 = arith.constant 9480 : i32
        %dma_wait3A_125 = arith.constant 0 : i32
        %dma_wait3A_126 = tpu.memref_slice %arg6[%dma_wait3A_124, %dma_wait3A_125] : memref<10000x128xf32, #tpu.memory_space<hbm>> -> memref<520x128xf32, #tpu.memory_space<hbm>>
        %dma_wait3A_127 = arith.constant 9480 : i32
        %dma_wait3A_128 = arith.constant 0 : i32
        %dma_wait3A_129 = tpu.memref_slice %arg7[%dma_wait3A_127, %dma_wait3A_128] : memref<10016x128xf32, #tpu.memory_space<vmem_shared>> -> memref<520x128xf32, #tpu.memory_space<vmem_shared>>
        tpu.wait_dma2 semaphore(%run_scoped3A_117 : memref<!tpu.dma_semaphore, #tpu.memory_space<semaphore_mem>>) src(%dma_wait3A_129 : memref<520x128xf32, #tpu.memory_space<vmem_shared>>) dst(%dma_wait3A_126 : memref<520x128xf32, #tpu.memory_space<hbm>>)
        tpu.yield
      }) : () -> ()
    } else {
    }
    return
  }
}

module attributes {stable_mosaic.version = 14 : i64} {
  func.func @_mlp_body(%arg0: i32, %arg1: memref<2000x128xf32, #tpu.memory_space<vmem>>, %arg2: memref<2000x128xf32, #tpu.memory_space<vmem>>, %arg3: memref<2000x128xf32, #tpu.memory_space<vmem>>, %arg4: memref<128x128xf32, #tpu.memory_space<vmem>>, %arg5: memref<1x128xf32, #tpu.memory_space<vmem>>, %arg6: memref<128x128xf32, #tpu.memory_space<vmem>>, %arg7: memref<1x128xf32, #tpu.memory_space<vmem>>, %arg8: memref<1x128xf32, #tpu.memory_space<vmem>>, %arg9: memref<1x128xf32, #tpu.memory_space<vmem>>, %arg10: memref<1x1xf32, #tpu.memory_space<smem>>, %arg11: memref<2000x128xf32, #tpu.memory_space<vmem>>) attributes {dimension_semantics = [#tpu.dimension_semantics<arbitrary>], iteration_bounds = array<i64: 5>, scalar_prefetch = 0 : i64, scratch_operands = 0 : i64, tpu.core_type = #tpu.core_type<tc>, window_params = [{transform_indices = @transform_0, window_bounds = array<i64: 2000, 128>}, {transform_indices = @transform_1, window_bounds = array<i64: 2000, 128>}, {transform_indices = @transform_2, window_bounds = array<i64: 2000, 128>}, {pipeline_mode = #tpu.pipeline_mode<synchronous>, transform_indices = @transform_3, window_bounds = array<i64: 128, 128>}, {pipeline_mode = #tpu.pipeline_mode<synchronous>, transform_indices = @transform_4, window_bounds = array<i64: 1, 128>}, {pipeline_mode = #tpu.pipeline_mode<synchronous>, transform_indices = @transform_5, window_bounds = array<i64: 128, 128>}, {pipeline_mode = #tpu.pipeline_mode<synchronous>, transform_indices = @transform_6, window_bounds = array<i64: 1, 128>}, {pipeline_mode = #tpu.pipeline_mode<synchronous>, transform_indices = @transform_7, window_bounds = array<i64: 1, 128>}, {pipeline_mode = #tpu.pipeline_mode<synchronous>, transform_indices = @transform_8, window_bounds = array<i64: 1, 128>}, {transform_indices = @transform_9, window_bounds = array<i64: 1, 1>}, {transform_indices = @transform_10, window_bounds = array<i64: 2000, 128>}]} {
    %get3A = arith.constant 0 : index
    %get3A_0 = arith.constant 0 : index
    %get3A_1 = vector.load %arg1[%get3A, %get3A_0] : memref<2000x128xf32, #tpu.memory_space<vmem>>, vector<2000x128xf32>
    %get3A_2 = arith.constant 0 : index
    %get3A_3 = arith.constant 0 : index
    %get3A_4 = memref.load %arg10[%get3A_2, %get3A_3] : memref<1x1xf32, #tpu.memory_space<smem>>
    %mul3A = vector.broadcast %get3A_4 : f32 to vector<2000x128xf32>
    %mul3A_5 = arith.mulf %mul3A, %get3A_1 : vector<2000x128xf32>
    %get3A_6 = arith.constant 0 : index
    %get3A_7 = arith.constant 0 : index
    %get3A_8 = vector.load %arg2[%get3A_6, %get3A_7] : memref<2000x128xf32, #tpu.memory_space<vmem>>, vector<2000x128xf32>
    %add3A = arith.addf %mul3A_5, %get3A_8 : vector<2000x128xf32>
    %get3A_9 = arith.constant 0 : index
    %get3A_10 = arith.constant 0 : index
    %get3A_11 = vector.load %arg3[%get3A_9, %get3A_10] : memref<2000x128xf32, #tpu.memory_space<vmem>>, vector<2000x128xf32>
    %add3A_12 = arith.addf %add3A, %get3A_11 : vector<2000x128xf32>
    %get3A_13 = arith.constant 0 : index
    %get3A_14 = arith.constant 0 : index
    %get3A_15 = vector.load %arg4[%get3A_13, %get3A_14] : memref<128x128xf32, #tpu.memory_space<vmem>>, vector<128x128xf32>
    %dot_general3A = arith.constant dense<0.000000e+00> : vector<2000x128xf32>
    %dot_general3A_16 = tpu.matmul %add3A_12, %get3A_15, %dot_general3A {dimension_numbers = #tpu.dot_dimension_numbers<[1], [0], [0], [1], [0, 0, 1, 1], [], []>, transpose_lhs_hint = false} : vector<2000x128xf32>, vector<128x128xf32>, vector<2000x128xf32> -> vector<2000x128xf32>
    %get3A_17 = arith.constant 0 : index
    %get3A_18 = arith.constant 0 : index
    %get3A_19 = vector.load %arg5[%get3A_17, %get3A_18] : memref<1x128xf32, #tpu.memory_space<vmem>>, vector<1x128xf32>
    %add3A_20 = vector.broadcast %get3A_19 : vector<1x128xf32> to vector<2000x128xf32>
    %add3A_21 = arith.addf %dot_general3A_16, %add3A_20 : vector<2000x128xf32>
    %max3A = arith.constant 0.000000e+00 : f32
    %max3A_22 = vector.broadcast %max3A : f32 to vector<2000x128xf32>
    %max3A_23 = arith.maximumf %add3A_21, %max3A_22 : vector<2000x128xf32>
    %get3A_24 = arith.constant 0 : index
    %get3A_25 = arith.constant 0 : index
    %get3A_26 = vector.load %arg6[%get3A_24, %get3A_25] : memref<128x128xf32, #tpu.memory_space<vmem>>, vector<128x128xf32>
    %dot_general3A_27 = arith.constant dense<0.000000e+00> : vector<2000x128xf32>
    %dot_general3A_28 = tpu.matmul %max3A_23, %get3A_26, %dot_general3A_27 {dimension_numbers = #tpu.dot_dimension_numbers<[1], [0], [0], [1], [0, 0, 1, 1], [], []>, transpose_lhs_hint = false} : vector<2000x128xf32>, vector<128x128xf32>, vector<2000x128xf32> -> vector<2000x128xf32>
    %get3A_29 = arith.constant 0 : index
    %get3A_30 = arith.constant 0 : index
    %get3A_31 = vector.load %arg7[%get3A_29, %get3A_30] : memref<1x128xf32, #tpu.memory_space<vmem>>, vector<1x128xf32>
    %add3A_32 = vector.broadcast %get3A_31 : vector<1x128xf32> to vector<2000x128xf32>
    %add3A_33 = arith.addf %dot_general3A_28, %add3A_32 : vector<2000x128xf32>
    %get3A_34 = arith.constant 0 : index
    %get3A_35 = arith.constant 0 : index
    %get3A_36 = vector.load %arg8[%get3A_34, %get3A_35] : memref<1x128xf32, #tpu.memory_space<vmem>>, vector<1x128xf32>
    %mul3A_37 = arith.constant 0.999994993 : f32
    %mul3A_38 = vector.broadcast %mul3A_37 : f32 to vector<2000x128xf32>
    %mul3A_39 = arith.mulf %add3A_33, %mul3A_38 : vector<2000x128xf32>
    %mul3A_40 = vector.broadcast %get3A_36 : vector<1x128xf32> to vector<2000x128xf32>
    %mul3A_41 = arith.mulf %mul3A_40, %mul3A_39 : vector<2000x128xf32>
    %get3A_42 = arith.constant 0 : index
    %get3A_43 = arith.constant 0 : index
    %get3A_44 = vector.load %arg9[%get3A_42, %get3A_43] : memref<1x128xf32, #tpu.memory_space<vmem>>, vector<1x128xf32>
    %add3A_45 = vector.broadcast %get3A_44 : vector<1x128xf32> to vector<2000x128xf32>
    %add3A_46 = arith.addf %mul3A_41, %add3A_45 : vector<2000x128xf32>
    %max3A_47 = arith.constant 0.000000e+00 : f32
    %max3A_48 = vector.broadcast %max3A_47 : f32 to vector<2000x128xf32>
    %max3A_49 = arith.maximumf %add3A_46, %max3A_48 : vector<2000x128xf32>
    %add3A_50 = arith.addf %max3A_49, %get3A_1 : vector<2000x128xf32>
    %swap3A = arith.constant 0 : index
    %swap3A_51 = arith.constant 0 : index
    %swap3A_52 = vector.load %arg11[%swap3A, %swap3A_51] : memref<2000x128xf32, #tpu.memory_space<vmem>>, vector<2000x128xf32>
    tpu.vector_store %arg11[%swap3A, %swap3A_51], %add3A_50 {strides = array<i32>} : memref<2000x128xf32, #tpu.memory_space<vmem>>, vector<2000x128xf32>,
    return
  }
  func.func @transform_0(%arg0: i32) -> (i32, i32) {
    %c0_i32 = arith.constant 0 : i32
    %c0_i32_0 = arith.constant 0 : i32
    return %arg0, %c0_i32 : i32, i32
  }
  func.func @transform_1(%arg0: i32) -> (i32, i32) {
    %c0_i32 = arith.constant 0 : i32
    %c0_i32_0 = arith.constant 0 : i32
    return %arg0, %c0_i32 : i32, i32
  }
  func.func @transform_2(%arg0: i32) -> (i32, i32) {
    %c0_i32 = arith.constant 0 : i32
    %c0_i32_0 = arith.constant 0 : i32
    return %arg0, %c0_i32 : i32, i32
  }
  func.func @transform_3(%arg0: i32) -> (i32, i32) {
    %c0_i32 = arith.constant 0 : i32
    %c0_i32_0 = arith.constant 0 : i32
    %c0_i32_1 = arith.constant 0 : i32
    return %c0_i32, %c0_i32_0 : i32, i32
  }
  func.func @transform_4(%arg0: i32) -> (i32, i32) {
    %c0_i32 = arith.constant 0 : i32
    %c0_i32_0 = arith.constant 0 : i32
    %c0_i32_1 = arith.constant 0 : i32
    return %c0_i32, %c0_i32_0 : i32, i32
  }
  func.func @transform_5(%arg0: i32) -> (i32, i32) {
    %c0_i32 = arith.constant 0 : i32
    %c0_i32_0 = arith.constant 0 : i32
    %c0_i32_1 = arith.constant 0 : i32
    return %c0_i32, %c0_i32_0 : i32, i32
  }
  func.func @transform_6(%arg0: i32) -> (i32, i32) {
    %c0_i32 = arith.constant 0 : i32
    %c0_i32_0 = arith.constant 0 : i32
    %c0_i32_1 = arith.constant 0 : i32
    return %c0_i32, %c0_i32_0 : i32, i32
  }
  func.func @transform_7(%arg0: i32) -> (i32, i32) {
    %c0_i32 = arith.constant 0 : i32
    %c0_i32_0 = arith.constant 0 : i32
    %c0_i32_1 = arith.constant 0 : i32
    return %c0_i32, %c0_i32_0 : i32, i32
  }
  func.func @transform_8(%arg0: i32) -> (i32, i32) {
    %c0_i32 = arith.constant 0 : i32
    %c0_i32_0 = arith.constant 0 : i32
    %c0_i32_1 = arith.constant 0 : i32
    return %c0_i32, %c0_i32_0 : i32, i32
  }
  func.func @transform_9(%arg0: i32) -> (i32, i32) {
    %c0_i32 = arith.constant 0 : i32
    %c0_i32_0 = arith.constant 0 : i32
    %c0_i32_1 = arith.constant 0 : i32
    return %c0_i32, %c0_i32_0 : i32, i32
  }
  func.func @transform_10(%arg0: i32) -> (i32, i32) {
    %c0_i32 = arith.constant 0 : i32
    %c0_i32_0 = arith.constant 0 : i32
    return %arg0, %c0_i32 : i32, i32
  }
}

module attributes {stable_mosaic.version = 14 : i64} {
  func.func @_encode_body(%arg0: i32, %arg1: memref<2000x128xf32, #tpu.memory_space<vmem>>, %arg2: memref<128x128xf32, #tpu.memory_space<vmem>>, %arg3: memref<1x128xf32, #tpu.memory_space<vmem>>, %arg4: memref<2000x128xf32, #tpu.memory_space<vmem>>) attributes {dimension_semantics = [#tpu.dimension_semantics<arbitrary>], iteration_bounds = array<i64: 5>, scalar_prefetch = 0 : i64, scratch_operands = 0 : i64, tpu.core_type = #tpu.core_type<tc>, window_params = [{transform_indices = @transform_0, window_bounds = array<i64: 2000, 128>}, {pipeline_mode = #tpu.pipeline_mode<synchronous>, transform_indices = @transform_1, window_bounds = array<i64: 128, 128>}, {pipeline_mode = #tpu.pipeline_mode<synchronous>, transform_indices = @transform_2, window_bounds = array<i64: 1, 128>}, {transform_indices = @transform_3, window_bounds = array<i64: 2000, 128>}]} {
    %get3A = arith.constant 0 : index
    %get3A_0 = arith.constant 0 : index
    %get3A_1 = vector.load %arg1[%get3A, %get3A_0] : memref<2000x128xf32, #tpu.memory_space<vmem>>, vector<2000x128xf32>
    %get3A_2 = arith.constant 0 : index
    %get3A_3 = arith.constant 0 : index
    %get3A_4 = vector.load %arg2[%get3A_2, %get3A_3] : memref<128x128xf32, #tpu.memory_space<vmem>>, vector<128x128xf32>
    %dot_general3A = arith.constant dense<0.000000e+00> : vector<2000x128xf32>
    %dot_general3A_5 = tpu.matmul %get3A_1, %get3A_4, %dot_general3A {dimension_numbers = #tpu.dot_dimension_numbers<[1], [0], [0], [1], [0, 0, 1, 1], [], []>, transpose_lhs_hint = false} : vector<2000x128xf32>, vector<128x128xf32>, vector<2000x128xf32> -> vector<2000x128xf32>
    %get3A_6 = arith.constant 0 : index
    %get3A_7 = arith.constant 0 : index
    %get3A_8 = vector.load %arg3[%get3A_6, %get3A_7] : memref<1x128xf32, #tpu.memory_space<vmem>>, vector<1x128xf32>
    %add3A = vector.broadcast %get3A_8 : vector<1x128xf32> to vector<2000x128xf32>
    %add3A_9 = arith.addf %dot_general3A_5, %add3A : vector<2000x128xf32>
    %swap3A = arith.constant 0 : index
    %swap3A_10 = arith.constant 0 : index
    %swap3A_11 = vector.load %arg4[%swap3A, %swap3A_10] : memref<2000x128xf32, #tpu.memory_space<vmem>>, vector<2000x128xf32>
    tpu.vector_store %arg4[%swap3A, %swap3A_10], %add3A_9 {strides = array<i32>} : memref<2000x128xf32, #tpu.memory_space<vmem>>, vector<2000x128xf32>,
    return
  }
  func.func @transform_0(%arg0: i32) -> (i32, i32) {
    %c0_i32 = arith.constant 0 : i32
    %c0_i32_0 = arith.constant 0 : i32
    return %arg0, %c0_i32 : i32, i32
  }
  func.func @transform_1(%arg0: i32) -> (i32, i32) {
    %c0_i32 = arith.constant 0 : i32
    %c0_i32_0 = arith.constant 0 : i32
    %c0_i32_1 = arith.constant 0 : i32
    return %c0_i32, %c0_i32_0 : i32, i32
  }
  func.func @transform_2(%arg0: i32) -> (i32, i32) {
    %c0_i32 = arith.constant 0 : i32
    %c0_i32_0 = arith.constant 0 : i32
    %c0_i32_1 = arith.constant 0 : i32
    return %c0_i32, %c0_i32_0 : i32, i32
  }
  func.func @transform_3(%arg0: i32) -> (i32, i32) {
    %c0_i32 = arith.constant 0 : i32
    %c0_i32_0 = arith.constant 0 : i32
    return %arg0, %c0_i32 : i32, i32
  }
}

module attributes {stable_mosaic.version = 14 : i64} {
  func.func @_head_body(%arg0: i32, %arg1: memref<1000x128xf32, #tpu.memory_space<vmem>>, %arg2: memref<1000x1xi32, #tpu.memory_space<vmem>>, %arg3: memref<128x128xf32, #tpu.memory_space<vmem>>, %arg4: memref<1x128xf32, #tpu.memory_space<vmem>>, %arg5: memref<128x256xf32, #tpu.memory_space<vmem>>, %arg6: memref<1x256xf32, #tpu.memory_space<vmem>>, %arg7: memref<128x256xf32, #tpu.memory_space<vmem>>, %arg8: memref<128x128xf32, #tpu.memory_space<vmem>>, %arg9: memref<128x1xf32, #tpu.memory_space<vmem>>) attributes {dimension_semantics = [#tpu.dimension_semantics<arbitrary>], iteration_bounds = array<i64: 10>, scalar_prefetch = 0 : i64, scratch_operands = 2 : i64, tpu.core_type = #tpu.core_type<tc>, window_params = [{transform_indices = @transform_0, window_bounds = array<i64: 1000, 128>}, {transform_indices = @transform_1, window_bounds = array<i64: 1000, 1>}, {pipeline_mode = #tpu.pipeline_mode<synchronous>, transform_indices = @transform_2, window_bounds = array<i64: 128, 128>}, {pipeline_mode = #tpu.pipeline_mode<synchronous>, transform_indices = @transform_3, window_bounds = array<i64: 1, 128>}, {pipeline_mode = #tpu.pipeline_mode<synchronous>, transform_indices = @transform_4, window_bounds = array<i64: 128, 256>}, {pipeline_mode = #tpu.pipeline_mode<synchronous>, transform_indices = @transform_5, window_bounds = array<i64: 1, 256>}, {pipeline_mode = #tpu.pipeline_mode<synchronous>, transform_indices = @transform_6, window_bounds = array<i64: 128, 256>}]} {
    %eq3A = arith.constant 0 : i32
    %eq3A_0 = arith.cmpi eq, %arg0, %eq3A : i32
    %convert_element_type3A = arith.extui %eq3A_0 : i1 to i32
    %cond3A = arith.constant 0 : i32
    %cond3A_1 = arith.cmpi ne, %convert_element_type3A, %cond3A : i32
    scf.if %cond3A_1 {
      %broadcast_in_dim3A_33 = arith.constant 0.000000e+00 : f32
      %broadcast_in_dim3A_34 = vector.broadcast %broadcast_in_dim3A_33 : f32 to vector<128x128xf32>
      %swap3A_35 = arith.constant 0 : index
      %swap3A_36 = arith.constant 0 : index
      %swap3A_37 = vector.load %arg8[%swap3A_35, %swap3A_36] : memref<128x128xf32, #tpu.memory_space<vmem>>, vector<128x128xf32>
      tpu.vector_store %arg8[%swap3A_35, %swap3A_36], %broadcast_in_dim3A_34 {strides = array<i32>} : memref<128x128xf32, #tpu.memory_space<vmem>>, vector<128x128xf32>,
      %broadcast_in_dim3A_38 = arith.constant 0.000000e+00 : f32
      %broadcast_in_dim3A_39 = vector.broadcast %broadcast_in_dim3A_38 : f32 to vector<128x1xf32>
      %swap3A_40 = arith.constant 0 : index
      %swap3A_41 = arith.constant 0 : index
      %swap3A_42 = vector.load %arg9[%swap3A_40, %swap3A_41] : memref<128x1xf32, #tpu.memory_space<vmem>>, vector<128x1xf32>
      tpu.vector_store %arg9[%swap3A_40, %swap3A_41], %broadcast_in_dim3A_39 {strides = array<i32>} : memref<128x1xf32, #tpu.memory_space<vmem>>, vector<128x1xf32>,
    } else {
    }
    %get3A = arith.constant 0 : index
    %get3A_2 = arith.constant 0 : index
    %get3A_3 = vector.load %arg2[%get3A, %get3A_2] : memref<1000x1xi32, #tpu.memory_space<vmem>>, vector<1000x1xi32>
    %iota3A = tpu.iota {dimensions = array<i32: 1>} : vector<1x128xi32>
    %eq3A_4 = vector.broadcast %get3A_3 : vector<1000x1xi32> to vector<1000x128xi32>
    %eq3A_5 = vector.broadcast %iota3A : vector<1x128xi32> to vector<1000x128xi32>
    %eq3A_6 = arith.cmpi eq, %eq3A_4, %eq3A_5 : vector<1000x128xi32>
    %convert_element_type3A_7 = arith.extui %eq3A_6 : vector<1000x128xi1> to vector<1000x128xi32>
    %convert_element_type3A_8 = arith.sitofp %convert_element_type3A_7 : vector<1000x128xi32> to vector<1000x128xf32>
    %get3A_9 = arith.constant 0 : index
    %get3A_10 = arith.constant 0 : index
    %get3A_11 = vector.load %arg1[%get3A_9, %get3A_10] : memref<1000x128xf32, #tpu.memory_space<vmem>>, vector<1000x128xf32>
    %get3A_12 = arith.constant 0 : index
    %get3A_13 = arith.constant 0 : index
    %get3A_14 = vector.load %arg8[%get3A_12, %get3A_13] : memref<128x128xf32, #tpu.memory_space<vmem>>, vector<128x128xf32>
    %dot_general3A = arith.constant dense<0.000000e+00> : vector<128x128xf32>
    %dot_general3A_15 = tpu.matmul %convert_element_type3A_8, %get3A_11, %dot_general3A {dimension_numbers = #tpu.dot_dimension_numbers<[0], [0], [1], [1], [0, 1, 1, 1], [], []>, transpose_lhs_hint = false} : vector<1000x128xf32>, vector<1000x128xf32>, vector<128x128xf32> -> vector<128x128xf32>
    %add3A = arith.addf %get3A_14, %dot_general3A_15 : vector<128x128xf32>
    %swap3A = arith.constant 0 : index
    %swap3A_16 = arith.constant 0 : index
    %swap3A_17 = vector.load %arg8[%swap3A, %swap3A_16] : memref<128x128xf32, #tpu.memory_space<vmem>>, vector<128x128xf32>
    tpu.vector_store %arg8[%swap3A, %swap3A_16], %add3A {strides = array<i32>} : memref<128x128xf32, #tpu.memory_space<vmem>>, vector<128x128xf32>,
    %broadcast_in_dim3A = arith.constant 1.000000e+00 : f32
    %broadcast_in_dim3A_18 = vector.broadcast %broadcast_in_dim3A : f32 to vector<1000x1xf32>
    %get3A_19 = arith.constant 0 : index
    %get3A_20 = arith.constant 0 : index
    %get3A_21 = vector.load %arg9[%get3A_19, %get3A_20] : memref<128x1xf32, #tpu.memory_space<vmem>>, vector<128x1xf32>
    %dot_general3A_22 = arith.constant dense<0.000000e+00> : vector<128x1xf32>
    %dot_general3A_23 = tpu.matmul %convert_element_type3A_8, %broadcast_in_dim3A_18, %dot_general3A_22 {dimension_numbers = #tpu.dot_dimension_numbers<[0], [0], [1], [1], [0, 1, 1, 1], [], []>, transpose_lhs_hint = false} : vector<1000x128xf32>, vector<1000x1xf32>, vector<128x1xf32> -> vector<128x1xf32>
    %add3A_24 = arith.addf %get3A_21, %dot_general3A_23 : vector<128x1xf32>
    %swap3A_25 = arith.constant 0 : index
    %swap3A_26 = arith.constant 0 : index
    %swap3A_27 = vector.load %arg9[%swap3A_25, %swap3A_26] : memref<128x1xf32, #tpu.memory_space<vmem>>, vector<128x1xf32>
    tpu.vector_store %arg9[%swap3A_25, %swap3A_26], %add3A_24 {strides = array<i32>} : memref<128x1xf32, #tpu.memory_space<vmem>>, vector<128x1xf32>,
    %eq3A_28 = arith.constant 9 : i32
    %eq3A_29 = arith.cmpi eq, %arg0, %eq3A_28 : i32
    %convert_element_type3A_30 = arith.extui %eq3A_29 : i1 to i32
    %cond3A_31 = arith.constant 0 : i32
    %cond3A_32 = arith.cmpi ne, %convert_element_type3A_30, %cond3A_31 : i32
    scf.if %cond3A_32 {
      %get3A_33 = arith.constant 0 : index
      %get3A_34 = arith.constant 0 : index
      %get3A_35 = vector.load %arg8[%get3A_33, %get3A_34] : memref<128x128xf32, #tpu.memory_space<vmem>>, vector<128x128xf32>
      %get3A_36 = arith.constant 0 : index
      %get3A_37 = arith.constant 0 : index
      %get3A_38 = vector.load %arg9[%get3A_36, %get3A_37] : memref<128x1xf32, #tpu.memory_space<vmem>>, vector<128x1xf32>
      %max3A = arith.constant 1.000000e+00 : f32
      %max3A_39 = vector.broadcast %max3A : f32 to vector<128x1xf32>
      %max3A_40 = arith.maximumf %get3A_38, %max3A_39 : vector<128x1xf32>
      %div3A = vector.broadcast %max3A_40 : vector<128x1xf32> to vector<128x128xf32>
      %div3A_41 = arith.divf %get3A_35, %div3A : vector<128x128xf32>
      %get3A_42 = arith.constant 0 : index
      %get3A_43 = arith.constant 0 : index
      %get3A_44 = vector.load %arg3[%get3A_42, %get3A_43] : memref<128x128xf32, #tpu.memory_space<vmem>>, vector<128x128xf32>
      %dot_general3A_45 = arith.constant dense<0.000000e+00> : vector<128x128xf32>
      %dot_general3A_46 = tpu.matmul %div3A_41, %get3A_44, %dot_general3A_45 {dimension_numbers = #tpu.dot_dimension_numbers<[1], [0], [0], [1], [0, 0, 1, 1], [], []>, transpose_lhs_hint = false} : vector<128x128xf32>, vector<128x128xf32>, vector<128x128xf32> -> vector<128x128xf32>
      %get3A_47 = arith.constant 0 : index
      %get3A_48 = arith.constant 0 : index
      %get3A_49 = vector.load %arg4[%get3A_47, %get3A_48] : memref<1x128xf32, #tpu.memory_space<vmem>>, vector<1x128xf32>
      %add3A_50 = vector.broadcast %get3A_49 : vector<1x128xf32> to vector<128x128xf32>
      %add3A_51 = arith.addf %dot_general3A_46, %add3A_50 : vector<128x128xf32>
      %max3A_52 = arith.constant 0.000000e+00 : f32
      %max3A_53 = vector.broadcast %max3A_52 : f32 to vector<128x128xf32>
      %max3A_54 = arith.maximumf %add3A_51, %max3A_53 : vector<128x128xf32>
      %get3A_55 = arith.constant 0 : index
      %get3A_56 = arith.constant 0 : index
      %get3A_57 = vector.load %arg5[%get3A_55, %get3A_56] : memref<128x256xf32, #tpu.memory_space<vmem>>, vector<128x256xf32>
      %dot_general3A_58 = arith.constant dense<0.000000e+00> : vector<128x256xf32>
      %dot_general3A_59 = tpu.matmul %max3A_54, %get3A_57, %dot_general3A_58 {dimension_numbers = #tpu.dot_dimension_numbers<[1], [0], [0], [1], [0, 0, 1, 1], [], []>, transpose_lhs_hint = false} : vector<128x128xf32>, vector<128x256xf32>, vector<128x256xf32> -> vector<128x256xf32>
      %get3A_60 = arith.constant 0 : index
      %get3A_61 = arith.constant 0 : index
      %get3A_62 = vector.load %arg6[%get3A_60, %get3A_61] : memref<1x256xf32, #tpu.memory_space<vmem>>, vector<1x256xf32>
      %add3A_63 = vector.broadcast %get3A_62 : vector<1x256xf32> to vector<128x256xf32>
      %add3A_64 = arith.addf %dot_general3A_59, %add3A_63 : vector<128x256xf32>
      %swap3A_65 = arith.constant 0 : index
      %swap3A_66 = arith.constant 0 : index
      %swap3A_67 = vector.load %arg7[%swap3A_65, %swap3A_66] : memref<128x256xf32, #tpu.memory_space<vmem>>, vector<128x256xf32>
      tpu.vector_store %arg7[%swap3A_65, %swap3A_66], %add3A_64 {strides = array<i32>} : memref<128x256xf32, #tpu.memory_space<vmem>>, vector<128x256xf32>,
    } else {
    }
    return
  }
  func.func @transform_0(%arg0: i32) -> (i32, i32) {
    %c0_i32 = arith.constant 0 : i32
    %c0_i32_0 = arith.constant 0 : i32
    return %arg0, %c0_i32 : i32, i32
  }
  func.func @transform_1(%arg0: i32) -> (i32, i32) {
    %c0_i32 = arith.constant 0 : i32
    %c0_i32_0 = arith.constant 0 : i32
    return %arg0, %c0_i32 : i32, i32
  }
  func.func @transform_2(%arg0: i32) -> (i32, i32) {
    %c0_i32 = arith.constant 0 : i32
    %c0_i32_0 = arith.constant 0 : i32
    %c0_i32_1 = arith.constant 0 : i32
    return %c0_i32, %c0_i32_0 : i32, i32
  }
  func.func @transform_3(%arg0: i32) -> (i32, i32) {
    %c0_i32 = arith.constant 0 : i32
    %c0_i32_0 = arith.constant 0 : i32
    %c0_i32_1 = arith.constant 0 : i32
    return %c0_i32, %c0_i32_0 : i32, i32
  }
  func.func @transform_4(%arg0: i32) -> (i32, i32) {
    %c0_i32 = arith.constant 0 : i32
    %c0_i32_0 = arith.constant 0 : i32
    %c0_i32_1 = arith.constant 0 : i32
    return %c0_i32, %c0_i32_0 : i32, i32
  }
  func.func @transform_5(%arg0: i32) -> (i32, i32) {
    %c0_i32 = arith.constant 0 : i32
    %c0_i32_0 = arith.constant 0 : i32
    %c0_i32_1 = arith.constant 0 : i32
    return %c0_i32, %c0_i32_0 : i32, i32
  }
  func.func @transform_6(%arg0: i32) -> (i32, i32) {
    %c0_i32 = arith.constant 0 : i32
    %c0_i32_0 = arith.constant 0 : i32
    %c0_i32_1 = arith.constant 0 : i32
    return %c0_i32, %c0_i32_0 : i32, i32
  }
}

</mosaic_0001>

<sc_bundles>
// kernel: kernel.12.cloned.1.call-start
scs
__scs_entry_jumppad:
0x0: {  	(pc) =	sbr.rel $0x88, $3  }
0x1: {  	(tag) =	ssettag $0x0;
	lr =	simm.s32 $0x1  }
0x2: {  	[smem:$0x3F91] =	sst lr;
	_ =	strace $0xD0000000  }
0x3: {  	_ = 	snop  }
0x4: {  	_ = 	snop  }
0x5: {  	_ = 	snop  }
0x6: {  	_ = 	snop  }
0x7: {  	_ = 	snop  }
__scs_overlays_trampoline_lowered:
0x8: {  	[smem:$0x3FA0] =	sst s0  }
0x9: {  	[smem:$0x3FA1] =	sst s1  }
0xa: {  	[smem:$0x3FA2] =	sst s2  }
0xb: {  	[smem:$0x3FA3] =	sst s3  }
0xc: {  	[smem:$0x3FA4] =	sst s4  }
0xd: {  	[smem:$0x3FA5] =	sst s5  }
0xe: {  	[smem:$0x3FA6] =	sst s6  }
0xf: {  	[smem:$0x3FA7] =	sst s7  }
0x10: {  	[smem:$0x3FA8] =	sst s8  }
0x11: {  	[smem:$0x3FA9] =	sst s9;
	s0 =	simm.s32 @!p0 $0x0  }
0x12: {  	s1 =	sld [smem:$0x3F8F];
	s0 =	simm.s32 @p0 $0x1  }
0x13: {  	[smem:$0x3FAA] =	sst s0;
	s0 =	simm.s32 @!p1 $0x0  }
0x14: {  	s2 =	sld [smem:$0x3F8E];
	s0 =	simm.s32 @p1 $0x1  }
0x15: {  	[smem:$0x3FAB] =	sst s0;
	s0 =	simm.s32 @!p2 $0x0  }
0x16: {  	s3 =	sld [smem:$0x3FDB];
	s0 =	simm.s32 @p2 $0x1  }
0x17: {  	s4 =	simm.s32 $0x1BF5;
	[smem:$0x3FAD] =	sst s0  }
0x18: {  	s0 =	sld [smem:$0x3F90];
	_ =	swait.ge [sflag:s4], $0x0  }
0x19: {  	s7 =	sld [smem:$0x3F91]  }
0x1a: {  	s8 =	sadd.s32 $0xFFFFE003, lr  }
0x1b: {  	s9 =	sadd.s32 $0xFFFFFEF7, lr;
	s5 =	simm.s32 $0xFFFFFFFF;
	p2 =	slt.u32 s8, $0xFFFFF086  }
0x1c: {  	p1 =	slt.u32 s9, $0xF7A;
	s5 =	simm.s32 @!p2 $0x0  }
0x1d: {  	s5 =	simm.s32 @p1 $0x1;
	p0 =	seq.s32 s7, s2  }
0x1e: {  	s7 =	smul.u32 @!p0 $0xF7A, s2;
	p2 =	seq.s32 @!p0 s5, $0x0  }
0x1f: {  	s9 =	smul.u32 $0xF7A, s1;
	s8 =	simm.s32 @!p0 $0x1BF5;
	p2 =	por !p2, p0  }
0x20: {  	[sflag:s8] =	ssyncset.s32 @!p0 $0xFFFFF086;
	s6 =	sadd.s32 @!p0 s3, s7;
	s7 =	simm.s32 @!p0 $0x108  }
0x21: {  	s3 =	sadd.s32 s3, s9;
	s6 =	sadd.s32 @!p0 $0x88, s6;
	s7 =	simm.s32 @p2 $0x1082  }
0x22: {  	[simem:s7], [sflag:s8] =	dma.local @!p0 [hbm:s6], $0xF7A  }
0x23: {  	s9 =	sor.u32 $0xD0000000, s2;
	s6 =	simm.s32 $0x108;
	_ =	swait.ge @!p0 [sflag:s8], $0x0  }
0x24: {  	s3 =	sadd.s32 $0x88, s3;
	s6 =	simm.s32 @!p1 $0x1082;
	[sflag:s4] =	ssyncset.s32 $0xFFFFF086  }
0x25: {  	[simem:s6], [sflag:s4] =	dma.local [hbm:s3], $0xF7A  }
0x26: {  	[smem:$0x3F91] =	sst s1;
	(tag) =	ssettag s2;
	_ =	strace s9  }
0x27: {  	s1 =	sld [smem:$0x3FA1]  }
0x28: {  	s2 =	sld [smem:$0x3FA2]  }
0x29: {  	s4 =	sld [smem:$0x3FA4]  }
0x2a: {  	p0 =	seq.s32 s5, $0x0;
	s5 =	sld [smem:$0x3FA5]  }
0x2b: {  	s6 =	sld [smem:$0x3FA6]  }
0x2c: {  	s7 =	sld [smem:$0x3FA7]  }
0x2d: {  	s3 =	simm.s32 $0x108;
	s8 =	sld [smem:$0x3FA8]  }
0x2e: {  	s3 =	simm.s32 @!p0 $0x1082;
	s9 =	sld [smem:$0x3FA9]  }
0x2f: {  	lr =	sadd.s32 s0, s3;
	s0 =	sld [smem:$0x3FA0]  }
0x30: {  	s3 =	sld [smem:$0x3FA3]  }
0x31: {  	[smem:$0x3FAC] =	sst s10  }
0x32: {  	s10 =	sld [smem:$0x3FAA];
	_ =	sdelay $0x3  }
0x33: {  	p0 =	seq.s32 s10, $0x1;
	s10 =	sld [smem:$0x3FAC];
	_ =	sdelay $0x3  }
0x34: {  	[smem:$0x3FAC] =	sst s10  }
0x35: {  	s10 =	sld [smem:$0x3FAB];
	_ =	sdelay $0x3  }
0x36: {  	p1 =	seq.s32 s10, $0x1;
	s10 =	sld [smem:$0x3FAC];
	_ =	sdelay $0x3  }
0x37: {  	[smem:$0x3FAC] =	sst s10  }
0x38: {  	s10 =	sld [smem:$0x3FAD]  }
0x39: {  	_ = 	snop;
	(pc) =	sbr.ind lr, $3  }
0x3a: {  	_ = 	snop  }
0x3b: {  	_ = 	snop  }
0x3c: {  	p2 =	seq.s32 s10, $0x1;
	s10 =	sld [smem:$0x3FAC]  }
0x3d: {  	_ =	shalt  }
0x3e: {  	_ =	shalt  }
0x3f: {  	_ =	shalt  }
0x40: {  	_ =	shalt  }
0x41: {  	_ =	shalt  }
0x42: {  	_ =	shalt  }
0x43: {  	_ =	shalt  }
0x44: {  	_ =	shalt  }
0x45: {  	_ =	shalt  }
0x46: {  	_ =	shalt  }
0x47: {  	_ =	shalt  }
0x48: {  	_ =	shalt  }
0x49: {  	_ =	shalt  }
0x4a: {  	_ =	shalt  }
0x4b: {  	_ =	shalt  }
0x4c: {  	_ =	shalt  }
0x4d: {  	_ =	shalt  }
0x4e: {  	_ =	shalt  }
0x4f: {  	_ =	shalt  }
0x50: {  	_ =	shalt  }
0x51: {  	_ =	shalt  }
0x52: {  	_ =	shalt  }
0x53: {  	_ =	shalt  }
0x54: {  	_ =	shalt  }
0x55: {  	_ =	shalt  }
0x56: {  	_ =	shalt  }
0x57: {  	_ =	shalt  }
0x58: {  	_ =	shalt  }
0x59: {  	_ =	shalt  }
0x5a: {  	_ =	shalt  }
0x5b: {  	_ =	shalt  }
0x5c: {  	_ =	shalt  }
0x5d: {  	_ =	shalt  }
0x5e: {  	_ =	shalt  }
0x5f: {  	_ =	shalt  }
0x60: {  	_ =	shalt  }
0x61: {  	_ =	shalt  }
0x62: {  	_ =	shalt  }
0x63: {  	_ =	shalt  }
0x64: {  	_ =	shalt  }
0x65: {  	_ =	shalt  }
0x66: {  	_ =	shalt  }
0x67: {  	_ =	shalt  }
0x68: {  	_ =	shalt  }
0x69: {  	_ =	shalt  }
0x6a: {  	_ =	shalt  }
0x6b: {  	_ =	shalt  }
0x6c: {  	_ =	shalt  }
0x6d: {  	_ =	shalt  }
0x6e: {  	_ =	shalt  }
0x6f: {  	_ =	shalt  }
0x70: {  	_ =	shalt  }
0x71: {  	_ =	shalt  }
0x72: {  	_ =	shalt  }
0x73: {  	_ =	shalt  }
0x74: {  	_ =	shalt  }
0x75: {  	_ =	shalt  }
0x76: {  	_ =	shalt  }
0x77: {  	_ =	shalt  }
0x78: {  	_ =	shalt  }
0x79: {  	_ =	shalt  }
0x7a: {  	_ =	shalt  }
0x7b: {  	_ =	shalt  }
0x7c: {  	_ =	shalt  }
0x7d: {  	_ =	shalt  }
0x7e: {  	_ =	shalt  }
0x7f: {  	_ =	shalt  }
0x80: {  	_ =	shalt  }
0x81: {  	_ =	shalt  }
0x82: {  	_ =	shalt  }
0x83: {  	_ =	shalt  }
0x84: {  	_ =	shalt  }
0x85: {  	_ =	shalt  }
0x86: {  	_ =	shalt  }
0x87: {  	_ =	shalt  }
.Lfunc_end0:
.L_simem_size_0:
called_computation_lowered:
.L_overlay_start_0:
0x88: {  	s2 =	sld [smem:$0x3FD9]  }
0x89: {  	s3 =	sld [smem:$0x3FFE];
	_ =	sdelay $0x1  }
0x8a: {  	s1 =	srdreg.scid  }
0x8b: {  	s0 =	sand.u32 $0x1, s1  }
0x8c: {  	s16 =	sshll.u32 s0, $0xA;
	s2 =	sadd.s32 s3, s2  }
0x8d: {  	s2 =	sadd.s32 s2, s16  }
0x8e: {  	[smem:$0x3FB8] =	sst s2  }
0x8f: {  	_ = 	snop  }
0x90: {  	(tm) =	ssettm $0x1  }
0x91: {  	s17 =	sld [smem:$0x3FFB];
	_ =	sdelay $0x3  }
0x92: {  	_ =	strace s17  }
0x93: {  	s2 =	sld [smem:$0x3FFC];
	_ =	sdelay $0x3  }
0x94: {  	_ =	strace s2  }
0x95: {  	s2 =	sld [smem:$0x3FFD];
	_ =	sdelay $0x3  }
0x96: {  	_ =	strace s2  }
0x97: {  	_ =	strace $0x8FFFFFFF  }
0x98: {  	s18 =	sld [smem:$0x3FDB];
	_ =	sdelay $0x1  }
0x99: {  	s19 =	simm.s32 $_scs_section_size  }
0x9a: {  	s4 =	simm.s32 $_size__tile_overlayer_lowered;
	s5 =	simm.s32 $_tile_overlayer_lowered  }
0x9b: {  	s22 =	simm.s32 $0x1BFF;
	s21 =	sshll.u32 s5, $0x1;
	s2 =	sadd.s32 s19, s18  }
0x9c: {  	s6 =	simm.s32 $0x0;
	s20 =	sshll.u32 s4, $0x1;
	s4 =	sadd.s32 s21, s2  }
0x9d: {  	[timem:s6], [sflag:s22] =	dma.local [hbm:s4], s20  }
0x9e: {  	_ =	swait.ge [sflag:s22], s20  }
0x9f: {  	s3 =	ssub.s32 $0x0, s20;
	[sflag:s22] =	ssyncset.done $0x0  }
0xa0: {  	[sflag:s22] =	ssyncadd.s32 s3;
	_ =	sdelay $0x1  }
0xa1: {  	s23 =	simm.s32 $0x1B8B  }
0xa2: {  	_ =	swait.ge [sflag:s23], $0x1  }
0xa3: {  	[sflag:s23] =	ssyncset.done $0x0  }
0xa4: {  	s25 =	simm.s32 $0x1B8E;
	s24 =	sld [smem:$0x3FFE];
	[sflag:s23] =	ssyncadd.s32 $0xFFFFFFFF  }
0xa5: {  	s26 =	simm.s32 $execute0_lowered;
	[smem:$0x3FD2] =	sst s25  }
0xa6: {  	s4 =	sshll.u32 s26, $0x1;
	_ =	strace $0x80000046;
	[dreg:$0x1] =	wrdreg $0xFFFFFFFF  }
0xa7: {  	s28 =	simm.s32 $_size_execute0_lowered;
	s2 =	sadd.s32 s2, s4;
	[dreg:$0x0] =	wrdreg $0x0  }
0xa8: {  	s4 =	sshll.u32 s28, $0x1;
	[dreg:$0x2] =	wrdreg s2  }
0xa9: {  	[dreg:$0x3] =	wrdreg s4  }
0xaa: {  	[dreg:$0x4] =	wrdreg $0xC0  }
0xab: {  	_ =	task [dreg:s6], $0x5FFFF  }
0xac: {  	[dreg:$0x1] =	wrdreg $0xFFFFFFFF  }
0xad: {  	[dreg:$0x0] =	wrdreg $0x60  }
0xae: {  	[dreg:$0x2] =	wrdreg s24  }
0xaf: {  	[dreg:$0x3] =	wrdreg $0x0  }
0xb0: {  	[dreg:$0x4] =	wrdreg $0x9  }
0xb1: {  	_ =	task.clear_ibuf [dreg:s6], $0x5FFFF;
	_ =	strace $0x90000046  }
0xb2: {  	s29 =	simm.s32 $0x9;
	_ =	strace $0x80000048  }
0xb3: {  	_ =	swait.ge [sflag:s29], $0x1  }
0xb4: {  	[sflag:s29] =	ssyncadd.s32 $0xFFFFFFFF  }
0xb5: {  	_ =	strace $0x90000048  }
0xb6: {  	_ =	sfence  }
0xb7: {  	s30 =	sld [smem:$0x0];
	_ =	sdelay $0x2  }
0xb8: {  	s31 =	sshll.u32 s1, $0xD;
	s1 =	sshrl.u32 s1, $0x2  }
0xb9: {  	s3 =	sand.u32 $0x4000, s31;
	s1 =	sadd.s32 s1, s30  }
0xba: {  	s0 =	sor.u32 s3, s0;
	s1 =	sshll.u32 s1, $0x11  }
0xbb: {  	s0 =	sor.u32 s1, s0  }
0xbc: {  	s0 =	sadd.s32 $0x8F2B, s0  }
0xbd: {  	[sflag:s0] =	ssyncadd.remote.s32 $0x1  }
0xbe: {  	_ =	sfence.sel $0xFFFF  }
0xbf: {  	[dreg:$0x0] =	wrdreg $0xFFFFFFFF;
	(pc) =	sbr.abs _section_cstart, $3  }
0xc0: {  	[dreg:$0x1] =	wrdreg $0xFFFFFFFF  }
0xc1: {  	_ =	task.clear_ibuf [dreg:s6], $0x2FFFF;
	_ =	strace $0x9FFFFFFF  }
0xc2: {  	(tm) =	ssettm $0x7FFFFFFF  }
0xc3: {  	_ =	shalt  }
tec
execute0_lowered:
.L_overlay_start_1:
0x0: {  	(tag) =	ssettag $0x1  }
0x1: {  	s0 =	rddreg [dreg:$0x0]  }
0x2: {  	s2 =	rddreg [dreg:$0x1];
	s3 =	simm.s32 $0x0;
	s11 =	stileid.u32  }
0x3: {  	s1 =	srdreg.scid;
	s28 =	simm.s32 $0x80;
	s29 =	simm.s32 $0x13900  }
0x4: {  	s30 =	simm.s32 $0x1B980;
	s31 =	simm.s32 $0x17900;
	[smem:$0x7FF] =	sst s3  }
0x5: {  	s5 =	smul.u32 $0x2780, s11;
	s1 =	sand.u32 $0x1, s1;
	s4 =	sadd.s32 $0x1A000, s0  }
0x6: {  	s6 =	sadd.s32 $0x10000, s0;
	s8 =	sadd.s32 $0x6000, s0;
	s10 =	sshll.u32 s11, $0x1  }
0x7: {  	p0 =	seq.s32 s11, $0xF;
	p3 =	sne.s32 s11, $0xF;
	s20 =	sadd.s32 $0x12C400, s2  }
0x8: {  	s21 =	sadd.s32 $0x130400, s2;
	_ =	strace $0x80000047;
	[dreg:$0x3] =	wrdreg s20  }
0x9: {  	s11 =	smul.u32 $0x4F000, s11;
	s22 =	sadd.s32 $0x134400, s2;
	[dreg:$0x4] =	wrdreg s21  }
0xa: {  	s24 =	sadd.s32 $0x138400, s2;
	s7 =	ssub.s32 $0x2, s1;
	[dreg:$0x5] =	wrdreg s22  }
0xb: {  	s12 =	sor.u32 s1, s10;
	[dreg:$0x6] =	wrdreg s24;
	p2 =	seq.s32 s1, $0x0  }
0xc: {  	p4 =	seq.s32 s1, $0x1;
	s20 =	sadd.s32 $0x66280, s0;
	s22 =	sadd.s32 $0x8D480, s0  }
0xd: {  	s24 =	simm.s32 $0x1B900;
	s9 =	sadd.s32 s5, s0;
	s19 =	sshrl.u32 s7, $0x1  }
0xe: {  	s5 =	sadd.s32 $0x128400, s2;
	s23 =	sshrl.u32 s11, $0x2;
	s16 =	smul.u32 $0x500, s12  }
0xf: {  	s17 =	smul.u32 $0x2800, s12;
	p1 =	por !p2, !p3;
	p2 =	por !p2, !p0  }
0x10: {  	p3 =	por !p3, !p4;
	p4 =	por !p4, !p0;
	s0 =	simm.s32 $0x1  }
0x11: {  	s12 =	stileid.u32;
	s7 =	ssub.s32 s7, s19;
	s10 =	sadd.s32 s23, s2  }
0x12: {  	p1 =	por !p1, !p1;
	s19 =	sadd.s32 $0x41200, s9;
	p2 =	por !p2, !p2  }
0x13: {  	p3 =	por !p3, !p3;
	s21 =	sadd.s32 $0x68400, s9;
	p4 =	por !p4, !p4  }
0x14: {  	s25 =	sadd.s32 $0x4000, s10;
	s26 =	sadd.s32 $0x8000, s10;
	s13 =	sadd.s32 $0xC000, s10  }
0x15: {  	s14 =	sadd.s32 $0x10000, s10;
	s15 =	sadd.s32 s6, s16;
	s17 =	sshrl.u32 s17, $0x3  }
0x16: {  	s16 =	sadd.s32 s8, s16;
	s23 =	smax.u32 s7, $0x1;
	[dreg:$0x7] =	wrdreg s25  }
0x17: {  	s7 =	simm.s32 $0x1E000;
	[dreg:$0x8] =	wrdreg s26;
	s18 =	sadd.s32 $0x280, s17  }
0x18: {  	s25 =	simm.s32 $0x3;
	s26 =	simm.s32 $0x1CD00;
	s17 =	sadd.s32 s6, s18  }
0x19: {  	v0 =	vimm.f32 $0.0e+00;
	s18 =	sadd.s32 s8, s18;
	s6 =	simm.s32 $0x2;
	s8 =	simm.s32 $0x1E080  }
.LBB2_1:
0x1a: {  	s9 =	simm.s32 $0x0;
	s1 =	simm.s32 $0x200  }
.LBB2_2:
0x1b: {  	p5 =	sne.s32 s1, $0xFE00;
	[tilespmem:s9+$0x13970] =	vst v0  }
0x1c: {  	[tilespmem:s9+$0x13900] =	vst v0  }
0x1d: {  	[tilespmem:s9+$0x13910] =	vst v0  }
.Ltmp0:
0x1e: {  	[tilespmem:s9+$0x13920] =	vst v0;
	(pc) =	sbr.rel @p5 .LBB2_2-.Ltmp0, $4  }
0x1f: {  	[tilespmem:s9+$0x13930] =	vst v0  }
0x20: {  	[tilespmem:s9+$0x13940] =	vst v0  }
0x21: {  	[tilespmem:s9+$0x13950] =	vst v0  }
0x22: {  	[tilespmem:s9+$0x13960] =	vst v0;
	s9 =	sshra.s32 s1, $0x2;
	s1 =	sadd.s32 $0x200, s1  }
0x23: {  	[tilespmem:s9+$0x13970] =	vst v0  }
0x24: {  	[tilespmem:s9+$0x13900] =	vst v0  }
0x25: {  	[tilespmem:s9+$0x13910] =	vst v0  }
0x26: {  	[tilespmem:s9+$0x13920] =	vst v0  }
0x27: {  	[tilespmem:s9+$0x13930] =	vst v0  }
0x28: {  	[tilespmem:s9+$0x13940] =	vst v0  }
0x29: {  	[tilespmem:s9+$0x13950] =	vst v0  }
0x2a: {  	[tilespmem:s9+$0x13960] =	vst v0;
	s1 =	simm.s32 @p0 $0x13900;
	s9 =	simm.s32 @p0 $0x3  }
0x2b: {  	[spmem:s5] =	stream.linear.scatter @p0 [tilespmem:s1], [sflag:$0x3], $0x4000, $0x38;
	[tilespmem:$0x1E100] =	vst v63  }
0x2c: {  	_ =	swait.ge @p0 [sflag:s9], $0x4000  }
0x2d: {  	[sflag:s9] =	ssyncset.done @p0 $0x0  }
0x2e: {  	s11 =	rddreg [dreg:$0x3];
	[sflag:s9] =	ssyncadd.s32 @p0 $0xFFFFC000  }
0x2f: {  	[spmem:s11] =	stream.linear.scatter @p0 [tilespmem:s1], [sflag:$0x3], $0x4000, $0x38;
	[tilespmem:$0x1E100] =	vst v63  }
0x30: {  	_ =	swait.ge @p0 [sflag:s9], $0x4000  }
0x31: {  	[sflag:s9] =	ssyncset.done @p0 $0x0  }
0x32: {  	s11 =	rddreg [dreg:$0x4];
	[sflag:s9] =	ssyncadd.s32 @p0 $0xFFFFC000  }
0x33: {  	[spmem:s11] =	stream.linear.scatter @p0 [tilespmem:s1], [sflag:$0x3], $0x4000, $0x38;
	[tilespmem:$0x1E100] =	vst v63  }
0x34: {  	_ =	swait.ge @p0 [sflag:s9], $0x4000  }
0x35: {  	[sflag:s9] =	ssyncset.done @p0 $0x0  }
0x36: {  	s11 =	rddreg [dreg:$0x5];
	[sflag:s9] =	ssyncadd.s32 @p0 $0xFFFFC000  }
0x37: {  	[spmem:s11] =	stream.linear.scatter @p0 [tilespmem:s1], [sflag:$0x3], $0x4000, $0x38;
	[tilespmem:$0x1E100] =	vst v63  }
0x38: {  	_ =	swait.ge @p0 [sflag:s9], $0x4000  }
0x39: {  	[sflag:s9] =	ssyncset.done @p0 $0x0  }
0x3a: {  	s11 =	rddreg [dreg:$0x6];
	[sflag:s9] =	ssyncadd.s32 @p0 $0xFFFFC000  }
0x3b: {  	[spmem:s11] =	stream.linear.scatter @p0 [tilespmem:s1], [sflag:$0x3], $0xC00, $0x38;
	[tilespmem:$0x1E100] =	vst v63  }
0x3c: {  	_ =	swait.ge @p0 [sflag:s9], $0xC00  }
0x3d: {  	[sflag:s9] =	ssyncset.done @p0 $0x0  }
0x3e: {  	s1 =	simm.s32 @!p0 $0x13900;
	[sflag:s9] =	ssyncadd.s32 @p0 $0xFFFFF400;
	s9 =	simm.s32 @!p0 $0x3  }
0x3f: {  	[spmem:s10] =	stream.linear.scatter @!p0 [tilespmem:s1], [sflag:$0x3], $0x4000, $0x38;
	[tilespmem:$0x1E100] =	vst v63  }
0x40: {  	_ =	swait.ge @!p0 [sflag:s9], $0x4000  }
0x41: {  	[sflag:s9] =	ssyncset.done @!p0 $0x0  }
0x42: {  	s11 =	rddreg [dreg:$0x7];
	[sflag:s9] =	ssyncadd.s32 @!p0 $0xFFFFC000  }
0x43: {  	[spmem:s11] =	stream.linear.scatter @!p0 [tilespmem:s1], [sflag:$0x3], $0x4000, $0x38;
	[tilespmem:$0x1E100] =	vst v63  }
0x44: {  	_ =	swait.ge @!p0 [sflag:s9], $0x4000  }
0x45: {  	[sflag:s9] =	ssyncset.done @!p0 $0x0  }
0x46: {  	s11 =	rddreg [dreg:$0x8];
	[sflag:s9] =	ssyncadd.s32 @!p0 $0xFFFFC000  }
0x47: {  	[spmem:s11] =	stream.linear.scatter @!p0 [tilespmem:s1], [sflag:$0x3], $0x4000, $0x38;
	[tilespmem:$0x1E100] =	vst v63  }
0x48: {  	_ =	swait.ge @!p0 [sflag:s9], $0x4000  }
0x49: {  	[sflag:s9] =	ssyncset.done @!p0 $0x0  }
0x4a: {  	[sflag:s9] =	ssyncadd.s32 @!p0 $0xFFFFC000  }
0x4b: {  	[spmem:s13] =	stream.linear.scatter @!p0 [tilespmem:s1], [sflag:$0x3], $0x4000, $0x38;
	[tilespmem:$0x1E100] =	vst v63  }
0x4c: {  	_ =	swait.ge @!p0 [sflag:s9], $0x4000  }
0x4d: {  	[sflag:s9] =	ssyncset.done @!p0 $0x0  }
0x4e: {  	[sflag:s9] =	ssyncadd.s32 @!p0 $0xFFFFC000  }
0x4f: {  	[spmem:s14] =	stream.linear.scatter @!p0 [tilespmem:s1], [sflag:$0x3], $0x3C00, $0x38;
	[tilespmem:$0x1E100] =	vst v63  }
0x50: {  	_ =	swait.ge @!p0 [sflag:s9], $0x3C00  }
0x51: {  	[sflag:s9] =	ssyncset.done @!p0 $0x0  }
0x52: {  	[sflag:s9] =	ssyncadd.s32 @!p0 $0xFFFFC400  }
0x53: {  	s9 =	simm.s32 $0x0;
	[bflag:$0x0] =	sbarrier.arrive $0xFFFF  }
0x54: {  	[tilespmem:s24], [sflag:$0x3] =	stream.linear.gather [hbm4b:s15+s9], $0x1400, $0x38;
	[tilespmem:$0x1E100] =	vst v63  }
0x55: {  	_ =	swait.ge [sflag:s25], $0x1400  }
0x56: {  	[sflag:s25] =	ssyncset.done $0x0  }
0x57: {  	[sflag:s25] =	ssyncadd.s32 $0xFFFFEC00  }
0x58: {  	[tilespmem:s26], [sflag:$0x3] =	stream.linear.gather [hbm4b:s16+s9], $0x1400, $0x38;
	[tilespmem:$0x1E100] =	vst v63  }
0x59: {  	_ =	swait.ge [sflag:s25], $0x1400  }
0x5a: {  	[sflag:s25] =	ssyncset.done $0x0  }
0x5b: {  	[sflag:s25] =	ssyncadd.s32 $0xFFFFEC00  }
0x5c: {  	[tilespmem:s29], [sflag:$0x1] =	stream.indirect.gather [hbm4b:s4+s28], $0x80, s24, s28, $0xb8;
	[tilespmem:$0x1E100] =	vst v63  }
0x5d: {  	_ = 	snop  }
0x5e: {  	[tilespmem:s31], [sflag:$0x2] =	stream.indirect.gather [hbm4b:s4+s28], $0x80, s30, s28, $0xb8;
	[tilespmem:$0x1E100] =	vst v63  }
0x5f: {  	_ =	swait.ge [sflag:s0], $0x4000  }
0x60: {  	[sflag:s0] =	ssyncset.done $0x0  }
0x61: {  	s11 =	simm.s32 $0x1CD00;
	[sflag:s0] =	ssyncadd.s32 $0xFFFFC000  }
0x62: {  	[spmem:s2] =	stream.indirect.scatter.add.f32 [tilespmem:s29], [sflag:$0x3], $0x80, s11, s28, $0xb8;
	[tilespmem:$0x1E100] =	vst v63  }
0x63: {  	_ =	swait.ge [sflag:s25], $0x4000  }
0x64: {  	[sflag:s25] =	ssyncset.done $0x0  }
0x65: {  	s9 =	simm.s32 $0x1BA00;
	[sflag:s25] =	ssyncadd.s32 $0xFFFFC000  }
0x66: {  	[tilespmem:s29], [sflag:$0x1] =	stream.indirect.gather [hbm4b:s4+s28], $0x80, s9, s28, $0xb8;
	[tilespmem:$0x1E100] =	vst v63  }
0x67: {  	_ =	swait.ge [sflag:s6], $0x4000  }
0x68: {  	[sflag:s6] =	ssyncset.done $0x0  }
0x69: {  	s11 =	simm.s32 $0x1CD80;
	[sflag:s6] =	ssyncadd.s32 $0xFFFFC000  }
0x6a: {  	[spmem:s2] =	stream.indirect.scatter.add.f32 [tilespmem:s31], [sflag:$0x3], $0x80, s11, s28, $0xb8;
	[tilespmem:$0x1E100] =	vst v63  }
0x6b: {  	_ =	swait.ge [sflag:s25], $0x4000  }
0x6c: {  	[sflag:s25] =	ssyncset.done $0x0  }
0x6d: {  	s1 =	simm.s32 $0x1BA80;
	s9 =	simm.s32 $0x400;
	[sflag:s25] =	ssyncadd.s32 $0xFFFFC000  }
.LBB2_4:
0x6e: {  	[tilespmem:s31], [sflag:$0x2] =	stream.indirect.gather [hbm4b:s4+s28], $0x80, s1, s28, $0xb8;
	[tilespmem:$0x1E100] =	vst v63  }
0x6f: {  	s1 =	smov.u32 s9  }
0x70: {  	p5 =	sne.s32 s9, $0x4800;
	s9 =	sadd.s32 $0x400, s9;
	_ =	swait.ge [sflag:s0], $0x4000  }
0x71: {  	s1 =	sshra.s32 s1, $0x2;
	[sflag:s0] =	ssyncset.done $0x0  }
0x72: {  	s11 =	sadd.s32 $0x1CD00, s1;
	[sflag:s0] =	ssyncadd.s32 $0xFFFFC000  }
0x73: {  	[spmem:s2] =	stream.indirect.scatter.add.f32 [tilespmem:s29], [sflag:$0x3], $0x80, s11, s28, $0xb8;
	[tilespmem:$0x1E100] =	vst v63  }
0x74: {  	_ =	swait.ge [sflag:s25], $0x4000  }
0x75: {  	[sflag:s25] =	ssyncset.done $0x0  }
0x76: {  	s11 =	sadd.s32 $0x1BA00, s1;
	[sflag:s25] =	ssyncadd.s32 $0xFFFFC000  }
0x77: {  	[tilespmem:s29], [sflag:$0x1] =	stream.indirect.gather [hbm4b:s4+s28], $0x80, s11, s28, $0xb8;
	[tilespmem:$0x1E100] =	vst v63  }
0x78: {  	_ =	swait.ge [sflag:s6], $0x4000  }
0x79: {  	[sflag:s6] =	ssyncset.done $0x0  }
.Ltmp1:
0x7a: {  	s11 =	sadd.s32 $0x1CD80, s1;
	[sflag:s6] =	ssyncadd.s32 $0xFFFFC000;
	(pc) =	sbr.rel @p5 .LBB2_4-.Ltmp1, $4  }
0x7b: {  	[spmem:s2] =	stream.indirect.scatter.add.f32 [tilespmem:s31], [sflag:$0x3], $0x80, s11, s28, $0xb8;
	[tilespmem:$0x1E100] =	vst v63  }
0x7c: {  	_ =	swait.ge [sflag:s25], $0x4000  }
0x7d: {  	[sflag:s25] =	ssyncset.done $0x0  }
0x7e: {  	s1 =	sadd.s32 $0x1BA80, s1;
	[sflag:s25] =	ssyncadd.s32 $0xFFFFC000  }
0x7f: {  	[tilespmem:s31], [sflag:$0x2] =	stream.indirect.gather [hbm4b:s4+s28], $0x80, s1, s28, $0xb8;
	[tilespmem:$0x1E100] =	vst v63  }
0x80: {  	_ =	swait.ge [sflag:s0], $0x4000  }
0x81: {  	[sflag:s0] =	ssyncset.done $0x0  }
0x82: {  	[sflag:s0] =	ssyncadd.s32 $0xFFFFC000  }
0x83: {  	[spmem:s2] =	stream.indirect.scatter.add.f32 [tilespmem:s29], [sflag:$0x3], $0x80, s7, s28, $0xb8;
	[tilespmem:$0x1E100] =	vst v63  }
0x84: {  	_ =	swait.ge [sflag:s25], $0x4000  }
0x85: {  	[sflag:s25] =	ssyncset.done $0x0  }
0x86: {  	[sflag:s25] =	ssyncadd.s32 $0xFFFFC000  }
0x87: {  	_ =	swait.ge [sflag:s6], $0x4000  }
0x88: {  	[sflag:s6] =	ssyncset.done $0x0  }
0x89: {  	[sflag:s6] =	ssyncadd.s32 $0xFFFFC000  }
0x8a: {  	[spmem:s2] =	stream.indirect.scatter.add.f32 [tilespmem:s31], [sflag:$0x3], $0x80, s8, s28, $0xb8;
	[tilespmem:$0x1E100] =	vst v63  }
0x8b: {  	_ =	swait.ge [sflag:s25], $0x4000  }
0x8c: {  	[sflag:s25] =	ssyncset.done $0x0  }
0x8d: {  	s9 =	simm.s32 $0x0;
	[sflag:s25] =	ssyncadd.s32 $0xFFFFC000  }
0x8e: {  	[tilespmem:s24], [sflag:$0x3] =	stream.linear.gather [hbm4b:s17+s9], $0x1400, $0x38;
	[tilespmem:$0x1E100] =	vst v63  }
0x8f: {  	_ =	swait.ge [sflag:s25], $0x1400  }
0x90: {  	[sflag:s25] =	ssyncset.done $0x0  }
0x91: {  	[sflag:s25] =	ssyncadd.s32 $0xFFFFEC00  }
0x92: {  	[tilespmem:s26], [sflag:$0x3] =	stream.linear.gather [hbm4b:s18+s9], $0x1400, $0x38;
	[tilespmem:$0x1E100] =	vst v63  }
0x93: {  	_ =	swait.ge [sflag:s25], $0x1400  }
0x94: {  	[sflag:s25] =	ssyncset.done $0x0  }
0x95: {  	[sflag:s25] =	ssyncadd.s32 $0xFFFFEC00  }
0x96: {  	[tilespmem:s29], [sflag:$0x1] =	stream.indirect.gather [hbm4b:s4+s28], $0x80, s24, s28, $0xb8;
	[tilespmem:$0x1E100] =	vst v63  }
0x97: {  	_ = 	snop  }
0x98: {  	[tilespmem:s31], [sflag:$0x2] =	stream.indirect.gather [hbm4b:s4+s28], $0x80, s30, s28, $0xb8;
	[tilespmem:$0x1E100] =	vst v63  }
0x99: {  	_ =	swait.ge [sflag:s0], $0x4000  }
0x9a: {  	[sflag:s0] =	ssyncset.done $0x0  }
0x9b: {  	s11 =	simm.s32 $0x1CD00;
	[sflag:s0] =	ssyncadd.s32 $0xFFFFC000  }
0x9c: {  	[spmem:s2] =	stream.indirect.scatter.add.f32 [tilespmem:s29], [sflag:$0x3], $0x80, s11, s28, $0xb8;
	[tilespmem:$0x1E100] =	vst v63  }
0x9d: {  	_ =	swait.ge [sflag:s25], $0x4000  }
0x9e: {  	[sflag:s25] =	ssyncset.done $0x0  }
0x9f: {  	s9 =	simm.s32 $0x1BA00;
	[sflag:s25] =	ssyncadd.s32 $0xFFFFC000  }
0xa0: {  	[tilespmem:s29], [sflag:$0x1] =	stream.indirect.gather [hbm4b:s4+s28], $0x80, s9, s28, $0xb8;
	[tilespmem:$0x1E100] =	vst v63  }
0xa1: {  	_ =	swait.ge [sflag:s6], $0x4000  }
0xa2: {  	[sflag:s6] =	ssyncset.done $0x0  }
0xa3: {  	s11 =	simm.s32 $0x1CD80;
	[sflag:s6] =	ssyncadd.s32 $0xFFFFC000  }
0xa4: {  	[spmem:s2] =	stream.indirect.scatter.add.f32 [tilespmem:s31], [sflag:$0x3], $0x80, s11, s28, $0xb8;
	[tilespmem:$0x1E100] =	vst v63  }
0xa5: {  	_ =	swait.ge [sflag:s25], $0x4000  }
0xa6: {  	[sflag:s25] =	ssyncset.done $0x0  }
0xa7: {  	s1 =	simm.s32 $0x1BA80;
	s9 =	simm.s32 $0x400;
	[sflag:s25] =	ssyncadd.s32 $0xFFFFC000  }
.LBB2_6:
0xa8: {  	[tilespmem:s31], [sflag:$0x2] =	stream.indirect.gather [hbm4b:s4+s28], $0x80, s1, s28, $0xb8;
	[tilespmem:$0x1E100] =	vst v63  }
0xa9: {  	s1 =	smov.u32 s9  }
0xaa: {  	p5 =	sne.s32 s9, $0x4800;
	s9 =	sadd.s32 $0x400, s9;
	_ =	swait.ge [sflag:s0], $0x4000  }
0xab: {  	s1 =	sshra.s32 s1, $0x2;
	[sflag:s0] =	ssyncset.done $0x0  }
0xac: {  	s11 =	sadd.s32 $0x1CD00, s1;
	[sflag:s0] =	ssyncadd.s32 $0xFFFFC000  }
0xad: {  	[spmem:s2] =	stream.indirect.scatter.add.f32 [tilespmem:s29], [sflag:$0x3], $0x80, s11, s28, $0xb8;
	[tilespmem:$0x1E100] =	vst v63  }
0xae: {  	_ =	swait.ge [sflag:s25], $0x4000  }
0xaf: {  	[sflag:s25] =	ssyncset.done $0x0  }
0xb0: {  	s11 =	sadd.s32 $0x1BA00, s1;
	[sflag:s25] =	ssyncadd.s32 $0xFFFFC000  }
0xb1: {  	[tilespmem:s29], [sflag:$0x1] =	stream.indirect.gather [hbm4b:s4+s28], $0x80, s11, s28, $0xb8;
	[tilespmem:$0x1E100] =	vst v63  }
0xb2: {  	_ =	swait.ge [sflag:s6], $0x4000  }
0xb3: {  	[sflag:s6] =	ssyncset.done $0x0  }
.Ltmp2:
0xb4: {  	s11 =	sadd.s32 $0x1CD80, s1;
	[sflag:s6] =	ssyncadd.s32 $0xFFFFC000;
	(pc) =	sbr.rel @p5 .LBB2_6-.Ltmp2, $4  }
0xb5: {  	[spmem:s2] =	stream.indirect.scatter.add.f32 [tilespmem:s31], [sflag:$0x3], $0x80, s11, s28, $0xb8;
	[tilespmem:$0x1E100] =	vst v63  }
0xb6: {  	_ =	swait.ge [sflag:s25], $0x4000  }
0xb7: {  	[sflag:s25] =	ssyncset.done $0x0  }
0xb8: {  	s1 =	sadd.s32 $0x1BA80, s1;
	[sflag:s25] =	ssyncadd.s32 $0xFFFFC000  }
0xb9: {  	[tilespmem:s31], [sflag:$0x2] =	stream.indirect.gather [hbm4b:s4+s28], $0x80, s1, s28, $0xb8;
	[tilespmem:$0x1E100] =	vst v63  }
0xba: {  	_ =	swait.ge [sflag:s0], $0x4000  }
0xbb: {  	[sflag:s0] =	ssyncset.done $0x0  }
0xbc: {  	[sflag:s0] =	ssyncadd.s32 $0xFFFFC000  }
0xbd: {  	[spmem:s2] =	stream.indirect.scatter.add.f32 [tilespmem:s29], [sflag:$0x3], $0x80, s7, s28, $0xb8;
	[tilespmem:$0x1E100] =	vst v63  }
0xbe: {  	_ =	swait.ge [sflag:s25], $0x4000  }
0xbf: {  	[sflag:s25] =	ssyncset.done $0x0  }
0xc0: {  	[sflag:s25] =	ssyncadd.s32 $0xFFFFC000  }
0xc1: {  	_ =	swait.ge [sflag:s6], $0x4000  }
0xc2: {  	[sflag:s6] =	ssyncset.done $0x0  }
0xc3: {  	[sflag:s6] =	ssyncadd.s32 $0xFFFFC000  }
0xc4: {  	[spmem:s2] =	stream.indirect.scatter.add.f32 [tilespmem:s31], [sflag:$0x3], $0x80, s8, s28, $0xb8;
	[tilespmem:$0x1E100] =	vst v63  }
0xc5: {  	_ =	swait.ge [sflag:s25], $0x4000  }
0xc6: {  	[sflag:s25] =	ssyncset.done $0x0  }
0xc7: {  	s1 =	sshll.u32 @p1 s12, $0x6;
	[sflag:s25] =	ssyncadd.s32 $0xFFFFC000  }
0xc8: {  	s9 =	sshrl.u32 @p1 s10, $0x3;
	s1 =	sor.u32 @p1 $0x1C03, s1;
	[bflag:$0x0] =	sbarrier.arrive $0xFFFF  }
0xc9: {  	[hbm:s19], [sflag:s1] =	dma.local @p1 [spmem:s9], $0x2780  }
0xca: {  	s1 =	simm.s32 @p1 $0x3  }
0xcb: {  	_ =	swait.ge @p1 [sflag:s1], $0x2780  }
0xcc: {  	[sflag:s1] =	ssyncset.done @p1 $0x0  }
0xcd: {  	s9 =	simm.s32 @p2 $0x1FC3;
	[sflag:s1] =	ssyncadd.s32 @p1 $0xFFFFD880;
	s1 =	sshrl.u32 @p2 s5, $0x3  }
0xce: {  	[hbm:s20], [sflag:s9] =	dma.local @p2 [spmem:s1], $0x2080  }
0xcf: {  	s1 =	simm.s32 @p2 $0x3  }
0xd0: {  	_ =	swait.ge @p2 [sflag:s1], $0x2080  }
0xd1: {  	s9 =	sshll.u32 @p3 s12, $0x6;
	[sflag:s1] =	ssyncset.done @p2 $0x0  }
0xd2: {  	[sflag:s1] =	ssyncadd.s32 @p2 $0xFFFFDF80;
	s1 =	sor.u32 @p3 $0x1C03, s9;
	s9 =	sshrl.u32 @p3 s10, $0x3  }
0xd3: {  	[hbm:s21], [sflag:s1] =	dma.local @p3 [spmem:s9], $0x2780  }
0xd4: {  	s1 =	simm.s32 @p3 $0x3  }
0xd5: {  	s3 =	sadd.s32 $0x1, s3;
	_ =	swait.ge @p3 [sflag:s1], $0x2780  }
0xd6: {  	p5 =	sne.s32 s3, s23;
	[sflag:s1] =	ssyncset.done @p3 $0x0  }
0xd7: {  	s9 =	simm.s32 @p4 $0x1FC3;
	[sflag:s1] =	ssyncadd.s32 @p3 $0xFFFFD880;
	s1 =	sshrl.u32 @p4 s5, $0x3  }
0xd8: {  	[hbm:s22], [sflag:s9] =	dma.local @p4 [spmem:s1], $0x2080  }
.Ltmp3:
0xd9: {  	_ = 	snop;
	(pc) =	sbr.rel @p5 .LBB2_1-.Ltmp3, $4  }
0xda: {  	s1 =	simm.s32 @p4 $0x3  }
0xdb: {  	_ =	swait.ge @p4 [sflag:s1], $0x2080  }
0xdc: {  	[sflag:s1] =	ssyncset.done @p4 $0x0  }
0xdd: {  	s11 =	stileid.u32;
	[sflag:s1] =	ssyncadd.s32 @p4 $0xFFFFDF80  }
0xde: {  	_ =	sfence.sel $0x180000  }
0xdf: {  	[bflag:$0x0] =	sbarrier.arrive $0xFFFF  }
0xe0: {  	_ =	strace $0x90000047  }
0xe1: {  	[bflag:$0x2] =	sbarrier.arrive $0xFFFF  }
0xe2: {  	p0 =	sne.s32 s11, $0x0;
	s0 =	rddreg [dreg:$0x2]  }
0xe3: {  	s0 =	sadd.s32 @!p0 $0x100000, s0  }
0xe4: {  	[sflag:s0] =	ssyncadd.tile.s32 @!p0 $0x1;
	_ =	shalt  }
.Lfunc_end2:
_tile_overlayer_lowered:
.L_overlay_start_2:
0xe5: {  	(tag) =	ssettag $0x2  }
0xe6: {  	s0 =	rddreg [dreg:$0x0];
	s2 =	stileid.u32  }
0xe7: {  	s1 =	rddreg [dreg:$0x1];
	p0 =	sne.s32 s2, $0x0  }
0xe8: {  	s3 =	rddreg [dreg:$0x2];
	[bflag:$0x3] =	sbarrier.arrive $0xFFFF;
	s2 =	simm.s32 @!p0 $0x1C03  }
0xe9: {  	[timem:s3], [sflag:s2] =	dma.local @!p0 [hbm:s0], s1  }
0xea: {  	s0 =	simm.s32 @!p0 $0x3  }
0xeb: {  	_ =	swait.ge @!p0 [sflag:s0], s1  }
0xec: {  	s1 =	ssub.s32 @!p0 $0x0, s1;
	[sflag:s0] =	ssyncset.done @!p0 $0x0  }
0xed: {  	[sflag:s0] =	ssyncadd.s32 @!p0 s1  }
0xee: {  	[bflag:$0x3] =	sbarrier.arrive $0xFFFF  }
0xef: {  	_ =	shalt  }

// kernel: kernel.15.cloned.1.call-start
scs
__scs_entry_jumppad:
0x0: {  	(pc) =	sbr.rel $0x88, $3  }
0x1: {  	(tag) =	ssettag $0x0;
	lr =	simm.s32 $0x1  }
0x2: {  	[smem:$0x3F91] =	sst lr;
	_ =	strace $0xD0000000  }
0x3: {  	_ = 	snop  }
0x4: {  	_ = 	snop  }
0x5: {  	_ = 	snop  }
0x6: {  	_ = 	snop  }
0x7: {  	_ = 	snop  }
__scs_overlays_trampoline_lowered:
0x8: {  	[smem:$0x3FA0] =	sst s0  }
0x9: {  	[smem:$0x3FA1] =	sst s1  }
0xa: {  	[smem:$0x3FA2] =	sst s2  }
0xb: {  	[smem:$0x3FA3] =	sst s3  }
0xc: {  	[smem:$0x3FA4] =	sst s4  }
0xd: {  	[smem:$0x3FA5] =	sst s5  }
0xe: {  	[smem:$0x3FA6] =	sst s6  }
0xf: {  	[smem:$0x3FA7] =	sst s7  }
0x10: {  	[smem:$0x3FA8] =	sst s8  }
0x11: {  	[smem:$0x3FA9] =	sst s9;
	s0 =	simm.s32 @!p0 $0x0  }
0x12: {  	s1 =	sld [smem:$0x3F8F];
	s0 =	simm.s32 @p0 $0x1  }
0x13: {  	[smem:$0x3FAA] =	sst s0;
	s0 =	simm.s32 @!p1 $0x0  }
0x14: {  	s2 =	sld [smem:$0x3F8E];
	s0 =	simm.s32 @p1 $0x1  }
0x15: {  	[smem:$0x3FAB] =	sst s0;
	s0 =	simm.s32 @!p2 $0x0  }
0x16: {  	s3 =	sld [smem:$0x3FDB];
	s0 =	simm.s32 @p2 $0x1  }
0x17: {  	s4 =	simm.s32 $0x1BF5;
	[smem:$0x3FAD] =	sst s0  }
0x18: {  	s0 =	sld [smem:$0x3F90];
	_ =	swait.ge [sflag:s4], $0x0  }
0x19: {  	s7 =	sld [smem:$0x3F91]  }
0x1a: {  	s8 =	sadd.s32 $0xFFFFE003, lr  }
0x1b: {  	s9 =	sadd.s32 $0xFFFFFEF7, lr;
	s5 =	simm.s32 $0xFFFFFFFF;
	p2 =	slt.u32 s8, $0xFFFFF086  }
0x1c: {  	p1 =	slt.u32 s9, $0xF7A;
	s5 =	simm.s32 @!p2 $0x0  }
0x1d: {  	s5 =	simm.s32 @p1 $0x1;
	p0 =	seq.s32 s7, s2  }
0x1e: {  	s7 =	smul.u32 @!p0 $0xF7A, s2;
	p2 =	seq.s32 @!p0 s5, $0x0  }
0x1f: {  	s9 =	smul.u32 $0xF7A, s1;
	s8 =	simm.s32 @!p0 $0x1BF5;
	p2 =	por !p2, p0  }
0x20: {  	[sflag:s8] =	ssyncset.s32 @!p0 $0xFFFFF086;
	s6 =	sadd.s32 @!p0 s3, s7;
	s7 =	simm.s32 @!p0 $0x108  }
0x21: {  	s3 =	sadd.s32 s3, s9;
	s6 =	sadd.s32 @!p0 $0x88, s6;
	s7 =	simm.s32 @p2 $0x1082  }
0x22: {  	[simem:s7], [sflag:s8] =	dma.local @!p0 [hbm:s6], $0xF7A  }
0x23: {  	s9 =	sor.u32 $0xD0000000, s2;
	s6 =	simm.s32 $0x108;
	_ =	swait.ge @!p0 [sflag:s8], $0x0  }
0x24: {  	s3 =	sadd.s32 $0x88, s3;
	s6 =	simm.s32 @!p1 $0x1082;
	[sflag:s4] =	ssyncset.s32 $0xFFFFF086  }
0x25: {  	[simem:s6], [sflag:s4] =	dma.local [hbm:s3], $0xF7A  }
0x26: {  	[smem:$0x3F91] =	sst s1;
	(tag) =	ssettag s2;
	_ =	strace s9  }
0x27: {  	s1 =	sld [smem:$0x3FA1]  }
0x28: {  	s2 =	sld [smem:$0x3FA2]  }
0x29: {  	s4 =	sld [smem:$0x3FA4]  }
0x2a: {  	p0 =	seq.s32 s5, $0x0;
	s5 =	sld [smem:$0x3FA5]  }
0x2b: {  	s6 =	sld [smem:$0x3FA6]  }
0x2c: {  	s7 =	sld [smem:$0x3FA7]  }
0x2d: {  	s3 =	simm.s32 $0x108;
	s8 =	sld [smem:$0x3FA8]  }
0x2e: {  	s3 =	simm.s32 @!p0 $0x1082;
	s9 =	sld [smem:$0x3FA9]  }
0x2f: {  	lr =	sadd.s32 s0, s3;
	s0 =	sld [smem:$0x3FA0]  }
0x30: {  	s3 =	sld [smem:$0x3FA3]  }
0x31: {  	[smem:$0x3FAC] =	sst s10  }
0x32: {  	s10 =	sld [smem:$0x3FAA];
	_ =	sdelay $0x3  }
0x33: {  	p0 =	seq.s32 s10, $0x1;
	s10 =	sld [smem:$0x3FAC];
	_ =	sdelay $0x3  }
0x34: {  	[smem:$0x3FAC] =	sst s10  }
0x35: {  	s10 =	sld [smem:$0x3FAB];
	_ =	sdelay $0x3  }
0x36: {  	p1 =	seq.s32 s10, $0x1;
	s10 =	sld [smem:$0x3FAC];
	_ =	sdelay $0x3  }
0x37: {  	[smem:$0x3FAC] =	sst s10  }
0x38: {  	s10 =	sld [smem:$0x3FAD]  }
0x39: {  	_ = 	snop;
	(pc) =	sbr.ind lr, $3  }
0x3a: {  	_ = 	snop  }
0x3b: {  	_ = 	snop  }
0x3c: {  	p2 =	seq.s32 s10, $0x1;
	s10 =	sld [smem:$0x3FAC]  }
0x3d: {  	_ =	shalt  }
0x3e: {  	_ =	shalt  }
0x3f: {  	_ =	shalt  }
0x40: {  	_ =	shalt  }
0x41: {  	_ =	shalt  }
0x42: {  	_ =	shalt  }
0x43: {  	_ =	shalt  }
0x44: {  	_ =	shalt  }
0x45: {  	_ =	shalt  }
0x46: {  	_ =	shalt  }
0x47: {  	_ =	shalt  }
0x48: {  	_ =	shalt  }
0x49: {  	_ =	shalt  }
0x4a: {  	_ =	shalt  }
0x4b: {  	_ =	shalt  }
0x4c: {  	_ =	shalt  }
0x4d: {  	_ =	shalt  }
0x4e: {  	_ =	shalt  }
0x4f: {  	_ =	shalt  }
0x50: {  	_ =	shalt  }
0x51: {  	_ =	shalt  }
0x52: {  	_ =	shalt  }
0x53: {  	_ =	shalt  }
0x54: {  	_ =	shalt  }
0x55: {  	_ =	shalt  }
0x56: {  	_ =	shalt  }
0x57: {  	_ =	shalt  }
0x58: {  	_ =	shalt  }
0x59: {  	_ =	shalt  }
0x5a: {  	_ =	shalt  }
0x5b: {  	_ =	shalt  }
0x5c: {  	_ =	shalt  }
0x5d: {  	_ =	shalt  }
0x5e: {  	_ =	shalt  }
0x5f: {  	_ =	shalt  }
0x60: {  	_ =	shalt  }
0x61: {  	_ =	shalt  }
0x62: {  	_ =	shalt  }
0x63: {  	_ =	shalt  }
0x64: {  	_ =	shalt  }
0x65: {  	_ =	shalt  }
0x66: {  	_ =	shalt  }
0x67: {  	_ =	shalt  }
0x68: {  	_ =	shalt  }
0x69: {  	_ =	shalt  }
0x6a: {  	_ =	shalt  }
0x6b: {  	_ =	shalt  }
0x6c: {  	_ =	shalt  }
0x6d: {  	_ =	shalt  }
0x6e: {  	_ =	shalt  }
0x6f: {  	_ =	shalt  }
0x70: {  	_ =	shalt  }
0x71: {  	_ =	shalt  }
0x72: {  	_ =	shalt  }
0x73: {  	_ =	shalt  }
0x74: {  	_ =	shalt  }
0x75: {  	_ =	shalt  }
0x76: {  	_ =	shalt  }
0x77: {  	_ =	shalt  }
0x78: {  	_ =	shalt  }
0x79: {  	_ =	shalt  }
0x7a: {  	_ =	shalt  }
0x7b: {  	_ =	shalt  }
0x7c: {  	_ =	shalt  }
0x7d: {  	_ =	shalt  }
0x7e: {  	_ =	shalt  }
0x7f: {  	_ =	shalt  }
0x80: {  	_ =	shalt  }
0x81: {  	_ =	shalt  }
0x82: {  	_ =	shalt  }
0x83: {  	_ =	shalt  }
0x84: {  	_ =	shalt  }
0x85: {  	_ =	shalt  }
0x86: {  	_ =	shalt  }
0x87: {  	_ =	shalt  }
.Lfunc_end0:
.L_simem_size_0:
called_computation.1_lowered:
.L_overlay_start_0:
0x88: {  	s2 =	sld [smem:$0x3FD9]  }
0x89: {  	s3 =	sld [smem:$0x3FFE];
	_ =	sdelay $0x1  }
0x8a: {  	s1 =	srdreg.scid  }
0x8b: {  	s0 =	sand.u32 $0x1, s1  }
0x8c: {  	s16 =	sshll.u32 s0, $0xA;
	s2 =	sadd.s32 s3, s2  }
0x8d: {  	s2 =	sadd.s32 s2, s16  }
0x8e: {  	[smem:$0x3FB8] =	sst s2  }
0x8f: {  	_ = 	snop  }
0x90: {  	(tm) =	ssettm $0x1  }
0x91: {  	s17 =	sld [smem:$0x3FFB];
	_ =	sdelay $0x3  }
0x92: {  	_ =	strace s17  }
0x93: {  	s2 =	sld [smem:$0x3FFC];
	_ =	sdelay $0x3  }
0x94: {  	_ =	strace s2  }
0x95: {  	s2 =	sld [smem:$0x3FFD];
	_ =	sdelay $0x3  }
0x96: {  	_ =	strace s2  }
0x97: {  	_ =	strace $0x8FFFFFFF  }
0x98: {  	s18 =	sld [smem:$0x3FDB];
	_ =	sdelay $0x1  }
0x99: {  	s19 =	simm.s32 $_scs_section_size  }
0x9a: {  	s4 =	simm.s32 $_size__tile_overlayer_lowered;
	s5 =	simm.s32 $_tile_overlayer_lowered  }
0x9b: {  	s22 =	simm.s32 $0x1BFF;
	s21 =	sshll.u32 s5, $0x1;
	s2 =	sadd.s32 s19, s18  }
0x9c: {  	s6 =	simm.s32 $0x0;
	s20 =	sshll.u32 s4, $0x1;
	s4 =	sadd.s32 s21, s2  }
0x9d: {  	[timem:s6], [sflag:s22] =	dma.local [hbm:s4], s20  }
0x9e: {  	_ =	swait.ge [sflag:s22], s20  }
0x9f: {  	s3 =	ssub.s32 $0x0, s20;
	[sflag:s22] =	ssyncset.done $0x0  }
0xa0: {  	[sflag:s22] =	ssyncadd.s32 s3;
	_ =	sdelay $0x1  }
0xa1: {  	s23 =	simm.s32 $0x1B8B  }
0xa2: {  	_ =	swait.ge [sflag:s23], $0x1  }
0xa3: {  	[sflag:s23] =	ssyncset.done $0x0  }
0xa4: {  	s25 =	simm.s32 $0x1B8E;
	s24 =	sld [smem:$0x3FFE];
	[sflag:s23] =	ssyncadd.s32 $0xFFFFFFFF  }
0xa5: {  	s26 =	simm.s32 $execute0_lowered;
	[smem:$0x3FD2] =	sst s25  }
0xa6: {  	s4 =	sshll.u32 s26, $0x1;
	_ =	strace $0x80000049;
	[dreg:$0x1] =	wrdreg $0xFFFFFFFF  }
0xa7: {  	s28 =	simm.s32 $_size_execute0_lowered;
	s2 =	sadd.s32 s2, s4;
	[dreg:$0x0] =	wrdreg $0x0  }
0xa8: {  	s4 =	sshll.u32 s28, $0x1;
	[dreg:$0x2] =	wrdreg s2  }
0xa9: {  	[dreg:$0x3] =	wrdreg s4  }
0xaa: {  	[dreg:$0x4] =	wrdreg $0xC0  }
0xab: {  	_ =	task [dreg:s6], $0x5FFFF  }
0xac: {  	[dreg:$0x1] =	wrdreg $0xFFFFFFFF  }
0xad: {  	[dreg:$0x0] =	wrdreg $0x60  }
0xae: {  	[dreg:$0x2] =	wrdreg s24  }
0xaf: {  	[dreg:$0x3] =	wrdreg $0x0  }
0xb0: {  	[dreg:$0x4] =	wrdreg $0x9  }
0xb1: {  	_ =	task.clear_ibuf [dreg:s6], $0x5FFFF;
	_ =	strace $0x90000049  }
0xb2: {  	s29 =	simm.s32 $0x9;
	_ =	strace $0x8000004B  }
0xb3: {  	_ =	swait.ge [sflag:s29], $0x1  }
0xb4: {  	[sflag:s29] =	ssyncadd.s32 $0xFFFFFFFF  }
0xb5: {  	_ =	strace $0x9000004B  }
0xb6: {  	_ =	sfence  }
0xb7: {  	s30 =	sld [smem:$0x0];
	_ =	sdelay $0x2  }
0xb8: {  	s31 =	sshll.u32 s1, $0xD;
	s1 =	sshrl.u32 s1, $0x2  }
0xb9: {  	s3 =	sand.u32 $0x4000, s31;
	s1 =	sadd.s32 s1, s30  }
0xba: {  	s0 =	sor.u32 s3, s0;
	s1 =	sshll.u32 s1, $0x11  }
0xbb: {  	s0 =	sor.u32 s1, s0  }
0xbc: {  	s0 =	sadd.s32 $0x8F2B, s0  }
0xbd: {  	[sflag:s0] =	ssyncadd.remote.s32 $0x1  }
0xbe: {  	_ =	sfence.sel $0xFFFF  }
0xbf: {  	[dreg:$0x0] =	wrdreg $0xFFFFFFFF;
	(pc) =	sbr.abs _section_cstart, $3  }
0xc0: {  	[dreg:$0x1] =	wrdreg $0xFFFFFFFF  }
0xc1: {  	_ =	task.clear_ibuf [dreg:s6], $0x2FFFF;
	_ =	strace $0x9FFFFFFF  }
0xc2: {  	(tm) =	ssettm $0x7FFFFFFF  }
0xc3: {  	_ =	shalt  }
tec
execute0_lowered:
.L_overlay_start_1:
0x0: {  	(tag) =	ssettag $0x1  }
0x1: {  	s0 =	rddreg [dreg:$0x0]  }
0x2: {  	s2 =	rddreg [dreg:$0x1];
	s3 =	simm.s32 $0x0;
	s11 =	stileid.u32  }
0x3: {  	s1 =	srdreg.scid;
	s28 =	simm.s32 $0x80;
	s29 =	simm.s32 $0x13900  }
0x4: {  	s30 =	simm.s32 $0x1B980;
	s31 =	simm.s32 $0x17900;
	[smem:$0x7FF] =	sst s3  }
0x5: {  	s5 =	smul.u32 $0x2780, s11;
	s1 =	sand.u32 $0x1, s1;
	s4 =	sadd.s32 $0x1A000, s0  }
0x6: {  	s6 =	sadd.s32 $0x10000, s0;
	s8 =	sadd.s32 $0x6000, s0;
	s10 =	sshll.u32 s11, $0x1  }
0x7: {  	p0 =	seq.s32 s11, $0xF;
	p3 =	sne.s32 s11, $0xF;
	s20 =	sadd.s32 $0x12C400, s2  }
0x8: {  	s21 =	sadd.s32 $0x130400, s2;
	_ =	strace $0x8000004A;
	[dreg:$0x3] =	wrdreg s20  }
0x9: {  	s11 =	smul.u32 $0x4F000, s11;
	s22 =	sadd.s32 $0x134400, s2;
	[dreg:$0x4] =	wrdreg s21  }
0xa: {  	s24 =	sadd.s32 $0x138400, s2;
	s7 =	ssub.s32 $0x2, s1;
	[dreg:$0x5] =	wrdreg s22  }
0xb: {  	s12 =	sor.u32 s1, s10;
	[dreg:$0x6] =	wrdreg s24;
	p2 =	seq.s32 s1, $0x0  }
0xc: {  	p4 =	seq.s32 s1, $0x1;
	s20 =	sadd.s32 $0x66280, s0;
	s22 =	sadd.s32 $0x8D480, s0  }
0xd: {  	s24 =	simm.s32 $0x1B900;
	s9 =	sadd.s32 s5, s0;
	s19 =	sshrl.u32 s7, $0x1  }
0xe: {  	s5 =	sadd.s32 $0x128400, s2;
	s23 =	sshrl.u32 s11, $0x2;
	s16 =	smul.u32 $0x500, s12  }
0xf: {  	s17 =	smul.u32 $0x2800, s12;
	p1 =	por !p2, !p3;
	p2 =	por !p2, !p0  }
0x10: {  	p3 =	por !p3, !p4;
	p4 =	por !p4, !p0;
	s0 =	simm.s32 $0x1  }
0x11: {  	s12 =	stileid.u32;
	s7 =	ssub.s32 s7, s19;
	s10 =	sadd.s32 s23, s2  }
0x12: {  	p1 =	por !p1, !p1;
	s19 =	sadd.s32 $0x41200, s9;
	p2 =	por !p2, !p2  }
0x13: {  	p3 =	por !p3, !p3;
	s21 =	sadd.s32 $0x68400, s9;
	p4 =	por !p4, !p4  }
0x14: {  	s25 =	sadd.s32 $0x4000, s10;
	s26 =	sadd.s32 $0x8000, s10;
	s13 =	sadd.s32 $0xC000, s10  }
0x15: {  	s14 =	sadd.s32 $0x10000, s10;
	s15 =	sadd.s32 s6, s16;
	s17 =	sshrl.u32 s17, $0x3  }
0x16: {  	s16 =	sadd.s32 s8, s16;
	s23 =	smax.u32 s7, $0x1;
	[dreg:$0x7] =	wrdreg s25  }
0x17: {  	s7 =	simm.s32 $0x1E000;
	[dreg:$0x8] =	wrdreg s26;
	s18 =	sadd.s32 $0x280, s17  }
0x18: {  	s25 =	simm.s32 $0x3;
	s26 =	simm.s32 $0x1CD00;
	s17 =	sadd.s32 s6, s18  }
0x19: {  	v0 =	vimm.f32 $0.0e+00;
	s18 =	sadd.s32 s8, s18;
	s6 =	simm.s32 $0x2;
	s8 =	simm.s32 $0x1E080  }
.LBB2_1:
0x1a: {  	s9 =	simm.s32 $0x0;
	s1 =	simm.s32 $0x200  }
.LBB2_2:
0x1b: {  	p5 =	sne.s32 s1, $0xFE00;
	[tilespmem:s9+$0x13970] =	vst v0  }
0x1c: {  	[tilespmem:s9+$0x13900] =	vst v0  }
0x1d: {  	[tilespmem:s9+$0x13910] =	vst v0  }
.Ltmp0:
0x1e: {  	[tilespmem:s9+$0x13920] =	vst v0;
	(pc) =	sbr.rel @p5 .LBB2_2-.Ltmp0, $4  }
0x1f: {  	[tilespmem:s9+$0x13930] =	vst v0  }
0x20: {  	[tilespmem:s9+$0x13940] =	vst v0  }
0x21: {  	[tilespmem:s9+$0x13950] =	vst v0  }
0x22: {  	[tilespmem:s9+$0x13960] =	vst v0;
	s9 =	sshra.s32 s1, $0x2;
	s1 =	sadd.s32 $0x200, s1  }
0x23: {  	[tilespmem:s9+$0x13970] =	vst v0  }
0x24: {  	[tilespmem:s9+$0x13900] =	vst v0  }
0x25: {  	[tilespmem:s9+$0x13910] =	vst v0  }
0x26: {  	[tilespmem:s9+$0x13920] =	vst v0  }
0x27: {  	[tilespmem:s9+$0x13930] =	vst v0  }
0x28: {  	[tilespmem:s9+$0x13940] =	vst v0  }
0x29: {  	[tilespmem:s9+$0x13950] =	vst v0  }
0x2a: {  	[tilespmem:s9+$0x13960] =	vst v0;
	s1 =	simm.s32 @p0 $0x13900;
	s9 =	simm.s32 @p0 $0x3  }
0x2b: {  	[spmem:s5] =	stream.linear.scatter @p0 [tilespmem:s1], [sflag:$0x3], $0x4000, $0x38;
	[tilespmem:$0x1E100] =	vst v63  }
0x2c: {  	_ =	swait.ge @p0 [sflag:s9], $0x4000  }
0x2d: {  	[sflag:s9] =	ssyncset.done @p0 $0x0  }
0x2e: {  	s11 =	rddreg [dreg:$0x3];
	[sflag:s9] =	ssyncadd.s32 @p0 $0xFFFFC000  }
0x2f: {  	[spmem:s11] =	stream.linear.scatter @p0 [tilespmem:s1], [sflag:$0x3], $0x4000, $0x38;
	[tilespmem:$0x1E100] =	vst v63  }
0x30: {  	_ =	swait.ge @p0 [sflag:s9], $0x4000  }
0x31: {  	[sflag:s9] =	ssyncset.done @p0 $0x0  }
0x32: {  	s11 =	rddreg [dreg:$0x4];
	[sflag:s9] =	ssyncadd.s32 @p0 $0xFFFFC000  }
0x33: {  	[spmem:s11] =	stream.linear.scatter @p0 [tilespmem:s1], [sflag:$0x3], $0x4000, $0x38;
	[tilespmem:$0x1E100] =	vst v63  }
0x34: {  	_ =	swait.ge @p0 [sflag:s9], $0x4000  }
0x35: {  	[sflag:s9] =	ssyncset.done @p0 $0x0  }
0x36: {  	s11 =	rddreg [dreg:$0x5];
	[sflag:s9] =	ssyncadd.s32 @p0 $0xFFFFC000  }
0x37: {  	[spmem:s11] =	stream.linear.scatter @p0 [tilespmem:s1], [sflag:$0x3], $0x4000, $0x38;
	[tilespmem:$0x1E100] =	vst v63  }
0x38: {  	_ =	swait.ge @p0 [sflag:s9], $0x4000  }
0x39: {  	[sflag:s9] =	ssyncset.done @p0 $0x0  }
0x3a: {  	s11 =	rddreg [dreg:$0x6];
	[sflag:s9] =	ssyncadd.s32 @p0 $0xFFFFC000  }
0x3b: {  	[spmem:s11] =	stream.linear.scatter @p0 [tilespmem:s1], [sflag:$0x3], $0xC00, $0x38;
	[tilespmem:$0x1E100] =	vst v63  }
0x3c: {  	_ =	swait.ge @p0 [sflag:s9], $0xC00  }
0x3d: {  	[sflag:s9] =	ssyncset.done @p0 $0x0  }
0x3e: {  	s1 =	simm.s32 @!p0 $0x13900;
	[sflag:s9] =	ssyncadd.s32 @p0 $0xFFFFF400;
	s9 =	simm.s32 @!p0 $0x3  }
0x3f: {  	[spmem:s10] =	stream.linear.scatter @!p0 [tilespmem:s1], [sflag:$0x3], $0x4000, $0x38;
	[tilespmem:$0x1E100] =	vst v63  }
0x40: {  	_ =	swait.ge @!p0 [sflag:s9], $0x4000  }
0x41: {  	[sflag:s9] =	ssyncset.done @!p0 $0x0  }
0x42: {  	s11 =	rddreg [dreg:$0x7];
	[sflag:s9] =	ssyncadd.s32 @!p0 $0xFFFFC000  }
0x43: {  	[spmem:s11] =	stream.linear.scatter @!p0 [tilespmem:s1], [sflag:$0x3], $0x4000, $0x38;
	[tilespmem:$0x1E100] =	vst v63  }
0x44: {  	_ =	swait.ge @!p0 [sflag:s9], $0x4000  }
0x45: {  	[sflag:s9] =	ssyncset.done @!p0 $0x0  }
0x46: {  	s11 =	rddreg [dreg:$0x8];
	[sflag:s9] =	ssyncadd.s32 @!p0 $0xFFFFC000  }
0x47: {  	[spmem:s11] =	stream.linear.scatter @!p0 [tilespmem:s1], [sflag:$0x3], $0x4000, $0x38;
	[tilespmem:$0x1E100] =	vst v63  }
0x48: {  	_ =	swait.ge @!p0 [sflag:s9], $0x4000  }
0x49: {  	[sflag:s9] =	ssyncset.done @!p0 $0x0  }
0x4a: {  	[sflag:s9] =	ssyncadd.s32 @!p0 $0xFFFFC000  }
0x4b: {  	[spmem:s13] =	stream.linear.scatter @!p0 [tilespmem:s1], [sflag:$0x3], $0x4000, $0x38;
	[tilespmem:$0x1E100] =	vst v63  }
0x4c: {  	_ =	swait.ge @!p0 [sflag:s9], $0x4000  }
0x4d: {  	[sflag:s9] =	ssyncset.done @!p0 $0x0  }
0x4e: {  	[sflag:s9] =	ssyncadd.s32 @!p0 $0xFFFFC000  }
0x4f: {  	[spmem:s14] =	stream.linear.scatter @!p0 [tilespmem:s1], [sflag:$0x3], $0x3C00, $0x38;
	[tilespmem:$0x1E100] =	vst v63  }
0x50: {  	_ =	swait.ge @!p0 [sflag:s9], $0x3C00  }
0x51: {  	[sflag:s9] =	ssyncset.done @!p0 $0x0  }
0x52: {  	[sflag:s9] =	ssyncadd.s32 @!p0 $0xFFFFC400  }
0x53: {  	s9 =	simm.s32 $0x0;
	[bflag:$0x0] =	sbarrier.arrive $0xFFFF  }
0x54: {  	[tilespmem:s24], [sflag:$0x3] =	stream.linear.gather [hbm4b:s15+s9], $0x1400, $0x38;
	[tilespmem:$0x1E100] =	vst v63  }
0x55: {  	_ =	swait.ge [sflag:s25], $0x1400  }
0x56: {  	[sflag:s25] =	ssyncset.done $0x0  }
0x57: {  	[sflag:s25] =	ssyncadd.s32 $0xFFFFEC00  }
0x58: {  	[tilespmem:s26], [sflag:$0x3] =	stream.linear.gather [hbm4b:s16+s9], $0x1400, $0x38;
	[tilespmem:$0x1E100] =	vst v63  }
0x59: {  	_ =	swait.ge [sflag:s25], $0x1400  }
0x5a: {  	[sflag:s25] =	ssyncset.done $0x0  }
0x5b: {  	[sflag:s25] =	ssyncadd.s32 $0xFFFFEC00  }
0x5c: {  	[tilespmem:s29], [sflag:$0x1] =	stream.indirect.gather [hbm4b:s4+s28], $0x80, s24, s28, $0xb8;
	[tilespmem:$0x1E100] =	vst v63  }
0x5d: {  	_ = 	snop  }
0x5e: {  	[tilespmem:s31], [sflag:$0x2] =	stream.indirect.gather [hbm4b:s4+s28], $0x80, s30, s28, $0xb8;
	[tilespmem:$0x1E100] =	vst v63  }
0x5f: {  	_ =	swait.ge [sflag:s0], $0x4000  }
0x60: {  	[sflag:s0] =	ssyncset.done $0x0  }
0x61: {  	s11 =	simm.s32 $0x1CD00;
	[sflag:s0] =	ssyncadd.s32 $0xFFFFC000  }
0x62: {  	[spmem:s2] =	stream.indirect.scatter.add.f32 [tilespmem:s29], [sflag:$0x3], $0x80, s11, s28, $0xb8;
	[tilespmem:$0x1E100] =	vst v63  }
0x63: {  	_ =	swait.ge [sflag:s25], $0x4000  }
0x64: {  	[sflag:s25] =	ssyncset.done $0x0  }
0x65: {  	s9 =	simm.s32 $0x1BA00;
	[sflag:s25] =	ssyncadd.s32 $0xFFFFC000  }
0x66: {  	[tilespmem:s29], [sflag:$0x1] =	stream.indirect.gather [hbm4b:s4+s28], $0x80, s9, s28, $0xb8;
	[tilespmem:$0x1E100] =	vst v63  }
0x67: {  	_ =	swait.ge [sflag:s6], $0x4000  }
0x68: {  	[sflag:s6] =	ssyncset.done $0x0  }
0x69: {  	s11 =	simm.s32 $0x1CD80;
	[sflag:s6] =	ssyncadd.s32 $0xFFFFC000  }
0x6a: {  	[spmem:s2] =	stream.indirect.scatter.add.f32 [tilespmem:s31], [sflag:$0x3], $0x80, s11, s28, $0xb8;
	[tilespmem:$0x1E100] =	vst v63  }
0x6b: {  	_ =	swait.ge [sflag:s25], $0x4000  }
0x6c: {  	[sflag:s25] =	ssyncset.done $0x0  }
0x6d: {  	s1 =	simm.s32 $0x1BA80;
	s9 =	simm.s32 $0x400;
	[sflag:s25] =	ssyncadd.s32 $0xFFFFC000  }
.LBB2_4:
0x6e: {  	[tilespmem:s31], [sflag:$0x2] =	stream.indirect.gather [hbm4b:s4+s28], $0x80, s1, s28, $0xb8;
	[tilespmem:$0x1E100] =	vst v63  }
0x6f: {  	s1 =	smov.u32 s9  }
0x70: {  	p5 =	sne.s32 s9, $0x4800;
	s9 =	sadd.s32 $0x400, s9;
	_ =	swait.ge [sflag:s0], $0x4000  }
0x71: {  	s1 =	sshra.s32 s1, $0x2;
	[sflag:s0] =	ssyncset.done $0x0  }
0x72: {  	s11 =	sadd.s32 $0x1CD00, s1;
	[sflag:s0] =	ssyncadd.s32 $0xFFFFC000  }
0x73: {  	[spmem:s2] =	stream.indirect.scatter.add.f32 [tilespmem:s29], [sflag:$0x3], $0x80, s11, s28, $0xb8;
	[tilespmem:$0x1E100] =	vst v63  }
0x74: {  	_ =	swait.ge [sflag:s25], $0x4000  }
0x75: {  	[sflag:s25] =	ssyncset.done $0x0  }
0x76: {  	s11 =	sadd.s32 $0x1BA00, s1;
	[sflag:s25] =	ssyncadd.s32 $0xFFFFC000  }
0x77: {  	[tilespmem:s29], [sflag:$0x1] =	stream.indirect.gather [hbm4b:s4+s28], $0x80, s11, s28, $0xb8;
	[tilespmem:$0x1E100] =	vst v63  }
0x78: {  	_ =	swait.ge [sflag:s6], $0x4000  }
0x79: {  	[sflag:s6] =	ssyncset.done $0x0  }
.Ltmp1:
0x7a: {  	s11 =	sadd.s32 $0x1CD80, s1;
	[sflag:s6] =	ssyncadd.s32 $0xFFFFC000;
	(pc) =	sbr.rel @p5 .LBB2_4-.Ltmp1, $4  }
0x7b: {  	[spmem:s2] =	stream.indirect.scatter.add.f32 [tilespmem:s31], [sflag:$0x3], $0x80, s11, s28, $0xb8;
	[tilespmem:$0x1E100] =	vst v63  }
0x7c: {  	_ =	swait.ge [sflag:s25], $0x4000  }
0x7d: {  	[sflag:s25] =	ssyncset.done $0x0  }
0x7e: {  	s1 =	sadd.s32 $0x1BA80, s1;
	[sflag:s25] =	ssyncadd.s32 $0xFFFFC000  }
0x7f: {  	[tilespmem:s31], [sflag:$0x2] =	stream.indirect.gather [hbm4b:s4+s28], $0x80, s1, s28, $0xb8;
	[tilespmem:$0x1E100] =	vst v63  }
0x80: {  	_ =	swait.ge [sflag:s0], $0x4000  }
0x81: {  	[sflag:s0] =	ssyncset.done $0x0  }
0x82: {  	[sflag:s0] =	ssyncadd.s32 $0xFFFFC000  }
0x83: {  	[spmem:s2] =	stream.indirect.scatter.add.f32 [tilespmem:s29], [sflag:$0x3], $0x80, s7, s28, $0xb8;
	[tilespmem:$0x1E100] =	vst v63  }
0x84: {  	_ =	swait.ge [sflag:s25], $0x4000  }
0x85: {  	[sflag:s25] =	ssyncset.done $0x0  }
0x86: {  	[sflag:s25] =	ssyncadd.s32 $0xFFFFC000  }
0x87: {  	_ =	swait.ge [sflag:s6], $0x4000  }
0x88: {  	[sflag:s6] =	ssyncset.done $0x0  }
0x89: {  	[sflag:s6] =	ssyncadd.s32 $0xFFFFC000  }
0x8a: {  	[spmem:s2] =	stream.indirect.scatter.add.f32 [tilespmem:s31], [sflag:$0x3], $0x80, s8, s28, $0xb8;
	[tilespmem:$0x1E100] =	vst v63  }
0x8b: {  	_ =	swait.ge [sflag:s25], $0x4000  }
0x8c: {  	[sflag:s25] =	ssyncset.done $0x0  }
0x8d: {  	s9 =	simm.s32 $0x0;
	[sflag:s25] =	ssyncadd.s32 $0xFFFFC000  }
0x8e: {  	[tilespmem:s24], [sflag:$0x3] =	stream.linear.gather [hbm4b:s17+s9], $0x1400, $0x38;
	[tilespmem:$0x1E100] =	vst v63  }
0x8f: {  	_ =	swait.ge [sflag:s25], $0x1400  }
0x90: {  	[sflag:s25] =	ssyncset.done $0x0  }
0x91: {  	[sflag:s25] =	ssyncadd.s32 $0xFFFFEC00  }
0x92: {  	[tilespmem:s26], [sflag:$0x3] =	stream.linear.gather [hbm4b:s18+s9], $0x1400, $0x38;
	[tilespmem:$0x1E100] =	vst v63  }
0x93: {  	_ =	swait.ge [sflag:s25], $0x1400  }
0x94: {  	[sflag:s25] =	ssyncset.done $0x0  }
0x95: {  	[sflag:s25] =	ssyncadd.s32 $0xFFFFEC00  }
0x96: {  	[tilespmem:s29], [sflag:$0x1] =	stream.indirect.gather [hbm4b:s4+s28], $0x80, s24, s28, $0xb8;
	[tilespmem:$0x1E100] =	vst v63  }
0x97: {  	_ = 	snop  }
0x98: {  	[tilespmem:s31], [sflag:$0x2] =	stream.indirect.gather [hbm4b:s4+s28], $0x80, s30, s28, $0xb8;
	[tilespmem:$0x1E100] =	vst v63  }
0x99: {  	_ =	swait.ge [sflag:s0], $0x4000  }
0x9a: {  	[sflag:s0] =	ssyncset.done $0x0  }
0x9b: {  	s11 =	simm.s32 $0x1CD00;
	[sflag:s0] =	ssyncadd.s32 $0xFFFFC000  }
0x9c: {  	[spmem:s2] =	stream.indirect.scatter.add.f32 [tilespmem:s29], [sflag:$0x3], $0x80, s11, s28, $0xb8;
	[tilespmem:$0x1E100] =	vst v63  }
0x9d: {  	_ =	swait.ge [sflag:s25], $0x4000  }
0x9e: {  	[sflag:s25] =	ssyncset.done $0x0  }
0x9f: {  	s9 =	simm.s32 $0x1BA00;
	[sflag:s25] =	ssyncadd.s32 $0xFFFFC000  }
0xa0: {  	[tilespmem:s29], [sflag:$0x1] =	stream.indirect.gather [hbm4b:s4+s28], $0x80, s9, s28, $0xb8;
	[tilespmem:$0x1E100] =	vst v63  }
0xa1: {  	_ =	swait.ge [sflag:s6], $0x4000  }
0xa2: {  	[sflag:s6] =	ssyncset.done $0x0  }
0xa3: {  	s11 =	simm.s32 $0x1CD80;
	[sflag:s6] =	ssyncadd.s32 $0xFFFFC000  }
0xa4: {  	[spmem:s2] =	stream.indirect.scatter.add.f32 [tilespmem:s31], [sflag:$0x3], $0x80, s11, s28, $0xb8;
	[tilespmem:$0x1E100] =	vst v63  }
0xa5: {  	_ =	swait.ge [sflag:s25], $0x4000  }
0xa6: {  	[sflag:s25] =	ssyncset.done $0x0  }
0xa7: {  	s1 =	simm.s32 $0x1BA80;
	s9 =	simm.s32 $0x400;
	[sflag:s25] =	ssyncadd.s32 $0xFFFFC000  }
.LBB2_6:
0xa8: {  	[tilespmem:s31], [sflag:$0x2] =	stream.indirect.gather [hbm4b:s4+s28], $0x80, s1, s28, $0xb8;
	[tilespmem:$0x1E100] =	vst v63  }
0xa9: {  	s1 =	smov.u32 s9  }
0xaa: {  	p5 =	sne.s32 s9, $0x4800;
	s9 =	sadd.s32 $0x400, s9;
	_ =	swait.ge [sflag:s0], $0x4000  }
0xab: {  	s1 =	sshra.s32 s1, $0x2;
	[sflag:s0] =	ssyncset.done $0x0  }
0xac: {  	s11 =	sadd.s32 $0x1CD00, s1;
	[sflag:s0] =	ssyncadd.s32 $0xFFFFC000  }
0xad: {  	[spmem:s2] =	stream.indirect.scatter.add.f32 [tilespmem:s29], [sflag:$0x3], $0x80, s11, s28, $0xb8;
	[tilespmem:$0x1E100] =	vst v63  }
0xae: {  	_ =	swait.ge [sflag:s25], $0x4000  }
0xaf: {  	[sflag:s25] =	ssyncset.done $0x0  }
0xb0: {  	s11 =	sadd.s32 $0x1BA00, s1;
	[sflag:s25] =	ssyncadd.s32 $0xFFFFC000  }
0xb1: {  	[tilespmem:s29], [sflag:$0x1] =	stream.indirect.gather [hbm4b:s4+s28], $0x80, s11, s28, $0xb8;
	[tilespmem:$0x1E100] =	vst v63  }
0xb2: {  	_ =	swait.ge [sflag:s6], $0x4000  }
0xb3: {  	[sflag:s6] =	ssyncset.done $0x0  }
.Ltmp2:
0xb4: {  	s11 =	sadd.s32 $0x1CD80, s1;
	[sflag:s6] =	ssyncadd.s32 $0xFFFFC000;
	(pc) =	sbr.rel @p5 .LBB2_6-.Ltmp2, $4  }
0xb5: {  	[spmem:s2] =	stream.indirect.scatter.add.f32 [tilespmem:s31], [sflag:$0x3], $0x80, s11, s28, $0xb8;
	[tilespmem:$0x1E100] =	vst v63  }
0xb6: {  	_ =	swait.ge [sflag:s25], $0x4000  }
0xb7: {  	[sflag:s25] =	ssyncset.done $0x0  }
0xb8: {  	s1 =	sadd.s32 $0x1BA80, s1;
	[sflag:s25] =	ssyncadd.s32 $0xFFFFC000  }
0xb9: {  	[tilespmem:s31], [sflag:$0x2] =	stream.indirect.gather [hbm4b:s4+s28], $0x80, s1, s28, $0xb8;
	[tilespmem:$0x1E100] =	vst v63  }
0xba: {  	_ =	swait.ge [sflag:s0], $0x4000  }
0xbb: {  	[sflag:s0] =	ssyncset.done $0x0  }
0xbc: {  	[sflag:s0] =	ssyncadd.s32 $0xFFFFC000  }
0xbd: {  	[spmem:s2] =	stream.indirect.scatter.add.f32 [tilespmem:s29], [sflag:$0x3], $0x80, s7, s28, $0xb8;
	[tilespmem:$0x1E100] =	vst v63  }
0xbe: {  	_ =	swait.ge [sflag:s25], $0x4000  }
0xbf: {  	[sflag:s25] =	ssyncset.done $0x0  }
0xc0: {  	[sflag:s25] =	ssyncadd.s32 $0xFFFFC000  }
0xc1: {  	_ =	swait.ge [sflag:s6], $0x4000  }
0xc2: {  	[sflag:s6] =	ssyncset.done $0x0  }
0xc3: {  	[sflag:s6] =	ssyncadd.s32 $0xFFFFC000  }
0xc4: {  	[spmem:s2] =	stream.indirect.scatter.add.f32 [tilespmem:s31], [sflag:$0x3], $0x80, s8, s28, $0xb8;
	[tilespmem:$0x1E100] =	vst v63  }
0xc5: {  	_ =	swait.ge [sflag:s25], $0x4000  }
0xc6: {  	[sflag:s25] =	ssyncset.done $0x0  }
0xc7: {  	s1 =	sshll.u32 @p1 s12, $0x6;
	[sflag:s25] =	ssyncadd.s32 $0xFFFFC000  }
0xc8: {  	s9 =	sshrl.u32 @p1 s10, $0x3;
	s1 =	sor.u32 @p1 $0x1C03, s1;
	[bflag:$0x0] =	sbarrier.arrive $0xFFFF  }
0xc9: {  	[hbm:s19], [sflag:s1] =	dma.local @p1 [spmem:s9], $0x2780  }
0xca: {  	s1 =	simm.s32 @p1 $0x3  }
0xcb: {  	_ =	swait.ge @p1 [sflag:s1], $0x2780  }
0xcc: {  	[sflag:s1] =	ssyncset.done @p1 $0x0  }
0xcd: {  	s9 =	simm.s32 @p2 $0x1FC3;
	[sflag:s1] =	ssyncadd.s32 @p1 $0xFFFFD880;
	s1 =	sshrl.u32 @p2 s5, $0x3  }
0xce: {  	[hbm:s20], [sflag:s9] =	dma.local @p2 [spmem:s1], $0x2080  }
0xcf: {  	s1 =	simm.s32 @p2 $0x3  }
0xd0: {  	_ =	swait.ge @p2 [sflag:s1], $0x2080  }
0xd1: {  	s9 =	sshll.u32 @p3 s12, $0x6;
	[sflag:s1] =	ssyncset.done @p2 $0x0  }
0xd2: {  	[sflag:s1] =	ssyncadd.s32 @p2 $0xFFFFDF80;
	s1 =	sor.u32 @p3 $0x1C03, s9;
	s9 =	sshrl.u32 @p3 s10, $0x3  }
0xd3: {  	[hbm:s21], [sflag:s1] =	dma.local @p3 [spmem:s9], $0x2780  }
0xd4: {  	s1 =	simm.s32 @p3 $0x3  }
0xd5: {  	s3 =	sadd.s32 $0x1, s3;
	_ =	swait.ge @p3 [sflag:s1], $0x2780  }
0xd6: {  	p5 =	sne.s32 s3, s23;
	[sflag:s1] =	ssyncset.done @p3 $0x0  }
0xd7: {  	s9 =	simm.s32 @p4 $0x1FC3;
	[sflag:s1] =	ssyncadd.s32 @p3 $0xFFFFD880;
	s1 =	sshrl.u32 @p4 s5, $0x3  }
0xd8: {  	[hbm:s22], [sflag:s9] =	dma.local @p4 [spmem:s1], $0x2080  }
.Ltmp3:
0xd9: {  	_ = 	snop;
	(pc) =	sbr.rel @p5 .LBB2_1-.Ltmp3, $4  }
0xda: {  	s1 =	simm.s32 @p4 $0x3  }
0xdb: {  	_ =	swait.ge @p4 [sflag:s1], $0x2080  }
0xdc: {  	[sflag:s1] =	ssyncset.done @p4 $0x0  }
0xdd: {  	s11 =	stileid.u32;
	[sflag:s1] =	ssyncadd.s32 @p4 $0xFFFFDF80  }
0xde: {  	_ =	sfence.sel $0x180000  }
0xdf: {  	[bflag:$0x0] =	sbarrier.arrive $0xFFFF  }
0xe0: {  	_ =	strace $0x9000004A  }
0xe1: {  	[bflag:$0x2] =	sbarrier.arrive $0xFFFF  }
0xe2: {  	p0 =	sne.s32 s11, $0x0;
	s0 =	rddreg [dreg:$0x2]  }
0xe3: {  	s0 =	sadd.s32 @!p0 $0x100000, s0  }
0xe4: {  	[sflag:s0] =	ssyncadd.tile.s32 @!p0 $0x1;
	_ =	shalt  }
.Lfunc_end2:
_tile_overlayer_lowered:
.L_overlay_start_2:
0xe5: {  	(tag) =	ssettag $0x2  }
0xe6: {  	s0 =	rddreg [dreg:$0x0];
	s2 =	stileid.u32  }
0xe7: {  	s1 =	rddreg [dreg:$0x1];
	p0 =	sne.s32 s2, $0x0  }
0xe8: {  	s3 =	rddreg [dreg:$0x2];
	[bflag:$0x3] =	sbarrier.arrive $0xFFFF;
	s2 =	simm.s32 @!p0 $0x1C03  }
0xe9: {  	[timem:s3], [sflag:s2] =	dma.local @!p0 [hbm:s0], s1  }
0xea: {  	s0 =	simm.s32 @!p0 $0x3  }
0xeb: {  	_ =	swait.ge @!p0 [sflag:s0], s1  }
0xec: {  	s1 =	ssub.s32 @!p0 $0x0, s1;
	[sflag:s0] =	ssyncset.done @!p0 $0x0  }
0xed: {  	[sflag:s0] =	ssyncadd.s32 @!p0 s1  }
0xee: {  	[bflag:$0x3] =	sbarrier.arrive $0xFFFF  }
0xef: {  	_ =	shalt  }

// kernel: kernel.18.cloned.1.call-start
scs
__scs_entry_jumppad:
0x0: {  	(pc) =	sbr.rel $0x88, $3  }
0x1: {  	(tag) =	ssettag $0x0;
	lr =	simm.s32 $0x1  }
0x2: {  	[smem:$0x3F91] =	sst lr;
	_ =	strace $0xD0000000  }
0x3: {  	_ = 	snop  }
0x4: {  	_ = 	snop  }
0x5: {  	_ = 	snop  }
0x6: {  	_ = 	snop  }
0x7: {  	_ = 	snop  }
__scs_overlays_trampoline_lowered:
0x8: {  	[smem:$0x3FA0] =	sst s0  }
0x9: {  	[smem:$0x3FA1] =	sst s1  }
0xa: {  	[smem:$0x3FA2] =	sst s2  }
0xb: {  	[smem:$0x3FA3] =	sst s3  }
0xc: {  	[smem:$0x3FA4] =	sst s4  }
0xd: {  	[smem:$0x3FA5] =	sst s5  }
0xe: {  	[smem:$0x3FA6] =	sst s6  }
0xf: {  	[smem:$0x3FA7] =	sst s7  }
0x10: {  	[smem:$0x3FA8] =	sst s8  }
0x11: {  	[smem:$0x3FA9] =	sst s9;
	s0 =	simm.s32 @!p0 $0x0  }
0x12: {  	s1 =	sld [smem:$0x3F8F];
	s0 =	simm.s32 @p0 $0x1  }
0x13: {  	[smem:$0x3FAA] =	sst s0;
	s0 =	simm.s32 @!p1 $0x0  }
0x14: {  	s2 =	sld [smem:$0x3F8E];
	s0 =	simm.s32 @p1 $0x1  }
0x15: {  	[smem:$0x3FAB] =	sst s0;
	s0 =	simm.s32 @!p2 $0x0  }
0x16: {  	s3 =	sld [smem:$0x3FDB];
	s0 =	simm.s32 @p2 $0x1  }
0x17: {  	s4 =	simm.s32 $0x1BF5;
	[smem:$0x3FAD] =	sst s0  }
0x18: {  	s0 =	sld [smem:$0x3F90];
	_ =	swait.ge [sflag:s4], $0x0  }
0x19: {  	s7 =	sld [smem:$0x3F91]  }
0x1a: {  	s8 =	sadd.s32 $0xFFFFE003, lr  }
0x1b: {  	s9 =	sadd.s32 $0xFFFFFEF7, lr;
	s5 =	simm.s32 $0xFFFFFFFF;
	p2 =	slt.u32 s8, $0xFFFFF086  }
0x1c: {  	p1 =	slt.u32 s9, $0xF7A;
	s5 =	simm.s32 @!p2 $0x0  }
0x1d: {  	s5 =	simm.s32 @p1 $0x1;
	p0 =	seq.s32 s7, s2  }
0x1e: {  	s7 =	smul.u32 @!p0 $0xF7A, s2;
	p2 =	seq.s32 @!p0 s5, $0x0  }
0x1f: {  	s9 =	smul.u32 $0xF7A, s1;
	s8 =	simm.s32 @!p0 $0x1BF5;
	p2 =	por !p2, p0  }
0x20: {  	[sflag:s8] =	ssyncset.s32 @!p0 $0xFFFFF086;
	s6 =	sadd.s32 @!p0 s3, s7;
	s7 =	simm.s32 @!p0 $0x108  }
0x21: {  	s3 =	sadd.s32 s3, s9;
	s6 =	sadd.s32 @!p0 $0x88, s6;
	s7 =	simm.s32 @p2 $0x1082  }
0x22: {  	[simem:s7], [sflag:s8] =	dma.local @!p0 [hbm:s6], $0xF7A  }
0x23: {  	s9 =	sor.u32 $0xD0000000, s2;
	s6 =	simm.s32 $0x108;
	_ =	swait.ge @!p0 [sflag:s8], $0x0  }
0x24: {  	s3 =	sadd.s32 $0x88, s3;
	s6 =	simm.s32 @!p1 $0x1082;
	[sflag:s4] =	ssyncset.s32 $0xFFFFF086  }
0x25: {  	[simem:s6], [sflag:s4] =	dma.local [hbm:s3], $0xF7A  }
0x26: {  	[smem:$0x3F91] =	sst s1;
	(tag) =	ssettag s2;
	_ =	strace s9  }
0x27: {  	s1 =	sld [smem:$0x3FA1]  }
0x28: {  	s2 =	sld [smem:$0x3FA2]  }
0x29: {  	s4 =	sld [smem:$0x3FA4]  }
0x2a: {  	p0 =	seq.s32 s5, $0x0;
	s5 =	sld [smem:$0x3FA5]  }
0x2b: {  	s6 =	sld [smem:$0x3FA6]  }
0x2c: {  	s7 =	sld [smem:$0x3FA7]  }
0x2d: {  	s3 =	simm.s32 $0x108;
	s8 =	sld [smem:$0x3FA8]  }
0x2e: {  	s3 =	simm.s32 @!p0 $0x1082;
	s9 =	sld [smem:$0x3FA9]  }
0x2f: {  	lr =	sadd.s32 s0, s3;
	s0 =	sld [smem:$0x3FA0]  }
0x30: {  	s3 =	sld [smem:$0x3FA3]  }
0x31: {  	[smem:$0x3FAC] =	sst s10  }
0x32: {  	s10 =	sld [smem:$0x3FAA];
	_ =	sdelay $0x3  }
0x33: {  	p0 =	seq.s32 s10, $0x1;
	s10 =	sld [smem:$0x3FAC];
	_ =	sdelay $0x3  }
0x34: {  	[smem:$0x3FAC] =	sst s10  }
0x35: {  	s10 =	sld [smem:$0x3FAB];
	_ =	sdelay $0x3  }
0x36: {  	p1 =	seq.s32 s10, $0x1;
	s10 =	sld [smem:$0x3FAC];
	_ =	sdelay $0x3  }
0x37: {  	[smem:$0x3FAC] =	sst s10  }
0x38: {  	s10 =	sld [smem:$0x3FAD]  }
0x39: {  	_ = 	snop;
	(pc) =	sbr.ind lr, $3  }
0x3a: {  	_ = 	snop  }
0x3b: {  	_ = 	snop  }
0x3c: {  	p2 =	seq.s32 s10, $0x1;
	s10 =	sld [smem:$0x3FAC]  }
0x3d: {  	_ =	shalt  }
0x3e: {  	_ =	shalt  }
0x3f: {  	_ =	shalt  }
0x40: {  	_ =	shalt  }
0x41: {  	_ =	shalt  }
0x42: {  	_ =	shalt  }
0x43: {  	_ =	shalt  }
0x44: {  	_ =	shalt  }
0x45: {  	_ =	shalt  }
0x46: {  	_ =	shalt  }
0x47: {  	_ =	shalt  }
0x48: {  	_ =	shalt  }
0x49: {  	_ =	shalt  }
0x4a: {  	_ =	shalt  }
0x4b: {  	_ =	shalt  }
0x4c: {  	_ =	shalt  }
0x4d: {  	_ =	shalt  }
0x4e: {  	_ =	shalt  }
0x4f: {  	_ =	shalt  }
0x50: {  	_ =	shalt  }
0x51: {  	_ =	shalt  }
0x52: {  	_ =	shalt  }
0x53: {  	_ =	shalt  }
0x54: {  	_ =	shalt  }
0x55: {  	_ =	shalt  }
0x56: {  	_ =	shalt  }
0x57: {  	_ =	shalt  }
0x58: {  	_ =	shalt  }
0x59: {  	_ =	shalt  }
0x5a: {  	_ =	shalt  }
0x5b: {  	_ =	shalt  }
0x5c: {  	_ =	shalt  }
0x5d: {  	_ =	shalt  }
0x5e: {  	_ =	shalt  }
0x5f: {  	_ =	shalt  }
0x60: {  	_ =	shalt  }
0x61: {  	_ =	shalt  }
0x62: {  	_ =	shalt  }
0x63: {  	_ =	shalt  }
0x64: {  	_ =	shalt  }
0x65: {  	_ =	shalt  }
0x66: {  	_ =	shalt  }
0x67: {  	_ =	shalt  }
0x68: {  	_ =	shalt  }
0x69: {  	_ =	shalt  }
0x6a: {  	_ =	shalt  }
0x6b: {  	_ =	shalt  }
0x6c: {  	_ =	shalt  }
0x6d: {  	_ =	shalt  }
0x6e: {  	_ =	shalt  }
0x6f: {  	_ =	shalt  }
0x70: {  	_ =	shalt  }
0x71: {  	_ =	shalt  }
0x72: {  	_ =	shalt  }
0x73: {  	_ =	shalt  }
0x74: {  	_ =	shalt  }
0x75: {  	_ =	shalt  }
0x76: {  	_ =	shalt  }
0x77: {  	_ =	shalt  }
0x78: {  	_ =	shalt  }
0x79: {  	_ =	shalt  }
0x7a: {  	_ =	shalt  }
0x7b: {  	_ =	shalt  }
0x7c: {  	_ =	shalt  }
0x7d: {  	_ =	shalt  }
0x7e: {  	_ =	shalt  }
0x7f: {  	_ =	shalt  }
0x80: {  	_ =	shalt  }
0x81: {  	_ =	shalt  }
0x82: {  	_ =	shalt  }
0x83: {  	_ =	shalt  }
0x84: {  	_ =	shalt  }
0x85: {  	_ =	shalt  }
0x86: {  	_ =	shalt  }
0x87: {  	_ =	shalt  }
.Lfunc_end0:
.L_simem_size_0:
called_computation.2_lowered:
.L_overlay_start_0:
0x88: {  	s2 =	sld [smem:$0x3FD9]  }
0x89: {  	s3 =	sld [smem:$0x3FFE];
	_ =	sdelay $0x1  }
0x8a: {  	s1 =	srdreg.scid  }
0x8b: {  	s0 =	sand.u32 $0x1, s1  }
0x8c: {  	s16 =	sshll.u32 s0, $0xA;
	s2 =	sadd.s32 s3, s2  }
0x8d: {  	s2 =	sadd.s32 s2, s16  }
0x8e: {  	[smem:$0x3FB8] =	sst s2  }
0x8f: {  	_ = 	snop  }
0x90: {  	(tm) =	ssettm $0x1  }
0x91: {  	s17 =	sld [smem:$0x3FFB];
	_ =	sdelay $0x3  }
0x92: {  	_ =	strace s17  }
0x93: {  	s2 =	sld [smem:$0x3FFC];
	_ =	sdelay $0x3  }
0x94: {  	_ =	strace s2  }
0x95: {  	s2 =	sld [smem:$0x3FFD];
	_ =	sdelay $0x3  }
0x96: {  	_ =	strace s2  }
0x97: {  	_ =	strace $0x8FFFFFFF  }
0x98: {  	s18 =	sld [smem:$0x3FDB];
	_ =	sdelay $0x1  }
0x99: {  	s19 =	simm.s32 $_scs_section_size  }
0x9a: {  	s4 =	simm.s32 $_size__tile_overlayer_lowered;
	s5 =	simm.s32 $_tile_overlayer_lowered  }
0x9b: {  	s22 =	simm.s32 $0x1BFF;
	s21 =	sshll.u32 s5, $0x1;
	s2 =	sadd.s32 s19, s18  }
0x9c: {  	s6 =	simm.s32 $0x0;
	s20 =	sshll.u32 s4, $0x1;
	s4 =	sadd.s32 s21, s2  }
0x9d: {  	[timem:s6], [sflag:s22] =	dma.local [hbm:s4], s20  }
0x9e: {  	_ =	swait.ge [sflag:s22], s20  }
0x9f: {  	s3 =	ssub.s32 $0x0, s20;
	[sflag:s22] =	ssyncset.done $0x0  }
0xa0: {  	[sflag:s22] =	ssyncadd.s32 s3;
	_ =	sdelay $0x1  }
0xa1: {  	s23 =	simm.s32 $0x1B8B  }
0xa2: {  	_ =	swait.ge [sflag:s23], $0x1  }
0xa3: {  	[sflag:s23] =	ssyncset.done $0x0  }
0xa4: {  	s25 =	simm.s32 $0x1B8E;
	s24 =	sld [smem:$0x3FFE];
	[sflag:s23] =	ssyncadd.s32 $0xFFFFFFFF  }
0xa5: {  	s26 =	simm.s32 $execute0_lowered;
	[smem:$0x3FD2] =	sst s25  }
0xa6: {  	s4 =	sshll.u32 s26, $0x1;
	_ =	strace $0x8000004C;
	[dreg:$0x1] =	wrdreg $0xFFFFFFFF  }
0xa7: {  	s28 =	simm.s32 $_size_execute0_lowered;
	s2 =	sadd.s32 s2, s4;
	[dreg:$0x0] =	wrdreg $0x0  }
0xa8: {  	s4 =	sshll.u32 s28, $0x1;
	[dreg:$0x2] =	wrdreg s2  }
0xa9: {  	[dreg:$0x3] =	wrdreg s4  }
0xaa: {  	[dreg:$0x4] =	wrdreg $0xC0  }
0xab: {  	_ =	task [dreg:s6], $0x5FFFF  }
0xac: {  	[dreg:$0x1] =	wrdreg $0xFFFFFFFF  }
0xad: {  	[dreg:$0x0] =	wrdreg $0x60  }
0xae: {  	[dreg:$0x2] =	wrdreg s24  }
0xaf: {  	[dreg:$0x3] =	wrdreg $0x0  }
0xb0: {  	[dreg:$0x4] =	wrdreg $0x9  }
0xb1: {  	_ =	task.clear_ibuf [dreg:s6], $0x5FFFF;
	_ =	strace $0x9000004C  }
0xb2: {  	s29 =	simm.s32 $0x9;
	_ =	strace $0x8000004E  }
0xb3: {  	_ =	swait.ge [sflag:s29], $0x1  }
0xb4: {  	[sflag:s29] =	ssyncadd.s32 $0xFFFFFFFF  }
0xb5: {  	_ =	strace $0x9000004E  }
0xb6: {  	_ =	sfence  }
0xb7: {  	s30 =	sld [smem:$0x0];
	_ =	sdelay $0x2  }
0xb8: {  	s31 =	sshll.u32 s1, $0xD;
	s1 =	sshrl.u32 s1, $0x2  }
0xb9: {  	s3 =	sand.u32 $0x4000, s31;
	s1 =	sadd.s32 s1, s30  }
0xba: {  	s0 =	sor.u32 s3, s0;
	s1 =	sshll.u32 s1, $0x11  }
0xbb: {  	s0 =	sor.u32 s1, s0  }
0xbc: {  	s0 =	sadd.s32 $0x8F2B, s0  }
0xbd: {  	[sflag:s0] =	ssyncadd.remote.s32 $0x1  }
0xbe: {  	_ =	sfence.sel $0xFFFF  }
0xbf: {  	[dreg:$0x0] =	wrdreg $0xFFFFFFFF;
	(pc) =	sbr.abs _section_cstart, $3  }
0xc0: {  	[dreg:$0x1] =	wrdreg $0xFFFFFFFF  }
0xc1: {  	_ =	task.clear_ibuf [dreg:s6], $0x2FFFF;
	_ =	strace $0x9FFFFFFF  }
0xc2: {  	(tm) =	ssettm $0x7FFFFFFF  }
0xc3: {  	_ =	shalt  }
tec
execute0_lowered:
.L_overlay_start_1:
0x0: {  	(tag) =	ssettag $0x1  }
0x1: {  	s0 =	rddreg [dreg:$0x0]  }
0x2: {  	s2 =	rddreg [dreg:$0x1];
	s3 =	simm.s32 $0x0;
	s11 =	stileid.u32  }
0x3: {  	s1 =	srdreg.scid;
	s28 =	simm.s32 $0x80;
	s29 =	simm.s32 $0x13900  }
0x4: {  	s30 =	simm.s32 $0x1B980;
	s31 =	simm.s32 $0x17900;
	[smem:$0x7FF] =	sst s3  }
0x5: {  	s5 =	smul.u32 $0x2780, s11;
	s1 =	sand.u32 $0x1, s1;
	s4 =	sadd.s32 $0x1A000, s0  }
0x6: {  	s6 =	sadd.s32 $0x10000, s0;
	s8 =	sadd.s32 $0x6000, s0;
	s10 =	sshll.u32 s11, $0x1  }
0x7: {  	p0 =	seq.s32 s11, $0xF;
	p3 =	sne.s32 s11, $0xF;
	s20 =	sadd.s32 $0x12C400, s2  }
0x8: {  	s21 =	sadd.s32 $0x130400, s2;
	_ =	strace $0x8000004D;
	[dreg:$0x3] =	wrdreg s20  }
0x9: {  	s11 =	smul.u32 $0x4F000, s11;
	s22 =	sadd.s32 $0x134400, s2;
	[dreg:$0x4] =	wrdreg s21  }
0xa: {  	s24 =	sadd.s32 $0x138400, s2;
	s7 =	ssub.s32 $0x2, s1;
	[dreg:$0x5] =	wrdreg s22  }
0xb: {  	s12 =	sor.u32 s1, s10;
	[dreg:$0x6] =	wrdreg s24;
	p2 =	seq.s32 s1, $0x0  }
0xc: {  	p4 =	seq.s32 s1, $0x1;
	s20 =	sadd.s32 $0x66280, s0;
	s22 =	sadd.s32 $0x8D480, s0  }
0xd: {  	s24 =	simm.s32 $0x1B900;
	s9 =	sadd.s32 s5, s0;
	s19 =	sshrl.u32 s7, $0x1  }
0xe: {  	s5 =	sadd.s32 $0x128400, s2;
	s23 =	sshrl.u32 s11, $0x2;
	s16 =	smul.u32 $0x500, s12  }
0xf: {  	s17 =	smul.u32 $0x2800, s12;
	p1 =	por !p2, !p3;
	p2 =	por !p2, !p0  }
0x10: {  	p3 =	por !p3, !p4;
	p4 =	por !p4, !p0;
	s0 =	simm.s32 $0x1  }
0x11: {  	s12 =	stileid.u32;
	s7 =	ssub.s32 s7, s19;
	s10 =	sadd.s32 s23, s2  }
0x12: {  	p1 =	por !p1, !p1;
	s19 =	sadd.s32 $0x41200, s9;
	p2 =	por !p2, !p2  }
0x13: {  	p3 =	por !p3, !p3;
	s21 =	sadd.s32 $0x68400, s9;
	p4 =	por !p4, !p4  }
0x14: {  	s25 =	sadd.s32 $0x4000, s10;
	s26 =	sadd.s32 $0x8000, s10;
	s13 =	sadd.s32 $0xC000, s10  }
0x15: {  	s14 =	sadd.s32 $0x10000, s10;
	s15 =	sadd.s32 s6, s16;
	s17 =	sshrl.u32 s17, $0x3  }
0x16: {  	s16 =	sadd.s32 s8, s16;
	s23 =	smax.u32 s7, $0x1;
	[dreg:$0x7] =	wrdreg s25  }
0x17: {  	s7 =	simm.s32 $0x1E000;
	[dreg:$0x8] =	wrdreg s26;
	s18 =	sadd.s32 $0x280, s17  }
0x18: {  	s25 =	simm.s32 $0x3;
	s26 =	simm.s32 $0x1CD00;
	s17 =	sadd.s32 s6, s18  }
0x19: {  	v0 =	vimm.f32 $0.0e+00;
	s18 =	sadd.s32 s8, s18;
	s6 =	simm.s32 $0x2;
	s8 =	simm.s32 $0x1E080  }
.LBB2_1:
0x1a: {  	s9 =	simm.s32 $0x0;
	s1 =	simm.s32 $0x200  }
.LBB2_2:
0x1b: {  	p5 =	sne.s32 s1, $0xFE00;
	[tilespmem:s9+$0x13970] =	vst v0  }
0x1c: {  	[tilespmem:s9+$0x13900] =	vst v0  }
0x1d: {  	[tilespmem:s9+$0x13910] =	vst v0  }
.Ltmp0:
0x1e: {  	[tilespmem:s9+$0x13920] =	vst v0;
	(pc) =	sbr.rel @p5 .LBB2_2-.Ltmp0, $4  }
0x1f: {  	[tilespmem:s9+$0x13930] =	vst v0  }
0x20: {  	[tilespmem:s9+$0x13940] =	vst v0  }
0x21: {  	[tilespmem:s9+$0x13950] =	vst v0  }
0x22: {  	[tilespmem:s9+$0x13960] =	vst v0;
	s9 =	sshra.s32 s1, $0x2;
	s1 =	sadd.s32 $0x200, s1  }
0x23: {  	[tilespmem:s9+$0x13970] =	vst v0  }
0x24: {  	[tilespmem:s9+$0x13900] =	vst v0  }
0x25: {  	[tilespmem:s9+$0x13910] =	vst v0  }
0x26: {  	[tilespmem:s9+$0x13920] =	vst v0  }
0x27: {  	[tilespmem:s9+$0x13930] =	vst v0  }
0x28: {  	[tilespmem:s9+$0x13940] =	vst v0  }
0x29: {  	[tilespmem:s9+$0x13950] =	vst v0  }
0x2a: {  	[tilespmem:s9+$0x13960] =	vst v0;
	s1 =	simm.s32 @p0 $0x13900;
	s9 =	simm.s32 @p0 $0x3  }
0x2b: {  	[spmem:s5] =	stream.linear.scatter @p0 [tilespmem:s1], [sflag:$0x3], $0x4000, $0x38;
	[tilespmem:$0x1E100] =	vst v63  }
0x2c: {  	_ =	swait.ge @p0 [sflag:s9], $0x4000  }
0x2d: {  	[sflag:s9] =	ssyncset.done @p0 $0x0  }
0x2e: {  	s11 =	rddreg [dreg:$0x3];
	[sflag:s9] =	ssyncadd.s32 @p0 $0xFFFFC000  }
0x2f: {  	[spmem:s11] =	stream.linear.scatter @p0 [tilespmem:s1], [sflag:$0x3], $0x4000, $0x38;
	[tilespmem:$0x1E100] =	vst v63  }
0x30: {  	_ =	swait.ge @p0 [sflag:s9], $0x4000  }
0x31: {  	[sflag:s9] =	ssyncset.done @p0 $0x0  }
0x32: {  	s11 =	rddreg [dreg:$0x4];
	[sflag:s9] =	ssyncadd.s32 @p0 $0xFFFFC000  }
0x33: {  	[spmem:s11] =	stream.linear.scatter @p0 [tilespmem:s1], [sflag:$0x3], $0x4000, $0x38;
	[tilespmem:$0x1E100] =	vst v63  }
0x34: {  	_ =	swait.ge @p0 [sflag:s9], $0x4000  }
0x35: {  	[sflag:s9] =	ssyncset.done @p0 $0x0  }
0x36: {  	s11 =	rddreg [dreg:$0x5];
	[sflag:s9] =	ssyncadd.s32 @p0 $0xFFFFC000  }
0x37: {  	[spmem:s11] =	stream.linear.scatter @p0 [tilespmem:s1], [sflag:$0x3], $0x4000, $0x38;
	[tilespmem:$0x1E100] =	vst v63  }
0x38: {  	_ =	swait.ge @p0 [sflag:s9], $0x4000  }
0x39: {  	[sflag:s9] =	ssyncset.done @p0 $0x0  }
0x3a: {  	s11 =	rddreg [dreg:$0x6];
	[sflag:s9] =	ssyncadd.s32 @p0 $0xFFFFC000  }
0x3b: {  	[spmem:s11] =	stream.linear.scatter @p0 [tilespmem:s1], [sflag:$0x3], $0xC00, $0x38;
	[tilespmem:$0x1E100] =	vst v63  }
0x3c: {  	_ =	swait.ge @p0 [sflag:s9], $0xC00  }
0x3d: {  	[sflag:s9] =	ssyncset.done @p0 $0x0  }
0x3e: {  	s1 =	simm.s32 @!p0 $0x13900;
	[sflag:s9] =	ssyncadd.s32 @p0 $0xFFFFF400;
	s9 =	simm.s32 @!p0 $0x3  }
0x3f: {  	[spmem:s10] =	stream.linear.scatter @!p0 [tilespmem:s1], [sflag:$0x3], $0x4000, $0x38;
	[tilespmem:$0x1E100] =	vst v63  }
0x40: {  	_ =	swait.ge @!p0 [sflag:s9], $0x4000  }
0x41: {  	[sflag:s9] =	ssyncset.done @!p0 $0x0  }
0x42: {  	s11 =	rddreg [dreg:$0x7];
	[sflag:s9] =	ssyncadd.s32 @!p0 $0xFFFFC000  }
0x43: {  	[spmem:s11] =	stream.linear.scatter @!p0 [tilespmem:s1], [sflag:$0x3], $0x4000, $0x38;
	[tilespmem:$0x1E100] =	vst v63  }
0x44: {  	_ =	swait.ge @!p0 [sflag:s9], $0x4000  }
0x45: {  	[sflag:s9] =	ssyncset.done @!p0 $0x0  }
0x46: {  	s11 =	rddreg [dreg:$0x8];
	[sflag:s9] =	ssyncadd.s32 @!p0 $0xFFFFC000  }
0x47: {  	[spmem:s11] =	stream.linear.scatter @!p0 [tilespmem:s1], [sflag:$0x3], $0x4000, $0x38;
	[tilespmem:$0x1E100] =	vst v63  }
0x48: {  	_ =	swait.ge @!p0 [sflag:s9], $0x4000  }
0x49: {  	[sflag:s9] =	ssyncset.done @!p0 $0x0  }
0x4a: {  	[sflag:s9] =	ssyncadd.s32 @!p0 $0xFFFFC000  }
0x4b: {  	[spmem:s13] =	stream.linear.scatter @!p0 [tilespmem:s1], [sflag:$0x3], $0x4000, $0x38;
	[tilespmem:$0x1E100] =	vst v63  }
0x4c: {  	_ =	swait.ge @!p0 [sflag:s9], $0x4000  }
0x4d: {  	[sflag:s9] =	ssyncset.done @!p0 $0x0  }
0x4e: {  	[sflag:s9] =	ssyncadd.s32 @!p0 $0xFFFFC000  }
0x4f: {  	[spmem:s14] =	stream.linear.scatter @!p0 [tilespmem:s1], [sflag:$0x3], $0x3C00, $0x38;
	[tilespmem:$0x1E100] =	vst v63  }
0x50: {  	_ =	swait.ge @!p0 [sflag:s9], $0x3C00  }
0x51: {  	[sflag:s9] =	ssyncset.done @!p0 $0x0  }
0x52: {  	[sflag:s9] =	ssyncadd.s32 @!p0 $0xFFFFC400  }
0x53: {  	s9 =	simm.s32 $0x0;
	[bflag:$0x0] =	sbarrier.arrive $0xFFFF  }
0x54: {  	[tilespmem:s24], [sflag:$0x3] =	stream.linear.gather [hbm4b:s15+s9], $0x1400, $0x38;
	[tilespmem:$0x1E100] =	vst v63  }
0x55: {  	_ =	swait.ge [sflag:s25], $0x1400  }
0x56: {  	[sflag:s25] =	ssyncset.done $0x0  }
0x57: {  	[sflag:s25] =	ssyncadd.s32 $0xFFFFEC00  }
0x58: {  	[tilespmem:s26], [sflag:$0x3] =	stream.linear.gather [hbm4b:s16+s9], $0x1400, $0x38;
	[tilespmem:$0x1E100] =	vst v63  }
0x59: {  	_ =	swait.ge [sflag:s25], $0x1400  }
0x5a: {  	[sflag:s25] =	ssyncset.done $0x0  }
0x5b: {  	[sflag:s25] =	ssyncadd.s32 $0xFFFFEC00  }
0x5c: {  	[tilespmem:s29], [sflag:$0x1] =	stream.indirect.gather [hbm4b:s4+s28], $0x80, s24, s28, $0xb8;
	[tilespmem:$0x1E100] =	vst v63  }
0x5d: {  	_ = 	snop  }
0x5e: {  	[tilespmem:s31], [sflag:$0x2] =	stream.indirect.gather [hbm4b:s4+s28], $0x80, s30, s28, $0xb8;
	[tilespmem:$0x1E100] =	vst v63  }
0x5f: {  	_ =	swait.ge [sflag:s0], $0x4000  }
0x60: {  	[sflag:s0] =	ssyncset.done $0x0  }
0x61: {  	s11 =	simm.s32 $0x1CD00;
	[sflag:s0] =	ssyncadd.s32 $0xFFFFC000  }
0x62: {  	[spmem:s2] =	stream.indirect.scatter.add.f32 [tilespmem:s29], [sflag:$0x3], $0x80, s11, s28, $0xb8;
	[tilespmem:$0x1E100] =	vst v63  }
0x63: {  	_ =	swait.ge [sflag:s25], $0x4000  }
0x64: {  	[sflag:s25] =	ssyncset.done $0x0  }
0x65: {  	s9 =	simm.s32 $0x1BA00;
	[sflag:s25] =	ssyncadd.s32 $0xFFFFC000  }
0x66: {  	[tilespmem:s29], [sflag:$0x1] =	stream.indirect.gather [hbm4b:s4+s28], $0x80, s9, s28, $0xb8;
	[tilespmem:$0x1E100] =	vst v63  }
0x67: {  	_ =	swait.ge [sflag:s6], $0x4000  }
0x68: {  	[sflag:s6] =	ssyncset.done $0x0  }
0x69: {  	s11 =	simm.s32 $0x1CD80;
	[sflag:s6] =	ssyncadd.s32 $0xFFFFC000  }
0x6a: {  	[spmem:s2] =	stream.indirect.scatter.add.f32 [tilespmem:s31], [sflag:$0x3], $0x80, s11, s28, $0xb8;
	[tilespmem:$0x1E100] =	vst v63  }
0x6b: {  	_ =	swait.ge [sflag:s25], $0x4000  }
0x6c: {  	[sflag:s25] =	ssyncset.done $0x0  }
0x6d: {  	s1 =	simm.s32 $0x1BA80;
	s9 =	simm.s32 $0x400;
	[sflag:s25] =	ssyncadd.s32 $0xFFFFC000  }
.LBB2_4:
0x6e: {  	[tilespmem:s31], [sflag:$0x2] =	stream.indirect.gather [hbm4b:s4+s28], $0x80, s1, s28, $0xb8;
	[tilespmem:$0x1E100] =	vst v63  }
0x6f: {  	s1 =	smov.u32 s9  }
0x70: {  	p5 =	sne.s32 s9, $0x4800;
	s9 =	sadd.s32 $0x400, s9;
	_ =	swait.ge [sflag:s0], $0x4000  }
0x71: {  	s1 =	sshra.s32 s1, $0x2;
	[sflag:s0] =	ssyncset.done $0x0  }
0x72: {  	s11 =	sadd.s32 $0x1CD00, s1;
	[sflag:s0] =	ssyncadd.s32 $0xFFFFC000  }
0x73: {  	[spmem:s2] =	stream.indirect.scatter.add.f32 [tilespmem:s29], [sflag:$0x3], $0x80, s11, s28, $0xb8;
	[tilespmem:$0x1E100] =	vst v63  }
0x74: {  	_ =	swait.ge [sflag:s25], $0x4000  }
0x75: {  	[sflag:s25] =	ssyncset.done $0x0  }
0x76: {  	s11 =	sadd.s32 $0x1BA00, s1;
	[sflag:s25] =	ssyncadd.s32 $0xFFFFC000  }
0x77: {  	[tilespmem:s29], [sflag:$0x1] =	stream.indirect.gather [hbm4b:s4+s28], $0x80, s11, s28, $0xb8;
	[tilespmem:$0x1E100] =	vst v63  }
0x78: {  	_ =	swait.ge [sflag:s6], $0x4000  }
0x79: {  	[sflag:s6] =	ssyncset.done $0x0  }
.Ltmp1:
0x7a: {  	s11 =	sadd.s32 $0x1CD80, s1;
	[sflag:s6] =	ssyncadd.s32 $0xFFFFC000;
	(pc) =	sbr.rel @p5 .LBB2_4-.Ltmp1, $4  }
0x7b: {  	[spmem:s2] =	stream.indirect.scatter.add.f32 [tilespmem:s31], [sflag:$0x3], $0x80, s11, s28, $0xb8;
	[tilespmem:$0x1E100] =	vst v63  }
0x7c: {  	_ =	swait.ge [sflag:s25], $0x4000  }
0x7d: {  	[sflag:s25] =	ssyncset.done $0x0  }
0x7e: {  	s1 =	sadd.s32 $0x1BA80, s1;
	[sflag:s25] =	ssyncadd.s32 $0xFFFFC000  }
0x7f: {  	[tilespmem:s31], [sflag:$0x2] =	stream.indirect.gather [hbm4b:s4+s28], $0x80, s1, s28, $0xb8;
	[tilespmem:$0x1E100] =	vst v63  }
0x80: {  	_ =	swait.ge [sflag:s0], $0x4000  }
0x81: {  	[sflag:s0] =	ssyncset.done $0x0  }
0x82: {  	[sflag:s0] =	ssyncadd.s32 $0xFFFFC000  }
0x83: {  	[spmem:s2] =	stream.indirect.scatter.add.f32 [tilespmem:s29], [sflag:$0x3], $0x80, s7, s28, $0xb8;
	[tilespmem:$0x1E100] =	vst v63  }
0x84: {  	_ =	swait.ge [sflag:s25], $0x4000  }
0x85: {  	[sflag:s25] =	ssyncset.done $0x0  }
0x86: {  	[sflag:s25] =	ssyncadd.s32 $0xFFFFC000  }
0x87: {  	_ =	swait.ge [sflag:s6], $0x4000  }
0x88: {  	[sflag:s6] =	ssyncset.done $0x0  }
0x89: {  	[sflag:s6] =	ssyncadd.s32 $0xFFFFC000  }
0x8a: {  	[spmem:s2] =	stream.indirect.scatter.add.f32 [tilespmem:s31], [sflag:$0x3], $0x80, s8, s28, $0xb8;
	[tilespmem:$0x1E100] =	vst v63  }
0x8b: {  	_ =	swait.ge [sflag:s25], $0x4000  }
0x8c: {  	[sflag:s25] =	ssyncset.done $0x0  }
0x8d: {  	s9 =	simm.s32 $0x0;
	[sflag:s25] =	ssyncadd.s32 $0xFFFFC000  }
0x8e: {  	[tilespmem:s24], [sflag:$0x3] =	stream.linear.gather [hbm4b:s17+s9], $0x1400, $0x38;
	[tilespmem:$0x1E100] =	vst v63  }
0x8f: {  	_ =	swait.ge [sflag:s25], $0x1400  }
0x90: {  	[sflag:s25] =	ssyncset.done $0x0  }
0x91: {  	[sflag:s25] =	ssyncadd.s32 $0xFFFFEC00  }
0x92: {  	[tilespmem:s26], [sflag:$0x3] =	stream.linear.gather [hbm4b:s18+s9], $0x1400, $0x38;
	[tilespmem:$0x1E100] =	vst v63  }
0x93: {  	_ =	swait.ge [sflag:s25], $0x1400  }
0x94: {  	[sflag:s25] =	ssyncset.done $0x0  }
0x95: {  	[sflag:s25] =	ssyncadd.s32 $0xFFFFEC00  }
0x96: {  	[tilespmem:s29], [sflag:$0x1] =	stream.indirect.gather [hbm4b:s4+s28], $0x80, s24, s28, $0xb8;
	[tilespmem:$0x1E100] =	vst v63  }
0x97: {  	_ = 	snop  }
0x98: {  	[tilespmem:s31], [sflag:$0x2] =	stream.indirect.gather [hbm4b:s4+s28], $0x80, s30, s28, $0xb8;
	[tilespmem:$0x1E100] =	vst v63  }
0x99: {  	_ =	swait.ge [sflag:s0], $0x4000  }
0x9a: {  	[sflag:s0] =	ssyncset.done $0x0  }
0x9b: {  	s11 =	simm.s32 $0x1CD00;
	[sflag:s0] =	ssyncadd.s32 $0xFFFFC000  }
0x9c: {  	[spmem:s2] =	stream.indirect.scatter.add.f32 [tilespmem:s29], [sflag:$0x3], $0x80, s11, s28, $0xb8;
	[tilespmem:$0x1E100] =	vst v63  }
0x9d: {  	_ =	swait.ge [sflag:s25], $0x4000  }
0x9e: {  	[sflag:s25] =	ssyncset.done $0x0  }
0x9f: {  	s9 =	simm.s32 $0x1BA00;
	[sflag:s25] =	ssyncadd.s32 $0xFFFFC000  }
0xa0: {  	[tilespmem:s29], [sflag:$0x1] =	stream.indirect.gather [hbm4b:s4+s28], $0x80, s9, s28, $0xb8;
	[tilespmem:$0x1E100] =	vst v63  }
0xa1: {  	_ =	swait.ge [sflag:s6], $0x4000  }
0xa2: {  	[sflag:s6] =	ssyncset.done $0x0  }
0xa3: {  	s11 =	simm.s32 $0x1CD80;
	[sflag:s6] =	ssyncadd.s32 $0xFFFFC000  }
0xa4: {  	[spmem:s2] =	stream.indirect.scatter.add.f32 [tilespmem:s31], [sflag:$0x3], $0x80, s11, s28, $0xb8;
	[tilespmem:$0x1E100] =	vst v63  }
0xa5: {  	_ =	swait.ge [sflag:s25], $0x4000  }
0xa6: {  	[sflag:s25] =	ssyncset.done $0x0  }
0xa7: {  	s1 =	simm.s32 $0x1BA80;
	s9 =	simm.s32 $0x400;
	[sflag:s25] =	ssyncadd.s32 $0xFFFFC000  }
.LBB2_6:
0xa8: {  	[tilespmem:s31], [sflag:$0x2] =	stream.indirect.gather [hbm4b:s4+s28], $0x80, s1, s28, $0xb8;
	[tilespmem:$0x1E100] =	vst v63  }
0xa9: {  	s1 =	smov.u32 s9  }
0xaa: {  	p5 =	sne.s32 s9, $0x4800;
	s9 =	sadd.s32 $0x400, s9;
	_ =	swait.ge [sflag:s0], $0x4000  }
0xab: {  	s1 =	sshra.s32 s1, $0x2;
	[sflag:s0] =	ssyncset.done $0x0  }
0xac: {  	s11 =	sadd.s32 $0x1CD00, s1;
	[sflag:s0] =	ssyncadd.s32 $0xFFFFC000  }
0xad: {  	[spmem:s2] =	stream.indirect.scatter.add.f32 [tilespmem:s29], [sflag:$0x3], $0x80, s11, s28, $0xb8;
	[tilespmem:$0x1E100] =	vst v63  }
0xae: {  	_ =	swait.ge [sflag:s25], $0x4000  }
0xaf: {  	[sflag:s25] =	ssyncset.done $0x0  }
0xb0: {  	s11 =	sadd.s32 $0x1BA00, s1;
	[sflag:s25] =	ssyncadd.s32 $0xFFFFC000  }
0xb1: {  	[tilespmem:s29], [sflag:$0x1] =	stream.indirect.gather [hbm4b:s4+s28], $0x80, s11, s28, $0xb8;
	[tilespmem:$0x1E100] =	vst v63  }
0xb2: {  	_ =	swait.ge [sflag:s6], $0x4000  }
0xb3: {  	[sflag:s6] =	ssyncset.done $0x0  }
.Ltmp2:
0xb4: {  	s11 =	sadd.s32 $0x1CD80, s1;
	[sflag:s6] =	ssyncadd.s32 $0xFFFFC000;
	(pc) =	sbr.rel @p5 .LBB2_6-.Ltmp2, $4  }
0xb5: {  	[spmem:s2] =	stream.indirect.scatter.add.f32 [tilespmem:s31], [sflag:$0x3], $0x80, s11, s28, $0xb8;
	[tilespmem:$0x1E100] =	vst v63  }
0xb6: {  	_ =	swait.ge [sflag:s25], $0x4000  }
0xb7: {  	[sflag:s25] =	ssyncset.done $0x0  }
0xb8: {  	s1 =	sadd.s32 $0x1BA80, s1;
	[sflag:s25] =	ssyncadd.s32 $0xFFFFC000  }
0xb9: {  	[tilespmem:s31], [sflag:$0x2] =	stream.indirect.gather [hbm4b:s4+s28], $0x80, s1, s28, $0xb8;
	[tilespmem:$0x1E100] =	vst v63  }
0xba: {  	_ =	swait.ge [sflag:s0], $0x4000  }
0xbb: {  	[sflag:s0] =	ssyncset.done $0x0  }
0xbc: {  	[sflag:s0] =	ssyncadd.s32 $0xFFFFC000  }
0xbd: {  	[spmem:s2] =	stream.indirect.scatter.add.f32 [tilespmem:s29], [sflag:$0x3], $0x80, s7, s28, $0xb8;
	[tilespmem:$0x1E100] =	vst v63  }
0xbe: {  	_ =	swait.ge [sflag:s25], $0x4000  }
0xbf: {  	[sflag:s25] =	ssyncset.done $0x0  }
0xc0: {  	[sflag:s25] =	ssyncadd.s32 $0xFFFFC000  }
0xc1: {  	_ =	swait.ge [sflag:s6], $0x4000  }
0xc2: {  	[sflag:s6] =	ssyncset.done $0x0  }
0xc3: {  	[sflag:s6] =	ssyncadd.s32 $0xFFFFC000  }
0xc4: {  	[spmem:s2] =	stream.indirect.scatter.add.f32 [tilespmem:s31], [sflag:$0x3], $0x80, s8, s28, $0xb8;
	[tilespmem:$0x1E100] =	vst v63  }
0xc5: {  	_ =	swait.ge [sflag:s25], $0x4000  }
0xc6: {  	[sflag:s25] =	ssyncset.done $0x0  }
0xc7: {  	s1 =	sshll.u32 @p1 s12, $0x6;
	[sflag:s25] =	ssyncadd.s32 $0xFFFFC000  }
0xc8: {  	s9 =	sshrl.u32 @p1 s10, $0x3;
	s1 =	sor.u32 @p1 $0x1C03, s1;
	[bflag:$0x0] =	sbarrier.arrive $0xFFFF  }
0xc9: {  	[hbm:s19], [sflag:s1] =	dma.local @p1 [spmem:s9], $0x2780  }
0xca: {  	s1 =	simm.s32 @p1 $0x3  }
0xcb: {  	_ =	swait.ge @p1 [sflag:s1], $0x2780  }
0xcc: {  	[sflag:s1] =	ssyncset.done @p1 $0x0  }
0xcd: {  	s9 =	simm.s32 @p2 $0x1FC3;
	[sflag:s1] =	ssyncadd.s32 @p1 $0xFFFFD880;
	s1 =	sshrl.u32 @p2 s5, $0x3  }
0xce: {  	[hbm:s20], [sflag:s9] =	dma.local @p2 [spmem:s1], $0x2080  }
0xcf: {  	s1 =	simm.s32 @p2 $0x3  }
0xd0: {  	_ =	swait.ge @p2 [sflag:s1], $0x2080  }
0xd1: {  	s9 =	sshll.u32 @p3 s12, $0x6;
	[sflag:s1] =	ssyncset.done @p2 $0x0  }
0xd2: {  	[sflag:s1] =	ssyncadd.s32 @p2 $0xFFFFDF80;
	s1 =	sor.u32 @p3 $0x1C03, s9;
	s9 =	sshrl.u32 @p3 s10, $0x3  }
0xd3: {  	[hbm:s21], [sflag:s1] =	dma.local @p3 [spmem:s9], $0x2780  }
0xd4: {  	s1 =	simm.s32 @p3 $0x3  }
0xd5: {  	s3 =	sadd.s32 $0x1, s3;
	_ =	swait.ge @p3 [sflag:s1], $0x2780  }
0xd6: {  	p5 =	sne.s32 s3, s23;
	[sflag:s1] =	ssyncset.done @p3 $0x0  }
0xd7: {  	s9 =	simm.s32 @p4 $0x1FC3;
	[sflag:s1] =	ssyncadd.s32 @p3 $0xFFFFD880;
	s1 =	sshrl.u32 @p4 s5, $0x3  }
0xd8: {  	[hbm:s22], [sflag:s9] =	dma.local @p4 [spmem:s1], $0x2080  }
.Ltmp3:
0xd9: {  	_ = 	snop;
	(pc) =	sbr.rel @p5 .LBB2_1-.Ltmp3, $4  }
0xda: {  	s1 =	simm.s32 @p4 $0x3  }
0xdb: {  	_ =	swait.ge @p4 [sflag:s1], $0x2080  }
0xdc: {  	[sflag:s1] =	ssyncset.done @p4 $0x0  }
0xdd: {  	s11 =	stileid.u32;
	[sflag:s1] =	ssyncadd.s32 @p4 $0xFFFFDF80  }
0xde: {  	_ =	sfence.sel $0x180000  }
0xdf: {  	[bflag:$0x0] =	sbarrier.arrive $0xFFFF  }
0xe0: {  	_ =	strace $0x9000004D  }
0xe1: {  	[bflag:$0x2] =	sbarrier.arrive $0xFFFF  }
0xe2: {  	p0 =	sne.s32 s11, $0x0;
	s0 =	rddreg [dreg:$0x2]  }
0xe3: {  	s0 =	sadd.s32 @!p0 $0x100000, s0  }
0xe4: {  	[sflag:s0] =	ssyncadd.tile.s32 @!p0 $0x1;
	_ =	shalt  }
.Lfunc_end2:
_tile_overlayer_lowered:
.L_overlay_start_2:
0xe5: {  	(tag) =	ssettag $0x2  }
0xe6: {  	s0 =	rddreg [dreg:$0x0];
	s2 =	stileid.u32  }
0xe7: {  	s1 =	rddreg [dreg:$0x1];
	p0 =	sne.s32 s2, $0x0  }
0xe8: {  	s3 =	rddreg [dreg:$0x2];
	[bflag:$0x3] =	sbarrier.arrive $0xFFFF;
	s2 =	simm.s32 @!p0 $0x1C03  }
0xe9: {  	[timem:s3], [sflag:s2] =	dma.local @!p0 [hbm:s0], s1  }
0xea: {  	s0 =	simm.s32 @!p0 $0x3  }
0xeb: {  	_ =	swait.ge @!p0 [sflag:s0], s1  }
0xec: {  	s1 =	ssub.s32 @!p0 $0x0, s1;
	[sflag:s0] =	ssyncset.done @!p0 $0x0  }
0xed: {  	[sflag:s0] =	ssyncadd.s32 @!p0 s1  }
0xee: {  	[bflag:$0x3] =	sbarrier.arrive $0xFFFF  }
0xef: {  	_ =	shalt  }

// kernel: kernel.21.cloned.1.call-start
scs
__scs_entry_jumppad:
0x0: {  	(pc) =	sbr.rel $0x88, $3  }
0x1: {  	(tag) =	ssettag $0x0;
	lr =	simm.s32 $0x1  }
0x2: {  	[smem:$0x3F91] =	sst lr;
	_ =	strace $0xD0000000  }
0x3: {  	_ = 	snop  }
0x4: {  	_ = 	snop  }
0x5: {  	_ = 	snop  }
0x6: {  	_ = 	snop  }
0x7: {  	_ = 	snop  }
__scs_overlays_trampoline_lowered:
0x8: {  	[smem:$0x3FA0] =	sst s0  }
0x9: {  	[smem:$0x3FA1] =	sst s1  }
0xa: {  	[smem:$0x3FA2] =	sst s2  }
0xb: {  	[smem:$0x3FA3] =	sst s3  }
0xc: {  	[smem:$0x3FA4] =	sst s4  }
0xd: {  	[smem:$0x3FA5] =	sst s5  }
0xe: {  	[smem:$0x3FA6] =	sst s6  }
0xf: {  	[smem:$0x3FA7] =	sst s7  }
0x10: {  	[smem:$0x3FA8] =	sst s8  }
0x11: {  	[smem:$0x3FA9] =	sst s9;
	s0 =	simm.s32 @!p0 $0x0  }
0x12: {  	s1 =	sld [smem:$0x3F8F];
	s0 =	simm.s32 @p0 $0x1  }
0x13: {  	[smem:$0x3FAA] =	sst s0;
	s0 =	simm.s32 @!p1 $0x0  }
0x14: {  	s2 =	sld [smem:$0x3F8E];
	s0 =	simm.s32 @p1 $0x1  }
0x15: {  	[smem:$0x3FAB] =	sst s0;
	s0 =	simm.s32 @!p2 $0x0  }
0x16: {  	s3 =	sld [smem:$0x3FDB];
	s0 =	simm.s32 @p2 $0x1  }
0x17: {  	s4 =	simm.s32 $0x1BF5;
	[smem:$0x3FAD] =	sst s0  }
0x18: {  	s0 =	sld [smem:$0x3F90];
	_ =	swait.ge [sflag:s4], $0x0  }
0x19: {  	s7 =	sld [smem:$0x3F91]  }
0x1a: {  	s8 =	sadd.s32 $0xFFFFE003, lr  }
0x1b: {  	s9 =	sadd.s32 $0xFFFFFEF7, lr;
	s5 =	simm.s32 $0xFFFFFFFF;
	p2 =	slt.u32 s8, $0xFFFFF086  }
0x1c: {  	p1 =	slt.u32 s9, $0xF7A;
	s5 =	simm.s32 @!p2 $0x0  }
0x1d: {  	s5 =	simm.s32 @p1 $0x1;
	p0 =	seq.s32 s7, s2  }
0x1e: {  	s7 =	smul.u32 @!p0 $0xF7A, s2;
	p2 =	seq.s32 @!p0 s5, $0x0  }
0x1f: {  	s9 =	smul.u32 $0xF7A, s1;
	s8 =	simm.s32 @!p0 $0x1BF5;
	p2 =	por !p2, p0  }
0x20: {  	[sflag:s8] =	ssyncset.s32 @!p0 $0xFFFFF086;
	s6 =	sadd.s32 @!p0 s3, s7;
	s7 =	simm.s32 @!p0 $0x108  }
0x21: {  	s3 =	sadd.s32 s3, s9;
	s6 =	sadd.s32 @!p0 $0x88, s6;
	s7 =	simm.s32 @p2 $0x1082  }
0x22: {  	[simem:s7], [sflag:s8] =	dma.local @!p0 [hbm:s6], $0xF7A  }
0x23: {  	s9 =	sor.u32 $0xD0000000, s2;
	s6 =	simm.s32 $0x108;
	_ =	swait.ge @!p0 [sflag:s8], $0x0  }
0x24: {  	s3 =	sadd.s32 $0x88, s3;
	s6 =	simm.s32 @!p1 $0x1082;
	[sflag:s4] =	ssyncset.s32 $0xFFFFF086  }
0x25: {  	[simem:s6], [sflag:s4] =	dma.local [hbm:s3], $0xF7A  }
0x26: {  	[smem:$0x3F91] =	sst s1;
	(tag) =	ssettag s2;
	_ =	strace s9  }
0x27: {  	s1 =	sld [smem:$0x3FA1]  }
0x28: {  	s2 =	sld [smem:$0x3FA2]  }
0x29: {  	s4 =	sld [smem:$0x3FA4]  }
0x2a: {  	p0 =	seq.s32 s5, $0x0;
	s5 =	sld [smem:$0x3FA5]  }
0x2b: {  	s6 =	sld [smem:$0x3FA6]  }
0x2c: {  	s7 =	sld [smem:$0x3FA7]  }
0x2d: {  	s3 =	simm.s32 $0x108;
	s8 =	sld [smem:$0x3FA8]  }
0x2e: {  	s3 =	simm.s32 @!p0 $0x1082;
	s9 =	sld [smem:$0x3FA9]  }
0x2f: {  	lr =	sadd.s32 s0, s3;
	s0 =	sld [smem:$0x3FA0]  }
0x30: {  	s3 =	sld [smem:$0x3FA3]  }
0x31: {  	[smem:$0x3FAC] =	sst s10  }
0x32: {  	s10 =	sld [smem:$0x3FAA];
	_ =	sdelay $0x3  }
0x33: {  	p0 =	seq.s32 s10, $0x1;
	s10 =	sld [smem:$0x3FAC];
	_ =	sdelay $0x3  }
0x34: {  	[smem:$0x3FAC] =	sst s10  }
0x35: {  	s10 =	sld [smem:$0x3FAB];
	_ =	sdelay $0x3  }
0x36: {  	p1 =	seq.s32 s10, $0x1;
	s10 =	sld [smem:$0x3FAC];
	_ =	sdelay $0x3  }
0x37: {  	[smem:$0x3FAC] =	sst s10  }
0x38: {  	s10 =	sld [smem:$0x3FAD]  }
0x39: {  	_ = 	snop;
	(pc) =	sbr.ind lr, $3  }
0x3a: {  	_ = 	snop  }
0x3b: {  	_ = 	snop  }
0x3c: {  	p2 =	seq.s32 s10, $0x1;
	s10 =	sld [smem:$0x3FAC]  }
0x3d: {  	_ =	shalt  }
0x3e: {  	_ =	shalt  }
0x3f: {  	_ =	shalt  }
0x40: {  	_ =	shalt  }
0x41: {  	_ =	shalt  }
0x42: {  	_ =	shalt  }
0x43: {  	_ =	shalt  }
0x44: {  	_ =	shalt  }
0x45: {  	_ =	shalt  }
0x46: {  	_ =	shalt  }
0x47: {  	_ =	shalt  }
0x48: {  	_ =	shalt  }
0x49: {  	_ =	shalt  }
0x4a: {  	_ =	shalt  }
0x4b: {  	_ =	shalt  }
0x4c: {  	_ =	shalt  }
0x4d: {  	_ =	shalt  }
0x4e: {  	_ =	shalt  }
0x4f: {  	_ =	shalt  }
0x50: {  	_ =	shalt  }
0x51: {  	_ =	shalt  }
0x52: {  	_ =	shalt  }
0x53: {  	_ =	shalt  }
0x54: {  	_ =	shalt  }
0x55: {  	_ =	shalt  }
0x56: {  	_ =	shalt  }
0x57: {  	_ =	shalt  }
0x58: {  	_ =	shalt  }
0x59: {  	_ =	shalt  }
0x5a: {  	_ =	shalt  }
0x5b: {  	_ =	shalt  }
0x5c: {  	_ =	shalt  }
0x5d: {  	_ =	shalt  }
0x5e: {  	_ =	shalt  }
0x5f: {  	_ =	shalt  }
0x60: {  	_ =	shalt  }
0x61: {  	_ =	shalt  }
0x62: {  	_ =	shalt  }
0x63: {  	_ =	shalt  }
0x64: {  	_ =	shalt  }
0x65: {  	_ =	shalt  }
0x66: {  	_ =	shalt  }
0x67: {  	_ =	shalt  }
0x68: {  	_ =	shalt  }
0x69: {  	_ =	shalt  }
0x6a: {  	_ =	shalt  }
0x6b: {  	_ =	shalt  }
0x6c: {  	_ =	shalt  }
0x6d: {  	_ =	shalt  }
0x6e: {  	_ =	shalt  }
0x6f: {  	_ =	shalt  }
0x70: {  	_ =	shalt  }
0x71: {  	_ =	shalt  }
0x72: {  	_ =	shalt  }
0x73: {  	_ =	shalt  }
0x74: {  	_ =	shalt  }
0x75: {  	_ =	shalt  }
0x76: {  	_ =	shalt  }
0x77: {  	_ =	shalt  }
0x78: {  	_ =	shalt  }
0x79: {  	_ =	shalt  }
0x7a: {  	_ =	shalt  }
0x7b: {  	_ =	shalt  }
0x7c: {  	_ =	shalt  }
0x7d: {  	_ =	shalt  }
0x7e: {  	_ =	shalt  }
0x7f: {  	_ =	shalt  }
0x80: {  	_ =	shalt  }
0x81: {  	_ =	shalt  }
0x82: {  	_ =	shalt  }
0x83: {  	_ =	shalt  }
0x84: {  	_ =	shalt  }
0x85: {  	_ =	shalt  }
0x86: {  	_ =	shalt  }
0x87: {  	_ =	shalt  }
.Lfunc_end0:
.L_simem_size_0:
called_computation.3_lowered:
.L_overlay_start_0:
0x88: {  	s2 =	sld [smem:$0x3FD9]  }
0x89: {  	s3 =	sld [smem:$0x3FFE];
	_ =	sdelay $0x1  }
0x8a: {  	s1 =	srdreg.scid  }
0x8b: {  	s0 =	sand.u32 $0x1, s1  }
0x8c: {  	s16 =	sshll.u32 s0, $0xA;
	s2 =	sadd.s32 s3, s2  }
0x8d: {  	s2 =	sadd.s32 s2, s16  }
0x8e: {  	[smem:$0x3FB8] =	sst s2  }
0x8f: {  	_ = 	snop  }
0x90: {  	(tm) =	ssettm $0x1  }
0x91: {  	s17 =	sld [smem:$0x3FFB];
	_ =	sdelay $0x3  }
0x92: {  	_ =	strace s17  }
0x93: {  	s2 =	sld [smem:$0x3FFC];
	_ =	sdelay $0x3  }
0x94: {  	_ =	strace s2  }
0x95: {  	s2 =	sld [smem:$0x3FFD];
	_ =	sdelay $0x3  }
0x96: {  	_ =	strace s2  }
0x97: {  	_ =	strace $0x8FFFFFFF  }
0x98: {  	s18 =	sld [smem:$0x3FDB];
	_ =	sdelay $0x1  }
0x99: {  	s19 =	simm.s32 $_scs_section_size  }
0x9a: {  	s4 =	simm.s32 $_size__tile_overlayer_lowered;
	s5 =	simm.s32 $_tile_overlayer_lowered  }
0x9b: {  	s22 =	simm.s32 $0x1BFF;
	s21 =	sshll.u32 s5, $0x1;
	s2 =	sadd.s32 s19, s18  }
0x9c: {  	s6 =	simm.s32 $0x0;
	s20 =	sshll.u32 s4, $0x1;
	s4 =	sadd.s32 s21, s2  }
0x9d: {  	[timem:s6], [sflag:s22] =	dma.local [hbm:s4], s20  }
0x9e: {  	_ =	swait.ge [sflag:s22], s20  }
0x9f: {  	s3 =	ssub.s32 $0x0, s20;
	[sflag:s22] =	ssyncset.done $0x0  }
0xa0: {  	[sflag:s22] =	ssyncadd.s32 s3;
	_ =	sdelay $0x1  }
0xa1: {  	s23 =	simm.s32 $0x1B8B  }
0xa2: {  	_ =	swait.ge [sflag:s23], $0x1  }
0xa3: {  	[sflag:s23] =	ssyncset.done $0x0  }
0xa4: {  	s25 =	simm.s32 $0x1B8E;
	s24 =	sld [smem:$0x3FFE];
	[sflag:s23] =	ssyncadd.s32 $0xFFFFFFFF  }
0xa5: {  	s26 =	simm.s32 $execute0_lowered;
	[smem:$0x3FD2] =	sst s25  }
0xa6: {  	s4 =	sshll.u32 s26, $0x1;
	_ =	strace $0x8000004F;
	[dreg:$0x1] =	wrdreg $0xFFFFFFFF  }
0xa7: {  	s28 =	simm.s32 $_size_execute0_lowered;
	s2 =	sadd.s32 s2, s4;
	[dreg:$0x0] =	wrdreg $0x0  }
0xa8: {  	s4 =	sshll.u32 s28, $0x1;
	[dreg:$0x2] =	wrdreg s2  }
0xa9: {  	[dreg:$0x3] =	wrdreg s4  }
0xaa: {  	[dreg:$0x4] =	wrdreg $0xC0  }
0xab: {  	_ =	task [dreg:s6], $0x5FFFF  }
0xac: {  	[dreg:$0x1] =	wrdreg $0xFFFFFFFF  }
0xad: {  	[dreg:$0x0] =	wrdreg $0x60  }
0xae: {  	[dreg:$0x2] =	wrdreg s24  }
0xaf: {  	[dreg:$0x3] =	wrdreg $0x0  }
0xb0: {  	[dreg:$0x4] =	wrdreg $0x9  }
0xb1: {  	_ =	task.clear_ibuf [dreg:s6], $0x5FFFF;
	_ =	strace $0x9000004F  }
0xb2: {  	s29 =	simm.s32 $0x9;
	_ =	strace $0x80000051  }
0xb3: {  	_ =	swait.ge [sflag:s29], $0x1  }
0xb4: {  	[sflag:s29] =	ssyncadd.s32 $0xFFFFFFFF  }
0xb5: {  	_ =	strace $0x90000051  }
0xb6: {  	_ =	sfence  }
0xb7: {  	s30 =	sld [smem:$0x0];
	_ =	sdelay $0x2  }
0xb8: {  	s31 =	sshll.u32 s1, $0xD;
	s1 =	sshrl.u32 s1, $0x2  }
0xb9: {  	s3 =	sand.u32 $0x4000, s31;
	s1 =	sadd.s32 s1, s30  }
0xba: {  	s0 =	sor.u32 s3, s0;
	s1 =	sshll.u32 s1, $0x11  }
0xbb: {  	s0 =	sor.u32 s1, s0  }
0xbc: {  	s0 =	sadd.s32 $0x8F2B, s0  }
0xbd: {  	[sflag:s0] =	ssyncadd.remote.s32 $0x1  }
0xbe: {  	_ =	sfence.sel $0xFFFF  }
0xbf: {  	[dreg:$0x0] =	wrdreg $0xFFFFFFFF;
	(pc) =	sbr.abs _section_cstart, $3  }
0xc0: {  	[dreg:$0x1] =	wrdreg $0xFFFFFFFF  }
0xc1: {  	_ =	task.clear_ibuf [dreg:s6], $0x2FFFF;
	_ =	strace $0x9FFFFFFF  }
0xc2: {  	(tm) =	ssettm $0x7FFFFFFF  }
0xc3: {  	_ =	shalt  }
tec
execute0_lowered:
.L_overlay_start_1:
0x0: {  	(tag) =	ssettag $0x1  }
0x1: {  	s0 =	rddreg [dreg:$0x0]  }
0x2: {  	s2 =	rddreg [dreg:$0x1];
	s3 =	simm.s32 $0x0;
	s11 =	stileid.u32  }
0x3: {  	s1 =	srdreg.scid;
	s28 =	simm.s32 $0x80;
	s29 =	simm.s32 $0x13900  }
0x4: {  	s30 =	simm.s32 $0x1B980;
	s31 =	simm.s32 $0x17900;
	[smem:$0x7FF] =	sst s3  }
0x5: {  	s5 =	smul.u32 $0x2780, s11;
	s1 =	sand.u32 $0x1, s1;
	s4 =	sadd.s32 $0x1A000, s0  }
0x6: {  	s6 =	sadd.s32 $0x10000, s0;
	s8 =	sadd.s32 $0x6000, s0;
	s10 =	sshll.u32 s11, $0x1  }
0x7: {  	p0 =	seq.s32 s11, $0xF;
	p3 =	sne.s32 s11, $0xF;
	s20 =	sadd.s32 $0x12C400, s2  }
0x8: {  	s21 =	sadd.s32 $0x130400, s2;
	_ =	strace $0x80000050;
	[dreg:$0x3] =	wrdreg s20  }
0x9: {  	s11 =	smul.u32 $0x4F000, s11;
	s22 =	sadd.s32 $0x134400, s2;
	[dreg:$0x4] =	wrdreg s21  }
0xa: {  	s24 =	sadd.s32 $0x138400, s2;
	s7 =	ssub.s32 $0x2, s1;
	[dreg:$0x5] =	wrdreg s22  }
0xb: {  	s12 =	sor.u32 s1, s10;
	[dreg:$0x6] =	wrdreg s24;
	p2 =	seq.s32 s1, $0x0  }
0xc: {  	p4 =	seq.s32 s1, $0x1;
	s20 =	sadd.s32 $0x66280, s0;
	s22 =	sadd.s32 $0x8D480, s0  }
0xd: {  	s24 =	simm.s32 $0x1B900;
	s9 =	sadd.s32 s5, s0;
	s19 =	sshrl.u32 s7, $0x1  }
0xe: {  	s5 =	sadd.s32 $0x128400, s2;
	s23 =	sshrl.u32 s11, $0x2;
	s16 =	smul.u32 $0x500, s12  }
0xf: {  	s17 =	smul.u32 $0x2800, s12;
	p1 =	por !p2, !p3;
	p2 =	por !p2, !p0  }
0x10: {  	p3 =	por !p3, !p4;
	p4 =	por !p4, !p0;
	s0 =	simm.s32 $0x1  }
0x11: {  	s12 =	stileid.u32;
	s7 =	ssub.s32 s7, s19;
	s10 =	sadd.s32 s23, s2  }
0x12: {  	p1 =	por !p1, !p1;
	s19 =	sadd.s32 $0x41200, s9;
	p2 =	por !p2, !p2  }
0x13: {  	p3 =	por !p3, !p3;
	s21 =	sadd.s32 $0x68400, s9;
	p4 =	por !p4, !p4  }
0x14: {  	s25 =	sadd.s32 $0x4000, s10;
	s26 =	sadd.s32 $0x8000, s10;
	s13 =	sadd.s32 $0xC000, s10  }
0x15: {  	s14 =	sadd.s32 $0x10000, s10;
	s15 =	sadd.s32 s6, s16;
	s17 =	sshrl.u32 s17, $0x3  }
0x16: {  	s16 =	sadd.s32 s8, s16;
	s23 =	smax.u32 s7, $0x1;
	[dreg:$0x7] =	wrdreg s25  }
0x17: {  	s7 =	simm.s32 $0x1E000;
	[dreg:$0x8] =	wrdreg s26;
	s18 =	sadd.s32 $0x280, s17  }
0x18: {  	s25 =	simm.s32 $0x3;
	s26 =	simm.s32 $0x1CD00;
	s17 =	sadd.s32 s6, s18  }
0x19: {  	v0 =	vimm.f32 $0.0e+00;
	s18 =	sadd.s32 s8, s18;
	s6 =	simm.s32 $0x2;
	s8 =	simm.s32 $0x1E080  }
.LBB2_1:
0x1a: {  	s9 =	simm.s32 $0x0;
	s1 =	simm.s32 $0x200  }
.LBB2_2:
0x1b: {  	p5 =	sne.s32 s1, $0xFE00;
	[tilespmem:s9+$0x13970] =	vst v0  }
0x1c: {  	[tilespmem:s9+$0x13900] =	vst v0  }
0x1d: {  	[tilespmem:s9+$0x13910] =	vst v0  }
.Ltmp0:
0x1e: {  	[tilespmem:s9+$0x13920] =	vst v0;
	(pc) =	sbr.rel @p5 .LBB2_2-.Ltmp0, $4  }
0x1f: {  	[tilespmem:s9+$0x13930] =	vst v0  }
0x20: {  	[tilespmem:s9+$0x13940] =	vst v0  }
0x21: {  	[tilespmem:s9+$0x13950] =	vst v0  }
0x22: {  	[tilespmem:s9+$0x13960] =	vst v0;
	s9 =	sshra.s32 s1, $0x2;
	s1 =	sadd.s32 $0x200, s1  }
0x23: {  	[tilespmem:s9+$0x13970] =	vst v0  }
0x24: {  	[tilespmem:s9+$0x13900] =	vst v0  }
0x25: {  	[tilespmem:s9+$0x13910] =	vst v0  }
0x26: {  	[tilespmem:s9+$0x13920] =	vst v0  }
0x27: {  	[tilespmem:s9+$0x13930] =	vst v0  }
0x28: {  	[tilespmem:s9+$0x13940] =	vst v0  }
0x29: {  	[tilespmem:s9+$0x13950] =	vst v0  }
0x2a: {  	[tilespmem:s9+$0x13960] =	vst v0;
	s1 =	simm.s32 @p0 $0x13900;
	s9 =	simm.s32 @p0 $0x3  }
0x2b: {  	[spmem:s5] =	stream.linear.scatter @p0 [tilespmem:s1], [sflag:$0x3], $0x4000, $0x38;
	[tilespmem:$0x1E100] =	vst v63  }
0x2c: {  	_ =	swait.ge @p0 [sflag:s9], $0x4000  }
0x2d: {  	[sflag:s9] =	ssyncset.done @p0 $0x0  }
0x2e: {  	s11 =	rddreg [dreg:$0x3];
	[sflag:s9] =	ssyncadd.s32 @p0 $0xFFFFC000  }
0x2f: {  	[spmem:s11] =	stream.linear.scatter @p0 [tilespmem:s1], [sflag:$0x3], $0x4000, $0x38;
	[tilespmem:$0x1E100] =	vst v63  }
0x30: {  	_ =	swait.ge @p0 [sflag:s9], $0x4000  }
0x31: {  	[sflag:s9] =	ssyncset.done @p0 $0x0  }
0x32: {  	s11 =	rddreg [dreg:$0x4];
	[sflag:s9] =	ssyncadd.s32 @p0 $0xFFFFC000  }
0x33: {  	[spmem:s11] =	stream.linear.scatter @p0 [tilespmem:s1], [sflag:$0x3], $0x4000, $0x38;
	[tilespmem:$0x1E100] =	vst v63  }
0x34: {  	_ =	swait.ge @p0 [sflag:s9], $0x4000  }
0x35: {  	[sflag:s9] =	ssyncset.done @p0 $0x0  }
0x36: {  	s11 =	rddreg [dreg:$0x5];
	[sflag:s9] =	ssyncadd.s32 @p0 $0xFFFFC000  }
0x37: {  	[spmem:s11] =	stream.linear.scatter @p0 [tilespmem:s1], [sflag:$0x3], $0x4000, $0x38;
	[tilespmem:$0x1E100] =	vst v63  }
0x38: {  	_ =	swait.ge @p0 [sflag:s9], $0x4000  }
0x39: {  	[sflag:s9] =	ssyncset.done @p0 $0x0  }
0x3a: {  	s11 =	rddreg [dreg:$0x6];
	[sflag:s9] =	ssyncadd.s32 @p0 $0xFFFFC000  }
0x3b: {  	[spmem:s11] =	stream.linear.scatter @p0 [tilespmem:s1], [sflag:$0x3], $0xC00, $0x38;
	[tilespmem:$0x1E100] =	vst v63  }
0x3c: {  	_ =	swait.ge @p0 [sflag:s9], $0xC00  }
0x3d: {  	[sflag:s9] =	ssyncset.done @p0 $0x0  }
0x3e: {  	s1 =	simm.s32 @!p0 $0x13900;
	[sflag:s9] =	ssyncadd.s32 @p0 $0xFFFFF400;
	s9 =	simm.s32 @!p0 $0x3  }
0x3f: {  	[spmem:s10] =	stream.linear.scatter @!p0 [tilespmem:s1], [sflag:$0x3], $0x4000, $0x38;
	[tilespmem:$0x1E100] =	vst v63  }
0x40: {  	_ =	swait.ge @!p0 [sflag:s9], $0x4000  }
0x41: {  	[sflag:s9] =	ssyncset.done @!p0 $0x0  }
0x42: {  	s11 =	rddreg [dreg:$0x7];
	[sflag:s9] =	ssyncadd.s32 @!p0 $0xFFFFC000  }
0x43: {  	[spmem:s11] =	stream.linear.scatter @!p0 [tilespmem:s1], [sflag:$0x3], $0x4000, $0x38;
	[tilespmem:$0x1E100] =	vst v63  }
0x44: {  	_ =	swait.ge @!p0 [sflag:s9], $0x4000  }
0x45: {  	[sflag:s9] =	ssyncset.done @!p0 $0x0  }
0x46: {  	s11 =	rddreg [dreg:$0x8];
	[sflag:s9] =	ssyncadd.s32 @!p0 $0xFFFFC000  }
0x47: {  	[spmem:s11] =	stream.linear.scatter @!p0 [tilespmem:s1], [sflag:$0x3], $0x4000, $0x38;
	[tilespmem:$0x1E100] =	vst v63  }
0x48: {  	_ =	swait.ge @!p0 [sflag:s9], $0x4000  }
0x49: {  	[sflag:s9] =	ssyncset.done @!p0 $0x0  }
0x4a: {  	[sflag:s9] =	ssyncadd.s32 @!p0 $0xFFFFC000  }
0x4b: {  	[spmem:s13] =	stream.linear.scatter @!p0 [tilespmem:s1], [sflag:$0x3], $0x4000, $0x38;
	[tilespmem:$0x1E100] =	vst v63  }
0x4c: {  	_ =	swait.ge @!p0 [sflag:s9], $0x4000  }
0x4d: {  	[sflag:s9] =	ssyncset.done @!p0 $0x0  }
0x4e: {  	[sflag:s9] =	ssyncadd.s32 @!p0 $0xFFFFC000  }
0x4f: {  	[spmem:s14] =	stream.linear.scatter @!p0 [tilespmem:s1], [sflag:$0x3], $0x3C00, $0x38;
	[tilespmem:$0x1E100] =	vst v63  }
0x50: {  	_ =	swait.ge @!p0 [sflag:s9], $0x3C00  }
0x51: {  	[sflag:s9] =	ssyncset.done @!p0 $0x0  }
0x52: {  	[sflag:s9] =	ssyncadd.s32 @!p0 $0xFFFFC400  }
0x53: {  	s9 =	simm.s32 $0x0;
	[bflag:$0x0] =	sbarrier.arrive $0xFFFF  }
0x54: {  	[tilespmem:s24], [sflag:$0x3] =	stream.linear.gather [hbm4b:s15+s9], $0x1400, $0x38;
	[tilespmem:$0x1E100] =	vst v63  }
0x55: {  	_ =	swait.ge [sflag:s25], $0x1400  }
0x56: {  	[sflag:s25] =	ssyncset.done $0x0  }
0x57: {  	[sflag:s25] =	ssyncadd.s32 $0xFFFFEC00  }
0x58: {  	[tilespmem:s26], [sflag:$0x3] =	stream.linear.gather [hbm4b:s16+s9], $0x1400, $0x38;
	[tilespmem:$0x1E100] =	vst v63  }
0x59: {  	_ =	swait.ge [sflag:s25], $0x1400  }
0x5a: {  	[sflag:s25] =	ssyncset.done $0x0  }
0x5b: {  	[sflag:s25] =	ssyncadd.s32 $0xFFFFEC00  }
0x5c: {  	[tilespmem:s29], [sflag:$0x1] =	stream.indirect.gather [hbm4b:s4+s28], $0x80, s24, s28, $0xb8;
	[tilespmem:$0x1E100] =	vst v63  }
0x5d: {  	_ = 	snop  }
0x5e: {  	[tilespmem:s31], [sflag:$0x2] =	stream.indirect.gather [hbm4b:s4+s28], $0x80, s30, s28, $0xb8;
	[tilespmem:$0x1E100] =	vst v63  }
0x5f: {  	_ =	swait.ge [sflag:s0], $0x4000  }
0x60: {  	[sflag:s0] =	ssyncset.done $0x0  }
0x61: {  	s11 =	simm.s32 $0x1CD00;
	[sflag:s0] =	ssyncadd.s32 $0xFFFFC000  }
0x62: {  	[spmem:s2] =	stream.indirect.scatter.add.f32 [tilespmem:s29], [sflag:$0x3], $0x80, s11, s28, $0xb8;
	[tilespmem:$0x1E100] =	vst v63  }
0x63: {  	_ =	swait.ge [sflag:s25], $0x4000  }
0x64: {  	[sflag:s25] =	ssyncset.done $0x0  }
0x65: {  	s9 =	simm.s32 $0x1BA00;
	[sflag:s25] =	ssyncadd.s32 $0xFFFFC000  }
0x66: {  	[tilespmem:s29], [sflag:$0x1] =	stream.indirect.gather [hbm4b:s4+s28], $0x80, s9, s28, $0xb8;
	[tilespmem:$0x1E100] =	vst v63  }
0x67: {  	_ =	swait.ge [sflag:s6], $0x4000  }
0x68: {  	[sflag:s6] =	ssyncset.done $0x0  }
0x69: {  	s11 =	simm.s32 $0x1CD80;
	[sflag:s6] =	ssyncadd.s32 $0xFFFFC000  }
0x6a: {  	[spmem:s2] =	stream.indirect.scatter.add.f32 [tilespmem:s31], [sflag:$0x3], $0x80, s11, s28, $0xb8;
	[tilespmem:$0x1E100] =	vst v63  }
0x6b: {  	_ =	swait.ge [sflag:s25], $0x4000  }
0x6c: {  	[sflag:s25] =	ssyncset.done $0x0  }
0x6d: {  	s1 =	simm.s32 $0x1BA80;
	s9 =	simm.s32 $0x400;
	[sflag:s25] =	ssyncadd.s32 $0xFFFFC000  }
.LBB2_4:
0x6e: {  	[tilespmem:s31], [sflag:$0x2] =	stream.indirect.gather [hbm4b:s4+s28], $0x80, s1, s28, $0xb8;
	[tilespmem:$0x1E100] =	vst v63  }
0x6f: {  	s1 =	smov.u32 s9  }
0x70: {  	p5 =	sne.s32 s9, $0x4800;
	s9 =	sadd.s32 $0x400, s9;
	_ =	swait.ge [sflag:s0], $0x4000  }
0x71: {  	s1 =	sshra.s32 s1, $0x2;
	[sflag:s0] =	ssyncset.done $0x0  }
0x72: {  	s11 =	sadd.s32 $0x1CD00, s1;
	[sflag:s0] =	ssyncadd.s32 $0xFFFFC000  }
0x73: {  	[spmem:s2] =	stream.indirect.scatter.add.f32 [tilespmem:s29], [sflag:$0x3], $0x80, s11, s28, $0xb8;
	[tilespmem:$0x1E100] =	vst v63  }
0x74: {  	_ =	swait.ge [sflag:s25], $0x4000  }
0x75: {  	[sflag:s25] =	ssyncset.done $0x0  }
0x76: {  	s11 =	sadd.s32 $0x1BA00, s1;
	[sflag:s25] =	ssyncadd.s32 $0xFFFFC000  }
0x77: {  	[tilespmem:s29], [sflag:$0x1] =	stream.indirect.gather [hbm4b:s4+s28], $0x80, s11, s28, $0xb8;
	[tilespmem:$0x1E100] =	vst v63  }
0x78: {  	_ =	swait.ge [sflag:s6], $0x4000  }
0x79: {  	[sflag:s6] =	ssyncset.done $0x0  }
.Ltmp1:
0x7a: {  	s11 =	sadd.s32 $0x1CD80, s1;
	[sflag:s6] =	ssyncadd.s32 $0xFFFFC000;
	(pc) =	sbr.rel @p5 .LBB2_4-.Ltmp1, $4  }
0x7b: {  	[spmem:s2] =	stream.indirect.scatter.add.f32 [tilespmem:s31], [sflag:$0x3], $0x80, s11, s28, $0xb8;
	[tilespmem:$0x1E100] =	vst v63  }
0x7c: {  	_ =	swait.ge [sflag:s25], $0x4000  }
0x7d: {  	[sflag:s25] =	ssyncset.done $0x0  }
0x7e: {  	s1 =	sadd.s32 $0x1BA80, s1;
	[sflag:s25] =	ssyncadd.s32 $0xFFFFC000  }
0x7f: {  	[tilespmem:s31], [sflag:$0x2] =	stream.indirect.gather [hbm4b:s4+s28], $0x80, s1, s28, $0xb8;
	[tilespmem:$0x1E100] =	vst v63  }
0x80: {  	_ =	swait.ge [sflag:s0], $0x4000  }
0x81: {  	[sflag:s0] =	ssyncset.done $0x0  }
0x82: {  	[sflag:s0] =	ssyncadd.s32 $0xFFFFC000  }
0x83: {  	[spmem:s2] =	stream.indirect.scatter.add.f32 [tilespmem:s29], [sflag:$0x3], $0x80, s7, s28, $0xb8;
	[tilespmem:$0x1E100] =	vst v63  }
0x84: {  	_ =	swait.ge [sflag:s25], $0x4000  }
0x85: {  	[sflag:s25] =	ssyncset.done $0x0  }
0x86: {  	[sflag:s25] =	ssyncadd.s32 $0xFFFFC000  }
0x87: {  	_ =	swait.ge [sflag:s6], $0x4000  }
0x88: {  	[sflag:s6] =	ssyncset.done $0x0  }
0x89: {  	[sflag:s6] =	ssyncadd.s32 $0xFFFFC000  }
0x8a: {  	[spmem:s2] =	stream.indirect.scatter.add.f32 [tilespmem:s31], [sflag:$0x3], $0x80, s8, s28, $0xb8;
	[tilespmem:$0x1E100] =	vst v63  }
0x8b: {  	_ =	swait.ge [sflag:s25], $0x4000  }
0x8c: {  	[sflag:s25] =	ssyncset.done $0x0  }
0x8d: {  	s9 =	simm.s32 $0x0;
	[sflag:s25] =	ssyncadd.s32 $0xFFFFC000  }
0x8e: {  	[tilespmem:s24], [sflag:$0x3] =	stream.linear.gather [hbm4b:s17+s9], $0x1400, $0x38;
	[tilespmem:$0x1E100] =	vst v63  }
0x8f: {  	_ =	swait.ge [sflag:s25], $0x1400  }
0x90: {  	[sflag:s25] =	ssyncset.done $0x0  }
0x91: {  	[sflag:s25] =	ssyncadd.s32 $0xFFFFEC00  }
0x92: {  	[tilespmem:s26], [sflag:$0x3] =	stream.linear.gather [hbm4b:s18+s9], $0x1400, $0x38;
	[tilespmem:$0x1E100] =	vst v63  }
0x93: {  	_ =	swait.ge [sflag:s25], $0x1400  }
0x94: {  	[sflag:s25] =	ssyncset.done $0x0  }
0x95: {  	[sflag:s25] =	ssyncadd.s32 $0xFFFFEC00  }
0x96: {  	[tilespmem:s29], [sflag:$0x1] =	stream.indirect.gather [hbm4b:s4+s28], $0x80, s24, s28, $0xb8;
	[tilespmem:$0x1E100] =	vst v63  }
0x97: {  	_ = 	snop  }
0x98: {  	[tilespmem:s31], [sflag:$0x2] =	stream.indirect.gather [hbm4b:s4+s28], $0x80, s30, s28, $0xb8;
	[tilespmem:$0x1E100] =	vst v63  }
0x99: {  	_ =	swait.ge [sflag:s0], $0x4000  }
0x9a: {  	[sflag:s0] =	ssyncset.done $0x0  }
0x9b: {  	s11 =	simm.s32 $0x1CD00;
	[sflag:s0] =	ssyncadd.s32 $0xFFFFC000  }
0x9c: {  	[spmem:s2] =	stream.indirect.scatter.add.f32 [tilespmem:s29], [sflag:$0x3], $0x80, s11, s28, $0xb8;
	[tilespmem:$0x1E100] =	vst v63  }
0x9d: {  	_ =	swait.ge [sflag:s25], $0x4000  }
0x9e: {  	[sflag:s25] =	ssyncset.done $0x0  }
0x9f: {  	s9 =	simm.s32 $0x1BA00;
	[sflag:s25] =	ssyncadd.s32 $0xFFFFC000  }
0xa0: {  	[tilespmem:s29], [sflag:$0x1] =	stream.indirect.gather [hbm4b:s4+s28], $0x80, s9, s28, $0xb8;
	[tilespmem:$0x1E100] =	vst v63  }
0xa1: {  	_ =	swait.ge [sflag:s6], $0x4000  }
0xa2: {  	[sflag:s6] =	ssyncset.done $0x0  }
0xa3: {  	s11 =	simm.s32 $0x1CD80;
	[sflag:s6] =	ssyncadd.s32 $0xFFFFC000  }
0xa4: {  	[spmem:s2] =	stream.indirect.scatter.add.f32 [tilespmem:s31], [sflag:$0x3], $0x80, s11, s28, $0xb8;
	[tilespmem:$0x1E100] =	vst v63  }
0xa5: {  	_ =	swait.ge [sflag:s25], $0x4000  }
0xa6: {  	[sflag:s25] =	ssyncset.done $0x0  }
0xa7: {  	s1 =	simm.s32 $0x1BA80;
	s9 =	simm.s32 $0x400;
	[sflag:s25] =	ssyncadd.s32 $0xFFFFC000  }
.LBB2_6:
0xa8: {  	[tilespmem:s31], [sflag:$0x2] =	stream.indirect.gather [hbm4b:s4+s28], $0x80, s1, s28, $0xb8;
	[tilespmem:$0x1E100] =	vst v63  }
0xa9: {  	s1 =	smov.u32 s9  }
0xaa: {  	p5 =	sne.s32 s9, $0x4800;
	s9 =	sadd.s32 $0x400, s9;
	_ =	swait.ge [sflag:s0], $0x4000  }
0xab: {  	s1 =	sshra.s32 s1, $0x2;
	[sflag:s0] =	ssyncset.done $0x0  }
0xac: {  	s11 =	sadd.s32 $0x1CD00, s1;
	[sflag:s0] =	ssyncadd.s32 $0xFFFFC000  }
0xad: {  	[spmem:s2] =	stream.indirect.scatter.add.f32 [tilespmem:s29], [sflag:$0x3], $0x80, s11, s28, $0xb8;
	[tilespmem:$0x1E100] =	vst v63  }
0xae: {  	_ =	swait.ge [sflag:s25], $0x4000  }
0xaf: {  	[sflag:s25] =	ssyncset.done $0x0  }
0xb0: {  	s11 =	sadd.s32 $0x1BA00, s1;
	[sflag:s25] =	ssyncadd.s32 $0xFFFFC000  }
0xb1: {  	[tilespmem:s29], [sflag:$0x1] =	stream.indirect.gather [hbm4b:s4+s28], $0x80, s11, s28, $0xb8;
	[tilespmem:$0x1E100] =	vst v63  }
0xb2: {  	_ =	swait.ge [sflag:s6], $0x4000  }
0xb3: {  	[sflag:s6] =	ssyncset.done $0x0  }
.Ltmp2:
0xb4: {  	s11 =	sadd.s32 $0x1CD80, s1;
	[sflag:s6] =	ssyncadd.s32 $0xFFFFC000;
	(pc) =	sbr.rel @p5 .LBB2_6-.Ltmp2, $4  }
0xb5: {  	[spmem:s2] =	stream.indirect.scatter.add.f32 [tilespmem:s31], [sflag:$0x3], $0x80, s11, s28, $0xb8;
	[tilespmem:$0x1E100] =	vst v63  }
0xb6: {  	_ =	swait.ge [sflag:s25], $0x4000  }
0xb7: {  	[sflag:s25] =	ssyncset.done $0x0  }
0xb8: {  	s1 =	sadd.s32 $0x1BA80, s1;
	[sflag:s25] =	ssyncadd.s32 $0xFFFFC000  }
0xb9: {  	[tilespmem:s31], [sflag:$0x2] =	stream.indirect.gather [hbm4b:s4+s28], $0x80, s1, s28, $0xb8;
	[tilespmem:$0x1E100] =	vst v63  }
0xba: {  	_ =	swait.ge [sflag:s0], $0x4000  }
0xbb: {  	[sflag:s0] =	ssyncset.done $0x0  }
0xbc: {  	[sflag:s0] =	ssyncadd.s32 $0xFFFFC000  }
0xbd: {  	[spmem:s2] =	stream.indirect.scatter.add.f32 [tilespmem:s29], [sflag:$0x3], $0x80, s7, s28, $0xb8;
	[tilespmem:$0x1E100] =	vst v63  }
0xbe: {  	_ =	swait.ge [sflag:s25], $0x4000  }
0xbf: {  	[sflag:s25] =	ssyncset.done $0x0  }
0xc0: {  	[sflag:s25] =	ssyncadd.s32 $0xFFFFC000  }
0xc1: {  	_ =	swait.ge [sflag:s6], $0x4000  }
0xc2: {  	[sflag:s6] =	ssyncset.done $0x0  }
0xc3: {  	[sflag:s6] =	ssyncadd.s32 $0xFFFFC000  }
0xc4: {  	[spmem:s2] =	stream.indirect.scatter.add.f32 [tilespmem:s31], [sflag:$0x3], $0x80, s8, s28, $0xb8;
	[tilespmem:$0x1E100] =	vst v63  }
0xc5: {  	_ =	swait.ge [sflag:s25], $0x4000  }
0xc6: {  	[sflag:s25] =	ssyncset.done $0x0  }
0xc7: {  	s1 =	sshll.u32 @p1 s12, $0x6;
	[sflag:s25] =	ssyncadd.s32 $0xFFFFC000  }
0xc8: {  	s9 =	sshrl.u32 @p1 s10, $0x3;
	s1 =	sor.u32 @p1 $0x1C03, s1;
	[bflag:$0x0] =	sbarrier.arrive $0xFFFF  }
0xc9: {  	[hbm:s19], [sflag:s1] =	dma.local @p1 [spmem:s9], $0x2780  }
0xca: {  	s1 =	simm.s32 @p1 $0x3  }
0xcb: {  	_ =	swait.ge @p1 [sflag:s1], $0x2780  }
0xcc: {  	[sflag:s1] =	ssyncset.done @p1 $0x0  }
0xcd: {  	s9 =	simm.s32 @p2 $0x1FC3;
	[sflag:s1] =	ssyncadd.s32 @p1 $0xFFFFD880;
	s1 =	sshrl.u32 @p2 s5, $0x3  }
0xce: {  	[hbm:s20], [sflag:s9] =	dma.local @p2 [spmem:s1], $0x2080  }
0xcf: {  	s1 =	simm.s32 @p2 $0x3  }
0xd0: {  	_ =	swait.ge @p2 [sflag:s1], $0x2080  }
0xd1: {  	s9 =	sshll.u32 @p3 s12, $0x6;
	[sflag:s1] =	ssyncset.done @p2 $0x0  }
0xd2: {  	[sflag:s1] =	ssyncadd.s32 @p2 $0xFFFFDF80;
	s1 =	sor.u32 @p3 $0x1C03, s9;
	s9 =	sshrl.u32 @p3 s10, $0x3  }
0xd3: {  	[hbm:s21], [sflag:s1] =	dma.local @p3 [spmem:s9], $0x2780  }
0xd4: {  	s1 =	simm.s32 @p3 $0x3  }
0xd5: {  	s3 =	sadd.s32 $0x1, s3;
	_ =	swait.ge @p3 [sflag:s1], $0x2780  }
0xd6: {  	p5 =	sne.s32 s3, s23;
	[sflag:s1] =	ssyncset.done @p3 $0x0  }
0xd7: {  	s9 =	simm.s32 @p4 $0x1FC3;
	[sflag:s1] =	ssyncadd.s32 @p3 $0xFFFFD880;
	s1 =	sshrl.u32 @p4 s5, $0x3  }
0xd8: {  	[hbm:s22], [sflag:s9] =	dma.local @p4 [spmem:s1], $0x2080  }
.Ltmp3:
0xd9: {  	_ = 	snop;
	(pc) =	sbr.rel @p5 .LBB2_1-.Ltmp3, $4  }
0xda: {  	s1 =	simm.s32 @p4 $0x3  }
0xdb: {  	_ =	swait.ge @p4 [sflag:s1], $0x2080  }
0xdc: {  	[sflag:s1] =	ssyncset.done @p4 $0x0  }
0xdd: {  	s11 =	stileid.u32;
	[sflag:s1] =	ssyncadd.s32 @p4 $0xFFFFDF80  }
0xde: {  	_ =	sfence.sel $0x180000  }
0xdf: {  	[bflag:$0x0] =	sbarrier.arrive $0xFFFF  }
0xe0: {  	_ =	strace $0x90000050  }
0xe1: {  	[bflag:$0x2] =	sbarrier.arrive $0xFFFF  }
0xe2: {  	p0 =	sne.s32 s11, $0x0;
	s0 =	rddreg [dreg:$0x2]  }
0xe3: {  	s0 =	sadd.s32 @!p0 $0x100000, s0  }
0xe4: {  	[sflag:s0] =	ssyncadd.tile.s32 @!p0 $0x1;
	_ =	shalt  }
.Lfunc_end2:
_tile_overlayer_lowered:
.L_overlay_start_2:
0xe5: {  	(tag) =	ssettag $0x2  }
0xe6: {  	s0 =	rddreg [dreg:$0x0];
	s2 =	stileid.u32  }
0xe7: {  	s1 =	rddreg [dreg:$0x1];
	p0 =	sne.s32 s2, $0x0  }
0xe8: {  	s3 =	rddreg [dreg:$0x2];
	[bflag:$0x3] =	sbarrier.arrive $0xFFFF;
	s2 =	simm.s32 @!p0 $0x1C03  }
0xe9: {  	[timem:s3], [sflag:s2] =	dma.local @!p0 [hbm:s0], s1  }
0xea: {  	s0 =	simm.s32 @!p0 $0x3  }
0xeb: {  	_ =	swait.ge @!p0 [sflag:s0], s1  }
0xec: {  	s1 =	ssub.s32 @!p0 $0x0, s1;
	[sflag:s0] =	ssyncset.done @!p0 $0x0  }
0xed: {  	[sflag:s0] =	ssyncadd.s32 @!p0 s1  }
0xee: {  	[bflag:$0x3] =	sbarrier.arrive $0xFFFF  }
0xef: {  	_ =	shalt  }

</sc_bundles>
